<compile_context>
chip_gen: v7x
topology: tpu7x:2x2x1
jax: 0.10.2.dev20260603
libtpu: 0.0.44.dev20260713+nightly
codegen_flags: <defaults>
</compile_context>

<pallas_src>
import dataclasses
import functools

import jax
import jax.numpy as jnp
from jax import lax
from jax.experimental import pallas as pl
from jax.experimental.pallas import tpu as pltpu
from jax.experimental.pallas import tpu_sc as plsc

N = 10000
E = 320000
D = 128
NC = 2
NS = 16
NW = NC * NS
EPT = E // NW
CH = 80
NCHUNK = EPT // CH
STR = 640
NPAD = NS * STR
DM = 2000
DROWS = 2048
DSTR = DROWS // NS
REG = 14000
AOFF = 11000
OUT_ROWS = NC * REG


def _sc_aggregate(x, src, dst):
    mesh = plsc.VectorSubcoreMesh(core_axis_name="c", subcore_axis_name="s")
    cp = pltpu.CompilerParams()
    if "needs_layout_passes" in pltpu.CompilerParams.__dataclass_fields__:
        cp = dataclasses.replace(cp, needs_layout_passes=False)

    @functools.partial(
        pl.kernel,
        out_type=jax.ShapeDtypeStruct((OUT_ROWS, D), jnp.float32),
        mesh=mesh,
        compiler_params=cp,
        scratch_types=[
            pltpu.VMEM((CH,), jnp.int32),
            pltpu.VMEM((CH,), jnp.int32),
            pltpu.VMEM((CH,), jnp.int32),
            pltpu.VMEM((CH,), jnp.int32),
            pltpu.VMEM((CH,), jnp.int32),
            pltpu.VMEM((CH, D), jnp.float32),
            pltpu.VMEM((CH, D), jnp.float32),
            pltpu.VMEM((CH, D), jnp.float32),
            pltpu.VMEM_SHARED((NPAD, D), jnp.float32),
            pltpu.VMEM_SHARED((DROWS, D), jnp.float32),
            pltpu.SemaphoreType.DMA,
            pltpu.SemaphoreType.DMA,
            pltpu.SemaphoreType.DMA,
            pltpu.SemaphoreType.DMA,
        ],
    )
    def k(x_hbm, src_hbm, dst_hbm, out_hbm,
          sidx0, sidx1, didx0, didx1, dmod, rows0, rows1, hot,
          agg_sh, deg_sh, sem0, sem1, semi, sema):
        cid = lax.axis_index("c")
        sid = lax.axis_index("s")
        wid = sid * NC + cid
        reg = cid * REG

        zero16 = jnp.zeros((16,), jnp.float32)
        one16 = jnp.ones((16,), jnp.float32)
        lane = lax.iota(jnp.int32, 16)

        @pl.loop(0, CH)
        def _(r):
            @pl.loop(0, D // 16)
            def _(c16):
                rows0[r, pl.ds(c16 * 16, 16)] = zero16
                hot[r, pl.ds(c16 * 16, 16)] = zero16

        for t in range(STR // CH):
            pltpu.sync_copy(rows0, agg_sh.at[pl.ds(sid * STR + t * CH, CH)])
        for t in range(DSTR // CH + 1):
            nrow = CH if (t + 1) * CH <= DSTR else DSTR - t * CH
            pltpu.sync_copy(rows0.at[pl.ds(0, nrow)],
                            deg_sh.at[pl.ds(sid * DSTR + t * CH, nrow)])
        plsc.subcore_barrier()

        def idx_base(cnum):
            return jnp.minimum(wid * EPT + cnum * CH, E - CH)

        def start_idx(cnum, sb, db):
            base = idx_base(cnum)
            pltpu.async_copy(src_hbm.at[pl.ds(base, CH)], sb, semi)
            pltpu.async_copy(dst_hbm.at[pl.ds(base, CH)], db, semi)

        def wait_idx(cnum, sb, db):
            base = idx_base(cnum)
            pltpu.make_async_copy(src_hbm.at[pl.ds(base, CH)], sb, semi).wait()
            pltpu.make_async_copy(dst_hbm.at[pl.ds(base, CH)], db, semi).wait()

        def scatter_chunk(rb, db):
            pltpu.async_copy(rb, agg_sh.at[db], sema, add=True)
            for g in range(CH // 16):
                dv = db[pl.ds(g * 16, 16)]
                dmod[pl.ds(g * 16, 16)] = lax.rem(dv, DM)
                col = (lax.div(dv, DM) * 16).astype(jnp.int32)
                row = lane + g * 16
                plsc.store_scatter(hot, [row, col], one16)
            pltpu.sync_copy(hot, deg_sh.at[dmod], add=True)
            for g in range(CH // 16):
                dv = db[pl.ds(g * 16, 16)]
                col = (lax.div(dv, DM) * 16).astype(jnp.int32)
                row = lane + g * 16
                plsc.store_scatter(hot, [row, col], zero16)
            pltpu.make_async_copy(rb, agg_sh.at[db], sema).wait()

        pltpu.sync_copy(src_hbm.at[pl.ds(idx_base(0), CH)], sidx0)
        pltpu.sync_copy(dst_hbm.at[pl.ds(idx_base(0), CH)], didx0)
        pltpu.async_copy(x_hbm.at[sidx0], rows0, sem0)
        start_idx(1, sidx1, didx1)

        @pl.loop(0, (NCHUNK - 1) // 2)
        def _(t):
            c = 2 * t
            pltpu.make_async_copy(x_hbm.at[sidx0], rows0, sem0).wait()
            wait_idx(c + 1, sidx1, didx1)
            pltpu.async_copy(x_hbm.at[sidx1], rows1, sem1)
            scatter_chunk(rows0, didx0)
            start_idx(c + 2, sidx0, didx0)

            pltpu.make_async_copy(x_hbm.at[sidx1], rows1, sem1).wait()
            wait_idx(c + 2, sidx0, didx0)
            pltpu.async_copy(x_hbm.at[sidx0], rows0, sem0)
            scatter_chunk(rows1, didx1)
            start_idx(c + 3, sidx1, didx1)

        pltpu.make_async_copy(x_hbm.at[sidx0], rows0, sem0).wait()
        wait_idx(NCHUNK, sidx1, didx1)
        scatter_chunk(rows0, didx0)

        plsc.subcore_barrier()

        pltpu.sync_copy(agg_sh.at[pl.ds(sid * STR, STR)],
                        out_hbm.at[pl.ds(reg + sid * STR, STR)])
        pltpu.sync_copy(deg_sh.at[pl.ds(sid * DSTR, DSTR)],
                        out_hbm.at[pl.ds(reg + AOFF + sid * DSTR, DSTR)])

    return k(x, src, dst)


def _tc_dense(x, parts, W, b, gamma, beta):
    BR = 1000
    G = N // BR
    RB = REG // BR
    AB = AOFF // BR

    def body(x_ref, a0_ref, a1_ref, d0_ref, d1_ref, w_ref, b_ref, g_ref,
             be_ref, o_ref):
        i = pl.program_id(0)
        grp = i // 2
        lane_grp = jax.lax.broadcasted_iota(jnp.int32, (BR, D), 1) // 16
        mask = (lane_grp == grp).astype(jnp.float32)
        deg = jnp.sum((d0_ref[...] + d1_ref[...]) * mask, axis=-1,
                      keepdims=True)
        deg = jnp.maximum(deg, 1.0)
        agg = (a0_ref[...] + a1_ref[...]) / deg
        w = w_ref[...]
        h = lax.dot_general(x_ref[...], w[:, :D], (((1,), (1,)), ((), ())),
                            preferred_element_type=jnp.float32)
        h = h + lax.dot_general(agg, w[:, D:], (((1,), (1,)), ((), ())),
                                preferred_element_type=jnp.float32)
        h = jnp.maximum(h + b_ref[...], 0.0)
        mu = jnp.mean(h, axis=-1, keepdims=True)
        hc = h - mu
        var = jnp.mean(hc * hc, axis=-1, keepdims=True)
        out = hc * lax.rsqrt(var + 1e-5)
        o_ref[...] = out * g_ref[...] + be_ref[...]

    return pl.pallas_call(
        body,
        grid=(G,),
        in_specs=[
            pl.BlockSpec((BR, D), lambda i: (i, 0)),
            pl.BlockSpec((BR, D), lambda i: (i, 0)),
            pl.BlockSpec((BR, D), lambda i: (i + RB, 0)),
            pl.BlockSpec((BR, D), lambda i: (AB + i % 2, 0)),
            pl.BlockSpec((BR, D), lambda i: (AB + RB + i % 2, 0)),
            pl.BlockSpec((D, 2 * D), lambda i: (0, 0)),
            pl.BlockSpec((1, D), lambda i: (0, 0)),
            pl.BlockSpec((1, D), lambda i: (0, 0)),
            pl.BlockSpec((1, D), lambda i: (0, 0)),
        ],
        out_specs=pl.BlockSpec((BR, D), lambda i: (i, 0)),
        out_shape=jax.ShapeDtypeStruct((N, D), jnp.float32),
    )(x, parts, parts, parts, parts, W, b.reshape(1, D), gamma.reshape(1, D),
      beta.reshape(1, D))


def kernel(x, edge_index, W, b, gamma, beta):
    ei = edge_index.astype(jnp.int32)
    parts = _sc_aggregate(x, ei[1], ei[0])
    return _tc_dense(x, parts, W, b, gamma, beta)

# --- scband reference (transcript-rebuilt; emitter-appended) ---
"""Pipeline reference for scband-graph-sagelayer-2954937499913 (READ-ONLY COPY).

The authoritative reference and input builder live on the scoring server;
editing this copy changes nothing except your own understanding.
"""

import jax, jax.numpy as jnp
import numpy as np

N_NODES = 10000
N_EDGES = 320000
D_IN = 128
D_OUT = 128


def setup_inputs(seed: int = 0) -> dict:
    key = jax.random.key(seed)
    kx, ke, kw, kb, kg, kbeta = jax.random.split(key, 6)
    x = jax.random.normal(kx, (N_NODES, D_IN), dtype=jnp.float32)
    edge_index = jax.random.randint(ke, (2, N_EDGES), 0, N_NODES, dtype=jnp.int64)
    # nn.Linear(in_dim*2, out_dim): weight [out, in*2], bias [out]
    bound = 1.0 / np.sqrt(2 * D_IN)
    W = jax.random.uniform(kw, (D_OUT, 2 * D_IN), dtype=jnp.float32, minval=-bound, maxval=bound)
    b = jax.random.uniform(kb, (D_OUT,), dtype=jnp.float32, minval=-bound, maxval=bound)
    gamma = jnp.ones((D_OUT,), dtype=jnp.float32)
    beta = jnp.zeros((D_OUT,), dtype=jnp.float32)
    return {"x": x, "edge_index": edge_index, "W": W, "b": b, "gamma": gamma, "beta": beta}


def reference(x, edge_index, W, b, gamma, beta):
    i = edge_index[0]
    j = edge_index[1]
    # gather source node features along edges
    msg = jnp.take(x, j, axis=0)
    # mean aggregation: scatter-sum then divide by degree
    agg = jax.ops.segment_sum(msg, i, num_segments=x.shape[0])
    deg = jax.ops.segment_sum(jnp.ones((i.shape[0],), dtype=x.dtype), i, num_segments=x.shape[0])
    deg = jnp.clip(deg, 1.0, None)[:, None]
    agg = agg / deg
    # linear on concat([x, agg])
    out = jnp.concatenate([x, agg], axis=-1) @ W.T + b
    out = jax.nn.relu(out)
    # dropout with p=0.0 is identity (eval-equivalent)
    # LayerNorm(out_dim)
    mu = jnp.mean(out, axis=-1, keepdims=True)
    var = jnp.var(out, axis=-1, keepdims=True)
    out = (out - mu) / jnp.sqrt(var + 1e-5)
    return out * gamma + beta

if __name__ == "__main__":
    import jax
    _d = setup_inputs()
    print(jax.jit(kernel)(*tuple(_d.values())))

</pallas_src>

<mosaic_0001>
#map = affine_map<(d0, d1) -> (0, 0)>
#map1 = affine_map<(d0, d1) -> (0)>
module attributes {stable_mosaic.version = 14 : i64} {
  func.func @k(%arg0: i32, %arg1: i32, %arg2: memref<10000x128xf32, #tpu.memory_space<hbm>>, %arg3: memref<320000xi32, #tpu.memory_space<hbm>>, %arg4: memref<320000xi32, #tpu.memory_space<hbm>>, %arg5: memref<28000x128xf32, #tpu.memory_space<hbm>>, %arg6: memref<80xi32, #tpu.memory_space<vmem>>, %arg7: memref<80xi32, #tpu.memory_space<vmem>>, %arg8: memref<80xi32, #tpu.memory_space<vmem>>, %arg9: memref<80xi32, #tpu.memory_space<vmem>>, %arg10: memref<80xi32, #tpu.memory_space<vmem>>, %arg11: memref<80x128xf32, #tpu.memory_space<vmem>>, %arg12: memref<80x128xf32, #tpu.memory_space<vmem>>, %arg13: memref<80x128xf32, #tpu.memory_space<vmem>>, %arg14: memref<10240x128xf32, #tpu.memory_space<vmem_shared>>, %arg15: memref<2048x128xf32, #tpu.memory_space<vmem_shared>>, %arg16: memref<!tpu.dma_semaphore, #tpu.memory_space<semaphore_mem>>, %arg17: memref<!tpu.dma_semaphore, #tpu.memory_space<semaphore_mem>>, %arg18: memref<!tpu.dma_semaphore, #tpu.memory_space<semaphore_mem>>, %arg19: memref<!tpu.dma_semaphore, #tpu.memory_space<semaphore_mem>>) attributes {dimension_semantics = [#tpu.dimension_semantics<core_parallel>, #tpu.dimension_semantics<subcore_parallel>], iteration_bounds = array<i64: 2, 16>, scalar_prefetch = 0 : i64, scratch_operands = 14 : i64, tpu.core_type = #tpu.core_type<sc_vector_subcore>, window_params = [{transform_indices = #map}, {transform_indices = #map1}, {transform_indices = #map1}, {transform_indices = #map}]} {
    %mul3A = arith.constant 2 : i32
    %mul3A_0 = arith.muli %arg1, %mul3A : i32
    %add3A = arith.addi %mul3A_0, %arg0 : i32
    %mul3A_1 = arith.constant 14000 : i32
    %mul3A_2 = arith.muli %arg0, %mul3A_1 : i32
    %broadcast_in_dim3A = arith.constant 0.000000e+00 : f32
    %broadcast_in_dim3A_3 = vector.broadcast %broadcast_in_dim3A : f32 to vector<16xf32>
    %broadcast_in_dim3A_4 = arith.constant 1.000000e+00 : f32
    %broadcast_in_dim3A_5 = vector.broadcast %broadcast_in_dim3A_4 : f32 to vector<16xf32>
    %iota3A = tpu.iota {dimensions = array<i32: 0>} : vector<16xi32>
    %scan3A = arith.constant 0 : i32
    %scan3A_6 = arith.constant 80 : i32
    %scan3A_7 = arith.addi %scan3A, %scan3A_6 : i32
    %scan3A_8 = arith.constant 1 : i32
    scf.for %scan3A_240 = %scan3A to %scan3A_7 step %scan3A_8  : i32 {
      %mul3A_241 = arith.constant 1 : i32
      %mul3A_242 = arith.muli %scan3A_240, %mul3A_241 : i32
      %add3A_243 = arith.constant 0 : i32
      %add3A_244 = arith.addi %add3A_243, %mul3A_242 : i32
      %scan3A_245 = arith.constant 0 : i32
      %scan3A_246 = arith.constant 8 : i32
      %scan3A_247 = arith.addi %scan3A_245, %scan3A_246 : i32
      %scan3A_248 = arith.constant 1 : i32
      scf.for %scan3A_250 = %scan3A_245 to %scan3A_247 step %scan3A_248  : i32 {
        %mul3A_251 = arith.constant 1 : i32
        %mul3A_252 = arith.muli %scan3A_250, %mul3A_251 : i32
        %add3A_253 = arith.constant 0 : i32
        %add3A_254 = arith.addi %add3A_253, %mul3A_252 : i32
        %mul3A_255 = arith.constant 16 : i32
        %mul3A_256 = arith.muli %add3A_254, %mul3A_255 : i32
        %swap3A_257 = arith.index_cast %add3A_244 : i32 to index
        %swap3A_258 = arith.index_cast %mul3A_256 : i32 to index
        %swap3A_259 = tpu.vector_load %arg11[%swap3A_257, %swap3A_258] {strides = array<i32>} : memref<80x128xf32, #tpu.memory_space<vmem>>, vector<16xf32>,
        tpu.vector_store %arg11[%swap3A_257, %swap3A_258], %broadcast_in_dim3A_3 {strides = array<i32>} : memref<80x128xf32, #tpu.memory_space<vmem>>, vector<16xf32>,
        %mul3A_260 = arith.constant 16 : i32
        %mul3A_261 = arith.muli %add3A_254, %mul3A_260 : i32
        %swap3A_262 = arith.index_cast %add3A_244 : i32 to index
        %swap3A_263 = arith.index_cast %mul3A_261 : i32 to index
        %swap3A_264 = tpu.vector_load %arg13[%swap3A_262, %swap3A_263] {strides = array<i32>} : memref<80x128xf32, #tpu.memory_space<vmem>>, vector<16xf32>,
        tpu.vector_store %arg13[%swap3A_262, %swap3A_263], %broadcast_in_dim3A_3 {strides = array<i32>} : memref<80x128xf32, #tpu.memory_space<vmem>>, vector<16xf32>,
      }
      %scan3A_249 = arith.constant 8 : i32
    }
    %scan3A_9 = arith.constant 80 : i32
    %mul3A_10 = arith.constant 640 : i32
    %mul3A_11 = arith.muli %arg1, %mul3A_10 : i32
    %add3A_12 = arith.constant 0 : i32
    %add3A_13 = arith.addi %mul3A_11, %add3A_12 : i32
    "tpu.region"() ({
      %run_scoped3A = tpu.sem_alloc : memref<!tpu.dma_semaphore, #tpu.memory_space<semaphore_mem>>
      %dma_start3A_240 = arith.constant 0 : i32
      %dma_start3A_241 = tpu.memref_slice %arg14[%add3A_13, %dma_start3A_240] : memref<10240x128xf32, #tpu.memory_space<vmem_shared>> -> memref<80x128xf32, #tpu.memory_space<vmem_shared>>
      %dma_start3A_242 = arith.constant 0 : i32
      %dma_start3A_243 = tpu.memref_slice %arg14[%add3A_13, %dma_start3A_242] : memref<10240x128xf32, #tpu.memory_space<vmem_shared>> -> memref<80x128xf32, #tpu.memory_space<vmem_shared>>
      tpu.enqueue_dma source(%arg11 : memref<80x128xf32, #tpu.memory_space<vmem>>) target(%dma_start3A_243 : memref<80x128xf32, #tpu.memory_space<vmem_shared>>) target_semaphore(%run_scoped3A : memref<!tpu.dma_semaphore, #tpu.memory_space<semaphore_mem>>)
      %dma_wait3A_244 = arith.constant 0 : i32
      %dma_wait3A_245 = tpu.memref_slice %arg14[%add3A_13, %dma_wait3A_244] : memref<10240x128xf32, #tpu.memory_space<vmem_shared>> -> memref<80x128xf32, #tpu.memory_space<vmem_shared>>
      %dma_wait3A_246 = arith.constant 0 : i32
      %dma_wait3A_247 = tpu.memref_slice %arg14[%add3A_13, %dma_wait3A_246] : memref<10240x128xf32, #tpu.memory_space<vmem_shared>> -> memref<80x128xf32, #tpu.memory_space<vmem_shared>>
      tpu.wait_dma2 semaphore(%run_scoped3A : memref<!tpu.dma_semaphore, #tpu.memory_space<semaphore_mem>>) src(%arg11 : memref<80x128xf32, #tpu.memory_space<vmem>>) dst(%dma_wait3A_247 : memref<80x128xf32, #tpu.memory_space<vmem_shared>>)
      tpu.yield
    }) : () -> ()
    %mul3A_14 = arith.constant 640 : i32
    %mul3A_15 = arith.muli %arg1, %mul3A_14 : i32
    %add3A_16 = arith.constant 80 : i32
    %add3A_17 = arith.addi %mul3A_15, %add3A_16 : i32
    "tpu.region"() ({
      %run_scoped3A = tpu.sem_alloc : memref<!tpu.dma_semaphore, #tpu.memory_space<semaphore_mem>>
      %dma_start3A_240 = arith.constant 0 : i32
      %dma_start3A_241 = tpu.memref_slice %arg14[%add3A_17, %dma_start3A_240] : memref<10240x128xf32, #tpu.memory_space<vmem_shared>> -> memref<80x128xf32, #tpu.memory_space<vmem_shared>>
      %dma_start3A_242 = arith.constant 0 : i32
      %dma_start3A_243 = tpu.memref_slice %arg14[%add3A_17, %dma_start3A_242] : memref<10240x128xf32, #tpu.memory_space<vmem_shared>> -> memref<80x128xf32, #tpu.memory_space<vmem_shared>>
      tpu.enqueue_dma source(%arg11 : memref<80x128xf32, #tpu.memory_space<vmem>>) target(%dma_start3A_243 : memref<80x128xf32, #tpu.memory_space<vmem_shared>>) target_semaphore(%run_scoped3A : memref<!tpu.dma_semaphore, #tpu.memory_space<semaphore_mem>>)
      %dma_wait3A_244 = arith.constant 0 : i32
      %dma_wait3A_245 = tpu.memref_slice %arg14[%add3A_17, %dma_wait3A_244] : memref<10240x128xf32, #tpu.memory_space<vmem_shared>> -> memref<80x128xf32, #tpu.memory_space<vmem_shared>>
      %dma_wait3A_246 = arith.constant 0 : i32
      %dma_wait3A_247 = tpu.memref_slice %arg14[%add3A_17, %dma_wait3A_246] : memref<10240x128xf32, #tpu.memory_space<vmem_shared>> -> memref<80x128xf32, #tpu.memory_space<vmem_shared>>
      tpu.wait_dma2 semaphore(%run_scoped3A : memref<!tpu.dma_semaphore, #tpu.memory_space<semaphore_mem>>) src(%arg11 : memref<80x128xf32, #tpu.memory_space<vmem>>) dst(%dma_wait3A_247 : memref<80x128xf32, #tpu.memory_space<vmem_shared>>)
      tpu.yield
    }) : () -> ()
    %mul3A_18 = arith.constant 640 : i32
    %mul3A_19 = arith.muli %arg1, %mul3A_18 : i32
    %add3A_20 = arith.constant 160 : i32
    %add3A_21 = arith.addi %mul3A_19, %add3A_20 : i32
    "tpu.region"() ({
      %run_scoped3A = tpu.sem_alloc : memref<!tpu.dma_semaphore, #tpu.memory_space<semaphore_mem>>
      %dma_start3A_240 = arith.constant 0 : i32
      %dma_start3A_241 = tpu.memref_slice %arg14[%add3A_21, %dma_start3A_240] : memref<10240x128xf32, #tpu.memory_space<vmem_shared>> -> memref<80x128xf32, #tpu.memory_space<vmem_shared>>
      %dma_start3A_242 = arith.constant 0 : i32
      %dma_start3A_243 = tpu.memref_slice %arg14[%add3A_21, %dma_start3A_242] : memref<10240x128xf32, #tpu.memory_space<vmem_shared>> -> memref<80x128xf32, #tpu.memory_space<vmem_shared>>
      tpu.enqueue_dma source(%arg11 : memref<80x128xf32, #tpu.memory_space<vmem>>) target(%dma_start3A_243 : memref<80x128xf32, #tpu.memory_space<vmem_shared>>) target_semaphore(%run_scoped3A : memref<!tpu.dma_semaphore, #tpu.memory_space<semaphore_mem>>)
      %dma_wait3A_244 = arith.constant 0 : i32
      %dma_wait3A_245 = tpu.memref_slice %arg14[%add3A_21, %dma_wait3A_244] : memref<10240x128xf32, #tpu.memory_space<vmem_shared>> -> memref<80x128xf32, #tpu.memory_space<vmem_shared>>
      %dma_wait3A_246 = arith.constant 0 : i32
      %dma_wait3A_247 = tpu.memref_slice %arg14[%add3A_21, %dma_wait3A_246] : memref<10240x128xf32, #tpu.memory_space<vmem_shared>> -> memref<80x128xf32, #tpu.memory_space<vmem_shared>>
      tpu.wait_dma2 semaphore(%run_scoped3A : memref<!tpu.dma_semaphore, #tpu.memory_space<semaphore_mem>>) src(%arg11 : memref<80x128xf32, #tpu.memory_space<vmem>>) dst(%dma_wait3A_247 : memref<80x128xf32, #tpu.memory_space<vmem_shared>>)
      tpu.yield
    }) : () -> ()
    %mul3A_22 = arith.constant 640 : i32
    %mul3A_23 = arith.muli %arg1, %mul3A_22 : i32
    %add3A_24 = arith.constant 240 : i32
    %add3A_25 = arith.addi %mul3A_23, %add3A_24 : i32
    "tpu.region"() ({
      %run_scoped3A = tpu.sem_alloc : memref<!tpu.dma_semaphore, #tpu.memory_space<semaphore_mem>>
      %dma_start3A_240 = arith.constant 0 : i32
      %dma_start3A_241 = tpu.memref_slice %arg14[%add3A_25, %dma_start3A_240] : memref<10240x128xf32, #tpu.memory_space<vmem_shared>> -> memref<80x128xf32, #tpu.memory_space<vmem_shared>>
      %dma_start3A_242 = arith.constant 0 : i32
      %dma_start3A_243 = tpu.memref_slice %arg14[%add3A_25, %dma_start3A_242] : memref<10240x128xf32, #tpu.memory_space<vmem_shared>> -> memref<80x128xf32, #tpu.memory_space<vmem_shared>>
      tpu.enqueue_dma source(%arg11 : memref<80x128xf32, #tpu.memory_space<vmem>>) target(%dma_start3A_243 : memref<80x128xf32, #tpu.memory_space<vmem_shared>>) target_semaphore(%run_scoped3A : memref<!tpu.dma_semaphore, #tpu.memory_space<semaphore_mem>>)
      %dma_wait3A_244 = arith.constant 0 : i32
      %dma_wait3A_245 = tpu.memref_slice %arg14[%add3A_25, %dma_wait3A_244] : memref<10240x128xf32, #tpu.memory_space<vmem_shared>> -> memref<80x128xf32, #tpu.memory_space<vmem_shared>>
      %dma_wait3A_246 = arith.constant 0 : i32
      %dma_wait3A_247 = tpu.memref_slice %arg14[%add3A_25, %dma_wait3A_246] : memref<10240x128xf32, #tpu.memory_space<vmem_shared>> -> memref<80x128xf32, #tpu.memory_space<vmem_shared>>
      tpu.wait_dma2 semaphore(%run_scoped3A : memref<!tpu.dma_semaphore, #tpu.memory_space<semaphore_mem>>) src(%arg11 : memref<80x128xf32, #tpu.memory_space<vmem>>) dst(%dma_wait3A_247 : memref<80x128xf32, #tpu.memory_space<vmem_shared>>)
      tpu.yield
    }) : () -> ()
    %mul3A_26 = arith.constant 640 : i32
    %mul3A_27 = arith.muli %arg1, %mul3A_26 : i32
    %add3A_28 = arith.constant 320 : i32
    %add3A_29 = arith.addi %mul3A_27, %add3A_28 : i32
    "tpu.region"() ({
      %run_scoped3A = tpu.sem_alloc : memref<!tpu.dma_semaphore, #tpu.memory_space<semaphore_mem>>
      %dma_start3A_240 = arith.constant 0 : i32
      %dma_start3A_241 = tpu.memref_slice %arg14[%add3A_29, %dma_start3A_240] : memref<10240x128xf32, #tpu.memory_space<vmem_shared>> -> memref<80x128xf32, #tpu.memory_space<vmem_shared>>
      %dma_start3A_242 = arith.constant 0 : i32
      %dma_start3A_243 = tpu.memref_slice %arg14[%add3A_29, %dma_start3A_242] : memref<10240x128xf32, #tpu.memory_space<vmem_shared>> -> memref<80x128xf32, #tpu.memory_space<vmem_shared>>
      tpu.enqueue_dma source(%arg11 : memref<80x128xf32, #tpu.memory_space<vmem>>) target(%dma_start3A_243 : memref<80x128xf32, #tpu.memory_space<vmem_shared>>) target_semaphore(%run_scoped3A : memref<!tpu.dma_semaphore, #tpu.memory_space<semaphore_mem>>)
      %dma_wait3A_244 = arith.constant 0 : i32
      %dma_wait3A_245 = tpu.memref_slice %arg14[%add3A_29, %dma_wait3A_244] : memref<10240x128xf32, #tpu.memory_space<vmem_shared>> -> memref<80x128xf32, #tpu.memory_space<vmem_shared>>
      %dma_wait3A_246 = arith.constant 0 : i32
      %dma_wait3A_247 = tpu.memref_slice %arg14[%add3A_29, %dma_wait3A_246] : memref<10240x128xf32, #tpu.memory_space<vmem_shared>> -> memref<80x128xf32, #tpu.memory_space<vmem_shared>>
      tpu.wait_dma2 semaphore(%run_scoped3A : memref<!tpu.dma_semaphore, #tpu.memory_space<semaphore_mem>>) src(%arg11 : memref<80x128xf32, #tpu.memory_space<vmem>>) dst(%dma_wait3A_247 : memref<80x128xf32, #tpu.memory_space<vmem_shared>>)
      tpu.yield
    }) : () -> ()
    %mul3A_30 = arith.constant 640 : i32
    %mul3A_31 = arith.muli %arg1, %mul3A_30 : i32
    %add3A_32 = arith.constant 400 : i32
    %add3A_33 = arith.addi %mul3A_31, %add3A_32 : i32
    "tpu.region"() ({
      %run_scoped3A = tpu.sem_alloc : memref<!tpu.dma_semaphore, #tpu.memory_space<semaphore_mem>>
      %dma_start3A_240 = arith.constant 0 : i32
      %dma_start3A_241 = tpu.memref_slice %arg14[%add3A_33, %dma_start3A_240] : memref<10240x128xf32, #tpu.memory_space<vmem_shared>> -> memref<80x128xf32, #tpu.memory_space<vmem_shared>>
      %dma_start3A_242 = arith.constant 0 : i32
      %dma_start3A_243 = tpu.memref_slice %arg14[%add3A_33, %dma_start3A_242] : memref<10240x128xf32, #tpu.memory_space<vmem_shared>> -> memref<80x128xf32, #tpu.memory_space<vmem_shared>>
      tpu.enqueue_dma source(%arg11 : memref<80x128xf32, #tpu.memory_space<vmem>>) target(%dma_start3A_243 : memref<80x128xf32, #tpu.memory_space<vmem_shared>>) target_semaphore(%run_scoped3A : memref<!tpu.dma_semaphore, #tpu.memory_space<semaphore_mem>>)
      %dma_wait3A_244 = arith.constant 0 : i32
      %dma_wait3A_245 = tpu.memref_slice %arg14[%add3A_33, %dma_wait3A_244] : memref<10240x128xf32, #tpu.memory_space<vmem_shared>> -> memref<80x128xf32, #tpu.memory_space<vmem_shared>>
      %dma_wait3A_246 = arith.constant 0 : i32
      %dma_wait3A_247 = tpu.memref_slice %arg14[%add3A_33, %dma_wait3A_246] : memref<10240x128xf32, #tpu.memory_space<vmem_shared>> -> memref<80x128xf32, #tpu.memory_space<vmem_shared>>
      tpu.wait_dma2 semaphore(%run_scoped3A : memref<!tpu.dma_semaphore, #tpu.memory_space<semaphore_mem>>) src(%arg11 : memref<80x128xf32, #tpu.memory_space<vmem>>) dst(%dma_wait3A_247 : memref<80x128xf32, #tpu.memory_space<vmem_shared>>)
      tpu.yield
    }) : () -> ()
    %mul3A_34 = arith.constant 640 : i32
    %mul3A_35 = arith.muli %arg1, %mul3A_34 : i32
    %add3A_36 = arith.constant 480 : i32
    %add3A_37 = arith.addi %mul3A_35, %add3A_36 : i32
    "tpu.region"() ({
      %run_scoped3A = tpu.sem_alloc : memref<!tpu.dma_semaphore, #tpu.memory_space<semaphore_mem>>
      %dma_start3A_240 = arith.constant 0 : i32
      %dma_start3A_241 = tpu.memref_slice %arg14[%add3A_37, %dma_start3A_240] : memref<10240x128xf32, #tpu.memory_space<vmem_shared>> -> memref<80x128xf32, #tpu.memory_space<vmem_shared>>
      %dma_start3A_242 = arith.constant 0 : i32
      %dma_start3A_243 = tpu.memref_slice %arg14[%add3A_37, %dma_start3A_242] : memref<10240x128xf32, #tpu.memory_space<vmem_shared>> -> memref<80x128xf32, #tpu.memory_space<vmem_shared>>
      tpu.enqueue_dma source(%arg11 : memref<80x128xf32, #tpu.memory_space<vmem>>) target(%dma_start3A_243 : memref<80x128xf32, #tpu.memory_space<vmem_shared>>) target_semaphore(%run_scoped3A : memref<!tpu.dma_semaphore, #tpu.memory_space<semaphore_mem>>)
      %dma_wait3A_244 = arith.constant 0 : i32
      %dma_wait3A_245 = tpu.memref_slice %arg14[%add3A_37, %dma_wait3A_244] : memref<10240x128xf32, #tpu.memory_space<vmem_shared>> -> memref<80x128xf32, #tpu.memory_space<vmem_shared>>
      %dma_wait3A_246 = arith.constant 0 : i32
      %dma_wait3A_247 = tpu.memref_slice %arg14[%add3A_37, %dma_wait3A_246] : memref<10240x128xf32, #tpu.memory_space<vmem_shared>> -> memref<80x128xf32, #tpu.memory_space<vmem_shared>>
      tpu.wait_dma2 semaphore(%run_scoped3A : memref<!tpu.dma_semaphore, #tpu.memory_space<semaphore_mem>>) src(%arg11 : memref<80x128xf32, #tpu.memory_space<vmem>>) dst(%dma_wait3A_247 : memref<80x128xf32, #tpu.memory_space<vmem_shared>>)
      tpu.yield
    }) : () -> ()
    %mul3A_38 = arith.constant 640 : i32
    %mul3A_39 = arith.muli %arg1, %mul3A_38 : i32
    %add3A_40 = arith.constant 560 : i32
    %add3A_41 = arith.addi %mul3A_39, %add3A_40 : i32
    "tpu.region"() ({
      %run_scoped3A = tpu.sem_alloc : memref<!tpu.dma_semaphore, #tpu.memory_space<semaphore_mem>>
      %dma_start3A_240 = arith.constant 0 : i32
      %dma_start3A_241 = tpu.memref_slice %arg14[%add3A_41, %dma_start3A_240] : memref<10240x128xf32, #tpu.memory_space<vmem_shared>> -> memref<80x128xf32, #tpu.memory_space<vmem_shared>>
      %dma_start3A_242 = arith.constant 0 : i32
      %dma_start3A_243 = tpu.memref_slice %arg14[%add3A_41, %dma_start3A_242] : memref<10240x128xf32, #tpu.memory_space<vmem_shared>> -> memref<80x128xf32, #tpu.memory_space<vmem_shared>>
      tpu.enqueue_dma source(%arg11 : memref<80x128xf32, #tpu.memory_space<vmem>>) target(%dma_start3A_243 : memref<80x128xf32, #tpu.memory_space<vmem_shared>>) target_semaphore(%run_scoped3A : memref<!tpu.dma_semaphore, #tpu.memory_space<semaphore_mem>>)
      %dma_wait3A_244 = arith.constant 0 : i32
      %dma_wait3A_245 = tpu.memref_slice %arg14[%add3A_41, %dma_wait3A_244] : memref<10240x128xf32, #tpu.memory_space<vmem_shared>> -> memref<80x128xf32, #tpu.memory_space<vmem_shared>>
      %dma_wait3A_246 = arith.constant 0 : i32
      %dma_wait3A_247 = tpu.memref_slice %arg14[%add3A_41, %dma_wait3A_246] : memref<10240x128xf32, #tpu.memory_space<vmem_shared>> -> memref<80x128xf32, #tpu.memory_space<vmem_shared>>
      tpu.wait_dma2 semaphore(%run_scoped3A : memref<!tpu.dma_semaphore, #tpu.memory_space<semaphore_mem>>) src(%arg11 : memref<80x128xf32, #tpu.memory_space<vmem>>) dst(%dma_wait3A_247 : memref<80x128xf32, #tpu.memory_space<vmem_shared>>)
      tpu.yield
    }) : () -> ()
    %mul3A_42 = arith.constant 128 : i32
    %mul3A_43 = arith.muli %arg1, %mul3A_42 : i32
    %add3A_44 = arith.constant 0 : i32
    %add3A_45 = arith.addi %mul3A_43, %add3A_44 : i32
    "tpu.region"() ({
      %run_scoped3A = tpu.sem_alloc : memref<!tpu.dma_semaphore, #tpu.memory_space<semaphore_mem>>
      %dma_start3A_240 = arith.constant 0 : i32
      %dma_start3A_241 = arith.constant 0 : i32
      %dma_start3A_242 = tpu.memref_slice %arg11[%dma_start3A_240, %dma_start3A_241] : memref<80x128xf32, #tpu.memory_space<vmem>> -> memref<80x128xf32, #tpu.memory_space<vmem>>
      %dma_start3A_243 = arith.constant 0 : i32
      %dma_start3A_244 = tpu.memref_slice %arg15[%add3A_45, %dma_start3A_243] : memref<2048x128xf32, #tpu.memory_space<vmem_shared>> -> memref<80x128xf32, #tpu.memory_space<vmem_shared>>
      %dma_start3A_245 = arith.constant 0 : i32
      %dma_start3A_246 = tpu.memref_slice %arg15[%add3A_45, %dma_start3A_245] : memref<2048x128xf32, #tpu.memory_space<vmem_shared>> -> memref<80x128xf32, #tpu.memory_space<vmem_shared>>
      %dma_start3A_247 = arith.constant 0 : i32
      %dma_start3A_248 = arith.constant 0 : i32
      %dma_start3A_249 = tpu.memref_slice %arg11[%dma_start3A_247, %dma_start3A_248] : memref<80x128xf32, #tpu.memory_space<vmem>> -> memref<80x128xf32, #tpu.memory_space<vmem>>
      tpu.enqueue_dma source(%dma_start3A_249 : memref<80x128xf32, #tpu.memory_space<vmem>>) target(%dma_start3A_246 : memref<80x128xf32, #tpu.memory_space<vmem_shared>>) target_semaphore(%run_scoped3A : memref<!tpu.dma_semaphore, #tpu.memory_space<semaphore_mem>>)
      %dma_wait3A_250 = arith.constant 0 : i32
      %dma_wait3A_251 = arith.constant 0 : i32
      %dma_wait3A_252 = tpu.memref_slice %arg11[%dma_wait3A_250, %dma_wait3A_251] : memref<80x128xf32, #tpu.memory_space<vmem>> -> memref<80x128xf32, #tpu.memory_space<vmem>>
      %dma_wait3A_253 = arith.constant 0 : i32
      %dma_wait3A_254 = tpu.memref_slice %arg15[%add3A_45, %dma_wait3A_253] : memref<2048x128xf32, #tpu.memory_space<vmem_shared>> -> memref<80x128xf32, #tpu.memory_space<vmem_shared>>
      %dma_wait3A_255 = arith.constant 0 : i32
      %dma_wait3A_256 = tpu.memref_slice %arg15[%add3A_45, %dma_wait3A_255] : memref<2048x128xf32, #tpu.memory_space<vmem_shared>> -> memref<80x128xf32, #tpu.memory_space<vmem_shared>>
      %dma_wait3A_257 = arith.constant 0 : i32
      %dma_wait3A_258 = arith.constant 0 : i32
      %dma_wait3A_259 = tpu.memref_slice %arg11[%dma_wait3A_257, %dma_wait3A_258] : memref<80x128xf32, #tpu.memory_space<vmem>> -> memref<80x128xf32, #tpu.memory_space<vmem>>
      tpu.wait_dma2 semaphore(%run_scoped3A : memref<!tpu.dma_semaphore, #tpu.memory_space<semaphore_mem>>) src(%dma_wait3A_259 : memref<80x128xf32, #tpu.memory_space<vmem>>) dst(%dma_wait3A_256 : memref<80x128xf32, #tpu.memory_space<vmem_shared>>)
      tpu.yield
    }) : () -> ()
    %mul3A_46 = arith.constant 128 : i32
    %mul3A_47 = arith.muli %arg1, %mul3A_46 : i32
    %add3A_48 = arith.constant 80 : i32
    %add3A_49 = arith.addi %mul3A_47, %add3A_48 : i32
    "tpu.region"() ({
      %run_scoped3A = tpu.sem_alloc : memref<!tpu.dma_semaphore, #tpu.memory_space<semaphore_mem>>
      %dma_start3A_240 = arith.constant 0 : i32
      %dma_start3A_241 = arith.constant 0 : i32
      %dma_start3A_242 = tpu.memref_slice %arg11[%dma_start3A_240, %dma_start3A_241] : memref<80x128xf32, #tpu.memory_space<vmem>> -> memref<48x128xf32, #tpu.memory_space<vmem>>
      %dma_start3A_243 = arith.constant 0 : i32
      %dma_start3A_244 = tpu.memref_slice %arg15[%add3A_49, %dma_start3A_243] : memref<2048x128xf32, #tpu.memory_space<vmem_shared>> -> memref<48x128xf32, #tpu.memory_space<vmem_shared>>
      %dma_start3A_245 = arith.constant 0 : i32
      %dma_start3A_246 = tpu.memref_slice %arg15[%add3A_49, %dma_start3A_245] : memref<2048x128xf32, #tpu.memory_space<vmem_shared>> -> memref<48x128xf32, #tpu.memory_space<vmem_shared>>
      %dma_start3A_247 = arith.constant 0 : i32
      %dma_start3A_248 = arith.constant 0 : i32
      %dma_start3A_249 = tpu.memref_slice %arg11[%dma_start3A_247, %dma_start3A_248] : memref<80x128xf32, #tpu.memory_space<vmem>> -> memref<48x128xf32, #tpu.memory_space<vmem>>
      tpu.enqueue_dma source(%dma_start3A_249 : memref<48x128xf32, #tpu.memory_space<vmem>>) target(%dma_start3A_246 : memref<48x128xf32, #tpu.memory_space<vmem_shared>>) target_semaphore(%run_scoped3A : memref<!tpu.dma_semaphore, #tpu.memory_space<semaphore_mem>>)
      %dma_wait3A_250 = arith.constant 0 : i32
      %dma_wait3A_251 = arith.constant 0 : i32
      %dma_wait3A_252 = tpu.memref_slice %arg11[%dma_wait3A_250, %dma_wait3A_251] : memref<80x128xf32, #tpu.memory_space<vmem>> -> memref<48x128xf32, #tpu.memory_space<vmem>>
      %dma_wait3A_253 = arith.constant 0 : i32
      %dma_wait3A_254 = tpu.memref_slice %arg15[%add3A_49, %dma_wait3A_253] : memref<2048x128xf32, #tpu.memory_space<vmem_shared>> -> memref<48x128xf32, #tpu.memory_space<vmem_shared>>
      %dma_wait3A_255 = arith.constant 0 : i32
      %dma_wait3A_256 = tpu.memref_slice %arg15[%add3A_49, %dma_wait3A_255] : memref<2048x128xf32, #tpu.memory_space<vmem_shared>> -> memref<48x128xf32, #tpu.memory_space<vmem_shared>>
      %dma_wait3A_257 = arith.constant 0 : i32
      %dma_wait3A_258 = arith.constant 0 : i32
      %dma_wait3A_259 = tpu.memref_slice %arg11[%dma_wait3A_257, %dma_wait3A_258] : memref<80x128xf32, #tpu.memory_space<vmem>> -> memref<48x128xf32, #tpu.memory_space<vmem>>
      tpu.wait_dma2 semaphore(%run_scoped3A : memref<!tpu.dma_semaphore, #tpu.memory_space<semaphore_mem>>) src(%dma_wait3A_259 : memref<48x128xf32, #tpu.memory_space<vmem>>) dst(%dma_wait3A_256 : memref<48x128xf32, #tpu.memory_space<vmem_shared>>)
      tpu.yield
    }) : () -> ()
    %barrier3A = arith.constant 0 : index
    tpu.barrier barrier_id(%barrier3A)
    %mul3A_50 = arith.constant 10000 : i32
    %mul3A_51 = arith.muli %add3A, %mul3A_50 : i32
    %add3A_52 = arith.constant 0 : i32
    %add3A_53 = arith.addi %mul3A_51, %add3A_52 : i32
    %min3A = arith.constant 319920 : i32
    %min3A_54 = arith.minsi %add3A_53, %min3A : i32
    "tpu.region"() ({
      %run_scoped3A = tpu.sem_alloc : memref<!tpu.dma_semaphore, #tpu.memory_space<semaphore_mem>>
      %dma_start3A_240 = tpu.memref_slice %arg3[%min3A_54] : memref<320000xi32, #tpu.memory_space<hbm>> -> memref<80xi32, #tpu.memory_space<hbm>>
      %dma_start3A_241 = tpu.memref_slice %arg3[%min3A_54] : memref<320000xi32, #tpu.memory_space<hbm>> -> memref<80xi32, #tpu.memory_space<hbm>>
      tpu.enqueue_dma source(%dma_start3A_241 : memref<80xi32, #tpu.memory_space<hbm>>) target(%arg6 : memref<80xi32, #tpu.memory_space<vmem>>) target_semaphore(%run_scoped3A : memref<!tpu.dma_semaphore, #tpu.memory_space<semaphore_mem>>)
      %dma_wait3A_242 = tpu.memref_slice %arg3[%min3A_54] : memref<320000xi32, #tpu.memory_space<hbm>> -> memref<80xi32, #tpu.memory_space<hbm>>
      %dma_wait3A_243 = tpu.memref_slice %arg3[%min3A_54] : memref<320000xi32, #tpu.memory_space<hbm>> -> memref<80xi32, #tpu.memory_space<hbm>>
      tpu.wait_dma2 semaphore(%run_scoped3A : memref<!tpu.dma_semaphore, #tpu.memory_space<semaphore_mem>>) src(%dma_wait3A_243 : memref<80xi32, #tpu.memory_space<hbm>>) dst(%arg6 : memref<80xi32, #tpu.memory_space<vmem>>)
      tpu.yield
    }) : () -> ()
    %mul3A_55 = arith.constant 10000 : i32
    %mul3A_56 = arith.muli %add3A, %mul3A_55 : i32
    %add3A_57 = arith.constant 0 : i32
    %add3A_58 = arith.addi %mul3A_56, %add3A_57 : i32
    %min3A_59 = arith.constant 319920 : i32
    %min3A_60 = arith.minsi %add3A_58, %min3A_59 : i32
    "tpu.region"() ({
      %run_scoped3A = tpu.sem_alloc : memref<!tpu.dma_semaphore, #tpu.memory_space<semaphore_mem>>
      %dma_start3A_240 = tpu.memref_slice %arg4[%min3A_60] : memref<320000xi32, #tpu.memory_space<hbm>> -> memref<80xi32, #tpu.memory_space<hbm>>
      %dma_start3A_241 = tpu.memref_slice %arg4[%min3A_60] : memref<320000xi32, #tpu.memory_space<hbm>> -> memref<80xi32, #tpu.memory_space<hbm>>
      tpu.enqueue_dma source(%dma_start3A_241 : memref<80xi32, #tpu.memory_space<hbm>>) target(%arg8 : memref<80xi32, #tpu.memory_space<vmem>>) target_semaphore(%run_scoped3A : memref<!tpu.dma_semaphore, #tpu.memory_space<semaphore_mem>>)
      %dma_wait3A_242 = tpu.memref_slice %arg4[%min3A_60] : memref<320000xi32, #tpu.memory_space<hbm>> -> memref<80xi32, #tpu.memory_space<hbm>>
      %dma_wait3A_243 = tpu.memref_slice %arg4[%min3A_60] : memref<320000xi32, #tpu.memory_space<hbm>> -> memref<80xi32, #tpu.memory_space<hbm>>
      tpu.wait_dma2 semaphore(%run_scoped3A : memref<!tpu.dma_semaphore, #tpu.memory_space<semaphore_mem>>) src(%dma_wait3A_243 : memref<80xi32, #tpu.memory_space<hbm>>) dst(%arg8 : memref<80xi32, #tpu.memory_space<vmem>>)
      tpu.yield
    }) : () -> ()
    %dma_start3A = arith.constant 0 : i32
    %dma_start3A_61 = arith.constant 0 : i32
    %dma_start3A_62 = tpu.memref_slice %arg2[%dma_start3A, %dma_start3A_61] : memref<10000x128xf32, #tpu.memory_space<hbm>> -> memref<10000x128xf32, #tpu.memory_space<hbm>>
    tpu.enqueue_indirect_dma source(%dma_start3A_62 : memref<10000x128xf32, #tpu.memory_space<hbm>>) target(%arg11 : memref<80x128xf32, #tpu.memory_space<vmem>>) offsets(%arg6 : memref<80xi32, #tpu.memory_space<vmem>>) semaphore(%arg16 : memref<!tpu.dma_semaphore, #tpu.memory_space<semaphore_mem>>)
    %mul3A_63 = arith.constant 10000 : i32
    %mul3A_64 = arith.muli %add3A, %mul3A_63 : i32
    %add3A_65 = arith.constant 80 : i32
    %add3A_66 = arith.addi %mul3A_64, %add3A_65 : i32
    %min3A_67 = arith.constant 319920 : i32
    %min3A_68 = arith.minsi %add3A_66, %min3A_67 : i32
    %dma_start3A_69 = tpu.memref_slice %arg3[%min3A_68] : memref<320000xi32, #tpu.memory_space<hbm>> -> memref<80xi32, #tpu.memory_space<hbm>>
    %dma_start3A_70 = tpu.memref_slice %arg3[%min3A_68] : memref<320000xi32, #tpu.memory_space<hbm>> -> memref<80xi32, #tpu.memory_space<hbm>>
    tpu.enqueue_dma source(%dma_start3A_70 : memref<80xi32, #tpu.memory_space<hbm>>) target(%arg7 : memref<80xi32, #tpu.memory_space<vmem>>) target_semaphore(%arg18 : memref<!tpu.dma_semaphore, #tpu.memory_space<semaphore_mem>>)
    %dma_start3A_71 = tpu.memref_slice %arg4[%min3A_68] : memref<320000xi32, #tpu.memory_space<hbm>> -> memref<80xi32, #tpu.memory_space<hbm>>
    %dma_start3A_72 = tpu.memref_slice %arg4[%min3A_68] : memref<320000xi32, #tpu.memory_space<hbm>> -> memref<80xi32, #tpu.memory_space<hbm>>
    tpu.enqueue_dma source(%dma_start3A_72 : memref<80xi32, #tpu.memory_space<hbm>>) target(%arg9 : memref<80xi32, #tpu.memory_space<vmem>>) target_semaphore(%arg18 : memref<!tpu.dma_semaphore, #tpu.memory_space<semaphore_mem>>)
    %scan3A_73 = arith.constant 0 : i32
    %scan3A_74 = arith.constant 62 : i32
    %scan3A_75 = arith.addi %scan3A_73, %scan3A_74 : i32
    %scan3A_76 = arith.constant 1 : i32
    scf.for %scan3A_240 = %scan3A_73 to %scan3A_75 step %scan3A_76  : i32 {
      %mul3A_241 = arith.constant 1 : i32
      %mul3A_242 = arith.muli %scan3A_240, %mul3A_241 : i32
      %add3A_243 = arith.constant 0 : i32
      %add3A_244 = arith.addi %add3A_243, %mul3A_242 : i32
      %mul3A_245 = arith.constant 2 : i32
      %mul3A_246 = arith.muli %mul3A_245, %add3A_244 : i32
      %dma_wait3A_247 = arith.constant 0 : i32
      %dma_wait3A_248 = arith.constant 0 : i32
      %dma_wait3A_249 = tpu.memref_slice %arg2[%dma_wait3A_247, %dma_wait3A_248] : memref<10000x128xf32, #tpu.memory_space<hbm>> -> memref<10000x128xf32, #tpu.memory_space<hbm>>
      tpu.wait_indirect_dma semaphore(%arg16 : memref<!tpu.dma_semaphore, #tpu.memory_space<semaphore_mem>>) src(%dma_wait3A_249 : memref<10000x128xf32, #tpu.memory_space<hbm>>) dst(%arg11 : memref<80x128xf32, #tpu.memory_space<vmem>>)
      %add3A_250 = arith.constant 1 : i32
      %add3A_251 = arith.addi %mul3A_246, %add3A_250 : i32
      %mul3A_252 = arith.constant 10000 : i32
      %mul3A_253 = arith.muli %add3A, %mul3A_252 : i32
      %mul3A_254 = arith.constant 80 : i32
      %mul3A_255 = arith.muli %add3A_251, %mul3A_254 : i32
      %add3A_256 = arith.addi %mul3A_253, %mul3A_255 : i32
      %min3A_257 = arith.constant 319920 : i32
      %min3A_258 = arith.minsi %add3A_256, %min3A_257 : i32
      %dma_wait3A_259 = tpu.memref_slice %arg3[%min3A_258] : memref<320000xi32, #tpu.memory_space<hbm>> -> memref<80xi32, #tpu.memory_space<hbm>>
      %dma_wait3A_260 = tpu.memref_slice %arg3[%min3A_258] : memref<320000xi32, #tpu.memory_space<hbm>> -> memref<80xi32, #tpu.memory_space<hbm>>
      tpu.wait_dma2 semaphore(%arg18 : memref<!tpu.dma_semaphore, #tpu.memory_space<semaphore_mem>>) src(%dma_wait3A_260 : memref<80xi32, #tpu.memory_space<hbm>>) dst(%arg7 : memref<80xi32, #tpu.memory_space<vmem>>)
      %dma_wait3A_261 = tpu.memref_slice %arg4[%min3A_258] : memref<320000xi32, #tpu.memory_space<hbm>> -> memref<80xi32, #tpu.memory_space<hbm>>
      %dma_wait3A_262 = tpu.memref_slice %arg4[%min3A_258] : memref<320000xi32, #tpu.memory_space<hbm>> -> memref<80xi32, #tpu.memory_space<hbm>>
      tpu.wait_dma2 semaphore(%arg18 : memref<!tpu.dma_semaphore, #tpu.memory_space<semaphore_mem>>) src(%dma_wait3A_262 : memref<80xi32, #tpu.memory_space<hbm>>) dst(%arg9 : memref<80xi32, #tpu.memory_space<vmem>>)
      %dma_start3A_263 = arith.constant 0 : i32
      %dma_start3A_264 = arith.constant 0 : i32
      %dma_start3A_265 = tpu.memref_slice %arg2[%dma_start3A_263, %dma_start3A_264] : memref<10000x128xf32, #tpu.memory_space<hbm>> -> memref<10000x128xf32, #tpu.memory_space<hbm>>
      tpu.enqueue_indirect_dma source(%dma_start3A_265 : memref<10000x128xf32, #tpu.memory_space<hbm>>) target(%arg12 : memref<80x128xf32, #tpu.memory_space<vmem>>) offsets(%arg7 : memref<80xi32, #tpu.memory_space<vmem>>) semaphore(%arg17 : memref<!tpu.dma_semaphore, #tpu.memory_space<semaphore_mem>>)
      %dma_start3A_266 = arith.constant 0 : i32
      %dma_start3A_267 = arith.constant 0 : i32
      %dma_start3A_268 = tpu.memref_slice %arg14[%dma_start3A_266, %dma_start3A_267] : memref<10240x128xf32, #tpu.memory_space<vmem_shared>> -> memref<10240x128xf32, #tpu.memory_space<vmem_shared>>
      tpu.enqueue_indirect_dma source(%arg11 : memref<80x128xf32, #tpu.memory_space<vmem>>) target(%dma_start3A_268 : memref<10240x128xf32, #tpu.memory_space<vmem_shared>>) offsets(%arg8 : memref<80xi32, #tpu.memory_space<vmem>>) semaphore(%arg19 : memref<!tpu.dma_semaphore, #tpu.memory_space<semaphore_mem>>) {add = true}
      %get3A_269 = arith.constant 0 : index
      %get3A_270 = tpu.vector_load %arg8[%get3A_269] {strides = array<i32>} : memref<80xi32, #tpu.memory_space<vmem>>, vector<16xi32>,
      %rem3A_271 = arith.constant 2000 : i32
      %rem3A_272 = vector.broadcast %rem3A_271 : i32 to vector<16xi32>
      %rem3A_273 = arith.remsi %get3A_270, %rem3A_272 : vector<16xi32>
      %swap3A_274 = arith.constant 0 : index
      %swap3A_275 = tpu.vector_load %arg10[%swap3A_274] {strides = array<i32>} : memref<80xi32, #tpu.memory_space<vmem>>, vector<16xi32>,
      tpu.vector_store %arg10[%swap3A_274], %rem3A_273 {strides = array<i32>} : memref<80xi32, #tpu.memory_space<vmem>>, vector<16xi32>,
      %div3A_276 = arith.constant 2000 : i32
      %div3A_277 = vector.broadcast %div3A_276 : i32 to vector<16xi32>
      %div3A_278 = arith.divsi %get3A_270, %div3A_277 : vector<16xi32>
      %mul3A_279 = arith.constant 16 : i32
      %mul3A_280 = vector.broadcast %mul3A_279 : i32 to vector<16xi32>
      %mul3A_281 = arith.muli %div3A_278, %mul3A_280 : vector<16xi32>
      %add3A_282 = arith.constant 0 : i32
      %add3A_283 = vector.broadcast %add3A_282 : i32 to vector<16xi32>
      %add3A_284 = arith.addi %iota3A, %add3A_283 : vector<16xi32>
      tpu.vector_store_idx %arg13[%add3A_284, %mul3A_281], %broadcast_in_dim3A_5 : memref<80x128xf32, #tpu.memory_space<vmem>>[vector<16xi32>, vector<16xi32>], vector<16xf32>,
      %get3A_285 = arith.constant 16 : index
      %get3A_286 = tpu.vector_load %arg8[%get3A_285] {strides = array<i32>} : memref<80xi32, #tpu.memory_space<vmem>>, vector<16xi32>,
      %rem3A_287 = arith.constant 2000 : i32
      %rem3A_288 = vector.broadcast %rem3A_287 : i32 to vector<16xi32>
      %rem3A_289 = arith.remsi %get3A_286, %rem3A_288 : vector<16xi32>
      %swap3A_290 = arith.constant 16 : index
      %swap3A_291 = tpu.vector_load %arg10[%swap3A_290] {strides = array<i32>} : memref<80xi32, #tpu.memory_space<vmem>>, vector<16xi32>,
      tpu.vector_store %arg10[%swap3A_290], %rem3A_289 {strides = array<i32>} : memref<80xi32, #tpu.memory_space<vmem>>, vector<16xi32>,
      %div3A_292 = arith.constant 2000 : i32
      %div3A_293 = vector.broadcast %div3A_292 : i32 to vector<16xi32>
      %div3A_294 = arith.divsi %get3A_286, %div3A_293 : vector<16xi32>
      %mul3A_295 = arith.constant 16 : i32
      %mul3A_296 = vector.broadcast %mul3A_295 : i32 to vector<16xi32>
      %mul3A_297 = arith.muli %div3A_294, %mul3A_296 : vector<16xi32>
      %add3A_298 = arith.constant 16 : i32
      %add3A_299 = vector.broadcast %add3A_298 : i32 to vector<16xi32>
      %add3A_300 = arith.addi %iota3A, %add3A_299 : vector<16xi32>
      tpu.vector_store_idx %arg13[%add3A_300, %mul3A_297], %broadcast_in_dim3A_5 : memref<80x128xf32, #tpu.memory_space<vmem>>[vector<16xi32>, vector<16xi32>], vector<16xf32>,
      %get3A_301 = arith.constant 32 : index
      %get3A_302 = tpu.vector_load %arg8[%get3A_301] {strides = array<i32>} : memref<80xi32, #tpu.memory_space<vmem>>, vector<16xi32>,
      %rem3A_303 = arith.constant 2000 : i32
      %rem3A_304 = vector.broadcast %rem3A_303 : i32 to vector<16xi32>
      %rem3A_305 = arith.remsi %get3A_302, %rem3A_304 : vector<16xi32>
      %swap3A_306 = arith.constant 32 : index
      %swap3A_307 = tpu.vector_load %arg10[%swap3A_306] {strides = array<i32>} : memref<80xi32, #tpu.memory_space<vmem>>, vector<16xi32>,
      tpu.vector_store %arg10[%swap3A_306], %rem3A_305 {strides = array<i32>} : memref<80xi32, #tpu.memory_space<vmem>>, vector<16xi32>,
      %div3A_308 = arith.constant 2000 : i32
      %div3A_309 = vector.broadcast %div3A_308 : i32 to vector<16xi32>
      %div3A_310 = arith.divsi %get3A_302, %div3A_309 : vector<16xi32>
      %mul3A_311 = arith.constant 16 : i32
      %mul3A_312 = vector.broadcast %mul3A_311 : i32 to vector<16xi32>
      %mul3A_313 = arith.muli %div3A_310, %mul3A_312 : vector<16xi32>
      %add3A_314 = arith.constant 32 : i32
      %add3A_315 = vector.broadcast %add3A_314 : i32 to vector<16xi32>
      %add3A_316 = arith.addi %iota3A, %add3A_315 : vector<16xi32>
      tpu.vector_store_idx %arg13[%add3A_316, %mul3A_313], %broadcast_in_dim3A_5 : memref<80x128xf32, #tpu.memory_space<vmem>>[vector<16xi32>, vector<16xi32>], vector<16xf32>,
      %get3A_317 = arith.constant 48 : index
      %get3A_318 = tpu.vector_load %arg8[%get3A_317] {strides = array<i32>} : memref<80xi32, #tpu.memory_space<vmem>>, vector<16xi32>,
      %rem3A_319 = arith.constant 2000 : i32
      %rem3A_320 = vector.broadcast %rem3A_319 : i32 to vector<16xi32>
      %rem3A_321 = arith.remsi %get3A_318, %rem3A_320 : vector<16xi32>
      %swap3A_322 = arith.constant 48 : index
      %swap3A_323 = tpu.vector_load %arg10[%swap3A_322] {strides = array<i32>} : memref<80xi32, #tpu.memory_space<vmem>>, vector<16xi32>,
      tpu.vector_store %arg10[%swap3A_322], %rem3A_321 {strides = array<i32>} : memref<80xi32, #tpu.memory_space<vmem>>, vector<16xi32>,
      %div3A_324 = arith.constant 2000 : i32
      %div3A_325 = vector.broadcast %div3A_324 : i32 to vector<16xi32>
      %div3A_326 = arith.divsi %get3A_318, %div3A_325 : vector<16xi32>
      %mul3A_327 = arith.constant 16 : i32
      %mul3A_328 = vector.broadcast %mul3A_327 : i32 to vector<16xi32>
      %mul3A_329 = arith.muli %div3A_326, %mul3A_328 : vector<16xi32>
      %add3A_330 = arith.constant 48 : i32
      %add3A_331 = vector.broadcast %add3A_330 : i32 to vector<16xi32>
      %add3A_332 = arith.addi %iota3A, %add3A_331 : vector<16xi32>
      tpu.vector_store_idx %arg13[%add3A_332, %mul3A_329], %broadcast_in_dim3A_5 : memref<80x128xf32, #tpu.memory_space<vmem>>[vector<16xi32>, vector<16xi32>], vector<16xf32>,
      %get3A_333 = arith.constant 64 : index
      %get3A_334 = tpu.vector_load %arg8[%get3A_333] {strides = array<i32>} : memref<80xi32, #tpu.memory_space<vmem>>, vector<16xi32>,
      %rem3A_335 = arith.constant 2000 : i32
      %rem3A_336 = vector.broadcast %rem3A_335 : i32 to vector<16xi32>
      %rem3A_337 = arith.remsi %get3A_334, %rem3A_336 : vector<16xi32>
      %swap3A_338 = arith.constant 64 : index
      %swap3A_339 = tpu.vector_load %arg10[%swap3A_338] {strides = array<i32>} : memref<80xi32, #tpu.memory_space<vmem>>, vector<16xi32>,
      tpu.vector_store %arg10[%swap3A_338], %rem3A_337 {strides = array<i32>} : memref<80xi32, #tpu.memory_space<vmem>>, vector<16xi32>,
      %div3A_340 = arith.constant 2000 : i32
      %div3A_341 = vector.broadcast %div3A_340 : i32 to vector<16xi32>
      %div3A_342 = arith.divsi %get3A_334, %div3A_341 : vector<16xi32>
      %mul3A_343 = arith.constant 16 : i32
      %mul3A_344 = vector.broadcast %mul3A_343 : i32 to vector<16xi32>
      %mul3A_345 = arith.muli %div3A_342, %mul3A_344 : vector<16xi32>
      %add3A_346 = arith.constant 64 : i32
      %add3A_347 = vector.broadcast %add3A_346 : i32 to vector<16xi32>
      %add3A_348 = arith.addi %iota3A, %add3A_347 : vector<16xi32>
      tpu.vector_store_idx %arg13[%add3A_348, %mul3A_345], %broadcast_in_dim3A_5 : memref<80x128xf32, #tpu.memory_space<vmem>>[vector<16xi32>, vector<16xi32>], vector<16xf32>,
      "tpu.region"() ({
        %run_scoped3A = tpu.sem_alloc : memref<!tpu.dma_semaphore, #tpu.memory_space<semaphore_mem>>
        %dma_start3A_593 = arith.constant 0 : i32
        %dma_start3A_594 = arith.constant 0 : i32
        %dma_start3A_595 = tpu.memref_slice %arg15[%dma_start3A_593, %dma_start3A_594] : memref<2048x128xf32, #tpu.memory_space<vmem_shared>> -> memref<2048x128xf32, #tpu.memory_space<vmem_shared>>
        tpu.enqueue_indirect_dma source(%arg13 : memref<80x128xf32, #tpu.memory_space<vmem>>) target(%dma_start3A_595 : memref<2048x128xf32, #tpu.memory_space<vmem_shared>>) offsets(%arg10 : memref<80xi32, #tpu.memory_space<vmem>>) semaphore(%run_scoped3A : memref<!tpu.dma_semaphore, #tpu.memory_space<semaphore_mem>>) {add = true}
        %dma_wait3A_596 = arith.constant 0 : i32
        %dma_wait3A_597 = arith.constant 0 : i32
        %dma_wait3A_598 = tpu.memref_slice %arg15[%dma_wait3A_596, %dma_wait3A_597] : memref<2048x128xf32, #tpu.memory_space<vmem_shared>> -> memref<2048x128xf32, #tpu.memory_space<vmem_shared>>
        tpu.wait_indirect_dma semaphore(%run_scoped3A : memref<!tpu.dma_semaphore, #tpu.memory_space<semaphore_mem>>) src(%arg13 : memref<80x128xf32, #tpu.memory_space<vmem>>) dst(%dma_wait3A_598 : memref<2048x128xf32, #tpu.memory_space<vmem_shared>>)
        tpu.yield
      }) : () -> ()
      %get3A_349 = arith.constant 0 : index
      %get3A_350 = tpu.vector_load %arg8[%get3A_349] {strides = array<i32>} : memref<80xi32, #tpu.memory_space<vmem>>, vector<16xi32>,
      %div3A_351 = arith.constant 2000 : i32
      %div3A_352 = vector.broadcast %div3A_351 : i32 to vector<16xi32>
      %div3A_353 = arith.divsi %get3A_350, %div3A_352 : vector<16xi32>
      %mul3A_354 = arith.constant 16 : i32
      %mul3A_355 = vector.broadcast %mul3A_354 : i32 to vector<16xi32>
      %mul3A_356 = arith.muli %div3A_353, %mul3A_355 : vector<16xi32>
      %add3A_357 = arith.constant 0 : i32
      %add3A_358 = vector.broadcast %add3A_357 : i32 to vector<16xi32>
      %add3A_359 = arith.addi %iota3A, %add3A_358 : vector<16xi32>
      tpu.vector_store_idx %arg13[%add3A_359, %mul3A_356], %broadcast_in_dim3A_3 : memref<80x128xf32, #tpu.memory_space<vmem>>[vector<16xi32>, vector<16xi32>], vector<16xf32>,
      %get3A_360 = arith.constant 16 : index
      %get3A_361 = tpu.vector_load %arg8[%get3A_360] {strides = array<i32>} : memref<80xi32, #tpu.memory_space<vmem>>, vector<16xi32>,
      %div3A_362 = arith.constant 2000 : i32
      %div3A_363 = vector.broadcast %div3A_362 : i32 to vector<16xi32>
      %div3A_364 = arith.divsi %get3A_361, %div3A_363 : vector<16xi32>
      %mul3A_365 = arith.constant 16 : i32
      %mul3A_366 = vector.broadcast %mul3A_365 : i32 to vector<16xi32>
      %mul3A_367 = arith.muli %div3A_364, %mul3A_366 : vector<16xi32>
      %add3A_368 = arith.constant 16 : i32
      %add3A_369 = vector.broadcast %add3A_368 : i32 to vector<16xi32>
      %add3A_370 = arith.addi %iota3A, %add3A_369 : vector<16xi32>
      tpu.vector_store_idx %arg13[%add3A_370, %mul3A_367], %broadcast_in_dim3A_3 : memref<80x128xf32, #tpu.memory_space<vmem>>[vector<16xi32>, vector<16xi32>], vector<16xf32>,
      %get3A_371 = arith.constant 32 : index
      %get3A_372 = tpu.vector_load %arg8[%get3A_371] {strides = array<i32>} : memref<80xi32, #tpu.memory_space<vmem>>, vector<16xi32>,
      %div3A_373 = arith.constant 2000 : i32
      %div3A_374 = vector.broadcast %div3A_373 : i32 to vector<16xi32>
      %div3A_375 = arith.divsi %get3A_372, %div3A_374 : vector<16xi32>
      %mul3A_376 = arith.constant 16 : i32
      %mul3A_377 = vector.broadcast %mul3A_376 : i32 to vector<16xi32>
      %mul3A_378 = arith.muli %div3A_375, %mul3A_377 : vector<16xi32>
      %add3A_379 = arith.constant 32 : i32
      %add3A_380 = vector.broadcast %add3A_379 : i32 to vector<16xi32>
      %add3A_381 = arith.addi %iota3A, %add3A_380 : vector<16xi32>
      tpu.vector_store_idx %arg13[%add3A_381, %mul3A_378], %broadcast_in_dim3A_3 : memref<80x128xf32, #tpu.memory_space<vmem>>[vector<16xi32>, vector<16xi32>], vector<16xf32>,
      %get3A_382 = arith.constant 48 : index
      %get3A_383 = tpu.vector_load %arg8[%get3A_382] {strides = array<i32>} : memref<80xi32, #tpu.memory_space<vmem>>, vector<16xi32>,
      %div3A_384 = arith.constant 2000 : i32
      %div3A_385 = vector.broadcast %div3A_384 : i32 to vector<16xi32>
      %div3A_386 = arith.divsi %get3A_383, %div3A_385 : vector<16xi32>
      %mul3A_387 = arith.constant 16 : i32
      %mul3A_388 = vector.broadcast %mul3A_387 : i32 to vector<16xi32>
      %mul3A_389 = arith.muli %div3A_386, %mul3A_388 : vector<16xi32>
      %add3A_390 = arith.constant 48 : i32
      %add3A_391 = vector.broadcast %add3A_390 : i32 to vector<16xi32>
      %add3A_392 = arith.addi %iota3A, %add3A_391 : vector<16xi32>
      tpu.vector_store_idx %arg13[%add3A_392, %mul3A_389], %broadcast_in_dim3A_3 : memref<80x128xf32, #tpu.memory_space<vmem>>[vector<16xi32>, vector<16xi32>], vector<16xf32>,
      %get3A_393 = arith.constant 64 : index
      %get3A_394 = tpu.vector_load %arg8[%get3A_393] {strides = array<i32>} : memref<80xi32, #tpu.memory_space<vmem>>, vector<16xi32>,
      %div3A_395 = arith.constant 2000 : i32
      %div3A_396 = vector.broadcast %div3A_395 : i32 to vector<16xi32>
      %div3A_397 = arith.divsi %get3A_394, %div3A_396 : vector<16xi32>
      %mul3A_398 = arith.constant 16 : i32
      %mul3A_399 = vector.broadcast %mul3A_398 : i32 to vector<16xi32>
      %mul3A_400 = arith.muli %div3A_397, %mul3A_399 : vector<16xi32>
      %add3A_401 = arith.constant 64 : i32
      %add3A_402 = vector.broadcast %add3A_401 : i32 to vector<16xi32>
      %add3A_403 = arith.addi %iota3A, %add3A_402 : vector<16xi32>
      tpu.vector_store_idx %arg13[%add3A_403, %mul3A_400], %broadcast_in_dim3A_3 : memref<80x128xf32, #tpu.memory_space<vmem>>[vector<16xi32>, vector<16xi32>], vector<16xf32>,
      %dma_wait3A_404 = arith.constant 0 : i32
      %dma_wait3A_405 = arith.constant 0 : i32
      %dma_wait3A_406 = tpu.memref_slice %arg14[%dma_wait3A_404, %dma_wait3A_405] : memref<10240x128xf32, #tpu.memory_space<vmem_shared>> -> memref<10240x128xf32, #tpu.memory_space<vmem_shared>>
      tpu.wait_indirect_dma semaphore(%arg19 : memref<!tpu.dma_semaphore, #tpu.memory_space<semaphore_mem>>) src(%arg11 : memref<80x128xf32, #tpu.memory_space<vmem>>) dst(%dma_wait3A_406 : memref<10240x128xf32, #tpu.memory_space<vmem_shared>>)
      %add3A_407 = arith.constant 2 : i32
      %add3A_408 = arith.addi %mul3A_246, %add3A_407 : i32
      %mul3A_409 = arith.constant 10000 : i32
      %mul3A_410 = arith.muli %add3A, %mul3A_409 : i32
      %mul3A_411 = arith.constant 80 : i32
      %mul3A_412 = arith.muli %add3A_408, %mul3A_411 : i32
      %add3A_413 = arith.addi %mul3A_410, %mul3A_412 : i32
      %min3A_414 = arith.constant 319920 : i32
      %min3A_415 = arith.minsi %add3A_413, %min3A_414 : i32
      %dma_start3A_416 = tpu.memref_slice %arg3[%min3A_415] : memref<320000xi32, #tpu.memory_space<hbm>> -> memref<80xi32, #tpu.memory_space<hbm>>
      %dma_start3A_417 = tpu.memref_slice %arg3[%min3A_415] : memref<320000xi32, #tpu.memory_space<hbm>> -> memref<80xi32, #tpu.memory_space<hbm>>
      tpu.enqueue_dma source(%dma_start3A_417 : memref<80xi32, #tpu.memory_space<hbm>>) target(%arg6 : memref<80xi32, #tpu.memory_space<vmem>>) target_semaphore(%arg18 : memref<!tpu.dma_semaphore, #tpu.memory_space<semaphore_mem>>)
      %dma_start3A_418 = tpu.memref_slice %arg4[%min3A_415] : memref<320000xi32, #tpu.memory_space<hbm>> -> memref<80xi32, #tpu.memory_space<hbm>>
      %dma_start3A_419 = tpu.memref_slice %arg4[%min3A_415] : memref<320000xi32, #tpu.memory_space<hbm>> -> memref<80xi32, #tpu.memory_space<hbm>>
      tpu.enqueue_dma source(%dma_start3A_419 : memref<80xi32, #tpu.memory_space<hbm>>) target(%arg8 : memref<80xi32, #tpu.memory_space<vmem>>) target_semaphore(%arg18 : memref<!tpu.dma_semaphore, #tpu.memory_space<semaphore_mem>>)
      %dma_wait3A_420 = arith.constant 0 : i32
      %dma_wait3A_421 = arith.constant 0 : i32
      %dma_wait3A_422 = tpu.memref_slice %arg2[%dma_wait3A_420, %dma_wait3A_421] : memref<10000x128xf32, #tpu.memory_space<hbm>> -> memref<10000x128xf32, #tpu.memory_space<hbm>>
      tpu.wait_indirect_dma semaphore(%arg17 : memref<!tpu.dma_semaphore, #tpu.memory_space<semaphore_mem>>) src(%dma_wait3A_422 : memref<10000x128xf32, #tpu.memory_space<hbm>>) dst(%arg12 : memref<80x128xf32, #tpu.memory_space<vmem>>)
      %add3A_423 = arith.constant 2 : i32
      %add3A_424 = arith.addi %mul3A_246, %add3A_423 : i32
      %mul3A_425 = arith.constant 10000 : i32
      %mul3A_426 = arith.muli %add3A, %mul3A_425 : i32
      %mul3A_427 = arith.constant 80 : i32
      %mul3A_428 = arith.muli %add3A_424, %mul3A_427 : i32
      %add3A_429 = arith.addi %mul3A_426, %mul3A_428 : i32
      %min3A_430 = arith.constant 319920 : i32
      %min3A_431 = arith.minsi %add3A_429, %min3A_430 : i32
      %dma_wait3A_432 = tpu.memref_slice %arg3[%min3A_431] : memref<320000xi32, #tpu.memory_space<hbm>> -> memref<80xi32, #tpu.memory_space<hbm>>
      %dma_wait3A_433 = tpu.memref_slice %arg3[%min3A_431] : memref<320000xi32, #tpu.memory_space<hbm>> -> memref<80xi32, #tpu.memory_space<hbm>>
      tpu.wait_dma2 semaphore(%arg18 : memref<!tpu.dma_semaphore, #tpu.memory_space<semaphore_mem>>) src(%dma_wait3A_433 : memref<80xi32, #tpu.memory_space<hbm>>) dst(%arg6 : memref<80xi32, #tpu.memory_space<vmem>>)
      %dma_wait3A_434 = tpu.memref_slice %arg4[%min3A_431] : memref<320000xi32, #tpu.memory_space<hbm>> -> memref<80xi32, #tpu.memory_space<hbm>>
      %dma_wait3A_435 = tpu.memref_slice %arg4[%min3A_431] : memref<320000xi32, #tpu.memory_space<hbm>> -> memref<80xi32, #tpu.memory_space<hbm>>
      tpu.wait_dma2 semaphore(%arg18 : memref<!tpu.dma_semaphore, #tpu.memory_space<semaphore_mem>>) src(%dma_wait3A_435 : memref<80xi32, #tpu.memory_space<hbm>>) dst(%arg8 : memref<80xi32, #tpu.memory_space<vmem>>)
      %dma_start3A_436 = arith.constant 0 : i32
      %dma_start3A_437 = arith.constant 0 : i32
      %dma_start3A_438 = tpu.memref_slice %arg2[%dma_start3A_436, %dma_start3A_437] : memref<10000x128xf32, #tpu.memory_space<hbm>> -> memref<10000x128xf32, #tpu.memory_space<hbm>>
      tpu.enqueue_indirect_dma source(%dma_start3A_438 : memref<10000x128xf32, #tpu.memory_space<hbm>>) target(%arg11 : memref<80x128xf32, #tpu.memory_space<vmem>>) offsets(%arg6 : memref<80xi32, #tpu.memory_space<vmem>>) semaphore(%arg16 : memref<!tpu.dma_semaphore, #tpu.memory_space<semaphore_mem>>)
      %dma_start3A_439 = arith.constant 0 : i32
      %dma_start3A_440 = arith.constant 0 : i32
      %dma_start3A_441 = tpu.memref_slice %arg14[%dma_start3A_439, %dma_start3A_440] : memref<10240x128xf32, #tpu.memory_space<vmem_shared>> -> memref<10240x128xf32, #tpu.memory_space<vmem_shared>>
      tpu.enqueue_indirect_dma source(%arg12 : memref<80x128xf32, #tpu.memory_space<vmem>>) target(%dma_start3A_441 : memref<10240x128xf32, #tpu.memory_space<vmem_shared>>) offsets(%arg9 : memref<80xi32, #tpu.memory_space<vmem>>) semaphore(%arg19 : memref<!tpu.dma_semaphore, #tpu.memory_space<semaphore_mem>>) {add = true}
      %get3A_442 = arith.constant 0 : index
      %get3A_443 = tpu.vector_load %arg9[%get3A_442] {strides = array<i32>} : memref<80xi32, #tpu.memory_space<vmem>>, vector<16xi32>,
      %rem3A_444 = arith.constant 2000 : i32
      %rem3A_445 = vector.broadcast %rem3A_444 : i32 to vector<16xi32>
      %rem3A_446 = arith.remsi %get3A_443, %rem3A_445 : vector<16xi32>
      %swap3A_447 = arith.constant 0 : index
      %swap3A_448 = tpu.vector_load %arg10[%swap3A_447] {strides = array<i32>} : memref<80xi32, #tpu.memory_space<vmem>>, vector<16xi32>,
      tpu.vector_store %arg10[%swap3A_447], %rem3A_446 {strides = array<i32>} : memref<80xi32, #tpu.memory_space<vmem>>, vector<16xi32>,
      %div3A_449 = arith.constant 2000 : i32
      %div3A_450 = vector.broadcast %div3A_449 : i32 to vector<16xi32>
      %div3A_451 = arith.divsi %get3A_443, %div3A_450 : vector<16xi32>
      %mul3A_452 = arith.constant 16 : i32
      %mul3A_453 = vector.broadcast %mul3A_452 : i32 to vector<16xi32>
      %mul3A_454 = arith.muli %div3A_451, %mul3A_453 : vector<16xi32>
      %add3A_455 = arith.constant 0 : i32
      %add3A_456 = vector.broadcast %add3A_455 : i32 to vector<16xi32>
      %add3A_457 = arith.addi %iota3A, %add3A_456 : vector<16xi32>
      tpu.vector_store_idx %arg13[%add3A_457, %mul3A_454], %broadcast_in_dim3A_5 : memref<80x128xf32, #tpu.memory_space<vmem>>[vector<16xi32>, vector<16xi32>], vector<16xf32>,
      %get3A_458 = arith.constant 16 : index
      %get3A_459 = tpu.vector_load %arg9[%get3A_458] {strides = array<i32>} : memref<80xi32, #tpu.memory_space<vmem>>, vector<16xi32>,
      %rem3A_460 = arith.constant 2000 : i32
      %rem3A_461 = vector.broadcast %rem3A_460 : i32 to vector<16xi32>
      %rem3A_462 = arith.remsi %get3A_459, %rem3A_461 : vector<16xi32>
      %swap3A_463 = arith.constant 16 : index
      %swap3A_464 = tpu.vector_load %arg10[%swap3A_463] {strides = array<i32>} : memref<80xi32, #tpu.memory_space<vmem>>, vector<16xi32>,
      tpu.vector_store %arg10[%swap3A_463], %rem3A_462 {strides = array<i32>} : memref<80xi32, #tpu.memory_space<vmem>>, vector<16xi32>,
      %div3A_465 = arith.constant 2000 : i32
      %div3A_466 = vector.broadcast %div3A_465 : i32 to vector<16xi32>
      %div3A_467 = arith.divsi %get3A_459, %div3A_466 : vector<16xi32>
      %mul3A_468 = arith.constant 16 : i32
      %mul3A_469 = vector.broadcast %mul3A_468 : i32 to vector<16xi32>
      %mul3A_470 = arith.muli %div3A_467, %mul3A_469 : vector<16xi32>
      %add3A_471 = arith.constant 16 : i32
      %add3A_472 = vector.broadcast %add3A_471 : i32 to vector<16xi32>
      %add3A_473 = arith.addi %iota3A, %add3A_472 : vector<16xi32>
      tpu.vector_store_idx %arg13[%add3A_473, %mul3A_470], %broadcast_in_dim3A_5 : memref<80x128xf32, #tpu.memory_space<vmem>>[vector<16xi32>, vector<16xi32>], vector<16xf32>,
      %get3A_474 = arith.constant 32 : index
      %get3A_475 = tpu.vector_load %arg9[%get3A_474] {strides = array<i32>} : memref<80xi32, #tpu.memory_space<vmem>>, vector<16xi32>,
      %rem3A_476 = arith.constant 2000 : i32
      %rem3A_477 = vector.broadcast %rem3A_476 : i32 to vector<16xi32>
      %rem3A_478 = arith.remsi %get3A_475, %rem3A_477 : vector<16xi32>
      %swap3A_479 = arith.constant 32 : index
      %swap3A_480 = tpu.vector_load %arg10[%swap3A_479] {strides = array<i32>} : memref<80xi32, #tpu.memory_space<vmem>>, vector<16xi32>,
      tpu.vector_store %arg10[%swap3A_479], %rem3A_478 {strides = array<i32>} : memref<80xi32, #tpu.memory_space<vmem>>, vector<16xi32>,
      %div3A_481 = arith.constant 2000 : i32
      %div3A_482 = vector.broadcast %div3A_481 : i32 to vector<16xi32>
      %div3A_483 = arith.divsi %get3A_475, %div3A_482 : vector<16xi32>
      %mul3A_484 = arith.constant 16 : i32
      %mul3A_485 = vector.broadcast %mul3A_484 : i32 to vector<16xi32>
      %mul3A_486 = arith.muli %div3A_483, %mul3A_485 : vector<16xi32>
      %add3A_487 = arith.constant 32 : i32
      %add3A_488 = vector.broadcast %add3A_487 : i32 to vector<16xi32>
      %add3A_489 = arith.addi %iota3A, %add3A_488 : vector<16xi32>
      tpu.vector_store_idx %arg13[%add3A_489, %mul3A_486], %broadcast_in_dim3A_5 : memref<80x128xf32, #tpu.memory_space<vmem>>[vector<16xi32>, vector<16xi32>], vector<16xf32>,
      %get3A_490 = arith.constant 48 : index
      %get3A_491 = tpu.vector_load %arg9[%get3A_490] {strides = array<i32>} : memref<80xi32, #tpu.memory_space<vmem>>, vector<16xi32>,
      %rem3A_492 = arith.constant 2000 : i32
      %rem3A_493 = vector.broadcast %rem3A_492 : i32 to vector<16xi32>
      %rem3A_494 = arith.remsi %get3A_491, %rem3A_493 : vector<16xi32>
      %swap3A_495 = arith.constant 48 : index
      %swap3A_496 = tpu.vector_load %arg10[%swap3A_495] {strides = array<i32>} : memref<80xi32, #tpu.memory_space<vmem>>, vector<16xi32>,
      tpu.vector_store %arg10[%swap3A_495], %rem3A_494 {strides = array<i32>} : memref<80xi32, #tpu.memory_space<vmem>>, vector<16xi32>,
      %div3A_497 = arith.constant 2000 : i32
      %div3A_498 = vector.broadcast %div3A_497 : i32 to vector<16xi32>
      %div3A_499 = arith.divsi %get3A_491, %div3A_498 : vector<16xi32>
      %mul3A_500 = arith.constant 16 : i32
      %mul3A_501 = vector.broadcast %mul3A_500 : i32 to vector<16xi32>
      %mul3A_502 = arith.muli %div3A_499, %mul3A_501 : vector<16xi32>
      %add3A_503 = arith.constant 48 : i32
      %add3A_504 = vector.broadcast %add3A_503 : i32 to vector<16xi32>
      %add3A_505 = arith.addi %iota3A, %add3A_504 : vector<16xi32>
      tpu.vector_store_idx %arg13[%add3A_505, %mul3A_502], %broadcast_in_dim3A_5 : memref<80x128xf32, #tpu.memory_space<vmem>>[vector<16xi32>, vector<16xi32>], vector<16xf32>,
      %get3A_506 = arith.constant 64 : index
      %get3A_507 = tpu.vector_load %arg9[%get3A_506] {strides = array<i32>} : memref<80xi32, #tpu.memory_space<vmem>>, vector<16xi32>,
      %rem3A_508 = arith.constant 2000 : i32
      %rem3A_509 = vector.broadcast %rem3A_508 : i32 to vector<16xi32>
      %rem3A_510 = arith.remsi %get3A_507, %rem3A_509 : vector<16xi32>
      %swap3A_511 = arith.constant 64 : index
      %swap3A_512 = tpu.vector_load %arg10[%swap3A_511] {strides = array<i32>} : memref<80xi32, #tpu.memory_space<vmem>>, vector<16xi32>,
      tpu.vector_store %arg10[%swap3A_511], %rem3A_510 {strides = array<i32>} : memref<80xi32, #tpu.memory_space<vmem>>, vector<16xi32>,
      %div3A_513 = arith.constant 2000 : i32
      %div3A_514 = vector.broadcast %div3A_513 : i32 to vector<16xi32>
      %div3A_515 = arith.divsi %get3A_507, %div3A_514 : vector<16xi32>
      %mul3A_516 = arith.constant 16 : i32
      %mul3A_517 = vector.broadcast %mul3A_516 : i32 to vector<16xi32>
      %mul3A_518 = arith.muli %div3A_515, %mul3A_517 : vector<16xi32>
      %add3A_519 = arith.constant 64 : i32
      %add3A_520 = vector.broadcast %add3A_519 : i32 to vector<16xi32>
      %add3A_521 = arith.addi %iota3A, %add3A_520 : vector<16xi32>
      tpu.vector_store_idx %arg13[%add3A_521, %mul3A_518], %broadcast_in_dim3A_5 : memref<80x128xf32, #tpu.memory_space<vmem>>[vector<16xi32>, vector<16xi32>], vector<16xf32>,
      "tpu.region"() ({
        %run_scoped3A = tpu.sem_alloc : memref<!tpu.dma_semaphore, #tpu.memory_space<semaphore_mem>>
        %dma_start3A_593 = arith.constant 0 : i32
        %dma_start3A_594 = arith.constant 0 : i32
        %dma_start3A_595 = tpu.memref_slice %arg15[%dma_start3A_593, %dma_start3A_594] : memref<2048x128xf32, #tpu.memory_space<vmem_shared>> -> memref<2048x128xf32, #tpu.memory_space<vmem_shared>>
        tpu.enqueue_indirect_dma source(%arg13 : memref<80x128xf32, #tpu.memory_space<vmem>>) target(%dma_start3A_595 : memref<2048x128xf32, #tpu.memory_space<vmem_shared>>) offsets(%arg10 : memref<80xi32, #tpu.memory_space<vmem>>) semaphore(%run_scoped3A : memref<!tpu.dma_semaphore, #tpu.memory_space<semaphore_mem>>) {add = true}
        %dma_wait3A_596 = arith.constant 0 : i32
        %dma_wait3A_597 = arith.constant 0 : i32
        %dma_wait3A_598 = tpu.memref_slice %arg15[%dma_wait3A_596, %dma_wait3A_597] : memref<2048x128xf32, #tpu.memory_space<vmem_shared>> -> memref<2048x128xf32, #tpu.memory_space<vmem_shared>>
        tpu.wait_indirect_dma semaphore(%run_scoped3A : memref<!tpu.dma_semaphore, #tpu.memory_space<semaphore_mem>>) src(%arg13 : memref<80x128xf32, #tpu.memory_space<vmem>>) dst(%dma_wait3A_598 : memref<2048x128xf32, #tpu.memory_space<vmem_shared>>)
        tpu.yield
      }) : () -> ()
      %get3A_522 = arith.constant 0 : index
      %get3A_523 = tpu.vector_load %arg9[%get3A_522] {strides = array<i32>} : memref<80xi32, #tpu.memory_space<vmem>>, vector<16xi32>,
      %div3A_524 = arith.constant 2000 : i32
      %div3A_525 = vector.broadcast %div3A_524 : i32 to vector<16xi32>
      %div3A_526 = arith.divsi %get3A_523, %div3A_525 : vector<16xi32>
      %mul3A_527 = arith.constant 16 : i32
      %mul3A_528 = vector.broadcast %mul3A_527 : i32 to vector<16xi32>
      %mul3A_529 = arith.muli %div3A_526, %mul3A_528 : vector<16xi32>
      %add3A_530 = arith.constant 0 : i32
      %add3A_531 = vector.broadcast %add3A_530 : i32 to vector<16xi32>
      %add3A_532 = arith.addi %iota3A, %add3A_531 : vector<16xi32>
      tpu.vector_store_idx %arg13[%add3A_532, %mul3A_529], %broadcast_in_dim3A_3 : memref<80x128xf32, #tpu.memory_space<vmem>>[vector<16xi32>, vector<16xi32>], vector<16xf32>,
      %get3A_533 = arith.constant 16 : index
      %get3A_534 = tpu.vector_load %arg9[%get3A_533] {strides = array<i32>} : memref<80xi32, #tpu.memory_space<vmem>>, vector<16xi32>,
      %div3A_535 = arith.constant 2000 : i32
      %div3A_536 = vector.broadcast %div3A_535 : i32 to vector<16xi32>
      %div3A_537 = arith.divsi %get3A_534, %div3A_536 : vector<16xi32>
      %mul3A_538 = arith.constant 16 : i32
      %mul3A_539 = vector.broadcast %mul3A_538 : i32 to vector<16xi32>
      %mul3A_540 = arith.muli %div3A_537, %mul3A_539 : vector<16xi32>
      %add3A_541 = arith.constant 16 : i32
      %add3A_542 = vector.broadcast %add3A_541 : i32 to vector<16xi32>
      %add3A_543 = arith.addi %iota3A, %add3A_542 : vector<16xi32>
      tpu.vector_store_idx %arg13[%add3A_543, %mul3A_540], %broadcast_in_dim3A_3 : memref<80x128xf32, #tpu.memory_space<vmem>>[vector<16xi32>, vector<16xi32>], vector<16xf32>,
      %get3A_544 = arith.constant 32 : index
      %get3A_545 = tpu.vector_load %arg9[%get3A_544] {strides = array<i32>} : memref<80xi32, #tpu.memory_space<vmem>>, vector<16xi32>,
      %div3A_546 = arith.constant 2000 : i32
      %div3A_547 = vector.broadcast %div3A_546 : i32 to vector<16xi32>
      %div3A_548 = arith.divsi %get3A_545, %div3A_547 : vector<16xi32>
      %mul3A_549 = arith.constant 16 : i32
      %mul3A_550 = vector.broadcast %mul3A_549 : i32 to vector<16xi32>
      %mul3A_551 = arith.muli %div3A_548, %mul3A_550 : vector<16xi32>
      %add3A_552 = arith.constant 32 : i32
      %add3A_553 = vector.broadcast %add3A_552 : i32 to vector<16xi32>
      %add3A_554 = arith.addi %iota3A, %add3A_553 : vector<16xi32>
      tpu.vector_store_idx %arg13[%add3A_554, %mul3A_551], %broadcast_in_dim3A_3 : memref<80x128xf32, #tpu.memory_space<vmem>>[vector<16xi32>, vector<16xi32>], vector<16xf32>,
      %get3A_555 = arith.constant 48 : index
      %get3A_556 = tpu.vector_load %arg9[%get3A_555] {strides = array<i32>} : memref<80xi32, #tpu.memory_space<vmem>>, vector<16xi32>,
      %div3A_557 = arith.constant 2000 : i32
      %div3A_558 = vector.broadcast %div3A_557 : i32 to vector<16xi32>
      %div3A_559 = arith.divsi %get3A_556, %div3A_558 : vector<16xi32>
      %mul3A_560 = arith.constant 16 : i32
      %mul3A_561 = vector.broadcast %mul3A_560 : i32 to vector<16xi32>
      %mul3A_562 = arith.muli %div3A_559, %mul3A_561 : vector<16xi32>
      %add3A_563 = arith.constant 48 : i32
      %add3A_564 = vector.broadcast %add3A_563 : i32 to vector<16xi32>
      %add3A_565 = arith.addi %iota3A, %add3A_564 : vector<16xi32>
      tpu.vector_store_idx %arg13[%add3A_565, %mul3A_562], %broadcast_in_dim3A_3 : memref<80x128xf32, #tpu.memory_space<vmem>>[vector<16xi32>, vector<16xi32>], vector<16xf32>,
      %get3A_566 = arith.constant 64 : index
      %get3A_567 = tpu.vector_load %arg9[%get3A_566] {strides = array<i32>} : memref<80xi32, #tpu.memory_space<vmem>>, vector<16xi32>,
      %div3A_568 = arith.constant 2000 : i32
      %div3A_569 = vector.broadcast %div3A_568 : i32 to vector<16xi32>
      %div3A_570 = arith.divsi %get3A_567, %div3A_569 : vector<16xi32>
      %mul3A_571 = arith.constant 16 : i32
      %mul3A_572 = vector.broadcast %mul3A_571 : i32 to vector<16xi32>
      %mul3A_573 = arith.muli %div3A_570, %mul3A_572 : vector<16xi32>
      %add3A_574 = arith.constant 64 : i32
      %add3A_575 = vector.broadcast %add3A_574 : i32 to vector<16xi32>
      %add3A_576 = arith.addi %iota3A, %add3A_575 : vector<16xi32>
      tpu.vector_store_idx %arg13[%add3A_576, %mul3A_573], %broadcast_in_dim3A_3 : memref<80x128xf32, #tpu.memory_space<vmem>>[vector<16xi32>, vector<16xi32>], vector<16xf32>,
      %dma_wait3A_577 = arith.constant 0 : i32
      %dma_wait3A_578 = arith.constant 0 : i32
      %dma_wait3A_579 = tpu.memref_slice %arg14[%dma_wait3A_577, %dma_wait3A_578] : memref<10240x128xf32, #tpu.memory_space<vmem_shared>> -> memref<10240x128xf32, #tpu.memory_space<vmem_shared>>
      tpu.wait_indirect_dma semaphore(%arg19 : memref<!tpu.dma_semaphore, #tpu.memory_space<semaphore_mem>>) src(%arg12 : memref<80x128xf32, #tpu.memory_space<vmem>>) dst(%dma_wait3A_579 : memref<10240x128xf32, #tpu.memory_space<vmem_shared>>)
      %add3A_580 = arith.constant 3 : i32
      %add3A_581 = arith.addi %mul3A_246, %add3A_580 : i32
      %mul3A_582 = arith.constant 10000 : i32
      %mul3A_583 = arith.muli %add3A, %mul3A_582 : i32
      %mul3A_584 = arith.constant 80 : i32
      %mul3A_585 = arith.muli %add3A_581, %mul3A_584 : i32
      %add3A_586 = arith.addi %mul3A_583, %mul3A_585 : i32
      %min3A_587 = arith.constant 319920 : i32
      %min3A_588 = arith.minsi %add3A_586, %min3A_587 : i32
      %dma_start3A_589 = tpu.memref_slice %arg3[%min3A_588] : memref<320000xi32, #tpu.memory_space<hbm>> -> memref<80xi32, #tpu.memory_space<hbm>>
      %dma_start3A_590 = tpu.memref_slice %arg3[%min3A_588] : memref<320000xi32, #tpu.memory_space<hbm>> -> memref<80xi32, #tpu.memory_space<hbm>>
      tpu.enqueue_dma source(%dma_start3A_590 : memref<80xi32, #tpu.memory_space<hbm>>) target(%arg7 : memref<80xi32, #tpu.memory_space<vmem>>) target_semaphore(%arg18 : memref<!tpu.dma_semaphore, #tpu.memory_space<semaphore_mem>>)
      %dma_start3A_591 = tpu.memref_slice %arg4[%min3A_588] : memref<320000xi32, #tpu.memory_space<hbm>> -> memref<80xi32, #tpu.memory_space<hbm>>
      %dma_start3A_592 = tpu.memref_slice %arg4[%min3A_588] : memref<320000xi32, #tpu.memory_space<hbm>> -> memref<80xi32, #tpu.memory_space<hbm>>
      tpu.enqueue_dma source(%dma_start3A_592 : memref<80xi32, #tpu.memory_space<hbm>>) target(%arg9 : memref<80xi32, #tpu.memory_space<vmem>>) target_semaphore(%arg18 : memref<!tpu.dma_semaphore, #tpu.memory_space<semaphore_mem>>)
    }
    %scan3A_77 = arith.constant 62 : i32
    %dma_wait3A = arith.constant 0 : i32
    %dma_wait3A_78 = arith.constant 0 : i32
    %dma_wait3A_79 = tpu.memref_slice %arg2[%dma_wait3A, %dma_wait3A_78] : memref<10000x128xf32, #tpu.memory_space<hbm>> -> memref<10000x128xf32, #tpu.memory_space<hbm>>
    tpu.wait_indirect_dma semaphore(%arg16 : memref<!tpu.dma_semaphore, #tpu.memory_space<semaphore_mem>>) src(%dma_wait3A_79 : memref<10000x128xf32, #tpu.memory_space<hbm>>) dst(%arg11 : memref<80x128xf32, #tpu.memory_space<vmem>>)
    %mul3A_80 = arith.constant 10000 : i32
    %mul3A_81 = arith.muli %add3A, %mul3A_80 : i32
    %add3A_82 = arith.constant 10000 : i32
    %add3A_83 = arith.addi %mul3A_81, %add3A_82 : i32
    %min3A_84 = arith.constant 319920 : i32
    %min3A_85 = arith.minsi %add3A_83, %min3A_84 : i32
    %dma_wait3A_86 = tpu.memref_slice %arg3[%min3A_85] : memref<320000xi32, #tpu.memory_space<hbm>> -> memref<80xi32, #tpu.memory_space<hbm>>
    %dma_wait3A_87 = tpu.memref_slice %arg3[%min3A_85] : memref<320000xi32, #tpu.memory_space<hbm>> -> memref<80xi32, #tpu.memory_space<hbm>>
    tpu.wait_dma2 semaphore(%arg18 : memref<!tpu.dma_semaphore, #tpu.memory_space<semaphore_mem>>) src(%dma_wait3A_87 : memref<80xi32, #tpu.memory_space<hbm>>) dst(%arg7 : memref<80xi32, #tpu.memory_space<vmem>>)
    %dma_wait3A_88 = tpu.memref_slice %arg4[%min3A_85] : memref<320000xi32, #tpu.memory_space<hbm>> -> memref<80xi32, #tpu.memory_space<hbm>>
    %dma_wait3A_89 = tpu.memref_slice %arg4[%min3A_85] : memref<320000xi32, #tpu.memory_space<hbm>> -> memref<80xi32, #tpu.memory_space<hbm>>
    tpu.wait_dma2 semaphore(%arg18 : memref<!tpu.dma_semaphore, #tpu.memory_space<semaphore_mem>>) src(%dma_wait3A_89 : memref<80xi32, #tpu.memory_space<hbm>>) dst(%arg9 : memref<80xi32, #tpu.memory_space<vmem>>)
    %dma_start3A_90 = arith.constant 0 : i32
    %dma_start3A_91 = arith.constant 0 : i32
    %dma_start3A_92 = tpu.memref_slice %arg14[%dma_start3A_90, %dma_start3A_91] : memref<10240x128xf32, #tpu.memory_space<vmem_shared>> -> memref<10240x128xf32, #tpu.memory_space<vmem_shared>>
    tpu.enqueue_indirect_dma source(%arg11 : memref<80x128xf32, #tpu.memory_space<vmem>>) target(%dma_start3A_92 : memref<10240x128xf32, #tpu.memory_space<vmem_shared>>) offsets(%arg8 : memref<80xi32, #tpu.memory_space<vmem>>) semaphore(%arg19 : memref<!tpu.dma_semaphore, #tpu.memory_space<semaphore_mem>>) {add = true}
    %get3A = arith.constant 0 : index
    %get3A_93 = tpu.vector_load %arg8[%get3A] {strides = array<i32>} : memref<80xi32, #tpu.memory_space<vmem>>, vector<16xi32>,
    %rem3A = arith.constant 2000 : i32
    %rem3A_94 = vector.broadcast %rem3A : i32 to vector<16xi32>
    %rem3A_95 = arith.remsi %get3A_93, %rem3A_94 : vector<16xi32>
    %swap3A = arith.constant 0 : index
    %swap3A_96 = tpu.vector_load %arg10[%swap3A] {strides = array<i32>} : memref<80xi32, #tpu.memory_space<vmem>>, vector<16xi32>,
    tpu.vector_store %arg10[%swap3A], %rem3A_95 {strides = array<i32>} : memref<80xi32, #tpu.memory_space<vmem>>, vector<16xi32>,
    %div3A = arith.constant 2000 : i32
    %div3A_97 = vector.broadcast %div3A : i32 to vector<16xi32>
    %div3A_98 = arith.divsi %get3A_93, %div3A_97 : vector<16xi32>
    %mul3A_99 = arith.constant 16 : i32
    %mul3A_100 = vector.broadcast %mul3A_99 : i32 to vector<16xi32>
    %mul3A_101 = arith.muli %div3A_98, %mul3A_100 : vector<16xi32>
    %add3A_102 = arith.constant 0 : i32
    %add3A_103 = vector.broadcast %add3A_102 : i32 to vector<16xi32>
    %add3A_104 = arith.addi %iota3A, %add3A_103 : vector<16xi32>
    tpu.vector_store_idx %arg13[%add3A_104, %mul3A_101], %broadcast_in_dim3A_5 : memref<80x128xf32, #tpu.memory_space<vmem>>[vector<16xi32>, vector<16xi32>], vector<16xf32>,
    %get3A_105 = arith.constant 16 : index
    %get3A_106 = tpu.vector_load %arg8[%get3A_105] {strides = array<i32>} : memref<80xi32, #tpu.memory_space<vmem>>, vector<16xi32>,
    %rem3A_107 = arith.constant 2000 : i32
    %rem3A_108 = vector.broadcast %rem3A_107 : i32 to vector<16xi32>
    %rem3A_109 = arith.remsi %get3A_106, %rem3A_108 : vector<16xi32>
    %swap3A_110 = arith.constant 16 : index
    %swap3A_111 = tpu.vector_load %arg10[%swap3A_110] {strides = array<i32>} : memref<80xi32, #tpu.memory_space<vmem>>, vector<16xi32>,
    tpu.vector_store %arg10[%swap3A_110], %rem3A_109 {strides = array<i32>} : memref<80xi32, #tpu.memory_space<vmem>>, vector<16xi32>,
    %div3A_112 = arith.constant 2000 : i32
    %div3A_113 = vector.broadcast %div3A_112 : i32 to vector<16xi32>
    %div3A_114 = arith.divsi %get3A_106, %div3A_113 : vector<16xi32>
    %mul3A_115 = arith.constant 16 : i32
    %mul3A_116 = vector.broadcast %mul3A_115 : i32 to vector<16xi32>
    %mul3A_117 = arith.muli %div3A_114, %mul3A_116 : vector<16xi32>
    %add3A_118 = arith.constant 16 : i32
    %add3A_119 = vector.broadcast %add3A_118 : i32 to vector<16xi32>
    %add3A_120 = arith.addi %iota3A, %add3A_119 : vector<16xi32>
    tpu.vector_store_idx %arg13[%add3A_120, %mul3A_117], %broadcast_in_dim3A_5 : memref<80x128xf32, #tpu.memory_space<vmem>>[vector<16xi32>, vector<16xi32>], vector<16xf32>,
    %get3A_121 = arith.constant 32 : index
    %get3A_122 = tpu.vector_load %arg8[%get3A_121] {strides = array<i32>} : memref<80xi32, #tpu.memory_space<vmem>>, vector<16xi32>,
    %rem3A_123 = arith.constant 2000 : i32
    %rem3A_124 = vector.broadcast %rem3A_123 : i32 to vector<16xi32>
    %rem3A_125 = arith.remsi %get3A_122, %rem3A_124 : vector<16xi32>
    %swap3A_126 = arith.constant 32 : index
    %swap3A_127 = tpu.vector_load %arg10[%swap3A_126] {strides = array<i32>} : memref<80xi32, #tpu.memory_space<vmem>>, vector<16xi32>,
    tpu.vector_store %arg10[%swap3A_126], %rem3A_125 {strides = array<i32>} : memref<80xi32, #tpu.memory_space<vmem>>, vector<16xi32>,
    %div3A_128 = arith.constant 2000 : i32
    %div3A_129 = vector.broadcast %div3A_128 : i32 to vector<16xi32>
    %div3A_130 = arith.divsi %get3A_122, %div3A_129 : vector<16xi32>
    %mul3A_131 = arith.constant 16 : i32
    %mul3A_132 = vector.broadcast %mul3A_131 : i32 to vector<16xi32>
    %mul3A_133 = arith.muli %div3A_130, %mul3A_132 : vector<16xi32>
    %add3A_134 = arith.constant 32 : i32
    %add3A_135 = vector.broadcast %add3A_134 : i32 to vector<16xi32>
    %add3A_136 = arith.addi %iota3A, %add3A_135 : vector<16xi32>
    tpu.vector_store_idx %arg13[%add3A_136, %mul3A_133], %broadcast_in_dim3A_5 : memref<80x128xf32, #tpu.memory_space<vmem>>[vector<16xi32>, vector<16xi32>], vector<16xf32>,
    %get3A_137 = arith.constant 48 : index
    %get3A_138 = tpu.vector_load %arg8[%get3A_137] {strides = array<i32>} : memref<80xi32, #tpu.memory_space<vmem>>, vector<16xi32>,
    %rem3A_139 = arith.constant 2000 : i32
    %rem3A_140 = vector.broadcast %rem3A_139 : i32 to vector<16xi32>
    %rem3A_141 = arith.remsi %get3A_138, %rem3A_140 : vector<16xi32>
    %swap3A_142 = arith.constant 48 : index
    %swap3A_143 = tpu.vector_load %arg10[%swap3A_142] {strides = array<i32>} : memref<80xi32, #tpu.memory_space<vmem>>, vector<16xi32>,
    tpu.vector_store %arg10[%swap3A_142], %rem3A_141 {strides = array<i32>} : memref<80xi32, #tpu.memory_space<vmem>>, vector<16xi32>,
    %div3A_144 = arith.constant 2000 : i32
    %div3A_145 = vector.broadcast %div3A_144 : i32 to vector<16xi32>
    %div3A_146 = arith.divsi %get3A_138, %div3A_145 : vector<16xi32>
    %mul3A_147 = arith.constant 16 : i32
    %mul3A_148 = vector.broadcast %mul3A_147 : i32 to vector<16xi32>
    %mul3A_149 = arith.muli %div3A_146, %mul3A_148 : vector<16xi32>
    %add3A_150 = arith.constant 48 : i32
    %add3A_151 = vector.broadcast %add3A_150 : i32 to vector<16xi32>
    %add3A_152 = arith.addi %iota3A, %add3A_151 : vector<16xi32>
    tpu.vector_store_idx %arg13[%add3A_152, %mul3A_149], %broadcast_in_dim3A_5 : memref<80x128xf32, #tpu.memory_space<vmem>>[vector<16xi32>, vector<16xi32>], vector<16xf32>,
    %get3A_153 = arith.constant 64 : index
    %get3A_154 = tpu.vector_load %arg8[%get3A_153] {strides = array<i32>} : memref<80xi32, #tpu.memory_space<vmem>>, vector<16xi32>,
    %rem3A_155 = arith.constant 2000 : i32
    %rem3A_156 = vector.broadcast %rem3A_155 : i32 to vector<16xi32>
    %rem3A_157 = arith.remsi %get3A_154, %rem3A_156 : vector<16xi32>
    %swap3A_158 = arith.constant 64 : index
    %swap3A_159 = tpu.vector_load %arg10[%swap3A_158] {strides = array<i32>} : memref<80xi32, #tpu.memory_space<vmem>>, vector<16xi32>,
    tpu.vector_store %arg10[%swap3A_158], %rem3A_157 {strides = array<i32>} : memref<80xi32, #tpu.memory_space<vmem>>, vector<16xi32>,
    %div3A_160 = arith.constant 2000 : i32
    %div3A_161 = vector.broadcast %div3A_160 : i32 to vector<16xi32>
    %div3A_162 = arith.divsi %get3A_154, %div3A_161 : vector<16xi32>
    %mul3A_163 = arith.constant 16 : i32
    %mul3A_164 = vector.broadcast %mul3A_163 : i32 to vector<16xi32>
    %mul3A_165 = arith.muli %div3A_162, %mul3A_164 : vector<16xi32>
    %add3A_166 = arith.constant 64 : i32
    %add3A_167 = vector.broadcast %add3A_166 : i32 to vector<16xi32>
    %add3A_168 = arith.addi %iota3A, %add3A_167 : vector<16xi32>
    tpu.vector_store_idx %arg13[%add3A_168, %mul3A_165], %broadcast_in_dim3A_5 : memref<80x128xf32, #tpu.memory_space<vmem>>[vector<16xi32>, vector<16xi32>], vector<16xf32>,
    "tpu.region"() ({
      %run_scoped3A = tpu.sem_alloc : memref<!tpu.dma_semaphore, #tpu.memory_space<semaphore_mem>>
      %dma_start3A_240 = arith.constant 0 : i32
      %dma_start3A_241 = arith.constant 0 : i32
      %dma_start3A_242 = tpu.memref_slice %arg15[%dma_start3A_240, %dma_start3A_241] : memref<2048x128xf32, #tpu.memory_space<vmem_shared>> -> memref<2048x128xf32, #tpu.memory_space<vmem_shared>>
      tpu.enqueue_indirect_dma source(%arg13 : memref<80x128xf32, #tpu.memory_space<vmem>>) target(%dma_start3A_242 : memref<2048x128xf32, #tpu.memory_space<vmem_shared>>) offsets(%arg10 : memref<80xi32, #tpu.memory_space<vmem>>) semaphore(%run_scoped3A : memref<!tpu.dma_semaphore, #tpu.memory_space<semaphore_mem>>) {add = true}
      %dma_wait3A_243 = arith.constant 0 : i32
      %dma_wait3A_244 = arith.constant 0 : i32
      %dma_wait3A_245 = tpu.memref_slice %arg15[%dma_wait3A_243, %dma_wait3A_244] : memref<2048x128xf32, #tpu.memory_space<vmem_shared>> -> memref<2048x128xf32, #tpu.memory_space<vmem_shared>>
      tpu.wait_indirect_dma semaphore(%run_scoped3A : memref<!tpu.dma_semaphore, #tpu.memory_space<semaphore_mem>>) src(%arg13 : memref<80x128xf32, #tpu.memory_space<vmem>>) dst(%dma_wait3A_245 : memref<2048x128xf32, #tpu.memory_space<vmem_shared>>)
      tpu.yield
    }) : () -> ()
    %get3A_169 = arith.constant 0 : index
    %get3A_170 = tpu.vector_load %arg8[%get3A_169] {strides = array<i32>} : memref<80xi32, #tpu.memory_space<vmem>>, vector<16xi32>,
    %div3A_171 = arith.constant 2000 : i32
    %div3A_172 = vector.broadcast %div3A_171 : i32 to vector<16xi32>
    %div3A_173 = arith.divsi %get3A_170, %div3A_172 : vector<16xi32>
    %mul3A_174 = arith.constant 16 : i32
    %mul3A_175 = vector.broadcast %mul3A_174 : i32 to vector<16xi32>
    %mul3A_176 = arith.muli %div3A_173, %mul3A_175 : vector<16xi32>
    %add3A_177 = arith.constant 0 : i32
    %add3A_178 = vector.broadcast %add3A_177 : i32 to vector<16xi32>
    %add3A_179 = arith.addi %iota3A, %add3A_178 : vector<16xi32>
    tpu.vector_store_idx %arg13[%add3A_179, %mul3A_176], %broadcast_in_dim3A_3 : memref<80x128xf32, #tpu.memory_space<vmem>>[vector<16xi32>, vector<16xi32>], vector<16xf32>,
    %get3A_180 = arith.constant 16 : index
    %get3A_181 = tpu.vector_load %arg8[%get3A_180] {strides = array<i32>} : memref<80xi32, #tpu.memory_space<vmem>>, vector<16xi32>,
    %div3A_182 = arith.constant 2000 : i32
    %div3A_183 = vector.broadcast %div3A_182 : i32 to vector<16xi32>
    %div3A_184 = arith.divsi %get3A_181, %div3A_183 : vector<16xi32>
    %mul3A_185 = arith.constant 16 : i32
    %mul3A_186 = vector.broadcast %mul3A_185 : i32 to vector<16xi32>
    %mul3A_187 = arith.muli %div3A_184, %mul3A_186 : vector<16xi32>
    %add3A_188 = arith.constant 16 : i32
    %add3A_189 = vector.broadcast %add3A_188 : i32 to vector<16xi32>
    %add3A_190 = arith.addi %iota3A, %add3A_189 : vector<16xi32>
    tpu.vector_store_idx %arg13[%add3A_190, %mul3A_187], %broadcast_in_dim3A_3 : memref<80x128xf32, #tpu.memory_space<vmem>>[vector<16xi32>, vector<16xi32>], vector<16xf32>,
    %get3A_191 = arith.constant 32 : index
    %get3A_192 = tpu.vector_load %arg8[%get3A_191] {strides = array<i32>} : memref<80xi32, #tpu.memory_space<vmem>>, vector<16xi32>,
    %div3A_193 = arith.constant 2000 : i32
    %div3A_194 = vector.broadcast %div3A_193 : i32 to vector<16xi32>
    %div3A_195 = arith.divsi %get3A_192, %div3A_194 : vector<16xi32>
    %mul3A_196 = arith.constant 16 : i32
    %mul3A_197 = vector.broadcast %mul3A_196 : i32 to vector<16xi32>
    %mul3A_198 = arith.muli %div3A_195, %mul3A_197 : vector<16xi32>
    %add3A_199 = arith.constant 32 : i32
    %add3A_200 = vector.broadcast %add3A_199 : i32 to vector<16xi32>
    %add3A_201 = arith.addi %iota3A, %add3A_200 : vector<16xi32>
    tpu.vector_store_idx %arg13[%add3A_201, %mul3A_198], %broadcast_in_dim3A_3 : memref<80x128xf32, #tpu.memory_space<vmem>>[vector<16xi32>, vector<16xi32>], vector<16xf32>,
    %get3A_202 = arith.constant 48 : index
    %get3A_203 = tpu.vector_load %arg8[%get3A_202] {strides = array<i32>} : memref<80xi32, #tpu.memory_space<vmem>>, vector<16xi32>,
    %div3A_204 = arith.constant 2000 : i32
    %div3A_205 = vector.broadcast %div3A_204 : i32 to vector<16xi32>
    %div3A_206 = arith.divsi %get3A_203, %div3A_205 : vector<16xi32>
    %mul3A_207 = arith.constant 16 : i32
    %mul3A_208 = vector.broadcast %mul3A_207 : i32 to vector<16xi32>
    %mul3A_209 = arith.muli %div3A_206, %mul3A_208 : vector<16xi32>
    %add3A_210 = arith.constant 48 : i32
    %add3A_211 = vector.broadcast %add3A_210 : i32 to vector<16xi32>
    %add3A_212 = arith.addi %iota3A, %add3A_211 : vector<16xi32>
    tpu.vector_store_idx %arg13[%add3A_212, %mul3A_209], %broadcast_in_dim3A_3 : memref<80x128xf32, #tpu.memory_space<vmem>>[vector<16xi32>, vector<16xi32>], vector<16xf32>,
    %get3A_213 = arith.constant 64 : index
    %get3A_214 = tpu.vector_load %arg8[%get3A_213] {strides = array<i32>} : memref<80xi32, #tpu.memory_space<vmem>>, vector<16xi32>,
    %div3A_215 = arith.constant 2000 : i32
    %div3A_216 = vector.broadcast %div3A_215 : i32 to vector<16xi32>
    %div3A_217 = arith.divsi %get3A_214, %div3A_216 : vector<16xi32>
    %mul3A_218 = arith.constant 16 : i32
    %mul3A_219 = vector.broadcast %mul3A_218 : i32 to vector<16xi32>
    %mul3A_220 = arith.muli %div3A_217, %mul3A_219 : vector<16xi32>
    %add3A_221 = arith.constant 64 : i32
    %add3A_222 = vector.broadcast %add3A_221 : i32 to vector<16xi32>
    %add3A_223 = arith.addi %iota3A, %add3A_222 : vector<16xi32>
    tpu.vector_store_idx %arg13[%add3A_223, %mul3A_220], %broadcast_in_dim3A_3 : memref<80x128xf32, #tpu.memory_space<vmem>>[vector<16xi32>, vector<16xi32>], vector<16xf32>,
    %dma_wait3A_224 = arith.constant 0 : i32
    %dma_wait3A_225 = arith.constant 0 : i32
    %dma_wait3A_226 = tpu.memref_slice %arg14[%dma_wait3A_224, %dma_wait3A_225] : memref<10240x128xf32, #tpu.memory_space<vmem_shared>> -> memref<10240x128xf32, #tpu.memory_space<vmem_shared>>
    tpu.wait_indirect_dma semaphore(%arg19 : memref<!tpu.dma_semaphore, #tpu.memory_space<semaphore_mem>>) src(%arg11 : memref<80x128xf32, #tpu.memory_space<vmem>>) dst(%dma_wait3A_226 : memref<10240x128xf32, #tpu.memory_space<vmem_shared>>)
    %barrier3A_227 = arith.constant 0 : index
    tpu.barrier barrier_id(%barrier3A_227)
    %mul3A_228 = arith.constant 640 : i32
    %mul3A_229 = arith.muli %arg1, %mul3A_228 : i32
    %mul3A_230 = arith.constant 640 : i32
    %mul3A_231 = arith.muli %arg1, %mul3A_230 : i32
    %add3A_232 = arith.addi %mul3A_2, %mul3A_231 : i32
    "tpu.region"() ({
      %run_scoped3A = tpu.sem_alloc : memref<!tpu.dma_semaphore, #tpu.memory_space<semaphore_mem>>
      %dma_start3A_240 = arith.constant 0 : i32
      %dma_start3A_241 = tpu.memref_slice %arg5[%add3A_232, %dma_start3A_240] : memref<28000x128xf32, #tpu.memory_space<hbm>> -> memref<640x128xf32, #tpu.memory_space<hbm>>
      %dma_start3A_242 = arith.constant 0 : i32
      %dma_start3A_243 = tpu.memref_slice %arg14[%mul3A_229, %dma_start3A_242] : memref<10240x128xf32, #tpu.memory_space<vmem_shared>> -> memref<640x128xf32, #tpu.memory_space<vmem_shared>>
      tpu.enqueue_dma source(%dma_start3A_243 : memref<640x128xf32, #tpu.memory_space<vmem_shared>>) target(%dma_start3A_241 : memref<640x128xf32, #tpu.memory_space<hbm>>) target_semaphore(%run_scoped3A : memref<!tpu.dma_semaphore, #tpu.memory_space<semaphore_mem>>)
      %dma_wait3A_244 = arith.constant 0 : i32
      %dma_wait3A_245 = tpu.memref_slice %arg5[%add3A_232, %dma_wait3A_244] : memref<28000x128xf32, #tpu.memory_space<hbm>> -> memref<640x128xf32, #tpu.memory_space<hbm>>
      %dma_wait3A_246 = arith.constant 0 : i32
      %dma_wait3A_247 = tpu.memref_slice %arg14[%mul3A_229, %dma_wait3A_246] : memref<10240x128xf32, #tpu.memory_space<vmem_shared>> -> memref<640x128xf32, #tpu.memory_space<vmem_shared>>
      tpu.wait_dma2 semaphore(%run_scoped3A : memref<!tpu.dma_semaphore, #tpu.memory_space<semaphore_mem>>) src(%dma_wait3A_247 : memref<640x128xf32, #tpu.memory_space<vmem_shared>>) dst(%dma_wait3A_245 : memref<640x128xf32, #tpu.memory_space<hbm>>)
      tpu.yield
    }) : () -> ()
    %mul3A_233 = arith.constant 128 : i32
    %mul3A_234 = arith.muli %arg1, %mul3A_233 : i32
    %add3A_235 = arith.constant 11000 : i32
    %add3A_236 = arith.addi %mul3A_2, %add3A_235 : i32
    %mul3A_237 = arith.constant 128 : i32
    %mul3A_238 = arith.muli %arg1, %mul3A_237 : i32
    %add3A_239 = arith.addi %add3A_236, %mul3A_238 : i32
    "tpu.region"() ({
      %run_scoped3A = tpu.sem_alloc : memref<!tpu.dma_semaphore, #tpu.memory_space<semaphore_mem>>
      %dma_start3A_240 = arith.constant 0 : i32
      %dma_start3A_241 = tpu.memref_slice %arg5[%add3A_239, %dma_start3A_240] : memref<28000x128xf32, #tpu.memory_space<hbm>> -> memref<128x128xf32, #tpu.memory_space<hbm>>
      %dma_start3A_242 = arith.constant 0 : i32
      %dma_start3A_243 = tpu.memref_slice %arg15[%mul3A_234, %dma_start3A_242] : memref<2048x128xf32, #tpu.memory_space<vmem_shared>> -> memref<128x128xf32, #tpu.memory_space<vmem_shared>>
      tpu.enqueue_dma source(%dma_start3A_243 : memref<128x128xf32, #tpu.memory_space<vmem_shared>>) target(%dma_start3A_241 : memref<128x128xf32, #tpu.memory_space<hbm>>) target_semaphore(%run_scoped3A : memref<!tpu.dma_semaphore, #tpu.memory_space<semaphore_mem>>)
      %dma_wait3A_244 = arith.constant 0 : i32
      %dma_wait3A_245 = tpu.memref_slice %arg5[%add3A_239, %dma_wait3A_244] : memref<28000x128xf32, #tpu.memory_space<hbm>> -> memref<128x128xf32, #tpu.memory_space<hbm>>
      %dma_wait3A_246 = arith.constant 0 : i32
      %dma_wait3A_247 = tpu.memref_slice %arg15[%mul3A_234, %dma_wait3A_246] : memref<2048x128xf32, #tpu.memory_space<vmem_shared>> -> memref<128x128xf32, #tpu.memory_space<vmem_shared>>
      tpu.wait_dma2 semaphore(%run_scoped3A : memref<!tpu.dma_semaphore, #tpu.memory_space<semaphore_mem>>) src(%dma_wait3A_247 : memref<128x128xf32, #tpu.memory_space<vmem_shared>>) dst(%dma_wait3A_245 : memref<128x128xf32, #tpu.memory_space<hbm>>)
      tpu.yield
    }) : () -> ()
    return
  }
}

module attributes {stable_mosaic.version = 14 : i64} {
  func.func @body(%arg0: i32, %arg1: memref<1000x128xf32, #tpu.memory_space<vmem>>, %arg2: memref<1000x128xf32, #tpu.memory_space<vmem>>, %arg3: memref<1000x128xf32, #tpu.memory_space<vmem>>, %arg4: memref<1000x128xf32, #tpu.memory_space<vmem>>, %arg5: memref<1000x128xf32, #tpu.memory_space<vmem>>, %arg6: memref<128x256xf32, #tpu.memory_space<vmem>>, %arg7: memref<1x128xf32, #tpu.memory_space<vmem>>, %arg8: memref<1x128xf32, #tpu.memory_space<vmem>>, %arg9: memref<1x128xf32, #tpu.memory_space<vmem>>, %arg10: memref<1000x128xf32, #tpu.memory_space<vmem>>) attributes {dimension_semantics = [#tpu.dimension_semantics<arbitrary>], iteration_bounds = array<i64: 10>, scalar_prefetch = 0 : i64, scratch_operands = 0 : i64, tpu.core_type = #tpu.core_type<tc>, window_params = [{transform_indices = @transform_0, window_bounds = array<i64: 1000, 128>}, {transform_indices = @transform_1, window_bounds = array<i64: 1000, 128>}, {transform_indices = @transform_2, window_bounds = array<i64: 1000, 128>}, {transform_indices = @transform_3, window_bounds = array<i64: 1000, 128>}, {transform_indices = @transform_4, window_bounds = array<i64: 1000, 128>}, {pipeline_mode = #tpu.pipeline_mode<synchronous>, transform_indices = @transform_5, window_bounds = array<i64: 128, 256>}, {pipeline_mode = #tpu.pipeline_mode<synchronous>, transform_indices = @transform_6, window_bounds = array<i64: 1, 128>}, {pipeline_mode = #tpu.pipeline_mode<synchronous>, transform_indices = @transform_7, window_bounds = array<i64: 1, 128>}, {pipeline_mode = #tpu.pipeline_mode<synchronous>, transform_indices = @transform_8, window_bounds = array<i64: 1, 128>}, {transform_indices = @transform_9, window_bounds = array<i64: 1000, 128>}]} {
    %jit3A = arith.constant 2 : i32
    %div3A = arith.divsi %arg0, %jit3A : i32
    %sign3A = arith.constant 0 : i32
    %sign3A_0 = arith.cmpi sgt, %arg0, %sign3A : i32
    %sign3A_1 = arith.extui %sign3A_0 : i1 to i32
    %sign3A_2 = arith.constant 0 : i32
    %sign3A_3 = arith.cmpi slt, %arg0, %sign3A_2 : i32
    %sign3A_4 = arith.extui %sign3A_3 : i1 to i32
    %sign3A_5 = arith.subi %sign3A_1, %sign3A_4 : i32
    %sign3A_6 = arith.constant 0 : i32
    %sign3A_7 = arith.cmpi sgt, %jit3A, %sign3A_6 : i32
    %sign3A_8 = arith.extui %sign3A_7 : i1 to i32
    %sign3A_9 = arith.constant 0 : i32
    %sign3A_10 = arith.cmpi slt, %jit3A, %sign3A_9 : i32
    %sign3A_11 = arith.extui %sign3A_10 : i1 to i32
    %sign3A_12 = arith.subi %sign3A_8, %sign3A_11 : i32
    %ne3A = arith.cmpi ne, %sign3A_5, %sign3A_12 : i32
    %rem3A = arith.remsi %arg0, %jit3A : i32
    %ne3A_13 = arith.constant 0 : i32
    %ne3A_14 = arith.cmpi ne, %rem3A, %ne3A_13 : i32
    %and3A = arith.andi %ne3A, %ne3A_14 : i1
    %sub3A = arith.constant 1 : i32
    %sub3A_15 = arith.subi %div3A, %sub3A : i32
    %select_n3A = arith.select %and3A, %sub3A_15, %div3A : i32
    %iota3A = tpu.iota {dimensions = array<i32: 1>} : vector<1000x128xi32>
    %jit3A_16 = arith.constant 16 : i32
    %div3A_17 = vector.broadcast %jit3A_16 : i32 to vector<1000x128xi32>
    %div3A_18 = arith.divsi %iota3A, %div3A_17 : vector<1000x128xi32>
    %sign3A_19 = arith.constant 0 : i32
    %sign3A_20 = vector.broadcast %sign3A_19 : i32 to vector<1000x128xi32>
    %sign3A_21 = arith.cmpi sgt, %iota3A, %sign3A_20 : vector<1000x128xi32>
    %sign3A_22 = arith.extui %sign3A_21 : vector<1000x128xi1> to vector<1000x128xi32>
    %sign3A_23 = arith.constant 0 : i32
    %sign3A_24 = vector.broadcast %sign3A_23 : i32 to vector<1000x128xi32>
    %sign3A_25 = arith.cmpi slt, %iota3A, %sign3A_24 : vector<1000x128xi32>
    %sign3A_26 = arith.extui %sign3A_25 : vector<1000x128xi1> to vector<1000x128xi32>
    %sign3A_27 = arith.subi %sign3A_22, %sign3A_26 : vector<1000x128xi32>
    %sign3A_28 = arith.constant 0 : i32
    %sign3A_29 = arith.cmpi sgt, %jit3A_16, %sign3A_28 : i32
    %sign3A_30 = arith.extui %sign3A_29 : i1 to i32
    %sign3A_31 = arith.constant 0 : i32
    %sign3A_32 = arith.cmpi slt, %jit3A_16, %sign3A_31 : i32
    %sign3A_33 = arith.extui %sign3A_32 : i1 to i32
    %sign3A_34 = arith.subi %sign3A_30, %sign3A_33 : i32
    %ne3A_35 = vector.broadcast %sign3A_34 : i32 to vector<1000x128xi32>
    %ne3A_36 = arith.cmpi ne, %sign3A_27, %ne3A_35 : vector<1000x128xi32>
    %rem3A_37 = vector.broadcast %jit3A_16 : i32 to vector<1000x128xi32>
    %rem3A_38 = arith.remsi %iota3A, %rem3A_37 : vector<1000x128xi32>
    %ne3A_39 = arith.constant 0 : i32
    %ne3A_40 = vector.broadcast %ne3A_39 : i32 to vector<1000x128xi32>
    %ne3A_41 = arith.cmpi ne, %rem3A_38, %ne3A_40 : vector<1000x128xi32>
    %and3A_42 = arith.andi %ne3A_36, %ne3A_41 : vector<1000x128xi1>
    %sub3A_43 = arith.constant 1 : i32
    %sub3A_44 = vector.broadcast %sub3A_43 : i32 to vector<1000x128xi32>
    %sub3A_45 = arith.subi %div3A_18, %sub3A_44 : vector<1000x128xi32>
    %select_n3A_46 = arith.select %and3A_42, %sub3A_45, %div3A_18 : vector<1000x128xi1>, vector<1000x128xi32>
    %eq3A = vector.broadcast %select_n3A : i32 to vector<1000x128xi32>
    %eq3A_47 = arith.cmpi eq, %select_n3A_46, %eq3A : vector<1000x128xi32>
    %convert_element_type3A = arith.extui %eq3A_47 : vector<1000x128xi1> to vector<1000x128xi32>
    %convert_element_type3A_48 = arith.sitofp %convert_element_type3A : vector<1000x128xi32> to vector<1000x128xf32>
    %get3A = arith.constant 0 : index
    %get3A_49 = arith.constant 0 : index
    %get3A_50 = vector.load %arg4[%get3A, %get3A_49] : memref<1000x128xf32, #tpu.memory_space<vmem>>, vector<1000x128xf32>
    %get3A_51 = arith.constant 0 : index
    %get3A_52 = arith.constant 0 : index
    %get3A_53 = vector.load %arg5[%get3A_51, %get3A_52] : memref<1000x128xf32, #tpu.memory_space<vmem>>, vector<1000x128xf32>
    %add3A = arith.addf %get3A_50, %get3A_53 : vector<1000x128xf32>
    %mul3A = arith.mulf %add3A, %convert_element_type3A_48 : vector<1000x128xf32>
    %reduce_sum3A = arith.constant dense<0.000000e+00> : vector<1000xf32>
    %reduce_sum3A_54 = vector.multi_reduction <add>, %mul3A, %reduce_sum3A [1] : vector<1000x128xf32> to vector<1000xf32>
    %broadcast_in_dim3A = vector.shape_cast %reduce_sum3A_54 : vector<1000xf32> to vector<1000x1xf32>
    %max3A = arith.constant 1.000000e+00 : f32
    %max3A_55 = vector.broadcast %max3A : f32 to vector<1000x1xf32>
    %max3A_56 = arith.maximumf %broadcast_in_dim3A, %max3A_55 : vector<1000x1xf32>
    %get3A_57 = arith.constant 0 : index
    %get3A_58 = arith.constant 0 : index
    %get3A_59 = vector.load %arg2[%get3A_57, %get3A_58] : memref<1000x128xf32, #tpu.memory_space<vmem>>, vector<1000x128xf32>
    %get3A_60 = arith.constant 0 : index
    %get3A_61 = arith.constant 0 : index
    %get3A_62 = vector.load %arg3[%get3A_60, %get3A_61] : memref<1000x128xf32, #tpu.memory_space<vmem>>, vector<1000x128xf32>
    %add3A_63 = arith.addf %get3A_59, %get3A_62 : vector<1000x128xf32>
    %div3A_64 = vector.broadcast %max3A_56 : vector<1000x1xf32> to vector<1000x128xf32>
    %div3A_65 = arith.divf %add3A_63, %div3A_64 : vector<1000x128xf32>
    %get3A_66 = arith.constant 0 : index
    %get3A_67 = arith.constant 0 : index
    %get3A_68 = vector.load %arg6[%get3A_66, %get3A_67] : memref<128x256xf32, #tpu.memory_space<vmem>>, vector<128x256xf32>
    %get3A_69 = arith.constant 0 : index
    %get3A_70 = arith.constant 0 : index
    %get3A_71 = vector.load %arg1[%get3A_69, %get3A_70] : memref<1000x128xf32, #tpu.memory_space<vmem>>, vector<1000x128xf32>
    %slice3A = vector.extract_strided_slice %get3A_68 {offsets = [0, 0], sizes = [128, 128], strides = [1, 1]} : vector<128x256xf32> to vector<128x128xf32>
    %dot_general3A = arith.constant dense<0.000000e+00> : vector<1000x128xf32>
    %dot_general3A_72 = tpu.matmul %get3A_71, %slice3A, %dot_general3A {dimension_numbers = #tpu.dot_dimension_numbers<[1], [1], [0], [0], [0, 0, 1, 0], [], []>, transpose_lhs_hint = false} : vector<1000x128xf32>, vector<128x128xf32>, vector<1000x128xf32> -> vector<1000x128xf32>
    %slice3A_73 = vector.extract_strided_slice %get3A_68 {offsets = [0, 128], sizes = [128, 128], strides = [1, 1]} : vector<128x256xf32> to vector<128x128xf32>
    %dot_general3A_74 = arith.constant dense<0.000000e+00> : vector<1000x128xf32>
    %dot_general3A_75 = tpu.matmul %div3A_65, %slice3A_73, %dot_general3A_74 {dimension_numbers = #tpu.dot_dimension_numbers<[1], [1], [0], [0], [0, 0, 1, 0], [], []>, transpose_lhs_hint = false} : vector<1000x128xf32>, vector<128x128xf32>, vector<1000x128xf32> -> vector<1000x128xf32>
    %add3A_76 = arith.addf %dot_general3A_72, %dot_general3A_75 : vector<1000x128xf32>
    %get3A_77 = arith.constant 0 : index
    %get3A_78 = arith.constant 0 : index
    %get3A_79 = vector.load %arg7[%get3A_77, %get3A_78] : memref<1x128xf32, #tpu.memory_space<vmem>>, vector<1x128xf32>
    %add3A_80 = vector.broadcast %get3A_79 : vector<1x128xf32> to vector<1000x128xf32>
    %add3A_81 = arith.addf %add3A_76, %add3A_80 : vector<1000x128xf32>
    %max3A_82 = arith.constant 0.000000e+00 : f32
    %max3A_83 = vector.broadcast %max3A_82 : f32 to vector<1000x128xf32>
    %max3A_84 = arith.maximumf %add3A_81, %max3A_83 : vector<1000x128xf32>
    %reduce_sum3A_85 = arith.constant dense<0.000000e+00> : vector<1000xf32>
    %reduce_sum3A_86 = vector.multi_reduction <add>, %max3A_84, %reduce_sum3A_85 [1] : vector<1000x128xf32> to vector<1000xf32>
    %broadcast_in_dim3A_87 = vector.shape_cast %reduce_sum3A_86 : vector<1000xf32> to vector<1000x1xf32>
    %div3A_88 = arith.constant 1.280000e+02 : f32
    %div3A_89 = vector.broadcast %div3A_88 : f32 to vector<1000x1xf32>
    %div3A_90 = arith.divf %broadcast_in_dim3A_87, %div3A_89 : vector<1000x1xf32>
    %sub3A_91 = vector.broadcast %div3A_90 : vector<1000x1xf32> to vector<1000x128xf32>
    %sub3A_92 = arith.subf %max3A_84, %sub3A_91 : vector<1000x128xf32>
    %mul3A_93 = arith.mulf %sub3A_92, %sub3A_92 : vector<1000x128xf32>
    %reduce_sum3A_94 = arith.constant dense<0.000000e+00> : vector<1000xf32>
    %reduce_sum3A_95 = vector.multi_reduction <add>, %mul3A_93, %reduce_sum3A_94 [1] : vector<1000x128xf32> to vector<1000xf32>
    %broadcast_in_dim3A_96 = vector.shape_cast %reduce_sum3A_95 : vector<1000xf32> to vector<1000x1xf32>
    %div3A_97 = arith.constant 1.280000e+02 : f32
    %div3A_98 = vector.broadcast %div3A_97 : f32 to vector<1000x1xf32>
    %div3A_99 = arith.divf %broadcast_in_dim3A_96, %div3A_98 : vector<1000x1xf32>
    %add3A_100 = arith.constant 9.99999974E-6 : f32
    %add3A_101 = vector.broadcast %add3A_100 : f32 to vector<1000x1xf32>
    %add3A_102 = arith.addf %div3A_99, %add3A_101 : vector<1000x1xf32>
    %rsqrt3A = math.rsqrt %add3A_102 : vector<1000x1xf32>
    %mul3A_103 = vector.broadcast %rsqrt3A : vector<1000x1xf32> to vector<1000x128xf32>
    %mul3A_104 = arith.mulf %sub3A_92, %mul3A_103 : vector<1000x128xf32>
    %get3A_105 = arith.constant 0 : index
    %get3A_106 = arith.constant 0 : index
    %get3A_107 = vector.load %arg8[%get3A_105, %get3A_106] : memref<1x128xf32, #tpu.memory_space<vmem>>, vector<1x128xf32>
    %mul3A_108 = vector.broadcast %get3A_107 : vector<1x128xf32> to vector<1000x128xf32>
    %mul3A_109 = arith.mulf %mul3A_104, %mul3A_108 : vector<1000x128xf32>
    %get3A_110 = arith.constant 0 : index
    %get3A_111 = arith.constant 0 : index
    %get3A_112 = vector.load %arg9[%get3A_110, %get3A_111] : memref<1x128xf32, #tpu.memory_space<vmem>>, vector<1x128xf32>
    %add3A_113 = vector.broadcast %get3A_112 : vector<1x128xf32> to vector<1000x128xf32>
    %add3A_114 = arith.addf %mul3A_109, %add3A_113 : vector<1000x128xf32>
    %swap3A = arith.constant 0 : index
    %swap3A_115 = arith.constant 0 : index
    %swap3A_116 = vector.load %arg10[%swap3A, %swap3A_115] : memref<1000x128xf32, #tpu.memory_space<vmem>>, vector<1000x128xf32>
    tpu.vector_store %arg10[%swap3A, %swap3A_115], %add3A_114 {strides = array<i32>} : memref<1000x128xf32, #tpu.memory_space<vmem>>, vector<1000x128xf32>,
    return
  }
  func.func @transform_0(%arg0: i32) -> (i32, i32) {
    %c0_i32 = arith.constant 0 : i32
    %c0_i32_0 = arith.constant 0 : i32
    return %arg0, %c0_i32 : i32, i32
  }
  func.func @transform_1(%arg0: i32) -> (i32, i32) {
    %c0_i32 = arith.constant 0 : i32
    %c0_i32_0 = arith.constant 0 : i32
    return %arg0, %c0_i32 : i32, i32
  }
  func.func @transform_2(%arg0: i32) -> (i32, i32) {
    %add3A = arith.constant 14 : i32
    %add3A_0 = arith.addi %arg0, %add3A : i32
    %c0_i32 = arith.constant 0 : i32
    %c0_i32_1 = arith.constant 0 : i32
    return %add3A_0, %c0_i32 : i32, i32
  }
  func.func @transform_3(%arg0: i32) -> (i32, i32) {
    %jit3A = arith.constant 2 : i32
    %eq3A = arith.constant 0 : i32
    %eq3A_0 = arith.cmpi eq, %jit3A, %eq3A : i32
    %jit3A_1 = arith.constant 1 : i32
    %select_n3A = arith.select %eq3A_0, %jit3A_1, %jit3A : i32
    %rem3A = arith.remsi %arg0, %select_n3A : i32
    %ne3A = arith.constant 0 : i32
    %ne3A_2 = arith.cmpi ne, %rem3A, %ne3A : i32
    %lt3A = arith.constant 0 : i32
    %lt3A_3 = arith.cmpi slt, %rem3A, %lt3A : i32
    %lt3A_4 = arith.constant 0 : i32
    %lt3A_5 = arith.cmpi slt, %select_n3A, %lt3A_4 : i32
    %ne3A_6 = arith.xori %lt3A_3, %lt3A_5 : i1
    %and3A = arith.andi %ne3A_6, %ne3A_2 : i1
    %add3A = arith.addi %rem3A, %select_n3A : i32
    %select_n3A_7 = arith.select %and3A, %add3A, %rem3A : i32
    %add3A_8 = arith.constant 11 : i32
    %add3A_9 = arith.addi %add3A_8, %select_n3A_7 : i32
    %c0_i32 = arith.constant 0 : i32
    %c0_i32_10 = arith.constant 0 : i32
    return %add3A_9, %c0_i32 : i32, i32
  }
  func.func @transform_4(%arg0: i32) -> (i32, i32) {
    %jit3A = arith.constant 2 : i32
    %eq3A = arith.constant 0 : i32
    %eq3A_0 = arith.cmpi eq, %jit3A, %eq3A : i32
    %jit3A_1 = arith.constant 1 : i32
    %select_n3A = arith.select %eq3A_0, %jit3A_1, %jit3A : i32
    %rem3A = arith.remsi %arg0, %select_n3A : i32
    %ne3A = arith.constant 0 : i32
    %ne3A_2 = arith.cmpi ne, %rem3A, %ne3A : i32
    %lt3A = arith.constant 0 : i32
    %lt3A_3 = arith.cmpi slt, %rem3A, %lt3A : i32
    %lt3A_4 = arith.constant 0 : i32
    %lt3A_5 = arith.cmpi slt, %select_n3A, %lt3A_4 : i32
    %ne3A_6 = arith.xori %lt3A_3, %lt3A_5 : i1
    %and3A = arith.andi %ne3A_6, %ne3A_2 : i1
    %add3A = arith.addi %rem3A, %select_n3A : i32
    %select_n3A_7 = arith.select %and3A, %add3A, %rem3A : i32
    %add3A_8 = arith.constant 25 : i32
    %add3A_9 = arith.addi %add3A_8, %select_n3A_7 : i32
    %c0_i32 = arith.constant 0 : i32
    %c0_i32_10 = arith.constant 0 : i32
    return %add3A_9, %c0_i32 : i32, i32
  }
  func.func @transform_5(%arg0: i32) -> (i32, i32) {
    %c0_i32 = arith.constant 0 : i32
    %c0_i32_0 = arith.constant 0 : i32
    %c0_i32_1 = arith.constant 0 : i32
    return %c0_i32, %c0_i32_0 : i32, i32
  }
  func.func @transform_6(%arg0: i32) -> (i32, i32) {
    %c0_i32 = arith.constant 0 : i32
    %c0_i32_0 = arith.constant 0 : i32
    %c0_i32_1 = arith.constant 0 : i32
    return %c0_i32, %c0_i32_0 : i32, i32
  }
  func.func @transform_7(%arg0: i32) -> (i32, i32) {
    %c0_i32 = arith.constant 0 : i32
    %c0_i32_0 = arith.constant 0 : i32
    %c0_i32_1 = arith.constant 0 : i32
    return %c0_i32, %c0_i32_0 : i32, i32
  }
  func.func @transform_8(%arg0: i32) -> (i32, i32) {
    %c0_i32 = arith.constant 0 : i32
    %c0_i32_0 = arith.constant 0 : i32
    %c0_i32_1 = arith.constant 0 : i32
    return %c0_i32, %c0_i32_0 : i32, i32
  }
  func.func @transform_9(%arg0: i32) -> (i32, i32) {
    %c0_i32 = arith.constant 0 : i32
    %c0_i32_0 = arith.constant 0 : i32
    return %arg0, %c0_i32 : i32, i32
  }
}

</mosaic_0001>

<sc_bundles>
// kernel: kernel.4.cloned.1.call-start
scs
__scs_entry_jumppad:
0x0: {  	(pc) =	sbr.rel $0x88, $3  }
0x1: {  	(tag) =	ssettag $0x0;
	lr =	simm.s32 $0x1  }
0x2: {  	[smem:$0x3F9B] =	sst lr;
	_ =	strace $0xD0000000  }
0x3: {  	_ = 	snop  }
0x4: {  	_ = 	snop  }
0x5: {  	_ = 	snop  }
0x6: {  	_ = 	snop  }
0x7: {  	_ = 	snop  }
__scs_overlays_trampoline_lowered:
0x8: {  	[smem:$0x3FAA] =	sst s0  }
0x9: {  	[smem:$0x3FAB] =	sst s1  }
0xa: {  	[smem:$0x3FAC] =	sst s2  }
0xb: {  	[smem:$0x3FAD] =	sst s3  }
0xc: {  	[smem:$0x3FAE] =	sst s4  }
0xd: {  	[smem:$0x3FAF] =	sst s5  }
0xe: {  	[smem:$0x3FB0] =	sst s6  }
0xf: {  	[smem:$0x3FB1] =	sst s7  }
0x10: {  	[smem:$0x3FB2] =	sst s8  }
0x11: {  	[smem:$0x3FB3] =	sst s9;
	s0 =	simm.s32 @!p0 $0x0  }
0x12: {  	s1 =	sld [smem:$0x3F99];
	s0 =	simm.s32 @p0 $0x1  }
0x13: {  	[smem:$0x3FB4] =	sst s0;
	s0 =	simm.s32 @!p1 $0x0  }
0x14: {  	s2 =	sld [smem:$0x3F98];
	s0 =	simm.s32 @p1 $0x1  }
0x15: {  	[smem:$0x3FB5] =	sst s0;
	s0 =	simm.s32 @!p2 $0x0  }
0x16: {  	s3 =	sld [smem:$0x3FDB];
	s0 =	simm.s32 @p2 $0x1  }
0x17: {  	s4 =	simm.s32 $0x1BF5;
	[smem:$0x3FB7] =	sst s0  }
0x18: {  	s0 =	sld [smem:$0x3F9A];
	_ =	swait.ge [sflag:s4], $0x0  }
0x19: {  	s7 =	sld [smem:$0x3F9B]  }
0x1a: {  	s8 =	sadd.s32 $0xFFFFE003, lr  }
0x1b: {  	s9 =	sadd.s32 $0xFFFFFEF7, lr;
	s5 =	simm.s32 $0xFFFFFFFF;
	p2 =	slt.u32 s8, $0xFFFFF086  }
0x1c: {  	p1 =	slt.u32 s9, $0xF7A;
	s5 =	simm.s32 @!p2 $0x0  }
0x1d: {  	s5 =	simm.s32 @p1 $0x1;
	p0 =	seq.s32 s7, s2  }
0x1e: {  	s7 =	smul.u32 @!p0 $0xF7A, s2;
	p2 =	seq.s32 @!p0 s5, $0x0  }
0x1f: {  	s9 =	smul.u32 $0xF7A, s1;
	s8 =	simm.s32 @!p0 $0x1BF5;
	p2 =	por !p2, p0  }
0x20: {  	[sflag:s8] =	ssyncset.s32 @!p0 $0xFFFFF086;
	s6 =	sadd.s32 @!p0 s3, s7;
	s7 =	simm.s32 @!p0 $0x108  }
0x21: {  	s3 =	sadd.s32 s3, s9;
	s6 =	sadd.s32 @!p0 $0x88, s6;
	s7 =	simm.s32 @p2 $0x1082  }
0x22: {  	[simem:s7], [sflag:s8] =	dma.local @!p0 [hbm:s6], $0xF7A  }
0x23: {  	s9 =	sor.u32 $0xD0000000, s2;
	s6 =	simm.s32 $0x108;
	_ =	swait.ge @!p0 [sflag:s8], $0x0  }
0x24: {  	s3 =	sadd.s32 $0x88, s3;
	s6 =	simm.s32 @!p1 $0x1082;
	[sflag:s4] =	ssyncset.s32 $0xFFFFF086  }
0x25: {  	[simem:s6], [sflag:s4] =	dma.local [hbm:s3], $0xF7A  }
0x26: {  	[smem:$0x3F9B] =	sst s1;
	(tag) =	ssettag s2;
	_ =	strace s9  }
0x27: {  	s1 =	sld [smem:$0x3FAB]  }
0x28: {  	s2 =	sld [smem:$0x3FAC]  }
0x29: {  	s4 =	sld [smem:$0x3FAE]  }
0x2a: {  	p0 =	seq.s32 s5, $0x0;
	s5 =	sld [smem:$0x3FAF]  }
0x2b: {  	s6 =	sld [smem:$0x3FB0]  }
0x2c: {  	s7 =	sld [smem:$0x3FB1]  }
0x2d: {  	s3 =	simm.s32 $0x108;
	s8 =	sld [smem:$0x3FB2]  }
0x2e: {  	s3 =	simm.s32 @!p0 $0x1082;
	s9 =	sld [smem:$0x3FB3]  }
0x2f: {  	lr =	sadd.s32 s0, s3;
	s0 =	sld [smem:$0x3FAA]  }
0x30: {  	s3 =	sld [smem:$0x3FAD]  }
0x31: {  	[smem:$0x3FB6] =	sst s10  }
0x32: {  	s10 =	sld [smem:$0x3FB4];
	_ =	sdelay $0x3  }
0x33: {  	p0 =	seq.s32 s10, $0x1;
	s10 =	sld [smem:$0x3FB6];
	_ =	sdelay $0x3  }
0x34: {  	[smem:$0x3FB6] =	sst s10  }
0x35: {  	s10 =	sld [smem:$0x3FB5];
	_ =	sdelay $0x3  }
0x36: {  	p1 =	seq.s32 s10, $0x1;
	s10 =	sld [smem:$0x3FB6];
	_ =	sdelay $0x3  }
0x37: {  	[smem:$0x3FB6] =	sst s10  }
0x38: {  	s10 =	sld [smem:$0x3FB7]  }
0x39: {  	_ = 	snop;
	(pc) =	sbr.ind lr, $3  }
0x3a: {  	_ = 	snop  }
0x3b: {  	_ = 	snop  }
0x3c: {  	p2 =	seq.s32 s10, $0x1;
	s10 =	sld [smem:$0x3FB6]  }
0x3d: {  	_ =	shalt  }
0x3e: {  	_ =	shalt  }
0x3f: {  	_ =	shalt  }
0x40: {  	_ =	shalt  }
0x41: {  	_ =	shalt  }
0x42: {  	_ =	shalt  }
0x43: {  	_ =	shalt  }
0x44: {  	_ =	shalt  }
0x45: {  	_ =	shalt  }
0x46: {  	_ =	shalt  }
0x47: {  	_ =	shalt  }
0x48: {  	_ =	shalt  }
0x49: {  	_ =	shalt  }
0x4a: {  	_ =	shalt  }
0x4b: {  	_ =	shalt  }
0x4c: {  	_ =	shalt  }
0x4d: {  	_ =	shalt  }
0x4e: {  	_ =	shalt  }
0x4f: {  	_ =	shalt  }
0x50: {  	_ =	shalt  }
0x51: {  	_ =	shalt  }
0x52: {  	_ =	shalt  }
0x53: {  	_ =	shalt  }
0x54: {  	_ =	shalt  }
0x55: {  	_ =	shalt  }
0x56: {  	_ =	shalt  }
0x57: {  	_ =	shalt  }
0x58: {  	_ =	shalt  }
0x59: {  	_ =	shalt  }
0x5a: {  	_ =	shalt  }
0x5b: {  	_ =	shalt  }
0x5c: {  	_ =	shalt  }
0x5d: {  	_ =	shalt  }
0x5e: {  	_ =	shalt  }
0x5f: {  	_ =	shalt  }
0x60: {  	_ =	shalt  }
0x61: {  	_ =	shalt  }
0x62: {  	_ =	shalt  }
0x63: {  	_ =	shalt  }
0x64: {  	_ =	shalt  }
0x65: {  	_ =	shalt  }
0x66: {  	_ =	shalt  }
0x67: {  	_ =	shalt  }
0x68: {  	_ =	shalt  }
0x69: {  	_ =	shalt  }
0x6a: {  	_ =	shalt  }
0x6b: {  	_ =	shalt  }
0x6c: {  	_ =	shalt  }
0x6d: {  	_ =	shalt  }
0x6e: {  	_ =	shalt  }
0x6f: {  	_ =	shalt  }
0x70: {  	_ =	shalt  }
0x71: {  	_ =	shalt  }
0x72: {  	_ =	shalt  }
0x73: {  	_ =	shalt  }
0x74: {  	_ =	shalt  }
0x75: {  	_ =	shalt  }
0x76: {  	_ =	shalt  }
0x77: {  	_ =	shalt  }
0x78: {  	_ =	shalt  }
0x79: {  	_ =	shalt  }
0x7a: {  	_ =	shalt  }
0x7b: {  	_ =	shalt  }
0x7c: {  	_ =	shalt  }
0x7d: {  	_ =	shalt  }
0x7e: {  	_ =	shalt  }
0x7f: {  	_ =	shalt  }
0x80: {  	_ =	shalt  }
0x81: {  	_ =	shalt  }
0x82: {  	_ =	shalt  }
0x83: {  	_ =	shalt  }
0x84: {  	_ =	shalt  }
0x85: {  	_ =	shalt  }
0x86: {  	_ =	shalt  }
0x87: {  	_ =	shalt  }
.Lfunc_end0:
.L_simem_size_0:
called_computation_lowered:
.L_overlay_start_0:
0x88: {  	s2 =	sld [smem:$0x3FD9]  }
0x89: {  	s3 =	sld [smem:$0x3FFE];
	_ =	sdelay $0x1  }
0x8a: {  	s1 =	srdreg.scid  }
0x8b: {  	s0 =	sand.u32 $0x1, s1  }
0x8c: {  	s17 =	sshll.u32 s0, $0xA;
	s2 =	sadd.s32 s3, s2  }
0x8d: {  	s2 =	sadd.s32 s2, s17  }
0x8e: {  	[smem:$0x3FC2] =	sst s2  }
0x8f: {  	_ = 	snop  }
0x90: {  	s2 =	sld [smem:$0x3FC9]  }
0x91: {  	s18 =	sld [smem:$0x3FD0];
	(tm) =	ssettm $0x1  }
0x92: {  	s4 =	sld [smem:$0x3FFB];
	_ =	sdelay $0x3  }
0x93: {  	_ =	strace s4  }
0x94: {  	s4 =	sld [smem:$0x3FFC];
	_ =	sdelay $0x3  }
0x95: {  	_ =	strace s4  }
0x96: {  	s4 =	sld [smem:$0x3FFD];
	_ =	sdelay $0x3  }
0x97: {  	_ =	strace s4  }
0x98: {  	_ =	strace $0x8FFFFFFF  }
0x99: {  	s19 =	sld [smem:$0x3FDB];
	_ =	sdelay $0x1  }
0x9a: {  	s5 =	simm.s32 $_scs_section_size  }
0x9b: {  	s6 =	simm.s32 $_size__tile_overlayer_lowered;
	s7 =	simm.s32 $_tile_overlayer_lowered  }
0x9c: {  	s22 =	simm.s32 $0x1BFF;
	s21 =	sshll.u32 s7, $0x1;
	s4 =	sadd.s32 s5, s19  }
0x9d: {  	s8 =	simm.s32 $0x0;
	s20 =	sshll.u32 s6, $0x1;
	s6 =	sadd.s32 s21, s4  }
0x9e: {  	[timem:s8], [sflag:s22] =	dma.local [hbm:s6], s20  }
0x9f: {  	_ =	swait.ge [sflag:s22], s20  }
0xa0: {  	s5 =	ssub.s32 $0x0, s20;
	[sflag:s22] =	ssyncset.done $0x0  }
0xa1: {  	[sflag:s22] =	ssyncadd.s32 s5;
	_ =	sdelay $0x1  }
0xa2: {  	s23 =	simm.s32 $0x1B8B  }
0xa3: {  	_ =	swait.ge [sflag:s23], $0x1  }
0xa4: {  	[sflag:s23] =	ssyncset.done $0x0  }
0xa5: {  	s25 =	simm.s32 $0x1B8E;
	s24 =	sld [smem:$0x3FFE];
	[sflag:s23] =	ssyncadd.s32 $0xFFFFFFFF  }
0xa6: {  	s26 =	simm.s32 $execute0_lowered;
	[smem:$0x3FD2] =	sst s25  }
0xa7: {  	s6 =	sshll.u32 s26, $0x1;
	_ =	strace $0x80000046;
	[dreg:$0x1] =	wrdreg $0xFFFFFFFF  }
0xa8: {  	s28 =	simm.s32 $_size_execute0_lowered;
	s4 =	sadd.s32 s4, s6;
	[dreg:$0x0] =	wrdreg $0x0  }
0xa9: {  	s6 =	sshll.u32 s28, $0x1;
	[dreg:$0x2] =	wrdreg s4  }
0xaa: {  	[dreg:$0x3] =	wrdreg s6  }
0xab: {  	[dreg:$0x4] =	wrdreg $0xC0  }
0xac: {  	_ =	task [dreg:s8], $0x5FFFF  }
0xad: {  	[dreg:$0x1] =	wrdreg $0xFFFFFFFF  }
0xae: {  	[dreg:$0x0] =	wrdreg $0x60  }
0xaf: {  	[dreg:$0x2] =	wrdreg s2  }
0xb0: {  	[dreg:$0x3] =	wrdreg s24  }
0xb1: {  	[dreg:$0x4] =	wrdreg s18  }
0xb2: {  	[dreg:$0x5] =	wrdreg $0x7A800  }
0xb3: {  	[dreg:$0x6] =	wrdreg $0x1BA800  }
0xb4: {  	[dreg:$0x7] =	wrdreg $0x9  }
0xb5: {  	_ =	task.clear_ibuf [dreg:s8], $0x8FFFF;
	_ =	strace $0x90000046  }
0xb6: {  	s29 =	simm.s32 $0x9;
	_ =	strace $0x80000048  }
0xb7: {  	_ =	swait.ge [sflag:s29], $0x1  }
0xb8: {  	[sflag:s29] =	ssyncadd.s32 $0xFFFFFFFF  }
0xb9: {  	_ =	strace $0x90000048  }
0xba: {  	_ =	sfence  }
0xbb: {  	s30 =	sld [smem:$0x0];
	_ =	sdelay $0x2  }
0xbc: {  	s31 =	sshll.u32 s1, $0xD;
	s1 =	sshrl.u32 s1, $0x2  }
0xbd: {  	s3 =	sand.u32 $0x4000, s31;
	s1 =	sadd.s32 s1, s30  }
0xbe: {  	s0 =	sor.u32 s3, s0;
	s1 =	sshll.u32 s1, $0x11  }
0xbf: {  	s0 =	sor.u32 s1, s0  }
0xc0: {  	s0 =	sadd.s32 $0x8F2B, s0  }
0xc1: {  	[sflag:s0] =	ssyncadd.remote.s32 $0x1  }
0xc2: {  	_ =	sfence.sel $0xFFFF  }
0xc3: {  	[dreg:$0x0] =	wrdreg $0xFFFFFFFF;
	(pc) =	sbr.abs _section_cstart, $3  }
0xc4: {  	[dreg:$0x1] =	wrdreg $0xFFFFFFFF  }
0xc5: {  	_ =	task.clear_ibuf [dreg:s8], $0x2FFFF;
	_ =	strace $0x9FFFFFFF  }
0xc6: {  	(tm) =	ssettm $0x7FFFFFFF  }
0xc7: {  	_ =	shalt  }
tec
execute0_lowered:
.L_overlay_start_1:
0x0: {  	(tag) =	ssettag $0x1  }
0x1: {  	s1 =	rddreg [dreg:$0x0]  }
0x2: {  	s0 =	rddreg [dreg:$0x1]  }
0x3: {  	s3 =	rddreg [dreg:$0x2]  }
0x4: {  	s31 =	rddreg [dreg:$0x3]  }
0x5: {  	s6 =	rddreg [dreg:$0x4]  }
0x6: {  	s2 =	srdreg.scid;
	s7 =	simm.s32 $0x0;
	s5 =	stileid.u32  }
0x7: {  	s2 =	sand.u32 $0x1, s2;
	[smem:$0x7FF] =	sst s7;
	s8 =	smul.u32 $0x50000, s5  }
0x8: {  	s13 =	sadd.s32 $0xE00, s0;
	s28 =	sshll.u32 s5, $0x1;
	s23 =	smul.u32 $0x4E20, s5  }
0x9: {  	s19 =	sshll.u32 s5, $0xE;
	s4 =	ssub.s32 $0x2, s2;
	s10 =	smul.u32 $0x36B00, s2  }
0xa: {  	_ =	strace $0x80000047;
	s29 =	sor.u32 s2, s28;
	s20 =	smul.u32 $0x1B5800, s2  }
0xb: {  	s6 =	sadd.s32 s19, s6;
	s2 =	smul.u32 $0x2710, s2;
	[dreg:$0x19] =	wrdreg s13  }
0xc: {  	s21 =	sadd.s32 $0x2800, s6;
	[dreg:$0xe] =	wrdreg s6  }
0xd: {  	s8 =	sshrl.u32 s8, $0x2;
	[dreg:$0x10] =	wrdreg s21;
	s2 =	sadd.s32 s2, s23  }
0xe: {  	s0 =	sadd.s32 $0xAC00, s0;
	s14 =	sadd.s32 s8, s31;
	[dreg:$0x6] =	wrdreg s2  }
0xf: {  	s30 =	smul.u32 $0x2800, s5;
	s11 =	sadd.s32 $0x2800, s14;
	[dreg:$0x7] =	wrdreg s14  }
0x10: {  	s9 =	sshrl.u32 s4, $0x1;
	s15 =	sadd.s32 $0x5000, s14;
	[dreg:$0x8] =	wrdreg s11  }
0x11: {  	s4 =	ssub.s32 s4, s9;
	s16 =	sadd.s32 $0x7800, s14;
	[dreg:$0x9] =	wrdreg s15  }
0x12: {  	s8 =	smul.u32 $0x2710, s29;
	s17 =	sadd.s32 $0xA000, s14;
	[dreg:$0xa] =	wrdreg s16  }
0x13: {  	s9 =	sadd.s32 s30, s10;
	s18 =	sadd.s32 $0xC800, s14;
	[dreg:$0xb] =	wrdreg s17  }
0x14: {  	v0 =	vimm.s32 $0xECA86420;
	s22 =	sadd.s32 s19, s20;
	s12 =	sadd.s32 $0xF000, s14;
	[dreg:$0xc] =	wrdreg s18  }
0x15: {  	vm0 =	vcmask $0xB08;
	vm1 =	vcmask $0x1310;
	vm2 =	vcmask $0x1B18;
	s10 =	sshrl.u32 s22, $0x3;
	s25 =	sadd.s32 s0, s9;
	[dreg:$0xd] =	wrdreg s12  }
0x16: {  	vm3 =	vcmask $0x300;
	vm4 =	vcmask $0x2320;
	vm5 =	vcmask $0x2B28;
	s30 =	smax.u32 s4, $0x1;
	s9 =	simm.s32 $0x80;
	[dreg:$0x12] =	wrdreg s25  }
0x17: {  	vm6 =	vcmask $0x3330;
	vm7 =	vcmask $0x3B38;
	v3 =	vlaneseq.u32;
	s15 =	sadd.s32 $0x11800, s14;
	s8 =	sshrl.u32 s8, $0x3;
	[dreg:$0x17] =	wrdreg s30  }
0x18: {  	vm8 =	vmmov $0xff;
	vm9 =	vcmask $0x704;
	vm10 =	vcmask $0xF0C;
	s4 =	simm.s32 $0x3;
	[dreg:$0xf] =	wrdreg s15;
	s24 =	sadd.s32 s13, s8  }
0x19: {  	vm11 =	vcmask $0x1714;
	vm12 =	vcmask $0x1F1C;
	vm13 =	vcmask $0x2724;
	s0 =	sadd.s32 s0, s10;
	s28 =	sadd.s32 s3, s8;
	[dreg:$0x11] =	wrdreg s24  }
0x1a: {  	v1 =	vunpack.c.l.s4.s8 v0;
	v2 =	vmul.u32 $0x2, v3;
	v3 =	vmul.u32 $0x80, v3;
	s26 =	sadd.s32 $0xA, s8;
	s0 =	sadd.s32 $0x2AF80, s0;
	[dreg:$0x13] =	wrdreg s28  }
0x1b: {  	vm14 =	vcmask $0x2F2C;
	vm15 =	vcmask $0x3734;
	v4 =	vimm.f32 $1.000000000e+00;
	s2 =	simm.s32 $0x0;
	s29 =	sadd.s32 s13, s26;
	[dreg:$0x16] =	wrdreg s0  }
0x1c: {  	v0 =	vimm.f32 $0.0e+00;
	v1 =	vunpack.c.0.s8.s32 v1;
	v5 =	vor.u32 $0x800, v3;
	s11 =	simm.s32 $0x180;
	s3 =	sadd.s32 s3, s26;
	[dreg:$0x14] =	wrdreg s29  }
0x1d: {  	v6 =	vor.u32 $0x1000, v3;
	v7 =	vor.u32 $0x1800, v3;
	v8 =	vor.u32 $0x2000, v3;
	s10 =	simm.s32 $0x5280;
	[dreg:$0x15] =	wrdreg s3;
	s3 =	simm.s32 $0x5  }
.LBB2_1:
0x1e: {  	[dreg:$0x18] =	wrdreg s2;
	s2 =	simm.s32 $0x0;
	s8 =	simm.s32 $0x200  }
.LBB2_2:
0x1f: {  	p0 =	sne.s32 s8, $0x9E00;
	[tilespmem:s2+$0x52F0] =	vst v0  }
0x20: {  	[tilespmem:s2+$0x280] =	vst v0  }
0x21: {  	[tilespmem:s2+$0x5280] =	vst v0  }
0x22: {  	[tilespmem:s2+$0x290] =	vst v0  }
0x23: {  	[tilespmem:s2+$0x5290] =	vst v0  }
0x24: {  	[tilespmem:s2+$0x2A0] =	vst v0  }
0x25: {  	[tilespmem:s2+$0x52A0] =	vst v0  }
0x26: {  	[tilespmem:s2+$0x2B0] =	vst v0  }
0x27: {  	[tilespmem:s2+$0x52B0] =	vst v0  }
0x28: {  	[tilespmem:s2+$0x2C0] =	vst v0  }
0x29: {  	[tilespmem:s2+$0x52C0] =	vst v0  }
.Ltmp0:
0x2a: {  	[tilespmem:s2+$0x2D0] =	vst v0;
	(pc) =	sbr.rel @p0 .LBB2_2-.Ltmp0, $4  }
0x2b: {  	[tilespmem:s2+$0x52D0] =	vst v0  }
0x2c: {  	[tilespmem:s2+$0x2E0] =	vst v0  }
0x2d: {  	[tilespmem:s2+$0x52E0] =	vst v0  }
0x2e: {  	[tilespmem:s2+$0x2F0] =	vst v0;
	s2 =	sshra.s32 s8, $0x2;
	s8 =	sadd.s32 $0x200, s8  }
0x2f: {  	[tilespmem:s2+$0x52F0] =	vst v0  }
0x30: {  	[tilespmem:s2+$0x280] =	vst v0  }
0x31: {  	[tilespmem:s2+$0x5280] =	vst v0  }
0x32: {  	[tilespmem:s2+$0x290] =	vst v0  }
0x33: {  	[tilespmem:s2+$0x5290] =	vst v0  }
0x34: {  	[tilespmem:s2+$0x2A0] =	vst v0  }
0x35: {  	[tilespmem:s2+$0x52A0] =	vst v0  }
0x36: {  	[tilespmem:s2+$0x2B0] =	vst v0  }
0x37: {  	[tilespmem:s2+$0x52B0] =	vst v0  }
0x38: {  	[tilespmem:s2+$0x2C0] =	vst v0  }
0x39: {  	[tilespmem:s2+$0x52C0] =	vst v0  }
0x3a: {  	[tilespmem:s2+$0x2D0] =	vst v0  }
0x3b: {  	[tilespmem:s2+$0x52D0] =	vst v0  }
0x3c: {  	[tilespmem:s2+$0x2E0] =	vst v0  }
0x3d: {  	[tilespmem:s2+$0x52E0] =	vst v0  }
0x3e: {  	[tilespmem:s2+$0x2F0] =	vst v0;
	s2 =	simm.s32 $0x280  }
0x3f: {  	[spmem:s14] =	stream.linear.scatter [tilespmem:s2], [sflag:$0x5], $0x2800, $0x38;
	[tilespmem:$0x1FA80] =	vst v63  }
0x40: {  	_ =	swait.ge [sflag:s3], $0x2800  }
0x41: {  	[sflag:s3] =	ssyncset.done $0x0  }
0x42: {  	s0 =	rddreg [dreg:$0x8];
	[sflag:s3] =	ssyncadd.s32 $0xFFFFD800  }
0x43: {  	[spmem:s0] =	stream.linear.scatter [tilespmem:s2], [sflag:$0x5], $0x2800, $0x38;
	[tilespmem:$0x1FA80] =	vst v63  }
0x44: {  	_ =	swait.ge [sflag:s3], $0x2800  }
0x45: {  	[sflag:s3] =	ssyncset.done $0x0  }
0x46: {  	s19 =	rddreg [dreg:$0x9];
	[sflag:s3] =	ssyncadd.s32 $0xFFFFD800  }
0x47: {  	[spmem:s19] =	stream.linear.scatter [tilespmem:s2], [sflag:$0x5], $0x2800, $0x38;
	[tilespmem:$0x1FA80] =	vst v63  }
0x48: {  	_ =	swait.ge [sflag:s3], $0x2800  }
0x49: {  	[sflag:s3] =	ssyncset.done $0x0  }
0x4a: {  	s20 =	rddreg [dreg:$0xa];
	[sflag:s3] =	ssyncadd.s32 $0xFFFFD800  }
0x4b: {  	[spmem:s20] =	stream.linear.scatter [tilespmem:s2], [sflag:$0x5], $0x2800, $0x38;
	[tilespmem:$0x1FA80] =	vst v63  }
0x4c: {  	_ =	swait.ge [sflag:s3], $0x2800  }
0x4d: {  	[sflag:s3] =	ssyncset.done $0x0  }
0x4e: {  	s21 =	rddreg [dreg:$0xb];
	[sflag:s3] =	ssyncadd.s32 $0xFFFFD800  }
0x4f: {  	[spmem:s21] =	stream.linear.scatter [tilespmem:s2], [sflag:$0x5], $0x2800, $0x38;
	[tilespmem:$0x1FA80] =	vst v63  }
0x50: {  	_ =	swait.ge [sflag:s3], $0x2800  }
0x51: {  	[sflag:s3] =	ssyncset.done $0x0  }
0x52: {  	s22 =	rddreg [dreg:$0xc];
	[sflag:s3] =	ssyncadd.s32 $0xFFFFD800  }
0x53: {  	[spmem:s22] =	stream.linear.scatter [tilespmem:s2], [sflag:$0x5], $0x2800, $0x38;
	[tilespmem:$0x1FA80] =	vst v63  }
0x54: {  	_ =	swait.ge [sflag:s3], $0x2800  }
0x55: {  	[sflag:s3] =	ssyncset.done $0x0  }
0x56: {  	s23 =	rddreg [dreg:$0xd];
	[sflag:s3] =	ssyncadd.s32 $0xFFFFD800  }
0x57: {  	[spmem:s23] =	stream.linear.scatter [tilespmem:s2], [sflag:$0x5], $0x2800, $0x38;
	[tilespmem:$0x1FA80] =	vst v63  }
0x58: {  	_ =	swait.ge [sflag:s3], $0x2800  }
0x59: {  	[sflag:s3] =	ssyncset.done $0x0  }
0x5a: {  	s24 =	rddreg [dreg:$0xf];
	[sflag:s3] =	ssyncadd.s32 $0xFFFFD800  }
0x5b: {  	[spmem:s24] =	stream.linear.scatter [tilespmem:s2], [sflag:$0x5], $0x2800, $0x38;
	[tilespmem:$0x1FA80] =	vst v63  }
0x5c: {  	_ =	swait.ge [sflag:s3], $0x2800  }
0x5d: {  	[sflag:s3] =	ssyncset.done $0x0  }
0x5e: {  	[sflag:s3] =	ssyncadd.s32 $0xFFFFD800  }
0x5f: {  	[spmem:s6] =	stream.linear.scatter [tilespmem:s2], [sflag:$0x5], $0x2800, $0x38;
	[tilespmem:$0x1FA80] =	vst v63  }
0x60: {  	_ =	swait.ge [sflag:s3], $0x2800  }
0x61: {  	[sflag:s3] =	ssyncset.done $0x0  }
0x62: {  	s25 =	rddreg [dreg:$0x10];
	[sflag:s3] =	ssyncadd.s32 $0xFFFFD800  }
0x63: {  	[spmem:s25] =	stream.linear.scatter [tilespmem:s2], [sflag:$0x5], $0x1800, $0x38;
	[tilespmem:$0x1FA80] =	vst v63  }
0x64: {  	_ =	swait.ge [sflag:s3], $0x1800  }
0x65: {  	[sflag:s3] =	ssyncset.done $0x0  }
0x66: {  	[sflag:s3] =	ssyncadd.s32 $0xFFFFE800  }
0x67: {  	[bflag:$0x0] =	sbarrier.arrive $0xFFFF  }
0x68: {  	s26 =	rddreg [dreg:$0x11]  }
0x69: {  	[tilespmem:s7], [sflag:$0x5] =	stream.linear.gather [hbm4b:s26+s7], $0x50, $0x38;
	[tilespmem:$0x1FA80] =	vst v63  }
0x6a: {  	_ =	swait.ge [sflag:s3], $0x50  }
0x6b: {  	[sflag:s3] =	ssyncset.done $0x0  }
0x6c: {  	s5 =	simm.s32 $0x100;
	s28 =	rddreg [dreg:$0x13];
	[sflag:s3] =	ssyncadd.s32 $0xFFFFFFB0  }
0x6d: {  	[tilespmem:s5], [sflag:$0x5] =	stream.linear.gather [hbm4b:s28+s7], $0x50, $0x38;
	[tilespmem:$0x1FA80] =	vst v63  }
0x6e: {  	_ =	swait.ge [sflag:s3], $0x50  }
0x6f: {  	[sflag:s3] =	ssyncset.done $0x0  }
0x70: {  	[sflag:s3] =	ssyncadd.s32 $0xFFFFFFB0;
	s3 =	simm.s32 $0x50  }
0x71: {  	[tilespmem:s2], [sflag:$0x1] =	stream.indirect.gather [hbm4b:s1+s3], $0x80, s7, s3, $0xb8;
	[tilespmem:$0x1FA80] =	vst v63  }
0x72: {  	s29 =	rddreg [dreg:$0x14]  }
0x73: {  	[tilespmem:s9], [sflag:$0x3] =	stream.linear.gather [hbm4b:s29+s7], $0x50, $0x38;
	[tilespmem:$0x1FA80] =	vst v63  }
0x74: {  	s16 =	simm.s32 $0xFFFFD940;
	s12 =	simm.s32 $0x1;
	s30 =	rddreg [dreg:$0x15]  }
0x75: {  	[tilespmem:s11], [sflag:$0x3] =	stream.linear.gather [hbm4b:s30+s7], $0x50, $0x38;
	[tilespmem:$0x1FA80] =	vst v63  }
.LBB2_4:
0x76: {  	_ =	swait.ge [sflag:s12], $0x2800  }
0x77: {  	[sflag:s12] =	ssyncset.done $0x0  }
0x78: {  	[sflag:s12] =	ssyncadd.s32 $0xFFFFD800  }
0x79: {  	_ =	swait.ge [sflag:s4], $0x50  }
0x7a: {  	[sflag:s4] =	ssyncset.done $0x0  }
0x7b: {  	[sflag:s4] =	ssyncadd.s32 $0xFFFFFFB0  }
0x7c: {  	_ =	swait.ge [sflag:s4], $0x50  }
0x7d: {  	[sflag:s4] =	ssyncset.done $0x0  }
0x7e: {  	[sflag:s4] =	ssyncadd.s32 $0xFFFFFFB0  }
0x7f: {  	s0 =	simm.s32 $0x2A80;
	s4 =	rddreg [dreg:$0x0]  }
0x80: {  	[tilespmem:s0], [sflag:$0x2] =	stream.indirect.gather [hbm4b:s4+s3], $0x80, s9, s3, $0xb8;
	[tilespmem:$0x1FA80] =	vst v63  }
0x81: {  	_ = 	snop  }
0x82: {  	[spmem:s31] =	stream.indirect.scatter.add.f32 [tilespmem:s2], [sflag:$0x4], $0x80, s5, s3, $0xb8;
	[tilespmem:$0x1FA80] =	vst v63  }
0x83: {  	v9 =	vld [tilespmem:$0x100];
	_ =	sdelay $0x4  }
0x84: {  	(v2sf) =	vpush v9, $0xD;
	_ =	sdelay $0x1  }
0x85: {  	(v2sf) =	vpush v9, $0xC;
	_ =	sdelay $0x1  }
0x86: {  	(v2sf) =	vpush v9, $0xE;
	_ =	sdelay $0x1  }
0x87: {  	(v2sf) =	vpush v9, $0xF;
	_ =	sdelay $0x1  }
0x88: {  	(v2sf) =	vpush v9, $0x9;
	_ =	sdelay $0x1  }
0x89: {  	(v2sf) =	vpush v9, $0x8;
	_ =	sdelay $0x1  }
0x8a: {  	(v2sf) =	vpush v9, $0xA;
	_ =	sdelay $0x1  }
0x8b: {  	(v2sf) =	vpush v9, $0xB  }
0x8c: {  	s3 =	spop (v2sf)  }
0x8d: {  	(v2sf) =	vpush v9, $0x0;
	s8 =	smulhi.u32 $0x10624DD3, s3;
	s2 =	sshra.s32 s3, $0x1F  }
0x8e: {  	s5 =	spop (v2sf);
	(v2sf) =	vpush v9, $0x1;
	s2 =	smul.u32 $0x10624DD3, s2  }
0x8f: {  	s14 =	smulhi.u32 $0x10624DD3, s5;
	s9 =	sshra.s32 s5, $0x1F;
	(v2sf) =	vpush v9, $0x2  }
0x90: {  	s15 =	spop (v2sf);
	s9 =	smul.u32 $0x10624DD3, s9;
	(v2sf) =	vpush v9, $0x3  }
0x91: {  	s18 =	smulhi.u32 $0x10624DD3, s15;
	s15 =	sshra.s32 s15, $0x1F;
	(v2sf) =	vpush v9, $0x4  }
0x92: {  	s19 =	spop (v2sf);
	s15 =	smul.u32 $0x10624DD3, s15;
	(v2sf) =	vpush v9, $0x5  }
0x93: {  	s17 =	sadd.s32 s2, s8;
	s21 =	smulhi.u32 $0x10624DD3, s19;
	s6 =	sshra.s32 s19, $0x1F;
	(v2sf) =	vpush v9, $0x6  }
0x94: {  	s7 =	spop (v2sf);
	s8 =	sshrl.u32 s17, $0x1F;
	s19 =	smul.u32 $0x10624DD3, s6;
	(v2sf) =	vpush v9, $0x7  }
0x95: {  	s20 =	sadd.s32 s9, s14;
	s11 =	smulhi.u32 $0x10624DD3, s7;
	s2 =	sshra.s32 s7, $0x1F  }
0x96: {  	s12 =	spop (v2sf);
	s1 =	sshrl.u32 s20, $0x1F;
	s22 =	smul.u32 $0x10624DD3, s2  }
0x97: {  	s18 =	sadd.s32 s15, s18;
	s13 =	smulhi.u32 $0x10624DD3, s12;
	s23 =	sshra.s32 s12, $0x1F  }
0x98: {  	s24 =	spop (v2sf);
	s2 =	sshrl.u32 s18, $0x1F;
	s23 =	smul.u32 $0x10624DD3, s23  }
0x99: {  	s19 =	sadd.s32 s19, s21;
	s3 =	smulhi.u32 $0x10624DD3, s24;
	s25 =	sshra.s32 s24, $0x1F  }
0x9a: {  	s24 =	spop (v2sf);
	s9 =	sshrl.u32 s19, $0x1F;
	s5 =	smul.u32 $0x10624DD3, s25  }
0x9b: {  	s21 =	sadd.s32 s22, s11;
	s26 =	smulhi.u32 $0x10624DD3, s24;
	s24 =	sshra.s32 s24, $0x1F  }
0x9c: {  	s14 =	sshrl.u32 s21, $0x1F;
	s30 =	smul.u32 $0x10624DD3, s24;
	s0 =	spop (v2sf)  }
0x9d: {  	s31 =	smulhi.u32 $0x10624DD3, s0;
	s11 =	sshra.s32 s0, $0x1F;
	s28 =	spop (v2sf)  }
0x9e: {  	s24 =	sadd.s32 s23, s13;
	s11 =	smul.u32 $0x10624DD3, s11;
	s6 =	spop (v2sf)  }
0x9f: {  	s12 =	smulhi.u32 $0x10624DD3, s28;
	s28 =	sshra.s32 s28, $0x1F;
	s25 =	spop (v2sf)  }
0xa0: {  	s13 =	sshrl.u32 s24, $0x1F;
	s28 =	smul.u32 $0x10624DD3, s28;
	s0 =	spop (v2sf)  }
0xa1: {  	s7 =	smulhi.u32 $0x10624DD3, s6;
	s6 =	sshra.s32 s6, $0x1F;
	s29 =	spop (v2sf)  }
0xa2: {  	s15 =	sadd.s32 s5, s3;
	s3 =	smul.u32 $0x10624DD3, s6;
	s5 =	spop (v2sf)  }
0xa3: {  	v11 =	vmov s1;
	s22 =	sadd.s32 s30, s26;
	s6 =	smulhi.u32 $0x10624DD3, s25;
	s26 =	spop (v2sf)  }
0xa4: {  	v11 =	vsel vm0, s8, v11;
	s11 =	sadd.s32 s11, s31;
	s31 =	smulhi.u32 $0x10624DD3, s26;
	s30 =	sshra.s32 s26, $0x1F  }
0xa5: {  	v11 =	vsel vm1, s2, v11;
	s28 =	sadd.s32 s28, s12;
	s12 =	sshra.s32 s25, $0x1F;
	s25 =	smul.u32 $0x10624DD3, s30  }
0xa6: {  	v11 =	vsel vm2, s9, v11;
	s9 =	sshra.s32 s21, $0x7;
	s3 =	sadd.s32 s3, s7;
	s7 =	smulhi.u32 $0x10624DD3, s0  }
0xa7: {  	s1 =	sshra.s32 s11, $0x1F;
	s26 =	smul.u32 $0x10624DD3, s12;
	s23 =	sadd.s32 s25, s31  }
0xa8: {  	s0 =	sshra.s32 s0, $0x1F;
	s8 =	smulhi.u32 $0x10624DD3, s29;
	s31 =	sshra.s32 s23, $0x1F  }
0xa9: {  	s0 =	smul.u32 $0x10624DD3, s0;
	s6 =	sadd.s32 s26, s6;
	s26 =	sshra.s32 s11, $0x7;
	v10 =	vmov s31  }
0xaa: {  	s12 =	sshrl.u32 s22, $0x1F;
	s30 =	sshrl.u32 s15, $0x1F;
	s25 =	sshrl.u32 s11, $0x1F;
	v10 =	vsel vm3, s26, v10  }
0xab: {  	s11 =	sshrl.u32 s3, $0x1F;
	v12 =	vmov s25;
	s26 =	sshra.s32 s29, $0x1F;
	s29 =	sshra.s32 s28, $0x7;
	v10 =	vsel vm9, s1, v10  }
0xac: {  	s31 =	sshrl.u32 s28, $0x1F;
	v12 =	vnsel vm3, $0x0, v12;
	s25 =	smul.u32 $0x10624DD3, s26;
	s26 =	sshra.s32 s28, $0x1F;
	v10 =	vsel vm0, s29, v10  }
0xad: {  	v13 =	vmov s13;
	v12 =	vsel vm0, s31, v12;
	s28 =	smulhi.u32 $0x10624DD3, s5;
	s5 =	sshra.s32 s5, $0x1F;
	s29 =	sshra.s32 s3, $0x7;
	v10 =	vsel vm10, s26, v10  }
0xae: {  	v13 =	vsel vm0, s14, v13;
	s0 =	sadd.s32 s0, s7;
	v12 =	vsel vm1, s11, v12;
	s11 =	sshra.s32 s3, $0x1F;
	s5 =	smul.u32 $0x10624DD3, s5;
	v10 =	vsel vm1, s29, v10  }
0xaf: {  	s7 =	sshra.s32 s24, $0x7;
	v13 =	vsel vm1, s30, v13;
	s14 =	sadd.s32 s25, s8;
	s25 =	sshra.s32 s6, $0x7;
	v10 =	vsel vm11, s11, v10  }
0xb0: {  	v14 =	vmov s7;
	s2 =	sshrl.u32 s6, $0x1F;
	v13 =	vsel vm2, s12, v13;
	s5 =	sadd.s32 s5, s28;
	s28 =	sshra.s32 s6, $0x1F;
	v10 =	vsel vm2, s25, v10  }
0xb1: {  	s13 =	sshrl.u32 s0, $0x1F;
	s30 =	sshra.s32 s0, $0x7;
	v14 =	vsel vm0, s9, v14;
	v12 =	vsel vm2, s2, v12;
	v10 =	vsel vm12, s28, v10  }
0xb2: {  	s0 =	sshra.s32 s0, $0x1F;
	v11 =	vcombine.low v13, v11;
	v12 =	vsel vm4, s13, v12;
	s13 =	sshra.s32 s15, $0x7;
	s6 =	sshra.s32 s20, $0x7;
	v10 =	vsel vm4, s30, v10  }
0xb3: {  	s8 =	sshra.s32 s17, $0x7;
	s26 =	sshrl.u32 s14, $0x1F;
	v14 =	vsel vm1, s13, v14;
	v44 =	vmov s6;
	s11 =	sshra.s32 s14, $0x7;
	v10 =	vsel vm13, s0, v10  }
0xb4: {  	s12 =	sshra.s32 s18, $0x7;
	s17 =	sshra.s32 s22, $0x7;
	v12 =	vsel vm5, s26, v12;
	s14 =	sshra.s32 s14, $0x1F;
	v13 =	vsel vm0, s8, v44;
	v10 =	vsel vm5, s11, v10  }
0xb5: {  	s15 =	sshra.s32 s19, $0x7;
	s29 =	sshrl.u32 s5, $0x1F;
	s18 =	sshra.s32 s5, $0x7;
	v14 =	vsel vm2, s17, v14;
	v13 =	vsel vm1, s12, v13;
	v10 =	vsel vm14, s14, v10  }
0xb6: {  	s19 =	sshrl.u32 s23, $0x1F;
	s20 =	sshra.s32 s5, $0x1F;
	v12 =	vsel vm6, s29, v12;
	v13 =	vsel vm2, s15, v13;
	v10 =	vsel vm6, s18, v10  }
0xb7: {  	s21 =	sshra.s32 s23, $0x7;
	v12 =	vsel vm7, s19, v12;
	v13 =	vcombine.low v14, v13;
	v10 =	vsel vm15, s20, v10  }
0xb8: {  	v11 =	vperm.xlane v11, v1;
	v12 =	vperm.xlane v12, v2;
	v10 =	vsel vm7, s21, v10  }
0xb9: {  	v13 =	vperm.xlane v13, v1;
	v10 =	vperm.xlane v10, v2;
	_ =	sdelay $0x1  }
0xba: {  	v11 =	vsel vm8, v12, v11;
	v10 =	vsel vm8, v10, v13  }
0xbb: {  	v10 =	vadd.s32 v11, v10  }
0xbc: {  	v11 =	vshll.u32 v10, $0x4  }
0xbd: {  	v11 =	vadd.s32 v3, v11  }
0xbe: {  	v10 =	vmul.u32 $0xFFFFF830, v10;
	_ =	sdelay $0x1  }
0xbf: {  	v9 =	vadd.s32 v9, v10  }
0xc0: {  	[tilespmem:$0x200] =	vst v9  }
0xc1: {  	[tilespmem:v11+s10+$0x0] =	vst.idx.msk $0xffff, v4  }
0xc2: {  	v9 =	vld [tilespmem:$0x110];
	_ =	sdelay $0x4  }
0xc3: {  	(v2sf) =	vpush v9, $0xD;
	_ =	sdelay $0x1  }
0xc4: {  	(v2sf) =	vpush v9, $0xC;
	_ =	sdelay $0x1  }
0xc5: {  	(v2sf) =	vpush v9, $0xE;
	_ =	sdelay $0x1  }
0xc6: {  	(v2sf) =	vpush v9, $0xF;
	_ =	sdelay $0x1  }
0xc7: {  	(v2sf) =	vpush v9, $0x9;
	_ =	sdelay $0x1  }
0xc8: {  	(v2sf) =	vpush v9, $0x8;
	_ =	sdelay $0x1  }
0xc9: {  	(v2sf) =	vpush v9, $0xA;
	_ =	sdelay $0x1  }
0xca: {  	(v2sf) =	vpush v9, $0xB  }
0xcb: {  	s22 =	spop (v2sf)  }
0xcc: {  	(v2sf) =	vpush v9, $0x0;
	s23 =	smulhi.u32 $0x10624DD3, s22;
	s0 =	sshra.s32 s22, $0x1F  }
0xcd: {  	(v2sf) =	vpush v9, $0x1;
	s24 =	spop (v2sf);
	s0 =	smul.u32 $0x10624DD3, s0  }
0xce: {  	(v2sf) =	vpush v9, $0x2;
	s25 =	smulhi.u32 $0x10624DD3, s24;
	s2 =	sshra.s32 s24, $0x1F  }
0xcf: {  	s26 =	spop (v2sf);
	(v2sf) =	vpush v9, $0x3;
	s2 =	smul.u32 $0x10624DD3, s2  }
0xd0: {  	s28 =	smulhi.u32 $0x10624DD3, s26;
	s5 =	sshra.s32 s26, $0x1F;
	(v2sf) =	vpush v9, $0x4  }
0xd1: {  	s29 =	spop (v2sf);
	s5 =	smul.u32 $0x10624DD3, s5;
	(v2sf) =	vpush v9, $0x5  }
0xd2: {  	s30 =	smulhi.u32 $0x10624DD3, s29;
	s7 =	sshra.s32 s29, $0x1F;
	(v2sf) =	vpush v9, $0x6  }
0xd3: {  	s17 =	sadd.s32 s0, s23;
	s9 =	spop (v2sf);
	s1 =	smul.u32 $0x10624DD3, s7;
	(v2sf) =	vpush v9, $0x7  }
0xd4: {  	s8 =	sshrl.u32 s17, $0x1F;
	s11 =	smulhi.u32 $0x10624DD3, s9;
	s12 =	sshra.s32 s9, $0x1F  }
0xd5: {  	s20 =	sadd.s32 s2, s25;
	s14 =	spop (v2sf);
	s13 =	smul.u32 $0x10624DD3, s12  }
0xd6: {  	s7 =	sshrl.u32 s20, $0x1F;
	s15 =	smulhi.u32 $0x10624DD3, s14;
	s22 =	sshra.s32 s14, $0x1F  }
0xd7: {  	s18 =	sadd.s32 s5, s28;
	s23 =	spop (v2sf);
	s6 =	smul.u32 $0x10624DD3, s22  }
0xd8: {  	s2 =	sshrl.u32 s18, $0x1F;
	s0 =	smulhi.u32 $0x10624DD3, s23;
	s24 =	sshra.s32 s23, $0x1F  }
0xd9: {  	s19 =	sadd.s32 s1, s30;
	s25 =	spop (v2sf);
	s1 =	smul.u32 $0x10624DD3, s24  }
0xda: {  	s9 =	sshrl.u32 s19, $0x1F;
	s3 =	smulhi.u32 $0x10624DD3, s25;
	s26 =	sshra.s32 s25, $0x1F  }
0xdb: {  	s21 =	sadd.s32 s13, s11;
	s28 =	spop (v2sf);
	s11 =	smul.u32 $0x10624DD3, s26  }
0xdc: {  	s13 =	smulhi.u32 $0x10624DD3, s28;
	s12 =	sshra.s32 s28, $0x1F;
	s29 =	spop (v2sf)  }
0xdd: {  	s14 =	sshrl.u32 s21, $0x1F;
	s5 =	smul.u32 $0x10624DD3, s12;
	s30 =	spop (v2sf)  }
0xde: {  	s12 =	smulhi.u32 $0x10624DD3, s29;
	s22 =	sshra.s32 s29, $0x1F;
	s23 =	spop (v2sf)  }
0xdf: {  	s15 =	sadd.s32 s6, s15;
	s26 =	smul.u32 $0x10624DD3, s22;
	s28 =	spop (v2sf)  }
0xe0: {  	s29 =	smulhi.u32 $0x10624DD3, s30;
	s6 =	sshra.s32 s30, $0x1F;
	s30 =	spop (v2sf)  }
0xe1: {  	s24 =	sadd.s32 s1, s0;
	s0 =	smul.u32 $0x10624DD3, s6;
	s1 =	spop (v2sf)  }
0xe2: {  	s22 =	sadd.s32 s11, s3;
	s3 =	smulhi.u32 $0x10624DD3, s23;
	s6 =	spop (v2sf)  }
0xe3: {  	s25 =	sshrl.u32 s15, $0x1F;
	s11 =	smulhi.u32 $0x10624DD3, s6;
	s6 =	sshra.s32 s6, $0x1F  }
0xe4: {  	s5 =	sadd.s32 s5, s13;
	s23 =	sshra.s32 s23, $0x1F;
	s6 =	smul.u32 $0x10624DD3, s6  }
0xe5: {  	s12 =	sadd.s32 s26, s12;
	s26 =	sshrl.u32 s24, $0x1F;
	s13 =	smul.u32 $0x10624DD3, s23  }
0xe6: {  	v11 =	vmov s7;
	s31 =	sshra.s32 s5, $0x7;
	s0 =	sadd.s32 s0, s29;
	s23 =	sadd.s32 s6, s11  }
0xe7: {  	v11 =	vsel vm0, s8, v11;
	s8 =	sshra.s32 s30, $0x1F;
	s3 =	sadd.s32 s13, s3;
	s13 =	sshra.s32 s23, $0x1F  }
0xe8: {  	v11 =	vsel vm1, s2, v11;
	s29 =	sshrl.u32 s22, $0x1F;
	s8 =	smul.u32 $0x10624DD3, s8;
	s2 =	sshrl.u32 s3, $0x1F;
	v10 =	vmov s13  }
0xe9: {  	s6 =	sshrl.u32 s5, $0x1F;
	s11 =	smulhi.u32 $0x10624DD3, s28;
	s5 =	sshra.s32 s5, $0x1F;
	v10 =	vsel vm3, s31, v10  }
0xea: {  	v46 =	vmov s25;
	s25 =	sshra.s32 s3, $0x7;
	v45 =	vmov s6;
	s6 =	smulhi.u32 $0x10624DD3, s30;
	s30 =	sshra.s32 s12, $0x7;
	v10 =	vsel vm9, s5, v10  }
0xeb: {  	s13 =	sshra.s32 s28, $0x1F;
	s28 =	sshrl.u32 s12, $0x1F;
	s12 =	sshra.s32 s12, $0x1F;
	v10 =	vsel vm0, s30, v10  }
0xec: {  	v11 =	vsel vm2, s9, v11;
	v13 =	vsel vm0, s14, v46;
	s7 =	smul.u32 $0x10624DD3, s13;
	s13 =	sshrl.u32 s0, $0x1F;
	v10 =	vsel vm10, s12, v10;
	s12 =	sshra.s32 s0, $0x7  }
0xed: {  	v13 =	vsel vm1, s26, v13;
	v12 =	vnsel vm3, $0x0, v45;
	s30 =	smulhi.u32 $0x10624DD3, s1;
	s1 =	sshra.s32 s1, $0x1F;
	s0 =	sshra.s32 s0, $0x1F;
	v10 =	vsel vm1, s12, v10  }
0xee: {  	v13 =	vsel vm2, s29, v13;
	v12 =	vsel vm0, s28, v12;
	s14 =	sadd.s32 s8, s6;
	s28 =	sshra.s32 s3, $0x1F;
	s1 =	smul.u32 $0x10624DD3, s1;
	v10 =	vsel vm11, s0, v10  }
0xef: {  	v11 =	vcombine.low v13, v11;
	s3 =	sshra.s32 s20, $0x7;
	s6 =	sshra.s32 s15, $0x7;
	v12 =	vsel vm1, s13, v12;
	s7 =	sadd.s32 s7, s11;
	v10 =	vsel vm2, s25, v10  }
0xf0: {  	s8 =	sshra.s32 s17, $0x7;
	v47 =	vmov s3;
	v48 =	vmov s6;
	s1 =	sadd.s32 s1, s30;
	s30 =	sshra.s32 s7, $0x7;
	v10 =	vsel vm12, s28, v10  }
0xf1: {  	s9 =	sshra.s32 s21, $0x7;
	v12 =	vsel vm2, s2, v12;
	v13 =	vsel vm0, s8, v47;
	s13 =	sshrl.u32 s7, $0x1F;
	s7 =	sshra.s32 s7, $0x1F;
	v10 =	vsel vm4, s30, v10  }
0xf2: {  	s26 =	sshrl.u32 s14, $0x1F;
	s11 =	sshra.s32 s14, $0x7;
	v14 =	vsel vm0, s9, v48;
	v12 =	vsel vm4, s13, v12;
	s12 =	sshra.s32 s18, $0x7;
	v10 =	vsel vm13, s7, v10  }
0xf3: {  	s15 =	sshra.s32 s19, $0x7;
	s14 =	sshra.s32 s14, $0x1F;
	s13 =	sshra.s32 s24, $0x7;
	v12 =	vsel vm5, s26, v12;
	v13 =	vsel vm1, s12, v13;
	v10 =	vsel vm5, s11, v10  }
0xf4: {  	s17 =	sshra.s32 s22, $0x7;
	v14 =	vsel vm1, s13, v14;
	s29 =	sshrl.u32 s1, $0x1F;
	s18 =	sshra.s32 s1, $0x7;
	v13 =	vsel vm2, s15, v13;
	v10 =	vsel vm14, s14, v10  }
0xf5: {  	s19 =	sshrl.u32 s23, $0x1F;
	v14 =	vsel vm2, s17, v14;
	s20 =	sshra.s32 s1, $0x1F;
	v12 =	vsel vm6, s29, v12;
	v10 =	vsel vm6, s18, v10  }
0xf6: {  	s21 =	sshra.s32 s23, $0x7;
	v13 =	vcombine.low v14, v13;
	v12 =	vsel vm7, s19, v12;
	v10 =	vsel vm15, s20, v10  }
0xf7: {  	v11 =	vperm.xlane v11, v1;
	v12 =	vperm.xlane v12, v2;
	v10 =	vsel vm7, s21, v10  }
0xf8: {  	v13 =	vperm.xlane v13, v1;
	v10 =	vperm.xlane v10, v2;
	_ =	sdelay $0x1  }
0xf9: {  	v11 =	vsel vm8, v12, v11;
	v10 =	vsel vm8, v10, v13  }
0xfa: {  	v10 =	vadd.s32 v11, v10  }
0xfb: {  	v11 =	vshll.u32 v10, $0x4  }
0xfc: {  	v11 =	vadd.s32 v5, v11  }
0xfd: {  	v10 =	vmul.u32 $0xFFFFF830, v10;
	_ =	sdelay $0x1  }
0xfe: {  	v9 =	vadd.s32 v9, v10  }
0xff: {  	[tilespmem:$0x210] =	vst v9  }
0x100: {  	[tilespmem:v11+s10+$0x0] =	vst.idx.msk $0xffff, v4  }
0x101: {  	v9 =	vld [tilespmem:$0x120];
	_ =	sdelay $0x4  }
0x102: {  	(v2sf) =	vpush v9, $0xD;
	_ =	sdelay $0x1  }
0x103: {  	(v2sf) =	vpush v9, $0xC;
	_ =	sdelay $0x1  }
0x104: {  	(v2sf) =	vpush v9, $0xE;
	_ =	sdelay $0x1  }
0x105: {  	(v2sf) =	vpush v9, $0xF;
	_ =	sdelay $0x1  }
0x106: {  	(v2sf) =	vpush v9, $0x9;
	_ =	sdelay $0x1  }
0x107: {  	(v2sf) =	vpush v9, $0x8;
	_ =	sdelay $0x1  }
0x108: {  	(v2sf) =	vpush v9, $0xA;
	_ =	sdelay $0x1  }
0x109: {  	(v2sf) =	vpush v9, $0xB  }
0x10a: {  	s22 =	spop (v2sf)  }
0x10b: {  	(v2sf) =	vpush v9, $0x0;
	s23 =	smulhi.u32 $0x10624DD3, s22;
	s0 =	sshra.s32 s22, $0x1F  }
0x10c: {  	(v2sf) =	vpush v9, $0x1;
	s24 =	spop (v2sf);
	s0 =	smul.u32 $0x10624DD3, s0  }
0x10d: {  	(v2sf) =	vpush v9, $0x2;
	s25 =	smulhi.u32 $0x10624DD3, s24;
	s2 =	sshra.s32 s24, $0x1F  }
0x10e: {  	s26 =	spop (v2sf);
	(v2sf) =	vpush v9, $0x3;
	s2 =	smul.u32 $0x10624DD3, s2  }
0x10f: {  	s28 =	smulhi.u32 $0x10624DD3, s26;
	s5 =	sshra.s32 s26, $0x1F;
	(v2sf) =	vpush v9, $0x4  }
0x110: {  	s29 =	spop (v2sf);
	s5 =	smul.u32 $0x10624DD3, s5;
	(v2sf) =	vpush v9, $0x5  }
0x111: {  	s30 =	smulhi.u32 $0x10624DD3, s29;
	s7 =	sshra.s32 s29, $0x1F;
	(v2sf) =	vpush v9, $0x6  }
0x112: {  	s17 =	sadd.s32 s0, s23;
	s9 =	spop (v2sf);
	s1 =	smul.u32 $0x10624DD3, s7;
	(v2sf) =	vpush v9, $0x7  }
0x113: {  	s8 =	sshrl.u32 s17, $0x1F;
	s11 =	smulhi.u32 $0x10624DD3, s9;
	s12 =	sshra.s32 s9, $0x1F  }
0x114: {  	s20 =	sadd.s32 s2, s25;
	s14 =	spop (v2sf);
	s13 =	smul.u32 $0x10624DD3, s12  }
0x115: {  	s7 =	sshrl.u32 s20, $0x1F;
	s15 =	smulhi.u32 $0x10624DD3, s14;
	s22 =	sshra.s32 s14, $0x1F  }
0x116: {  	s18 =	sadd.s32 s5, s28;
	s23 =	spop (v2sf);
	s6 =	smul.u32 $0x10624DD3, s22  }
0x117: {  	s2 =	sshrl.u32 s18, $0x1F;
	s0 =	smulhi.u32 $0x10624DD3, s23;
	s24 =	sshra.s32 s23, $0x1F  }
0x118: {  	s19 =	sadd.s32 s1, s30;
	s25 =	spop (v2sf);
	s1 =	smul.u32 $0x10624DD3, s24  }
0x119: {  	s9 =	sshrl.u32 s19, $0x1F;
	s3 =	smulhi.u32 $0x10624DD3, s25;
	s26 =	sshra.s32 s25, $0x1F  }
0x11a: {  	s21 =	sadd.s32 s13, s11;
	s28 =	spop (v2sf);
	s11 =	smul.u32 $0x10624DD3, s26  }
0x11b: {  	s13 =	smulhi.u32 $0x10624DD3, s28;
	s12 =	sshra.s32 s28, $0x1F;
	s29 =	spop (v2sf)  }
0x11c: {  	s14 =	sshrl.u32 s21, $0x1F;
	s5 =	smul.u32 $0x10624DD3, s12;
	s30 =	spop (v2sf)  }
0x11d: {  	s12 =	smulhi.u32 $0x10624DD3, s29;
	s22 =	sshra.s32 s29, $0x1F;
	s23 =	spop (v2sf)  }
0x11e: {  	s15 =	sadd.s32 s6, s15;
	s26 =	smul.u32 $0x10624DD3, s22;
	s28 =	spop (v2sf)  }
0x11f: {  	s29 =	smulhi.u32 $0x10624DD3, s30;
	s6 =	sshra.s32 s30, $0x1F;
	s30 =	spop (v2sf)  }
0x120: {  	s24 =	sadd.s32 s1, s0;
	s0 =	smul.u32 $0x10624DD3, s6;
	s1 =	spop (v2sf)  }
0x121: {  	s22 =	sadd.s32 s11, s3;
	s3 =	smulhi.u32 $0x10624DD3, s23;
	s6 =	spop (v2sf)  }
0x122: {  	s25 =	sshrl.u32 s15, $0x1F;
	s11 =	smulhi.u32 $0x10624DD3, s6;
	s6 =	sshra.s32 s6, $0x1F  }
0x123: {  	s5 =	sadd.s32 s5, s13;
	s23 =	sshra.s32 s23, $0x1F;
	s6 =	smul.u32 $0x10624DD3, s6  }
0x124: {  	s12 =	sadd.s32 s26, s12;
	s26 =	sshrl.u32 s24, $0x1F;
	s13 =	smul.u32 $0x10624DD3, s23  }
0x125: {  	v11 =	vmov s7;
	s31 =	sshra.s32 s5, $0x7;
	s0 =	sadd.s32 s0, s29;
	s23 =	sadd.s32 s6, s11  }
0x126: {  	v11 =	vsel vm0, s8, v11;
	s8 =	sshra.s32 s30, $0x1F;
	s3 =	sadd.s32 s13, s3;
	s13 =	sshra.s32 s23, $0x1F  }
0x127: {  	v11 =	vsel vm1, s2, v11;
	s29 =	sshrl.u32 s22, $0x1F;
	s8 =	smul.u32 $0x10624DD3, s8;
	s2 =	sshrl.u32 s3, $0x1F;
	v10 =	vmov s13  }
0x128: {  	s6 =	sshrl.u32 s5, $0x1F;
	s11 =	smulhi.u32 $0x10624DD3, s28;
	s5 =	sshra.s32 s5, $0x1F;
	v10 =	vsel vm3, s31, v10  }
0x129: {  	v50 =	vmov s25;
	s25 =	sshra.s32 s3, $0x7;
	v49 =	vmov s6;
	s6 =	smulhi.u32 $0x10624DD3, s30;
	s30 =	sshra.s32 s12, $0x7;
	v10 =	vsel vm9, s5, v10  }
0x12a: {  	s13 =	sshra.s32 s28, $0x1F;
	s28 =	sshrl.u32 s12, $0x1F;
	s12 =	sshra.s32 s12, $0x1F;
	v10 =	vsel vm0, s30, v10  }
0x12b: {  	v11 =	vsel vm2, s9, v11;
	v13 =	vsel vm0, s14, v50;
	s7 =	smul.u32 $0x10624DD3, s13;
	s13 =	sshrl.u32 s0, $0x1F;
	v10 =	vsel vm10, s12, v10;
	s12 =	sshra.s32 s0, $0x7  }
0x12c: {  	v13 =	vsel vm1, s26, v13;
	v12 =	vnsel vm3, $0x0, v49;
	s30 =	smulhi.u32 $0x10624DD3, s1;
	s1 =	sshra.s32 s1, $0x1F;
	s0 =	sshra.s32 s0, $0x1F;
	v10 =	vsel vm1, s12, v10  }
0x12d: {  	v13 =	vsel vm2, s29, v13;
	v12 =	vsel vm0, s28, v12;
	s14 =	sadd.s32 s8, s6;
	s28 =	sshra.s32 s3, $0x1F;
	s1 =	smul.u32 $0x10624DD3, s1;
	v10 =	vsel vm11, s0, v10  }
0x12e: {  	v11 =	vcombine.low v13, v11;
	s3 =	sshra.s32 s20, $0x7;
	s6 =	sshra.s32 s15, $0x7;
	v12 =	vsel vm1, s13, v12;
	s7 =	sadd.s32 s7, s11;
	v10 =	vsel vm2, s25, v10  }
0x12f: {  	s8 =	sshra.s32 s17, $0x7;
	v51 =	vmov s3;
	v52 =	vmov s6;
	s1 =	sadd.s32 s1, s30;
	s30 =	sshra.s32 s7, $0x7;
	v10 =	vsel vm12, s28, v10  }
0x130: {  	s9 =	sshra.s32 s21, $0x7;
	v12 =	vsel vm2, s2, v12;
	v13 =	vsel vm0, s8, v51;
	s13 =	sshrl.u32 s7, $0x1F;
	s7 =	sshra.s32 s7, $0x1F;
	v10 =	vsel vm4, s30, v10  }
0x131: {  	s26 =	sshrl.u32 s14, $0x1F;
	s11 =	sshra.s32 s14, $0x7;
	v14 =	vsel vm0, s9, v52;
	v12 =	vsel vm4, s13, v12;
	s12 =	sshra.s32 s18, $0x7;
	v10 =	vsel vm13, s7, v10  }
0x132: {  	s15 =	sshra.s32 s19, $0x7;
	s14 =	sshra.s32 s14, $0x1F;
	s13 =	sshra.s32 s24, $0x7;
	v12 =	vsel vm5, s26, v12;
	v13 =	vsel vm1, s12, v13;
	v10 =	vsel vm5, s11, v10  }
0x133: {  	s17 =	sshra.s32 s22, $0x7;
	v14 =	vsel vm1, s13, v14;
	s29 =	sshrl.u32 s1, $0x1F;
	s18 =	sshra.s32 s1, $0x7;
	v13 =	vsel vm2, s15, v13;
	v10 =	vsel vm14, s14, v10  }
0x134: {  	s19 =	sshrl.u32 s23, $0x1F;
	v14 =	vsel vm2, s17, v14;
	s20 =	sshra.s32 s1, $0x1F;
	v12 =	vsel vm6, s29, v12;
	v10 =	vsel vm6, s18, v10  }
0x135: {  	s21 =	sshra.s32 s23, $0x7;
	v13 =	vcombine.low v14, v13;
	v12 =	vsel vm7, s19, v12;
	v10 =	vsel vm15, s20, v10  }
0x136: {  	v11 =	vperm.xlane v11, v1;
	v12 =	vperm.xlane v12, v2;
	v10 =	vsel vm7, s21, v10  }
0x137: {  	v13 =	vperm.xlane v13, v1;
	v10 =	vperm.xlane v10, v2;
	_ =	sdelay $0x1  }
0x138: {  	v11 =	vsel vm8, v12, v11;
	v10 =	vsel vm8, v10, v13  }
0x139: {  	v10 =	vadd.s32 v11, v10  }
0x13a: {  	v11 =	vshll.u32 v10, $0x4  }
0x13b: {  	v11 =	vadd.s32 v6, v11  }
0x13c: {  	v10 =	vmul.u32 $0xFFFFF830, v10;
	_ =	sdelay $0x1  }
0x13d: {  	v9 =	vadd.s32 v9, v10  }
0x13e: {  	[tilespmem:$0x220] =	vst v9  }
0x13f: {  	[tilespmem:v11+s10+$0x0] =	vst.idx.msk $0xffff, v4  }
0x140: {  	v9 =	vld [tilespmem:$0x130];
	_ =	sdelay $0x4  }
0x141: {  	(v2sf) =	vpush v9, $0xD;
	_ =	sdelay $0x1  }
0x142: {  	(v2sf) =	vpush v9, $0xC;
	_ =	sdelay $0x1  }
0x143: {  	(v2sf) =	vpush v9, $0xE;
	_ =	sdelay $0x1  }
0x144: {  	(v2sf) =	vpush v9, $0xF;
	_ =	sdelay $0x1  }
0x145: {  	(v2sf) =	vpush v9, $0x9;
	_ =	sdelay $0x1  }
0x146: {  	(v2sf) =	vpush v9, $0x8;
	_ =	sdelay $0x1  }
0x147: {  	(v2sf) =	vpush v9, $0xA;
	_ =	sdelay $0x1  }
0x148: {  	(v2sf) =	vpush v9, $0xB  }
0x149: {  	s22 =	spop (v2sf)  }
0x14a: {  	(v2sf) =	vpush v9, $0x0;
	s23 =	smulhi.u32 $0x10624DD3, s22;
	s0 =	sshra.s32 s22, $0x1F  }
0x14b: {  	(v2sf) =	vpush v9, $0x1;
	s24 =	spop (v2sf);
	s0 =	smul.u32 $0x10624DD3, s0  }
0x14c: {  	(v2sf) =	vpush v9, $0x2;
	s25 =	smulhi.u32 $0x10624DD3, s24;
	s2 =	sshra.s32 s24, $0x1F  }
0x14d: {  	s26 =	spop (v2sf);
	(v2sf) =	vpush v9, $0x3;
	s2 =	smul.u32 $0x10624DD3, s2  }
0x14e: {  	s28 =	smulhi.u32 $0x10624DD3, s26;
	s5 =	sshra.s32 s26, $0x1F;
	(v2sf) =	vpush v9, $0x4  }
0x14f: {  	s29 =	spop (v2sf);
	s5 =	smul.u32 $0x10624DD3, s5;
	(v2sf) =	vpush v9, $0x5  }
0x150: {  	s30 =	smulhi.u32 $0x10624DD3, s29;
	s7 =	sshra.s32 s29, $0x1F;
	(v2sf) =	vpush v9, $0x6  }
0x151: {  	s17 =	sadd.s32 s0, s23;
	s9 =	spop (v2sf);
	s1 =	smul.u32 $0x10624DD3, s7;
	(v2sf) =	vpush v9, $0x7  }
0x152: {  	s8 =	sshrl.u32 s17, $0x1F;
	s11 =	smulhi.u32 $0x10624DD3, s9;
	s12 =	sshra.s32 s9, $0x1F  }
0x153: {  	s20 =	sadd.s32 s2, s25;
	s14 =	spop (v2sf);
	s13 =	smul.u32 $0x10624DD3, s12  }
0x154: {  	s7 =	sshrl.u32 s20, $0x1F;
	s15 =	smulhi.u32 $0x10624DD3, s14;
	s22 =	sshra.s32 s14, $0x1F  }
0x155: {  	s18 =	sadd.s32 s5, s28;
	s23 =	spop (v2sf);
	s6 =	smul.u32 $0x10624DD3, s22  }
0x156: {  	s2 =	sshrl.u32 s18, $0x1F;
	s0 =	smulhi.u32 $0x10624DD3, s23;
	s24 =	sshra.s32 s23, $0x1F  }
0x157: {  	s19 =	sadd.s32 s1, s30;
	s25 =	spop (v2sf);
	s1 =	smul.u32 $0x10624DD3, s24  }
0x158: {  	s9 =	sshrl.u32 s19, $0x1F;
	s3 =	smulhi.u32 $0x10624DD3, s25;
	s26 =	sshra.s32 s25, $0x1F  }
0x159: {  	s21 =	sadd.s32 s13, s11;
	s28 =	spop (v2sf);
	s11 =	smul.u32 $0x10624DD3, s26  }
0x15a: {  	s13 =	smulhi.u32 $0x10624DD3, s28;
	s12 =	sshra.s32 s28, $0x1F;
	s29 =	spop (v2sf)  }
0x15b: {  	s14 =	sshrl.u32 s21, $0x1F;
	s5 =	smul.u32 $0x10624DD3, s12;
	s30 =	spop (v2sf)  }
0x15c: {  	s12 =	smulhi.u32 $0x10624DD3, s29;
	s22 =	sshra.s32 s29, $0x1F;
	s23 =	spop (v2sf)  }
0x15d: {  	s15 =	sadd.s32 s6, s15;
	s26 =	smul.u32 $0x10624DD3, s22;
	s28 =	spop (v2sf)  }
0x15e: {  	s29 =	smulhi.u32 $0x10624DD3, s30;
	s6 =	sshra.s32 s30, $0x1F;
	s30 =	spop (v2sf)  }
0x15f: {  	s24 =	sadd.s32 s1, s0;
	s0 =	smul.u32 $0x10624DD3, s6;
	s1 =	spop (v2sf)  }
0x160: {  	s22 =	sadd.s32 s11, s3;
	s3 =	smulhi.u32 $0x10624DD3, s23;
	s6 =	spop (v2sf)  }
0x161: {  	s25 =	sshrl.u32 s15, $0x1F;
	s11 =	smulhi.u32 $0x10624DD3, s6;
	s6 =	sshra.s32 s6, $0x1F  }
0x162: {  	s5 =	sadd.s32 s5, s13;
	s23 =	sshra.s32 s23, $0x1F;
	s6 =	smul.u32 $0x10624DD3, s6  }
0x163: {  	s12 =	sadd.s32 s26, s12;
	s26 =	sshrl.u32 s24, $0x1F;
	s13 =	smul.u32 $0x10624DD3, s23  }
0x164: {  	v11 =	vmov s7;
	s31 =	sshra.s32 s5, $0x7;
	s0 =	sadd.s32 s0, s29;
	s23 =	sadd.s32 s6, s11  }
0x165: {  	v11 =	vsel vm0, s8, v11;
	s8 =	sshra.s32 s30, $0x1F;
	s3 =	sadd.s32 s13, s3;
	s13 =	sshra.s32 s23, $0x1F  }
0x166: {  	v11 =	vsel vm1, s2, v11;
	s29 =	sshrl.u32 s22, $0x1F;
	s8 =	smul.u32 $0x10624DD3, s8;
	s2 =	sshrl.u32 s3, $0x1F;
	v10 =	vmov s13  }
0x167: {  	s6 =	sshrl.u32 s5, $0x1F;
	s11 =	smulhi.u32 $0x10624DD3, s28;
	s5 =	sshra.s32 s5, $0x1F;
	v10 =	vsel vm3, s31, v10  }
0x168: {  	v54 =	vmov s25;
	s25 =	sshra.s32 s3, $0x7;
	v53 =	vmov s6;
	s6 =	smulhi.u32 $0x10624DD3, s30;
	s30 =	sshra.s32 s12, $0x7;
	v10 =	vsel vm9, s5, v10  }
0x169: {  	s13 =	sshra.s32 s28, $0x1F;
	s28 =	sshrl.u32 s12, $0x1F;
	s12 =	sshra.s32 s12, $0x1F;
	v10 =	vsel vm0, s30, v10  }
0x16a: {  	v11 =	vsel vm2, s9, v11;
	v13 =	vsel vm0, s14, v54;
	s7 =	smul.u32 $0x10624DD3, s13;
	s13 =	sshrl.u32 s0, $0x1F;
	v10 =	vsel vm10, s12, v10;
	s12 =	sshra.s32 s0, $0x7  }
0x16b: {  	v13 =	vsel vm1, s26, v13;
	v12 =	vnsel vm3, $0x0, v53;
	s30 =	smulhi.u32 $0x10624DD3, s1;
	s1 =	sshra.s32 s1, $0x1F;
	s0 =	sshra.s32 s0, $0x1F;
	v10 =	vsel vm1, s12, v10  }
0x16c: {  	v13 =	vsel vm2, s29, v13;
	v12 =	vsel vm0, s28, v12;
	s14 =	sadd.s32 s8, s6;
	s28 =	sshra.s32 s3, $0x1F;
	s1 =	smul.u32 $0x10624DD3, s1;
	v10 =	vsel vm11, s0, v10  }
0x16d: {  	v11 =	vcombine.low v13, v11;
	s3 =	sshra.s32 s20, $0x7;
	s6 =	sshra.s32 s15, $0x7;
	v12 =	vsel vm1, s13, v12;
	s7 =	sadd.s32 s7, s11;
	v10 =	vsel vm2, s25, v10  }
0x16e: {  	s8 =	sshra.s32 s17, $0x7;
	v55 =	vmov s3;
	v56 =	vmov s6;
	s1 =	sadd.s32 s1, s30;
	s30 =	sshra.s32 s7, $0x7;
	v10 =	vsel vm12, s28, v10  }
0x16f: {  	s9 =	sshra.s32 s21, $0x7;
	v12 =	vsel vm2, s2, v12;
	v13 =	vsel vm0, s8, v55;
	s13 =	sshrl.u32 s7, $0x1F;
	s7 =	sshra.s32 s7, $0x1F;
	v10 =	vsel vm4, s30, v10  }
0x170: {  	s26 =	sshrl.u32 s14, $0x1F;
	s11 =	sshra.s32 s14, $0x7;
	v14 =	vsel vm0, s9, v56;
	v12 =	vsel vm4, s13, v12;
	s12 =	sshra.s32 s18, $0x7;
	v10 =	vsel vm13, s7, v10  }
0x171: {  	s15 =	sshra.s32 s19, $0x7;
	s14 =	sshra.s32 s14, $0x1F;
	s13 =	sshra.s32 s24, $0x7;
	v12 =	vsel vm5, s26, v12;
	v13 =	vsel vm1, s12, v13;
	v10 =	vsel vm5, s11, v10  }
0x172: {  	s17 =	sshra.s32 s22, $0x7;
	v14 =	vsel vm1, s13, v14;
	s29 =	sshrl.u32 s1, $0x1F;
	s18 =	sshra.s32 s1, $0x7;
	v13 =	vsel vm2, s15, v13;
	v10 =	vsel vm14, s14, v10  }
0x173: {  	s19 =	sshrl.u32 s23, $0x1F;
	v14 =	vsel vm2, s17, v14;
	s20 =	sshra.s32 s1, $0x1F;
	v12 =	vsel vm6, s29, v12;
	v10 =	vsel vm6, s18, v10  }
0x174: {  	s21 =	sshra.s32 s23, $0x7;
	v13 =	vcombine.low v14, v13;
	v12 =	vsel vm7, s19, v12;
	v10 =	vsel vm15, s20, v10  }
0x175: {  	v11 =	vperm.xlane v11, v1;
	v12 =	vperm.xlane v12, v2;
	v10 =	vsel vm7, s21, v10  }
0x176: {  	v13 =	vperm.xlane v13, v1;
	v10 =	vperm.xlane v10, v2;
	_ =	sdelay $0x1  }
0x177: {  	v11 =	vsel vm8, v12, v11;
	v10 =	vsel vm8, v10, v13  }
0x178: {  	v10 =	vadd.s32 v11, v10  }
0x179: {  	v11 =	vshll.u32 v10, $0x4  }
0x17a: {  	v11 =	vadd.s32 v7, v11  }
0x17b: {  	v10 =	vmul.u32 $0xFFFFF830, v10;
	_ =	sdelay $0x1  }
0x17c: {  	v9 =	vadd.s32 v9, v10  }
0x17d: {  	[tilespmem:$0x230] =	vst v9  }
0x17e: {  	[tilespmem:v11+s10+$0x0] =	vst.idx.msk $0xffff, v4  }
0x17f: {  	v9 =	vld [tilespmem:$0x140];
	_ =	sdelay $0x4  }
0x180: {  	(v2sf) =	vpush v9, $0xD;
	_ =	sdelay $0x1  }
0x181: {  	(v2sf) =	vpush v9, $0xC;
	_ =	sdelay $0x1  }
0x182: {  	(v2sf) =	vpush v9, $0xE;
	_ =	sdelay $0x1  }
0x183: {  	(v2sf) =	vpush v9, $0xF;
	_ =	sdelay $0x1  }
0x184: {  	(v2sf) =	vpush v9, $0x9;
	_ =	sdelay $0x1  }
0x185: {  	(v2sf) =	vpush v9, $0x8;
	_ =	sdelay $0x1  }
0x186: {  	(v2sf) =	vpush v9, $0xA;
	_ =	sdelay $0x1  }
0x187: {  	(v2sf) =	vpush v9, $0xB  }
0x188: {  	s22 =	spop (v2sf)  }
0x189: {  	(v2sf) =	vpush v9, $0x0;
	s23 =	smulhi.u32 $0x10624DD3, s22;
	s0 =	sshra.s32 s22, $0x1F  }
0x18a: {  	(v2sf) =	vpush v9, $0x1;
	s24 =	spop (v2sf);
	s0 =	smul.u32 $0x10624DD3, s0  }
0x18b: {  	(v2sf) =	vpush v9, $0x2;
	s25 =	smulhi.u32 $0x10624DD3, s24;
	s2 =	sshra.s32 s24, $0x1F  }
0x18c: {  	s26 =	spop (v2sf);
	(v2sf) =	vpush v9, $0x3;
	s2 =	smul.u32 $0x10624DD3, s2  }
0x18d: {  	s28 =	smulhi.u32 $0x10624DD3, s26;
	s5 =	sshra.s32 s26, $0x1F;
	(v2sf) =	vpush v9, $0x4  }
0x18e: {  	s29 =	spop (v2sf);
	s5 =	smul.u32 $0x10624DD3, s5;
	(v2sf) =	vpush v9, $0x5  }
0x18f: {  	s17 =	sadd.s32 s0, s23;
	s30 =	smulhi.u32 $0x10624DD3, s29;
	s7 =	sshra.s32 s29, $0x1F;
	(v2sf) =	vpush v9, $0x6  }
0x190: {  	s9 =	spop (v2sf);
	s8 =	sshrl.u32 s17, $0x1F;
	s1 =	smul.u32 $0x10624DD3, s7;
	(v2sf) =	vpush v9, $0x7  }
0x191: {  	s20 =	sadd.s32 s2, s25;
	s11 =	smulhi.u32 $0x10624DD3, s9;
	s12 =	sshra.s32 s9, $0x1F  }
0x192: {  	s14 =	spop (v2sf);
	s7 =	sshrl.u32 s20, $0x1F;
	s13 =	smul.u32 $0x10624DD3, s12  }
0x193: {  	s18 =	sadd.s32 s5, s28;
	s15 =	smulhi.u32 $0x10624DD3, s14;
	s22 =	sshra.s32 s14, $0x1F  }
0x194: {  	s23 =	spop (v2sf);
	s2 =	sshrl.u32 s18, $0x1F;
	s6 =	smul.u32 $0x10624DD3, s22  }
0x195: {  	s19 =	sadd.s32 s1, s30;
	s0 =	smulhi.u32 $0x10624DD3, s23;
	s24 =	sshra.s32 s23, $0x1F  }
0x196: {  	s25 =	spop (v2sf);
	s9 =	sshrl.u32 s19, $0x1F;
	s1 =	smul.u32 $0x10624DD3, s24  }
0x197: {  	s21 =	sadd.s32 s13, s11;
	s3 =	smulhi.u32 $0x10624DD3, s25;
	s26 =	sshra.s32 s25, $0x1F  }
0x198: {  	s28 =	spop (v2sf);
	s14 =	sshrl.u32 s21, $0x1F;
	s11 =	smul.u32 $0x10624DD3, s26  }
0x199: {  	s13 =	smulhi.u32 $0x10624DD3, s28;
	s12 =	sshra.s32 s28, $0x1F;
	s29 =	spop (v2sf)  }
0x19a: {  	s15 =	sadd.s32 s6, s15;
	s5 =	smul.u32 $0x10624DD3, s12;
	s30 =	spop (v2sf)  }
0x19b: {  	s12 =	smulhi.u32 $0x10624DD3, s29;
	s22 =	sshra.s32 s29, $0x1F;
	s23 =	spop (v2sf)  }
0x19c: {  	s25 =	sshrl.u32 s15, $0x1F;
	s26 =	smul.u32 $0x10624DD3, s22;
	s28 =	spop (v2sf)  }
0x19d: {  	s29 =	smulhi.u32 $0x10624DD3, s30;
	s6 =	sshra.s32 s30, $0x1F;
	s30 =	spop (v2sf)  }
0x19e: {  	s24 =	sadd.s32 s1, s0;
	s0 =	smul.u32 $0x10624DD3, s6;
	s1 =	spop (v2sf)  }
0x19f: {  	s22 =	sadd.s32 s11, s3;
	s3 =	smulhi.u32 $0x10624DD3, s23;
	s6 =	spop (v2sf)  }
0x1a0: {  	v58 =	vmov s25;
	s25 =	sshra.s32 s20, $0x7;
	s11 =	smulhi.u32 $0x10624DD3, s6;
	s6 =	sshra.s32 s6, $0x1F  }
0x1a1: {  	s5 =	sadd.s32 s5, s13;
	s23 =	sshra.s32 s23, $0x1F;
	s6 =	smul.u32 $0x10624DD3, s6  }
0x1a2: {  	v13 =	vsel vm0, s14, v58;
	s12 =	sadd.s32 s26, s12;
	s26 =	sshrl.u32 s24, $0x1F;
	s13 =	smul.u32 $0x10624DD3, s23  }
0x1a3: {  	v11 =	vmov s7;
	s31 =	sshra.s32 s5, $0x7;
	v13 =	vsel vm1, s26, v13;
	s26 =	sshra.s32 s15, $0x7;
	s23 =	sadd.s32 s6, s11  }
0x1a4: {  	v11 =	vsel vm0, s8, v11;
	s8 =	sshra.s32 s30, $0x1F;
	s3 =	sadd.s32 s13, s3;
	s13 =	sshra.s32 s23, $0x1F  }
0x1a5: {  	s0 =	sadd.s32 s0, s29;
	s29 =	sshrl.u32 s22, $0x1F;
	s8 =	smul.u32 $0x10624DD3, s8;
	v10 =	vmov s13  }
0x1a6: {  	s6 =	sshrl.u32 s5, $0x1F;
	s11 =	smulhi.u32 $0x10624DD3, s28;
	s5 =	sshra.s32 s5, $0x1F;
	v10 =	vsel vm3, s31, v10  }
0x1a7: {  	v57 =	vmov s6;
	s6 =	smulhi.u32 $0x10624DD3, s30;
	s30 =	sshra.s32 s12, $0x7;
	s13 =	sshra.s32 s28, $0x1F;
	v10 =	vsel vm9, s5, v10  }
0x1a8: {  	s28 =	sshrl.u32 s12, $0x1F;
	v12 =	vnsel vm3, $0x0, v57;
	s7 =	smul.u32 $0x10624DD3, s13;
	v10 =	vsel vm0, s30, v10;
	s30 =	sshra.s32 s12, $0x1F  }
0x1a9: {  	v12 =	vsel vm0, s28, v12;
	s28 =	sshra.s32 s0, $0x7;
	s12 =	smulhi.u32 $0x10624DD3, s1;
	s1 =	sshra.s32 s1, $0x1F;
	v10 =	vsel vm10, s30, v10  }
0x1aa: {  	v11 =	vsel vm1, s2, v11;
	s13 =	sshrl.u32 s0, $0x1F;
	s0 =	sshra.s32 s0, $0x1F;
	s1 =	smul.u32 $0x10624DD3, s1;
	v10 =	vsel vm1, s28, v10  }
0x1ab: {  	v11 =	vsel vm2, s9, v11;
	v59 =	vmov s25;
	s2 =	sshrl.u32 s3, $0x1F;
	s5 =	sadd.s32 s8, s6;
	s8 =	sshra.s32 s3, $0x7;
	v10 =	vsel vm11, s0, v10  }
0x1ac: {  	v60 =	vmov s26;
	v12 =	vsel vm1, s13, v12;
	s7 =	sadd.s32 s7, s11;
	s1 =	sadd.s32 s1, s12;
	s12 =	sshra.s32 s3, $0x1F;
	v10 =	vsel vm2, s8, v10  }
0x1ad: {  	v13 =	vsel vm2, s29, v13;
	v12 =	vsel vm2, s2, v12;
	s30 =	sshrl.u32 s7, $0x1F;
	s14 =	sshra.s32 s7, $0x7;
	v10 =	vsel vm12, s12, v10  }
0x1ae: {  	s29 =	sshra.s32 s17, $0x7;
	v11 =	vcombine.low v13, v11;
	s11 =	sshrl.u32 s5, $0x1F;
	v12 =	vsel vm4, s30, v12;
	s28 =	sshra.s32 s7, $0x1F;
	v10 =	vsel vm4, s14, v10  }
0x1af: {  	v13 =	vsel vm0, s29, v59;
	s30 =	sshra.s32 s21, $0x7;
	s7 =	sshra.s32 s18, $0x7;
	v12 =	vsel vm5, s11, v12;
	s3 =	sshra.s32 s5, $0x7;
	v10 =	vsel vm13, s28, v10  }
0x1b0: {  	s9 =	sshra.s32 s5, $0x1F;
	v14 =	vsel vm0, s30, v60;
	v13 =	vsel vm1, s7, v13;
	s13 =	sshrl.u32 s1, $0x1F;
	s8 =	sshra.s32 s24, $0x7;
	v10 =	vsel vm5, s3, v10  }
0x1b1: {  	s11 =	sshra.s32 s19, $0x7;
	v12 =	vsel vm6, s13, v12;
	v14 =	vsel vm1, s8, v14;
	s12 =	sshra.s32 s22, $0x7;
	s13 =	sshra.s32 s1, $0x7;
	v10 =	vsel vm14, s9, v10  }
0x1b2: {  	v13 =	vsel vm2, s11, v13;
	s15 =	sshra.s32 s1, $0x1F;
	s14 =	sshrl.u32 s23, $0x1F;
	v14 =	vsel vm2, s12, v14;
	v10 =	vsel vm6, s13, v10  }
0x1b3: {  	s17 =	sshra.s32 s23, $0x7;
	v12 =	vsel vm7, s14, v12;
	v13 =	vcombine.low v14, v13;
	v10 =	vsel vm15, s15, v10  }
0x1b4: {  	v11 =	vperm.xlane v11, v1;
	v12 =	vperm.xlane v12, v2;
	v10 =	vsel vm7, s17, v10  }
0x1b5: {  	v13 =	vperm.xlane v13, v1;
	v10 =	vperm.xlane v10, v2;
	_ =	sdelay $0x1  }
0x1b6: {  	v11 =	vsel vm8, v12, v11;
	v10 =	vsel vm8, v10, v13  }
0x1b7: {  	v10 =	vadd.s32 v11, v10  }
0x1b8: {  	v11 =	vshll.u32 v10, $0x4  }
0x1b9: {  	v11 =	vadd.s32 v8, v11  }
0x1ba: {  	v10 =	vmul.u32 $0xFFFFF830, v10;
	_ =	sdelay $0x1  }
0x1bb: {  	v9 =	vadd.s32 v9, v10  }
0x1bc: {  	s20 =	simm.s32 $0x200;
	[tilespmem:$0x240] =	vst v9  }
0x1bd: {  	s18 =	simm.s32 $0x50;
	s21 =	simm.s32 $0x5;
	s19 =	rddreg [dreg:$0x4];
	[tilespmem:v11+s10+$0x0] =	vst.idx.msk $0xffff, v4  }
0x1be: {  	[spmem:s19] =	stream.indirect.scatter.add.f32 [tilespmem:s10], [sflag:$0x5], $0x80, s20, s18, $0xb8;
	[tilespmem:$0x1FA80] =	vst v63  }
0x1bf: {  	_ =	swait.ge [sflag:s21], $0x2800  }
0x1c0: {  	[sflag:s21] =	ssyncset.done $0x0  }
0x1c1: {  	[sflag:s21] =	ssyncadd.s32 $0xFFFFD800  }
0x1c2: {  	v9 =	vld [tilespmem:$0x100];
	_ =	sdelay $0x4  }
0x1c3: {  	(v2sf) =	vpush v9, $0xD;
	_ =	sdelay $0x1  }
0x1c4: {  	(v2sf) =	vpush v9, $0xC;
	_ =	sdelay $0x1  }
0x1c5: {  	(v2sf) =	vpush v9, $0xE;
	_ =	sdelay $0x1  }
0x1c6: {  	(v2sf) =	vpush v9, $0xF;
	_ =	sdelay $0x1  }
0x1c7: {  	(v2sf) =	vpush v9, $0x9;
	_ =	sdelay $0x1  }
0x1c8: {  	(v2sf) =	vpush v9, $0x8;
	_ =	sdelay $0x1  }
0x1c9: {  	(v2sf) =	vpush v9, $0xA;
	_ =	sdelay $0x1  }
0x1ca: {  	(v2sf) =	vpush v9, $0xB  }
0x1cb: {  	s22 =	spop (v2sf)  }
0x1cc: {  	(v2sf) =	vpush v9, $0x0;
	s23 =	smulhi.u32 $0x10624DD3, s22;
	s0 =	sshra.s32 s22, $0x1F  }
0x1cd: {  	(v2sf) =	vpush v9, $0x1;
	s24 =	spop (v2sf);
	s0 =	smul.u32 $0x10624DD3, s0  }
0x1ce: {  	(v2sf) =	vpush v9, $0x2;
	s25 =	smulhi.u32 $0x10624DD3, s24;
	s2 =	sshra.s32 s24, $0x1F  }
0x1cf: {  	s26 =	spop (v2sf);
	(v2sf) =	vpush v9, $0x3;
	s2 =	smul.u32 $0x10624DD3, s2  }
0x1d0: {  	s28 =	smulhi.u32 $0x10624DD3, s26;
	s5 =	sshra.s32 s26, $0x1F;
	(v2sf) =	vpush v9, $0x4  }
0x1d1: {  	s29 =	spop (v2sf);
	s5 =	smul.u32 $0x10624DD3, s5;
	(v2sf) =	vpush v9, $0x5  }
0x1d2: {  	s30 =	smulhi.u32 $0x10624DD3, s29;
	s7 =	sshra.s32 s29, $0x1F;
	(v2sf) =	vpush v9, $0x6  }
0x1d3: {  	s17 =	sadd.s32 s0, s23;
	s9 =	spop (v2sf);
	s1 =	smul.u32 $0x10624DD3, s7;
	(v2sf) =	vpush v9, $0x7  }
0x1d4: {  	s8 =	sshrl.u32 s17, $0x1F;
	s11 =	smulhi.u32 $0x10624DD3, s9;
	s12 =	sshra.s32 s9, $0x1F  }
0x1d5: {  	s20 =	sadd.s32 s2, s25;
	s14 =	spop (v2sf);
	s13 =	smul.u32 $0x10624DD3, s12  }
0x1d6: {  	s7 =	sshrl.u32 s20, $0x1F;
	s15 =	smulhi.u32 $0x10624DD3, s14;
	s22 =	sshra.s32 s14, $0x1F  }
0x1d7: {  	s18 =	sadd.s32 s5, s28;
	s23 =	spop (v2sf);
	s6 =	smul.u32 $0x10624DD3, s22  }
0x1d8: {  	s2 =	sshrl.u32 s18, $0x1F;
	s0 =	smulhi.u32 $0x10624DD3, s23;
	s24 =	sshra.s32 s23, $0x1F  }
0x1d9: {  	s19 =	sadd.s32 s1, s30;
	s25 =	spop (v2sf);
	s1 =	smul.u32 $0x10624DD3, s24  }
0x1da: {  	s9 =	sshrl.u32 s19, $0x1F;
	s3 =	smulhi.u32 $0x10624DD3, s25;
	s26 =	sshra.s32 s25, $0x1F  }
0x1db: {  	s21 =	sadd.s32 s13, s11;
	s28 =	spop (v2sf);
	s11 =	smul.u32 $0x10624DD3, s26  }
0x1dc: {  	s13 =	smulhi.u32 $0x10624DD3, s28;
	s12 =	sshra.s32 s28, $0x1F;
	s29 =	spop (v2sf)  }
0x1dd: {  	s14 =	sshrl.u32 s21, $0x1F;
	s5 =	smul.u32 $0x10624DD3, s12;
	s30 =	spop (v2sf)  }
0x1de: {  	s12 =	smulhi.u32 $0x10624DD3, s29;
	s22 =	sshra.s32 s29, $0x1F;
	s23 =	spop (v2sf)  }
0x1df: {  	s15 =	sadd.s32 s6, s15;
	s26 =	smul.u32 $0x10624DD3, s22;
	s28 =	spop (v2sf)  }
0x1e0: {  	s29 =	smulhi.u32 $0x10624DD3, s30;
	s6 =	sshra.s32 s30, $0x1F;
	s30 =	spop (v2sf)  }
0x1e1: {  	s24 =	sadd.s32 s1, s0;
	s0 =	smul.u32 $0x10624DD3, s6;
	s1 =	spop (v2sf)  }
0x1e2: {  	s22 =	sadd.s32 s11, s3;
	s3 =	smulhi.u32 $0x10624DD3, s23;
	s6 =	spop (v2sf)  }
0x1e3: {  	s25 =	sshrl.u32 s15, $0x1F;
	s11 =	smulhi.u32 $0x10624DD3, s6;
	s6 =	sshra.s32 s6, $0x1F  }
0x1e4: {  	s5 =	sadd.s32 s5, s13;
	s23 =	sshra.s32 s23, $0x1F;
	s6 =	smul.u32 $0x10624DD3, s6  }
0x1e5: {  	s12 =	sadd.s32 s26, s12;
	s26 =	sshrl.u32 s24, $0x1F;
	s13 =	smul.u32 $0x10624DD3, s23  }
0x1e6: {  	v10 =	vmov s7;
	s31 =	sshra.s32 s5, $0x7;
	s0 =	sadd.s32 s0, s29;
	s23 =	sadd.s32 s6, s11  }
0x1e7: {  	v10 =	vsel vm0, s8, v10;
	s8 =	sshra.s32 s30, $0x1F;
	s3 =	sadd.s32 s13, s3;
	s13 =	sshra.s32 s23, $0x1F  }
0x1e8: {  	v10 =	vsel vm1, s2, v10;
	s29 =	sshrl.u32 s22, $0x1F;
	s8 =	smul.u32 $0x10624DD3, s8;
	s2 =	sshrl.u32 s3, $0x1F;
	v9 =	vmov s13  }
0x1e9: {  	s6 =	sshrl.u32 s5, $0x1F;
	s11 =	smulhi.u32 $0x10624DD3, s28;
	s5 =	sshra.s32 s5, $0x1F;
	v9 =	vsel vm3, s31, v9  }
0x1ea: {  	v61 =	vmov s25;
	s25 =	sshra.s32 s3, $0x7;
	v11 =	vmov s6;
	s6 =	smulhi.u32 $0x10624DD3, s30;
	s30 =	sshra.s32 s12, $0x7;
	v9 =	vsel vm9, s5, v9  }
0x1eb: {  	s13 =	sshra.s32 s28, $0x1F;
	s28 =	sshrl.u32 s12, $0x1F;
	s12 =	sshra.s32 s12, $0x1F;
	v9 =	vsel vm0, s30, v9  }
0x1ec: {  	v10 =	vsel vm2, s9, v10;
	v12 =	vsel vm0, s14, v61;
	s7 =	smul.u32 $0x10624DD3, s13;
	s13 =	sshrl.u32 s0, $0x1F;
	v9 =	vsel vm10, s12, v9;
	s12 =	sshra.s32 s0, $0x7  }
0x1ed: {  	v12 =	vsel vm1, s26, v12;
	v11 =	vnsel vm3, $0x0, v11;
	s30 =	smulhi.u32 $0x10624DD3, s1;
	s1 =	sshra.s32 s1, $0x1F;
	s0 =	sshra.s32 s0, $0x1F;
	v9 =	vsel vm1, s12, v9  }
0x1ee: {  	v12 =	vsel vm2, s29, v12;
	v11 =	vsel vm0, s28, v11;
	s14 =	sadd.s32 s8, s6;
	s28 =	sshra.s32 s3, $0x1F;
	s1 =	smul.u32 $0x10624DD3, s1;
	v9 =	vsel vm11, s0, v9  }
0x1ef: {  	v10 =	vcombine.low v12, v10;
	s3 =	sshra.s32 s20, $0x7;
	s6 =	sshra.s32 s15, $0x7;
	v11 =	vsel vm1, s13, v11;
	s7 =	sadd.s32 s7, s11;
	v9 =	vsel vm2, s25, v9  }
0x1f0: {  	s8 =	sshra.s32 s17, $0x7;
	v62 =	vmov s3;
	v63 =	vmov s6;
	s1 =	sadd.s32 s1, s30;
	s30 =	sshra.s32 s7, $0x7;
	v9 =	vsel vm12, s28, v9  }
0x1f1: {  	s9 =	sshra.s32 s21, $0x7;
	v11 =	vsel vm2, s2, v11;
	v12 =	vsel vm0, s8, v62;
	s13 =	sshrl.u32 s7, $0x1F;
	s7 =	sshra.s32 s7, $0x1F;
	v9 =	vsel vm4, s30, v9  }
0x1f2: {  	s26 =	sshrl.u32 s14, $0x1F;
	s11 =	sshra.s32 s14, $0x7;
	v13 =	vsel vm0, s9, v63;
	v11 =	vsel vm4, s13, v11;
	s12 =	sshra.s32 s18, $0x7;
	v9 =	vsel vm13, s7, v9  }
0x1f3: {  	s15 =	sshra.s32 s19, $0x7;
	s14 =	sshra.s32 s14, $0x1F;
	s13 =	sshra.s32 s24, $0x7;
	v11 =	vsel vm5, s26, v11;
	v12 =	vsel vm1, s12, v12;
	v9 =	vsel vm5, s11, v9  }
0x1f4: {  	s17 =	sshra.s32 s22, $0x7;
	v13 =	vsel vm1, s13, v13;
	s29 =	sshrl.u32 s1, $0x1F;
	s18 =	sshra.s32 s1, $0x7;
	v12 =	vsel vm2, s15, v12;
	v9 =	vsel vm14, s14, v9  }
0x1f5: {  	s19 =	sshrl.u32 s23, $0x1F;
	v13 =	vsel vm2, s17, v13;
	s20 =	sshra.s32 s1, $0x1F;
	v11 =	vsel vm6, s29, v11;
	v9 =	vsel vm6, s18, v9  }
0x1f6: {  	s21 =	sshra.s32 s23, $0x7;
	v12 =	vcombine.low v13, v12;
	v11 =	vsel vm7, s19, v11;
	v9 =	vsel vm15, s20, v9  }
0x1f7: {  	v10 =	vperm.xlane v10, v1;
	v11 =	vperm.xlane v11, v2;
	v9 =	vsel vm7, s21, v9  }
0x1f8: {  	v12 =	vperm.xlane v12, v1;
	v9 =	vperm.xlane v9, v2;
	_ =	sdelay $0x1  }
0x1f9: {  	v10 =	vsel vm8, v11, v10;
	v9 =	vsel vm8, v9, v12  }
0x1fa: {  	v9 =	vadd.s32 v10, v9  }
0x1fb: {  	v9 =	vshll.u32 v9, $0x4  }
0x1fc: {  	v9 =	vadd.s32 v3, v9;
	_ =	sdelay $0x4  }
0x1fd: {  	[tilespmem:v9+s10+$0x0] =	vst.idx.msk $0xffff, v0  }
0x1fe: {  	v9 =	vld [tilespmem:$0x110];
	_ =	sdelay $0x4  }
0x1ff: {  	(v2sf) =	vpush v9, $0xD;
	_ =	sdelay $0x1  }
0x200: {  	(v2sf) =	vpush v9, $0xC;
	_ =	sdelay $0x1  }
0x201: {  	(v2sf) =	vpush v9, $0xE;
	_ =	sdelay $0x1  }
0x202: {  	(v2sf) =	vpush v9, $0xF;
	_ =	sdelay $0x1  }
0x203: {  	(v2sf) =	vpush v9, $0x9;
	_ =	sdelay $0x1  }
0x204: {  	(v2sf) =	vpush v9, $0x8;
	_ =	sdelay $0x1  }
0x205: {  	(v2sf) =	vpush v9, $0xA;
	_ =	sdelay $0x1  }
0x206: {  	(v2sf) =	vpush v9, $0xB  }
0x207: {  	s22 =	spop (v2sf)  }
0x208: {  	s23 =	smulhi.u32 $0x10624DD3, s22;
	s0 =	sshra.s32 s22, $0x1F;
	(v2sf) =	vpush v9, $0x0  }
0x209: {  	s0 =	smul.u32 $0x10624DD3, s0;
	s24 =	spop (v2sf);
	(v2sf) =	vpush v9, $0x1  }
0x20a: {  	s25 =	smulhi.u32 $0x10624DD3, s24;
	s2 =	sshra.s32 s24, $0x1F;
	(v2sf) =	vpush v9, $0x2  }
0x20b: {  	s26 =	spop (v2sf);
	s2 =	smul.u32 $0x10624DD3, s2;
	(v2sf) =	vpush v9, $0x3  }
0x20c: {  	s28 =	smulhi.u32 $0x10624DD3, s26;
	s5 =	sshra.s32 s26, $0x1F;
	(v2sf) =	vpush v9, $0x4  }
0x20d: {  	s29 =	spop (v2sf);
	s5 =	smul.u32 $0x10624DD3, s5;
	(v2sf) =	vpush v9, $0x5  }
0x20e: {  	s30 =	smulhi.u32 $0x10624DD3, s29;
	s7 =	sshra.s32 s29, $0x1F;
	(v2sf) =	vpush v9, $0x6  }
0x20f: {  	s17 =	sadd.s32 s0, s23;
	s9 =	spop (v2sf);
	s1 =	smul.u32 $0x10624DD3, s7;
	(v2sf) =	vpush v9, $0x7  }
0x210: {  	s8 =	sshrl.u32 s17, $0x1F;
	s11 =	smulhi.u32 $0x10624DD3, s9;
	s12 =	sshra.s32 s9, $0x1F  }
0x211: {  	s20 =	sadd.s32 s2, s25;
	s14 =	spop (v2sf);
	s13 =	smul.u32 $0x10624DD3, s12  }
0x212: {  	s7 =	sshrl.u32 s20, $0x1F;
	s15 =	smulhi.u32 $0x10624DD3, s14;
	s22 =	sshra.s32 s14, $0x1F  }
0x213: {  	s18 =	sadd.s32 s5, s28;
	s23 =	spop (v2sf);
	s6 =	smul.u32 $0x10624DD3, s22  }
0x214: {  	s2 =	sshrl.u32 s18, $0x1F;
	s0 =	smulhi.u32 $0x10624DD3, s23;
	s24 =	sshra.s32 s23, $0x1F  }
0x215: {  	s19 =	sadd.s32 s1, s30;
	s25 =	spop (v2sf);
	s1 =	smul.u32 $0x10624DD3, s24  }
0x216: {  	s9 =	sshrl.u32 s19, $0x1F;
	s3 =	smulhi.u32 $0x10624DD3, s25;
	s26 =	sshra.s32 s25, $0x1F  }
0x217: {  	s21 =	sadd.s32 s13, s11;
	s11 =	smul.u32 $0x10624DD3, s26;
	s28 =	spop (v2sf)  }
0x218: {  	s13 =	smulhi.u32 $0x10624DD3, s28;
	s12 =	sshra.s32 s28, $0x1F;
	s29 =	spop (v2sf)  }
0x219: {  	s14 =	sshrl.u32 s21, $0x1F;
	s5 =	smul.u32 $0x10624DD3, s12;
	s30 =	spop (v2sf)  }
0x21a: {  	s12 =	smulhi.u32 $0x10624DD3, s29;
	s22 =	sshra.s32 s29, $0x1F;
	s23 =	spop (v2sf)  }
0x21b: {  	s15 =	sadd.s32 s6, s15;
	s26 =	smul.u32 $0x10624DD3, s22;
	s28 =	spop (v2sf)  }
0x21c: {  	s29 =	smulhi.u32 $0x10624DD3, s30;
	s6 =	sshra.s32 s30, $0x1F;
	s30 =	spop (v2sf)  }
0x21d: {  	s24 =	sadd.s32 s1, s0;
	s0 =	smul.u32 $0x10624DD3, s6;
	s1 =	spop (v2sf)  }
0x21e: {  	s22 =	sadd.s32 s11, s3;
	s3 =	smulhi.u32 $0x10624DD3, s23;
	s6 =	spop (v2sf)  }
0x21f: {  	s25 =	sshrl.u32 s15, $0x1F;
	s11 =	smulhi.u32 $0x10624DD3, s6;
	s6 =	sshra.s32 s6, $0x1F  }
0x220: {  	s5 =	sadd.s32 s5, s13;
	s23 =	sshra.s32 s23, $0x1F;
	s6 =	smul.u32 $0x10624DD3, s6  }
0x221: {  	s12 =	sadd.s32 s26, s12;
	s26 =	sshrl.u32 s24, $0x1F;
	s13 =	smul.u32 $0x10624DD3, s23  }
0x222: {  	v10 =	vmov s7;
	s31 =	sshra.s32 s5, $0x7;
	s0 =	sadd.s32 s0, s29;
	s23 =	sadd.s32 s6, s11  }
0x223: {  	v10 =	vsel vm0, s8, v10;
	s8 =	sshra.s32 s30, $0x1F;
	s3 =	sadd.s32 s13, s3;
	s13 =	sshra.s32 s23, $0x1F  }
0x224: {  	v10 =	vsel vm1, s2, v10;
	s29 =	sshrl.u32 s22, $0x1F;
	s8 =	smul.u32 $0x10624DD3, s8;
	s2 =	sshrl.u32 s3, $0x1F;
	v9 =	vmov s13  }
0x225: {  	s6 =	sshrl.u32 s5, $0x1F;
	s11 =	smulhi.u32 $0x10624DD3, s28;
	s5 =	sshra.s32 s5, $0x1F;
	v9 =	vsel vm3, s31, v9  }
0x226: {  	v16 =	vmov s25;
	s25 =	sshra.s32 s3, $0x7;
	v11 =	vmov s6;
	s6 =	smulhi.u32 $0x10624DD3, s30;
	s30 =	sshra.s32 s12, $0x7;
	v9 =	vsel vm9, s5, v9  }
0x227: {  	s13 =	sshra.s32 s28, $0x1F;
	s28 =	sshrl.u32 s12, $0x1F;
	s12 =	sshra.s32 s12, $0x1F;
	v9 =	vsel vm0, s30, v9  }
0x228: {  	v10 =	vsel vm2, s9, v10;
	v12 =	vsel vm0, s14, v16;
	s7 =	smul.u32 $0x10624DD3, s13;
	s13 =	sshrl.u32 s0, $0x1F;
	v9 =	vsel vm10, s12, v9;
	s12 =	sshra.s32 s0, $0x7  }
0x229: {  	v12 =	vsel vm1, s26, v12;
	v11 =	vnsel vm3, $0x0, v11;
	s30 =	smulhi.u32 $0x10624DD3, s1;
	s1 =	sshra.s32 s1, $0x1F;
	s0 =	sshra.s32 s0, $0x1F;
	v9 =	vsel vm1, s12, v9  }
0x22a: {  	v12 =	vsel vm2, s29, v12;
	v11 =	vsel vm0, s28, v11;
	s14 =	sadd.s32 s8, s6;
	s28 =	sshra.s32 s3, $0x1F;
	s1 =	smul.u32 $0x10624DD3, s1;
	v9 =	vsel vm11, s0, v9  }
0x22b: {  	v10 =	vcombine.low v12, v10;
	s3 =	sshra.s32 s20, $0x7;
	s6 =	sshra.s32 s15, $0x7;
	v11 =	vsel vm1, s13, v11;
	s7 =	sadd.s32 s7, s11;
	v9 =	vsel vm2, s25, v9  }
0x22c: {  	s8 =	sshra.s32 s17, $0x7;
	v17 =	vmov s3;
	v18 =	vmov s6;
	s1 =	sadd.s32 s1, s30;
	s30 =	sshra.s32 s7, $0x7;
	v9 =	vsel vm12, s28, v9  }
0x22d: {  	s9 =	sshra.s32 s21, $0x7;
	v11 =	vsel vm2, s2, v11;
	v12 =	vsel vm0, s8, v17;
	s13 =	sshrl.u32 s7, $0x1F;
	s7 =	sshra.s32 s7, $0x1F;
	v9 =	vsel vm4, s30, v9  }
0x22e: {  	s26 =	sshrl.u32 s14, $0x1F;
	s11 =	sshra.s32 s14, $0x7;
	v13 =	vsel vm0, s9, v18;
	v11 =	vsel vm4, s13, v11;
	s12 =	sshra.s32 s18, $0x7;
	v9 =	vsel vm13, s7, v9  }
0x22f: {  	s15 =	sshra.s32 s19, $0x7;
	s14 =	sshra.s32 s14, $0x1F;
	s13 =	sshra.s32 s24, $0x7;
	v11 =	vsel vm5, s26, v11;
	v12 =	vsel vm1, s12, v12;
	v9 =	vsel vm5, s11, v9  }
0x230: {  	s17 =	sshra.s32 s22, $0x7;
	v13 =	vsel vm1, s13, v13;
	s29 =	sshrl.u32 s1, $0x1F;
	s18 =	sshra.s32 s1, $0x7;
	v12 =	vsel vm2, s15, v12;
	v9 =	vsel vm14, s14, v9  }
0x231: {  	s19 =	sshrl.u32 s23, $0x1F;
	v13 =	vsel vm2, s17, v13;
	s20 =	sshra.s32 s1, $0x1F;
	v11 =	vsel vm6, s29, v11;
	v9 =	vsel vm6, s18, v9  }
0x232: {  	s21 =	sshra.s32 s23, $0x7;
	v12 =	vcombine.low v13, v12;
	v11 =	vsel vm7, s19, v11;
	v9 =	vsel vm15, s20, v9  }
0x233: {  	v10 =	vperm.xlane v10, v1;
	v11 =	vperm.xlane v11, v2;
	v9 =	vsel vm7, s21, v9  }
0x234: {  	v12 =	vperm.xlane v12, v1;
	v9 =	vperm.xlane v9, v2;
	_ =	sdelay $0x1  }
0x235: {  	v10 =	vsel vm8, v11, v10;
	v9 =	vsel vm8, v9, v12  }
0x236: {  	v9 =	vadd.s32 v10, v9  }
0x237: {  	v9 =	vshll.u32 v9, $0x4  }
0x238: {  	v9 =	vadd.s32 v5, v9;
	_ =	sdelay $0x4  }
0x239: {  	[tilespmem:v9+s10+$0x0] =	vst.idx.msk $0xffff, v0  }
0x23a: {  	v9 =	vld [tilespmem:$0x120];
	_ =	sdelay $0x4  }
0x23b: {  	(v2sf) =	vpush v9, $0xD;
	_ =	sdelay $0x1  }
0x23c: {  	(v2sf) =	vpush v9, $0xC;
	_ =	sdelay $0x1  }
0x23d: {  	(v2sf) =	vpush v9, $0xE;
	_ =	sdelay $0x1  }
0x23e: {  	(v2sf) =	vpush v9, $0xF;
	_ =	sdelay $0x1  }
0x23f: {  	(v2sf) =	vpush v9, $0x9;
	_ =	sdelay $0x1  }
0x240: {  	(v2sf) =	vpush v9, $0x8;
	_ =	sdelay $0x1  }
0x241: {  	(v2sf) =	vpush v9, $0xA;
	_ =	sdelay $0x1  }
0x242: {  	(v2sf) =	vpush v9, $0xB  }
0x243: {  	s22 =	spop (v2sf)  }
0x244: {  	(v2sf) =	vpush v9, $0x0;
	s23 =	smulhi.u32 $0x10624DD3, s22;
	s0 =	sshra.s32 s22, $0x1F  }
0x245: {  	(v2sf) =	vpush v9, $0x1;
	s24 =	spop (v2sf);
	s0 =	smul.u32 $0x10624DD3, s0  }
0x246: {  	(v2sf) =	vpush v9, $0x2;
	s25 =	smulhi.u32 $0x10624DD3, s24;
	s2 =	sshra.s32 s24, $0x1F  }
0x247: {  	s26 =	spop (v2sf);
	(v2sf) =	vpush v9, $0x3;
	s2 =	smul.u32 $0x10624DD3, s2  }
0x248: {  	s28 =	smulhi.u32 $0x10624DD3, s26;
	s5 =	sshra.s32 s26, $0x1F;
	(v2sf) =	vpush v9, $0x4  }
0x249: {  	s29 =	spop (v2sf);
	s5 =	smul.u32 $0x10624DD3, s5;
	(v2sf) =	vpush v9, $0x5  }
0x24a: {  	s30 =	smulhi.u32 $0x10624DD3, s29;
	s7 =	sshra.s32 s29, $0x1F;
	(v2sf) =	vpush v9, $0x6  }
0x24b: {  	s17 =	sadd.s32 s0, s23;
	s9 =	spop (v2sf);
	s1 =	smul.u32 $0x10624DD3, s7;
	(v2sf) =	vpush v9, $0x7  }
0x24c: {  	s8 =	sshrl.u32 s17, $0x1F;
	s11 =	smulhi.u32 $0x10624DD3, s9;
	s12 =	sshra.s32 s9, $0x1F  }
0x24d: {  	s20 =	sadd.s32 s2, s25;
	s14 =	spop (v2sf);
	s13 =	smul.u32 $0x10624DD3, s12  }
0x24e: {  	s7 =	sshrl.u32 s20, $0x1F;
	s15 =	smulhi.u32 $0x10624DD3, s14;
	s22 =	sshra.s32 s14, $0x1F  }
0x24f: {  	s18 =	sadd.s32 s5, s28;
	s23 =	spop (v2sf);
	s6 =	smul.u32 $0x10624DD3, s22  }
0x250: {  	s2 =	sshrl.u32 s18, $0x1F;
	s0 =	smulhi.u32 $0x10624DD3, s23;
	s24 =	sshra.s32 s23, $0x1F  }
0x251: {  	s19 =	sadd.s32 s1, s30;
	s25 =	spop (v2sf);
	s1 =	smul.u32 $0x10624DD3, s24  }
0x252: {  	s9 =	sshrl.u32 s19, $0x1F;
	s3 =	smulhi.u32 $0x10624DD3, s25;
	s26 =	sshra.s32 s25, $0x1F  }
0x253: {  	s21 =	sadd.s32 s13, s11;
	s28 =	spop (v2sf);
	s11 =	smul.u32 $0x10624DD3, s26  }
0x254: {  	s13 =	smulhi.u32 $0x10624DD3, s28;
	s12 =	sshra.s32 s28, $0x1F;
	s29 =	spop (v2sf)  }
0x255: {  	s14 =	sshrl.u32 s21, $0x1F;
	s5 =	smul.u32 $0x10624DD3, s12;
	s30 =	spop (v2sf)  }
0x256: {  	s12 =	smulhi.u32 $0x10624DD3, s29;
	s22 =	sshra.s32 s29, $0x1F;
	s23 =	spop (v2sf)  }
0x257: {  	s15 =	sadd.s32 s6, s15;
	s26 =	smul.u32 $0x10624DD3, s22;
	s28 =	spop (v2sf)  }
0x258: {  	s29 =	smulhi.u32 $0x10624DD3, s30;
	s6 =	sshra.s32 s30, $0x1F;
	s30 =	spop (v2sf)  }
0x259: {  	s24 =	sadd.s32 s1, s0;
	s0 =	smul.u32 $0x10624DD3, s6;
	s1 =	spop (v2sf)  }
0x25a: {  	s22 =	sadd.s32 s11, s3;
	s3 =	smulhi.u32 $0x10624DD3, s23;
	s6 =	spop (v2sf)  }
0x25b: {  	s25 =	sshrl.u32 s15, $0x1F;
	s11 =	smulhi.u32 $0x10624DD3, s6;
	s6 =	sshra.s32 s6, $0x1F  }
0x25c: {  	s5 =	sadd.s32 s5, s13;
	s23 =	sshra.s32 s23, $0x1F;
	s6 =	smul.u32 $0x10624DD3, s6  }
0x25d: {  	s12 =	sadd.s32 s26, s12;
	s26 =	sshrl.u32 s24, $0x1F;
	s13 =	smul.u32 $0x10624DD3, s23  }
0x25e: {  	v10 =	vmov s7;
	s31 =	sshra.s32 s5, $0x7;
	s0 =	sadd.s32 s0, s29;
	s23 =	sadd.s32 s6, s11  }
0x25f: {  	v10 =	vsel vm0, s8, v10;
	s8 =	sshra.s32 s30, $0x1F;
	s3 =	sadd.s32 s13, s3;
	s13 =	sshra.s32 s23, $0x1F  }
0x260: {  	v10 =	vsel vm1, s2, v10;
	s29 =	sshrl.u32 s22, $0x1F;
	s8 =	smul.u32 $0x10624DD3, s8;
	s2 =	sshrl.u32 s3, $0x1F;
	v9 =	vmov s13  }
0x261: {  	s6 =	sshrl.u32 s5, $0x1F;
	s11 =	smulhi.u32 $0x10624DD3, s28;
	s5 =	sshra.s32 s5, $0x1F;
	v9 =	vsel vm3, s31, v9  }
0x262: {  	v19 =	vmov s25;
	s25 =	sshra.s32 s3, $0x7;
	v11 =	vmov s6;
	s6 =	smulhi.u32 $0x10624DD3, s30;
	s30 =	sshra.s32 s12, $0x7;
	v9 =	vsel vm9, s5, v9  }
0x263: {  	s13 =	sshra.s32 s28, $0x1F;
	s28 =	sshrl.u32 s12, $0x1F;
	s12 =	sshra.s32 s12, $0x1F;
	v9 =	vsel vm0, s30, v9  }
0x264: {  	v10 =	vsel vm2, s9, v10;
	v12 =	vsel vm0, s14, v19;
	s7 =	smul.u32 $0x10624DD3, s13;
	s13 =	sshrl.u32 s0, $0x1F;
	v9 =	vsel vm10, s12, v9;
	s12 =	sshra.s32 s0, $0x7  }
0x265: {  	v12 =	vsel vm1, s26, v12;
	v11 =	vnsel vm3, $0x0, v11;
	s30 =	smulhi.u32 $0x10624DD3, s1;
	s1 =	sshra.s32 s1, $0x1F;
	s0 =	sshra.s32 s0, $0x1F;
	v9 =	vsel vm1, s12, v9  }
0x266: {  	v12 =	vsel vm2, s29, v12;
	v11 =	vsel vm0, s28, v11;
	s14 =	sadd.s32 s8, s6;
	s28 =	sshra.s32 s3, $0x1F;
	s1 =	smul.u32 $0x10624DD3, s1;
	v9 =	vsel vm11, s0, v9  }
0x267: {  	v10 =	vcombine.low v12, v10;
	s3 =	sshra.s32 s20, $0x7;
	s6 =	sshra.s32 s15, $0x7;
	v11 =	vsel vm1, s13, v11;
	s7 =	sadd.s32 s7, s11;
	v9 =	vsel vm2, s25, v9  }
0x268: {  	s8 =	sshra.s32 s17, $0x7;
	v20 =	vmov s3;
	v21 =	vmov s6;
	s1 =	sadd.s32 s1, s30;
	s30 =	sshra.s32 s7, $0x7;
	v9 =	vsel vm12, s28, v9  }
0x269: {  	s9 =	sshra.s32 s21, $0x7;
	v11 =	vsel vm2, s2, v11;
	v12 =	vsel vm0, s8, v20;
	s13 =	sshrl.u32 s7, $0x1F;
	s7 =	sshra.s32 s7, $0x1F;
	v9 =	vsel vm4, s30, v9  }
0x26a: {  	s26 =	sshrl.u32 s14, $0x1F;
	s11 =	sshra.s32 s14, $0x7;
	v13 =	vsel vm0, s9, v21;
	v11 =	vsel vm4, s13, v11;
	s12 =	sshra.s32 s18, $0x7;
	v9 =	vsel vm13, s7, v9  }
0x26b: {  	s15 =	sshra.s32 s19, $0x7;
	s14 =	sshra.s32 s14, $0x1F;
	s13 =	sshra.s32 s24, $0x7;
	v11 =	vsel vm5, s26, v11;
	v12 =	vsel vm1, s12, v12;
	v9 =	vsel vm5, s11, v9  }
0x26c: {  	s17 =	sshra.s32 s22, $0x7;
	v13 =	vsel vm1, s13, v13;
	s29 =	sshrl.u32 s1, $0x1F;
	s18 =	sshra.s32 s1, $0x7;
	v12 =	vsel vm2, s15, v12;
	v9 =	vsel vm14, s14, v9  }
0x26d: {  	s19 =	sshrl.u32 s23, $0x1F;
	v13 =	vsel vm2, s17, v13;
	s20 =	sshra.s32 s1, $0x1F;
	v11 =	vsel vm6, s29, v11;
	v9 =	vsel vm6, s18, v9  }
0x26e: {  	s21 =	sshra.s32 s23, $0x7;
	v12 =	vcombine.low v13, v12;
	v11 =	vsel vm7, s19, v11;
	v9 =	vsel vm15, s20, v9  }
0x26f: {  	v10 =	vperm.xlane v10, v1;
	v11 =	vperm.xlane v11, v2;
	v9 =	vsel vm7, s21, v9  }
0x270: {  	v12 =	vperm.xlane v12, v1;
	v9 =	vperm.xlane v9, v2;
	_ =	sdelay $0x1  }
0x271: {  	v10 =	vsel vm8, v11, v10;
	v9 =	vsel vm8, v9, v12  }
0x272: {  	v9 =	vadd.s32 v10, v9  }
0x273: {  	v9 =	vshll.u32 v9, $0x4  }
0x274: {  	v9 =	vadd.s32 v6, v9;
	_ =	sdelay $0x4  }
0x275: {  	[tilespmem:v9+s10+$0x0] =	vst.idx.msk $0xffff, v0  }
0x276: {  	v9 =	vld [tilespmem:$0x130];
	_ =	sdelay $0x4  }
0x277: {  	(v2sf) =	vpush v9, $0xD;
	_ =	sdelay $0x1  }
0x278: {  	(v2sf) =	vpush v9, $0xC;
	_ =	sdelay $0x1  }
0x279: {  	(v2sf) =	vpush v9, $0xE;
	_ =	sdelay $0x1  }
0x27a: {  	(v2sf) =	vpush v9, $0xF;
	_ =	sdelay $0x1  }
0x27b: {  	(v2sf) =	vpush v9, $0x9;
	_ =	sdelay $0x1  }
0x27c: {  	(v2sf) =	vpush v9, $0x8;
	_ =	sdelay $0x1  }
0x27d: {  	(v2sf) =	vpush v9, $0xA;
	_ =	sdelay $0x1  }
0x27e: {  	(v2sf) =	vpush v9, $0xB  }
0x27f: {  	s22 =	spop (v2sf)  }
0x280: {  	(v2sf) =	vpush v9, $0x0;
	s23 =	smulhi.u32 $0x10624DD3, s22;
	s0 =	sshra.s32 s22, $0x1F  }
0x281: {  	(v2sf) =	vpush v9, $0x1;
	s24 =	spop (v2sf);
	s0 =	smul.u32 $0x10624DD3, s0  }
0x282: {  	(v2sf) =	vpush v9, $0x2;
	s25 =	smulhi.u32 $0x10624DD3, s24;
	s2 =	sshra.s32 s24, $0x1F  }
0x283: {  	s26 =	spop (v2sf);
	(v2sf) =	vpush v9, $0x3;
	s2 =	smul.u32 $0x10624DD3, s2  }
0x284: {  	s28 =	smulhi.u32 $0x10624DD3, s26;
	s5 =	sshra.s32 s26, $0x1F;
	(v2sf) =	vpush v9, $0x4  }
0x285: {  	s29 =	spop (v2sf);
	s5 =	smul.u32 $0x10624DD3, s5;
	(v2sf) =	vpush v9, $0x5  }
0x286: {  	s30 =	smulhi.u32 $0x10624DD3, s29;
	s7 =	sshra.s32 s29, $0x1F;
	(v2sf) =	vpush v9, $0x6  }
0x287: {  	s17 =	sadd.s32 s0, s23;
	s9 =	spop (v2sf);
	s1 =	smul.u32 $0x10624DD3, s7;
	(v2sf) =	vpush v9, $0x7  }
0x288: {  	s8 =	sshrl.u32 s17, $0x1F;
	s11 =	smulhi.u32 $0x10624DD3, s9;
	s12 =	sshra.s32 s9, $0x1F  }
0x289: {  	s20 =	sadd.s32 s2, s25;
	s14 =	spop (v2sf);
	s13 =	smul.u32 $0x10624DD3, s12  }
0x28a: {  	s7 =	sshrl.u32 s20, $0x1F;
	s15 =	smulhi.u32 $0x10624DD3, s14;
	s22 =	sshra.s32 s14, $0x1F  }
0x28b: {  	s18 =	sadd.s32 s5, s28;
	s23 =	spop (v2sf);
	s6 =	smul.u32 $0x10624DD3, s22  }
0x28c: {  	s2 =	sshrl.u32 s18, $0x1F;
	s0 =	smulhi.u32 $0x10624DD3, s23;
	s24 =	sshra.s32 s23, $0x1F  }
0x28d: {  	s19 =	sadd.s32 s1, s30;
	s25 =	spop (v2sf);
	s1 =	smul.u32 $0x10624DD3, s24  }
0x28e: {  	s9 =	sshrl.u32 s19, $0x1F;
	s3 =	smulhi.u32 $0x10624DD3, s25;
	s26 =	sshra.s32 s25, $0x1F  }
0x28f: {  	s21 =	sadd.s32 s13, s11;
	s28 =	spop (v2sf);
	s11 =	smul.u32 $0x10624DD3, s26  }
0x290: {  	s13 =	smulhi.u32 $0x10624DD3, s28;
	s12 =	sshra.s32 s28, $0x1F;
	s29 =	spop (v2sf)  }
0x291: {  	s14 =	sshrl.u32 s21, $0x1F;
	s5 =	smul.u32 $0x10624DD3, s12;
	s30 =	spop (v2sf)  }
0x292: {  	s12 =	smulhi.u32 $0x10624DD3, s29;
	s22 =	sshra.s32 s29, $0x1F;
	s23 =	spop (v2sf)  }
0x293: {  	s15 =	sadd.s32 s6, s15;
	s26 =	smul.u32 $0x10624DD3, s22;
	s28 =	spop (v2sf)  }
0x294: {  	s29 =	smulhi.u32 $0x10624DD3, s30;
	s6 =	sshra.s32 s30, $0x1F;
	s30 =	spop (v2sf)  }
0x295: {  	s24 =	sadd.s32 s1, s0;
	s0 =	smul.u32 $0x10624DD3, s6;
	s1 =	spop (v2sf)  }
0x296: {  	s22 =	sadd.s32 s11, s3;
	s3 =	smulhi.u32 $0x10624DD3, s23;
	s6 =	spop (v2sf)  }
0x297: {  	s25 =	sshrl.u32 s15, $0x1F;
	s11 =	smulhi.u32 $0x10624DD3, s6;
	s6 =	sshra.s32 s6, $0x1F  }
0x298: {  	s5 =	sadd.s32 s5, s13;
	s23 =	sshra.s32 s23, $0x1F;
	s6 =	smul.u32 $0x10624DD3, s6  }
0x299: {  	s12 =	sadd.s32 s26, s12;
	s26 =	sshrl.u32 s24, $0x1F;
	s13 =	smul.u32 $0x10624DD3, s23  }
0x29a: {  	v10 =	vmov s7;
	s31 =	sshra.s32 s5, $0x7;
	s0 =	sadd.s32 s0, s29;
	s23 =	sadd.s32 s6, s11  }
0x29b: {  	v10 =	vsel vm0, s8, v10;
	s8 =	sshra.s32 s30, $0x1F;
	s3 =	sadd.s32 s13, s3;
	s13 =	sshra.s32 s23, $0x1F  }
0x29c: {  	v10 =	vsel vm1, s2, v10;
	s29 =	sshrl.u32 s22, $0x1F;
	s8 =	smul.u32 $0x10624DD3, s8;
	s2 =	sshrl.u32 s3, $0x1F;
	v9 =	vmov s13  }
0x29d: {  	s6 =	sshrl.u32 s5, $0x1F;
	s11 =	smulhi.u32 $0x10624DD3, s28;
	s5 =	sshra.s32 s5, $0x1F;
	v9 =	vsel vm3, s31, v9  }
0x29e: {  	v22 =	vmov s25;
	s25 =	sshra.s32 s3, $0x7;
	v11 =	vmov s6;
	s6 =	smulhi.u32 $0x10624DD3, s30;
	s30 =	sshra.s32 s12, $0x7;
	v9 =	vsel vm9, s5, v9  }
0x29f: {  	s13 =	sshra.s32 s28, $0x1F;
	s28 =	sshrl.u32 s12, $0x1F;
	s12 =	sshra.s32 s12, $0x1F;
	v9 =	vsel vm0, s30, v9  }
0x2a0: {  	v10 =	vsel vm2, s9, v10;
	v12 =	vsel vm0, s14, v22;
	s7 =	smul.u32 $0x10624DD3, s13;
	s13 =	sshrl.u32 s0, $0x1F;
	v9 =	vsel vm10, s12, v9;
	s12 =	sshra.s32 s0, $0x7  }
0x2a1: {  	v12 =	vsel vm1, s26, v12;
	v11 =	vnsel vm3, $0x0, v11;
	s30 =	smulhi.u32 $0x10624DD3, s1;
	s1 =	sshra.s32 s1, $0x1F;
	s0 =	sshra.s32 s0, $0x1F;
	v9 =	vsel vm1, s12, v9  }
0x2a2: {  	v12 =	vsel vm2, s29, v12;
	v11 =	vsel vm0, s28, v11;
	s14 =	sadd.s32 s8, s6;
	s28 =	sshra.s32 s3, $0x1F;
	s1 =	smul.u32 $0x10624DD3, s1;
	v9 =	vsel vm11, s0, v9  }
0x2a3: {  	v10 =	vcombine.low v12, v10;
	s3 =	sshra.s32 s20, $0x7;
	s6 =	sshra.s32 s15, $0x7;
	v11 =	vsel vm1, s13, v11;
	s7 =	sadd.s32 s7, s11;
	v9 =	vsel vm2, s25, v9  }
0x2a4: {  	s8 =	sshra.s32 s17, $0x7;
	v23 =	vmov s3;
	v24 =	vmov s6;
	s1 =	sadd.s32 s1, s30;
	s30 =	sshra.s32 s7, $0x7;
	v9 =	vsel vm12, s28, v9  }
0x2a5: {  	s9 =	sshra.s32 s21, $0x7;
	v11 =	vsel vm2, s2, v11;
	v12 =	vsel vm0, s8, v23;
	s13 =	sshrl.u32 s7, $0x1F;
	s7 =	sshra.s32 s7, $0x1F;
	v9 =	vsel vm4, s30, v9  }
0x2a6: {  	s26 =	sshrl.u32 s14, $0x1F;
	s11 =	sshra.s32 s14, $0x7;
	v13 =	vsel vm0, s9, v24;
	v11 =	vsel vm4, s13, v11;
	s12 =	sshra.s32 s18, $0x7;
	v9 =	vsel vm13, s7, v9  }
0x2a7: {  	s15 =	sshra.s32 s19, $0x7;
	s14 =	sshra.s32 s14, $0x1F;
	s13 =	sshra.s32 s24, $0x7;
	v11 =	vsel vm5, s26, v11;
	v12 =	vsel vm1, s12, v12;
	v9 =	vsel vm5, s11, v9  }
0x2a8: {  	s17 =	sshra.s32 s22, $0x7;
	v13 =	vsel vm1, s13, v13;
	s29 =	sshrl.u32 s1, $0x1F;
	s18 =	sshra.s32 s1, $0x7;
	v12 =	vsel vm2, s15, v12;
	v9 =	vsel vm14, s14, v9  }
0x2a9: {  	s19 =	sshrl.u32 s23, $0x1F;
	v13 =	vsel vm2, s17, v13;
	s20 =	sshra.s32 s1, $0x1F;
	v11 =	vsel vm6, s29, v11;
	v9 =	vsel vm6, s18, v9  }
0x2aa: {  	s21 =	sshra.s32 s23, $0x7;
	v12 =	vcombine.low v13, v12;
	v11 =	vsel vm7, s19, v11;
	v9 =	vsel vm15, s20, v9  }
0x2ab: {  	v10 =	vperm.xlane v10, v1;
	v11 =	vperm.xlane v11, v2;
	v9 =	vsel vm7, s21, v9  }
0x2ac: {  	v12 =	vperm.xlane v12, v1;
	v9 =	vperm.xlane v9, v2;
	_ =	sdelay $0x1  }
0x2ad: {  	v10 =	vsel vm8, v11, v10;
	v9 =	vsel vm8, v9, v12  }
0x2ae: {  	v9 =	vadd.s32 v10, v9  }
0x2af: {  	v9 =	vshll.u32 v9, $0x4  }
0x2b0: {  	v9 =	vadd.s32 v7, v9;
	_ =	sdelay $0x4  }
0x2b1: {  	[tilespmem:v9+s10+$0x0] =	vst.idx.msk $0xffff, v0  }
0x2b2: {  	v9 =	vld [tilespmem:$0x140];
	_ =	sdelay $0x4  }
0x2b3: {  	(v2sf) =	vpush v9, $0xD;
	_ =	sdelay $0x1  }
0x2b4: {  	(v2sf) =	vpush v9, $0xC;
	_ =	sdelay $0x1  }
0x2b5: {  	(v2sf) =	vpush v9, $0xE;
	_ =	sdelay $0x1  }
0x2b6: {  	(v2sf) =	vpush v9, $0xF;
	_ =	sdelay $0x1  }
0x2b7: {  	(v2sf) =	vpush v9, $0x9;
	_ =	sdelay $0x1  }
0x2b8: {  	(v2sf) =	vpush v9, $0x8;
	_ =	sdelay $0x1  }
0x2b9: {  	(v2sf) =	vpush v9, $0xA;
	_ =	sdelay $0x1  }
0x2ba: {  	(v2sf) =	vpush v9, $0xB  }
0x2bb: {  	s22 =	spop (v2sf)  }
0x2bc: {  	(v2sf) =	vpush v9, $0x0;
	s23 =	smulhi.u32 $0x10624DD3, s22;
	s0 =	sshra.s32 s22, $0x1F  }
0x2bd: {  	(v2sf) =	vpush v9, $0x1;
	s24 =	spop (v2sf);
	s0 =	smul.u32 $0x10624DD3, s0  }
0x2be: {  	(v2sf) =	vpush v9, $0x2;
	s25 =	smulhi.u32 $0x10624DD3, s24;
	s2 =	sshra.s32 s24, $0x1F  }
0x2bf: {  	s26 =	spop (v2sf);
	(v2sf) =	vpush v9, $0x3;
	s2 =	smul.u32 $0x10624DD3, s2  }
0x2c0: {  	s28 =	smulhi.u32 $0x10624DD3, s26;
	s5 =	sshra.s32 s26, $0x1F;
	(v2sf) =	vpush v9, $0x4  }
0x2c1: {  	s29 =	spop (v2sf);
	s5 =	smul.u32 $0x10624DD3, s5;
	(v2sf) =	vpush v9, $0x5  }
0x2c2: {  	s17 =	sadd.s32 s0, s23;
	s30 =	smulhi.u32 $0x10624DD3, s29;
	s7 =	sshra.s32 s29, $0x1F;
	(v2sf) =	vpush v9, $0x6  }
0x2c3: {  	s9 =	spop (v2sf);
	s8 =	sshrl.u32 s17, $0x1F;
	s1 =	smul.u32 $0x10624DD3, s7;
	(v2sf) =	vpush v9, $0x7  }
0x2c4: {  	s20 =	sadd.s32 s2, s25;
	s11 =	smulhi.u32 $0x10624DD3, s9;
	s12 =	sshra.s32 s9, $0x1F  }
0x2c5: {  	s14 =	spop (v2sf);
	s7 =	sshrl.u32 s20, $0x1F;
	s13 =	smul.u32 $0x10624DD3, s12  }
0x2c6: {  	s18 =	sadd.s32 s5, s28;
	s15 =	smulhi.u32 $0x10624DD3, s14;
	s22 =	sshra.s32 s14, $0x1F  }
0x2c7: {  	s23 =	spop (v2sf);
	s2 =	sshrl.u32 s18, $0x1F;
	s6 =	smul.u32 $0x10624DD3, s22  }
0x2c8: {  	s19 =	sadd.s32 s1, s30;
	s0 =	smulhi.u32 $0x10624DD3, s23;
	s24 =	sshra.s32 s23, $0x1F  }
0x2c9: {  	s25 =	spop (v2sf);
	s9 =	sshrl.u32 s19, $0x1F;
	s1 =	smul.u32 $0x10624DD3, s24  }
0x2ca: {  	s21 =	sadd.s32 s13, s11;
	s3 =	smulhi.u32 $0x10624DD3, s25;
	s26 =	sshra.s32 s25, $0x1F  }
0x2cb: {  	s28 =	spop (v2sf);
	s14 =	sshrl.u32 s21, $0x1F;
	s11 =	smul.u32 $0x10624DD3, s26  }
0x2cc: {  	s13 =	smulhi.u32 $0x10624DD3, s28;
	s12 =	sshra.s32 s28, $0x1F;
	s29 =	spop (v2sf)  }
0x2cd: {  	s15 =	sadd.s32 s6, s15;
	s5 =	smul.u32 $0x10624DD3, s12;
	s30 =	spop (v2sf)  }
0x2ce: {  	s12 =	smulhi.u32 $0x10624DD3, s29;
	s22 =	sshra.s32 s29, $0x1F;
	s23 =	spop (v2sf)  }
0x2cf: {  	s25 =	sshrl.u32 s15, $0x1F;
	s26 =	smul.u32 $0x10624DD3, s22;
	s28 =	spop (v2sf)  }
0x2d0: {  	s29 =	smulhi.u32 $0x10624DD3, s30;
	s6 =	sshra.s32 s30, $0x1F;
	s30 =	spop (v2sf)  }
0x2d1: {  	s24 =	sadd.s32 s1, s0;
	s0 =	smul.u32 $0x10624DD3, s6;
	s1 =	spop (v2sf)  }
0x2d2: {  	s22 =	sadd.s32 s11, s3;
	s3 =	smulhi.u32 $0x10624DD3, s23;
	s6 =	spop (v2sf)  }
0x2d3: {  	v25 =	vmov s25;
	s25 =	sshra.s32 s20, $0x7;
	s11 =	smulhi.u32 $0x10624DD3, s6;
	s6 =	sshra.s32 s6, $0x1F  }
0x2d4: {  	s5 =	sadd.s32 s5, s13;
	s23 =	sshra.s32 s23, $0x1F;
	s6 =	smul.u32 $0x10624DD3, s6  }
0x2d5: {  	v12 =	vsel vm0, s14, v25;
	s12 =	sadd.s32 s26, s12;
	s26 =	sshrl.u32 s24, $0x1F;
	s13 =	smul.u32 $0x10624DD3, s23  }
0x2d6: {  	v10 =	vmov s7;
	s31 =	sshra.s32 s5, $0x7;
	v12 =	vsel vm1, s26, v12;
	s26 =	sshra.s32 s15, $0x7;
	s23 =	sadd.s32 s6, s11  }
0x2d7: {  	v10 =	vsel vm0, s8, v10;
	s8 =	sshra.s32 s30, $0x1F;
	s3 =	sadd.s32 s13, s3;
	s13 =	sshra.s32 s23, $0x1F  }
0x2d8: {  	s0 =	sadd.s32 s0, s29;
	s29 =	sshrl.u32 s22, $0x1F;
	s8 =	smul.u32 $0x10624DD3, s8;
	v9 =	vmov s13  }
0x2d9: {  	s6 =	sshrl.u32 s5, $0x1F;
	s11 =	smulhi.u32 $0x10624DD3, s28;
	s5 =	sshra.s32 s5, $0x1F;
	v9 =	vsel vm3, s31, v9  }
0x2da: {  	v11 =	vmov s6;
	s6 =	smulhi.u32 $0x10624DD3, s30;
	s30 =	sshra.s32 s12, $0x7;
	s13 =	sshra.s32 s28, $0x1F;
	v9 =	vsel vm9, s5, v9  }
0x2db: {  	s28 =	sshrl.u32 s12, $0x1F;
	v11 =	vnsel vm3, $0x0, v11;
	s7 =	smul.u32 $0x10624DD3, s13;
	v9 =	vsel vm0, s30, v9;
	s30 =	sshra.s32 s12, $0x1F  }
0x2dc: {  	v11 =	vsel vm0, s28, v11;
	s28 =	sshra.s32 s0, $0x7;
	s12 =	smulhi.u32 $0x10624DD3, s1;
	s1 =	sshra.s32 s1, $0x1F;
	v9 =	vsel vm10, s30, v9  }
0x2dd: {  	v10 =	vsel vm1, s2, v10;
	s13 =	sshrl.u32 s0, $0x1F;
	s0 =	sshra.s32 s0, $0x1F;
	s1 =	smul.u32 $0x10624DD3, s1;
	v9 =	vsel vm1, s28, v9  }
0x2de: {  	v10 =	vsel vm2, s9, v10;
	v26 =	vmov s25;
	s2 =	sshrl.u32 s3, $0x1F;
	s5 =	sadd.s32 s8, s6;
	s8 =	sshra.s32 s3, $0x7;
	v9 =	vsel vm11, s0, v9  }
0x2df: {  	v27 =	vmov s26;
	v11 =	vsel vm1, s13, v11;
	s7 =	sadd.s32 s7, s11;
	s1 =	sadd.s32 s1, s12;
	s12 =	sshra.s32 s3, $0x1F;
	v9 =	vsel vm2, s8, v9  }
0x2e0: {  	v12 =	vsel vm2, s29, v12;
	v11 =	vsel vm2, s2, v11;
	s30 =	sshrl.u32 s7, $0x1F;
	s14 =	sshra.s32 s7, $0x7;
	v9 =	vsel vm12, s12, v9  }
0x2e1: {  	s29 =	sshra.s32 s17, $0x7;
	v10 =	vcombine.low v12, v10;
	s11 =	sshrl.u32 s5, $0x1F;
	v11 =	vsel vm4, s30, v11;
	s28 =	sshra.s32 s7, $0x1F;
	v9 =	vsel vm4, s14, v9  }
0x2e2: {  	v12 =	vsel vm0, s29, v26;
	s30 =	sshra.s32 s21, $0x7;
	s7 =	sshra.s32 s18, $0x7;
	v11 =	vsel vm5, s11, v11;
	s3 =	sshra.s32 s5, $0x7;
	v9 =	vsel vm13, s28, v9  }
0x2e3: {  	s9 =	sshra.s32 s5, $0x1F;
	v13 =	vsel vm0, s30, v27;
	v12 =	vsel vm1, s7, v12;
	s13 =	sshrl.u32 s1, $0x1F;
	s8 =	sshra.s32 s24, $0x7;
	v9 =	vsel vm5, s3, v9  }
0x2e4: {  	s11 =	sshra.s32 s19, $0x7;
	v11 =	vsel vm6, s13, v11;
	v13 =	vsel vm1, s8, v13;
	s12 =	sshra.s32 s22, $0x7;
	s13 =	sshra.s32 s1, $0x7;
	v9 =	vsel vm14, s9, v9  }
0x2e5: {  	v12 =	vsel vm2, s11, v12;
	s15 =	sshra.s32 s1, $0x1F;
	s14 =	sshrl.u32 s23, $0x1F;
	v13 =	vsel vm2, s12, v13;
	v9 =	vsel vm6, s13, v9  }
0x2e6: {  	s17 =	sshra.s32 s23, $0x7;
	v11 =	vsel vm7, s14, v11;
	v12 =	vcombine.low v13, v12;
	v9 =	vsel vm15, s15, v9  }
0x2e7: {  	v10 =	vperm.xlane v10, v1;
	v11 =	vperm.xlane v11, v2;
	v9 =	vsel vm7, s17, v9  }
0x2e8: {  	v12 =	vperm.xlane v12, v1;
	v9 =	vperm.xlane v9, v2;
	_ =	sdelay $0x1  }
0x2e9: {  	v10 =	vsel vm8, v11, v10;
	v9 =	vsel vm8, v9, v12  }
0x2ea: {  	v9 =	vadd.s32 v10, v9  }
0x2eb: {  	v9 =	vshll.u32 v9, $0x4  }
0x2ec: {  	v9 =	vadd.s32 v8, v9;
	_ =	sdelay $0x4  }
0x2ed: {  	s17 =	simm.s32 $0x4;
	[tilespmem:v9+s10+$0x0] =	vst.idx.msk $0xffff, v0  }
0x2ee: {  	_ =	swait.ge [sflag:s17], $0x2800  }
0x2ef: {  	s18 =	rddreg [dreg:$0x6]  }
0x2f0: {  	s0 =	sadd.s32 s16, s18  }
0x2f1: {  	[sflag:s17] =	ssyncset.done $0x0;
	[dreg:$0x1a] =	wrdreg s0;
	s0 =	sadd.s32 $0x2760, s0  }
0x2f2: {  	s19 =	rddreg [dreg:$0x19];
	[sflag:s17] =	ssyncadd.s32 $0xFFFFD800;
	s0 =	sshrl.u32 s0, $0x3  }
0x2f3: {  	s20 =	simm.s32 $0x0;
	s21 =	rddreg [dreg:$0x2];
	s1 =	sadd.s32 s19, s0  }
0x2f4: {  	[tilespmem:s20], [sflag:$0x3] =	stream.linear.gather [hbm4b:s1+s20], $0x50, $0x38;
	[tilespmem:$0x1FA80] =	vst v63  }
0x2f5: {  	s24 =	simm.s32 $0x2;
	s22 =	simm.s32 $0x100;
	s0 =	sadd.s32 s21, s0  }
0x2f6: {  	[tilespmem:s22], [sflag:$0x3] =	stream.linear.gather [hbm4b:s0+s20], $0x50, $0x38;
	[tilespmem:$0x1FA80] =	vst v63  }
0x2f7: {  	_ =	swait.ge [sflag:s24], $0x2800  }
0x2f8: {  	[sflag:s24] =	ssyncset.done $0x0  }
0x2f9: {  	s25 =	simm.s32 $0x3;
	[sflag:s24] =	ssyncadd.s32 $0xFFFFD800  }
0x2fa: {  	s26 =	simm.s32 $0x3;
	_ =	swait.ge [sflag:s25], $0x50  }
0x2fb: {  	s28 =	simm.s32 $0x3;
	[sflag:s26] =	ssyncset.done $0x0  }
0x2fc: {  	s29 =	simm.s32 $0x3;
	[sflag:s28] =	ssyncadd.s32 $0xFFFFFFB0  }
0x2fd: {  	s30 =	simm.s32 $0x3;
	s5 =	simm.s32 $0x50;
	_ =	swait.ge [sflag:s29], $0x50  }
0x2fe: {  	s7 =	simm.s32 $0x50;
	s1 =	simm.s32 $0x3;
	[sflag:s30] =	ssyncset.done $0x0  }
0x2ff: {  	s23 =	simm.s32 $0x0;
	s3 =	simm.s32 $0x280;
	[sflag:s1] =	ssyncadd.s32 $0xFFFFFFB0  }
0x300: {  	[tilespmem:s3], [sflag:$0x1] =	stream.indirect.gather [hbm4b:s4+s5], $0x80, s23, s5, $0xb8;
	[tilespmem:$0x1FA80] =	vst v63  }
0x301: {  	s8 =	simm.s32 $0x180;
	s9 =	simm.s32 $0x2A80;
	s6 =	rddreg [dreg:$0x3]  }
0x302: {  	[spmem:s6] =	stream.indirect.scatter.add.f32 [tilespmem:s9], [sflag:$0x4], $0x80, s8, s7, $0xb8;
	[tilespmem:$0x1FA80] =	vst v63  }
0x303: {  	v9 =	vld [tilespmem:$0x180];
	_ =	sdelay $0x4  }
0x304: {  	(v2sf) =	vpush v9, $0xD;
	_ =	sdelay $0x1  }
0x305: {  	(v2sf) =	vpush v9, $0xC;
	_ =	sdelay $0x1  }
0x306: {  	(v2sf) =	vpush v9, $0xE;
	_ =	sdelay $0x1  }
0x307: {  	(v2sf) =	vpush v9, $0xF;
	_ =	sdelay $0x1  }
0x308: {  	(v2sf) =	vpush v9, $0x9;
	_ =	sdelay $0x1  }
0x309: {  	(v2sf) =	vpush v9, $0x8;
	_ =	sdelay $0x1  }
0x30a: {  	(v2sf) =	vpush v9, $0xA;
	_ =	sdelay $0x1  }
0x30b: {  	(v2sf) =	vpush v9, $0xB  }
0x30c: {  	s11 =	spop (v2sf)  }
0x30d: {  	(v2sf) =	vpush v9, $0x0;
	s12 =	smulhi.u32 $0x10624DD3, s11;
	s0 =	sshra.s32 s11, $0x1F  }
0x30e: {  	s13 =	spop (v2sf);
	s0 =	smul.u32 $0x10624DD3, s0  }
0x30f: {  	(v2sf) =	vpush v9, $0x1;
	s14 =	smulhi.u32 $0x10624DD3, s13;
	s2 =	sshra.s32 s13, $0x1F  }
0x310: {  	(v2sf) =	vpush v9, $0x2;
	s18 =	spop (v2sf);
	s15 =	smul.u32 $0x10624DD3, s2  }
0x311: {  	(v2sf) =	vpush v9, $0x3;
	s19 =	smulhi.u32 $0x10624DD3, s18;
	s2 =	sshra.s32 s18, $0x1F  }
0x312: {  	s23 =	spop (v2sf);
	(v2sf) =	vpush v9, $0x4;
	s20 =	smul.u32 $0x10624DD3, s2  }
0x313: {  	s24 =	smulhi.u32 $0x10624DD3, s23;
	s2 =	sshra.s32 s23, $0x1F;
	(v2sf) =	vpush v9, $0x5  }
0x314: {  	s26 =	spop (v2sf);
	s25 =	smul.u32 $0x10624DD3, s2;
	(v2sf) =	vpush v9, $0x6  }
0x315: {  	s28 =	smulhi.u32 $0x10624DD3, s26;
	s2 =	sshra.s32 s26, $0x1F;
	(v2sf) =	vpush v9, $0x7  }
0x316: {  	s18 =	sadd.s32 s0, s12;
	s22 =	spop (v2sf);
	s12 =	smul.u32 $0x10624DD3, s2  }
0x317: {  	s23 =	smulhi.u32 $0x10624DD3, s22;
	s1 =	sshra.s32 s22, $0x1F  }
0x318: {  	s21 =	sadd.s32 s15, s14;
	s13 =	spop (v2sf);
	s1 =	smul.u32 $0x10624DD3, s1  }
0x319: {  	s2 =	sshrl.u32 s18, $0x1F;
	s14 =	smulhi.u32 $0x10624DD3, s13;
	s3 =	sshra.s32 s13, $0x1F  }
0x31a: {  	s5 =	sshrl.u32 s21, $0x1F;
	s29 =	spop (v2sf);
	s3 =	smul.u32 $0x10624DD3, s3  }
0x31b: {  	s19 =	sadd.s32 s20, s19;
	s30 =	smulhi.u32 $0x10624DD3, s29;
	s6 =	sshra.s32 s29, $0x1F  }
0x31c: {  	s20 =	sadd.s32 s25, s24;
	s24 =	spop (v2sf);
	s6 =	smul.u32 $0x10624DD3, s6  }
0x31d: {  	s7 =	sshrl.u32 s19, $0x1F;
	s15 =	smulhi.u32 $0x10624DD3, s24;
	s8 =	sshra.s32 s24, $0x1F  }
0x31e: {  	s22 =	sadd.s32 s12, s28;
	s25 =	spop (v2sf);
	s0 =	smul.u32 $0x10624DD3, s8  }
0x31f: {  	s11 =	smulhi.u32 $0x10624DD3, s25;
	s26 =	sshra.s32 s25, $0x1F;
	s28 =	spop (v2sf)  }
0x320: {  	s8 =	sadd.s32 s1, s23;
	s1 =	smul.u32 $0x10624DD3, s26;
	s29 =	spop (v2sf)  }
0x321: {  	s25 =	smulhi.u32 $0x10624DD3, s28;
	s24 =	sshra.s32 s28, $0x1F;
	s26 =	spop (v2sf)  }
0x322: {  	s23 =	sadd.s32 s3, s14;
	s3 =	smul.u32 $0x10624DD3, s24;
	s13 =	spop (v2sf)  }
0x323: {  	s28 =	smulhi.u32 $0x10624DD3, s29;
	s12 =	sshra.s32 s29, $0x1F;
	s29 =	spop (v2sf)  }
0x324: {  	s24 =	sadd.s32 s6, s30;
	s6 =	smul.u32 $0x10624DD3, s12;
	s30 =	spop (v2sf)  }
0x325: {  	s9 =	sshrl.u32 s20, $0x1F;
	s14 =	smulhi.u32 $0x10624DD3, s30;
	s12 =	sshra.s32 s30, $0x1F  }
0x326: {  	s0 =	sadd.s32 s0, s15;
	s1 =	sadd.s32 s1, s11;
	s15 =	smul.u32 $0x10624DD3, s12  }
0x327: {  	s31 =	sshra.s32 s0, $0x7;
	s3 =	sadd.s32 s3, s25;
	s25 =	sshrl.u32 s23, $0x1F  }
0x328: {  	v11 =	vmov s5;
	s5 =	sshrl.u32 s1, $0x1F;
	s11 =	smulhi.u32 $0x10624DD3, s26;
	s15 =	sadd.s32 s15, s14  }
0x329: {  	v11 =	vsel vm0, s2, v11;
	s2 =	sshra.s32 s13, $0x1F;
	s14 =	sshra.s32 s26, $0x1F;
	s26 =	sshra.s32 s15, $0x1F  }
0x32a: {  	s6 =	sadd.s32 s6, s28;
	s28 =	sshrl.u32 s24, $0x1F;
	s2 =	smul.u32 $0x10624DD3, s2;
	v10 =	vmov s26  }
0x32b: {  	s30 =	sshrl.u32 s22, $0x1F;
	s26 =	sshrl.u32 s0, $0x1F;
	s0 =	sshra.s32 s0, $0x1F;
	v10 =	vsel vm3, s31, v10  }
0x32c: {  	v11 =	vsel vm1, s7, v11;
	s7 =	sshrl.u32 s6, $0x1F;
	s12 =	sshrl.u32 s8, $0x1F;
	v28 =	vmov s26;
	s26 =	sshra.s32 s1, $0x7;
	v10 =	vsel vm9, s0, v10  }
0x32d: {  	v29 =	vmov s12;
	s12 =	sshra.s32 s21, $0x7;
	s14 =	smul.u32 $0x10624DD3, s14;
	s1 =	sshra.s32 s1, $0x1F;
	v10 =	vsel vm0, s26, v10  }
0x32e: {  	s21 =	sshra.s32 s18, $0x7;
	v13 =	vsel vm0, s30, v29;
	s0 =	smulhi.u32 $0x10624DD3, s13;
	v12 =	vnsel vm3, $0x0, v28;
	s13 =	sshra.s32 s3, $0x7;
	v10 =	vsel vm10, s1, v10  }
0x32f: {  	v13 =	vsel vm1, s25, v13;
	v12 =	vsel vm0, s5, v12;
	s5 =	smulhi.u32 $0x10624DD3, s29;
	s29 =	sshra.s32 s29, $0x1F;
	s26 =	sshra.s32 s3, $0x1F;
	v10 =	vsel vm1, s13, v10  }
0x330: {  	v11 =	vsel vm2, s9, v11;
	s30 =	sshra.s32 s6, $0x7;
	s6 =	sshra.s32 s6, $0x1F;
	v13 =	vsel vm2, s28, v13;
	s9 =	smul.u32 $0x10624DD3, s29;
	v10 =	vsel vm11, s26, v10  }
0x331: {  	v30 =	vmov s12;
	s28 =	sshra.s32 s19, $0x7;
	s31 =	sshrl.u32 s3, $0x1F;
	s11 =	sadd.s32 s14, s11;
	v11 =	vcombine.low v13, v11;
	v10 =	vsel vm2, s30, v10  }
0x332: {  	v13 =	vsel vm0, s21, v30;
	s14 =	sshra.s32 s11, $0x1F;
	v12 =	vsel vm1, s31, v12;
	s3 =	sadd.s32 s9, s5;
	s9 =	sshra.s32 s11, $0x7;
	v10 =	vsel vm12, s6, v10  }
0x333: {  	v13 =	vsel vm1, s28, v13;
	s29 =	sshrl.u32 s11, $0x1F;
	s0 =	sadd.s32 s2, s0;
	v12 =	vsel vm2, s7, v12;
	s13 =	sshra.s32 s8, $0x7;
	v10 =	vsel vm4, s9, v10  }
0x334: {  	s25 =	sshra.s32 s22, $0x7;
	s2 =	sshrl.u32 s0, $0x1F;
	v12 =	vsel vm4, s29, v12;
	v31 =	vmov s13;
	s26 =	sshra.s32 s0, $0x7;
	v10 =	vsel vm13, s14, v10  }
0x335: {  	s29 =	sshra.s32 s23, $0x7;
	s0 =	sshra.s32 s0, $0x1F;
	v12 =	vsel vm5, s2, v12;
	s7 =	sshrl.u32 s3, $0x1F;
	v14 =	vsel vm0, s25, v31;
	v10 =	vsel vm5, s26, v10  }
0x336: {  	s5 =	sshra.s32 s24, $0x7;
	s30 =	sshra.s32 s20, $0x7;
	v12 =	vsel vm6, s7, v12;
	v14 =	vsel vm1, s29, v14;
	s6 =	sshra.s32 s3, $0x7;
	v10 =	vsel vm14, s0, v10  }
0x337: {  	s8 =	sshra.s32 s3, $0x1F;
	s7 =	sshrl.u32 s15, $0x1F;
	v13 =	vsel vm2, s30, v13;
	v14 =	vsel vm2, s5, v14;
	v10 =	vsel vm6, s6, v10  }
0x338: {  	v12 =	vsel vm7, s7, v12;
	s9 =	sshra.s32 s15, $0x7;
	v13 =	vcombine.low v14, v13;
	v10 =	vsel vm15, s8, v10  }
0x339: {  	v11 =	vperm.xlane v11, v1;
	v12 =	vperm.xlane v12, v2;
	v10 =	vsel vm7, s9, v10  }
0x33a: {  	v13 =	vperm.xlane v13, v1;
	v10 =	vperm.xlane v10, v2;
	_ =	sdelay $0x1  }
0x33b: {  	v11 =	vsel vm8, v12, v11;
	v10 =	vsel vm8, v10, v13  }
0x33c: {  	v10 =	vadd.s32 v11, v10  }
0x33d: {  	v11 =	vshll.u32 v10, $0x4  }
0x33e: {  	v11 =	vadd.s32 v3, v11  }
0x33f: {  	v10 =	vmul.u32 $0xFFFFF830, v10;
	_ =	sdelay $0x1  }
0x340: {  	v9 =	vadd.s32 v9, v10  }
0x341: {  	[tilespmem:$0x200] =	vst v9  }
0x342: {  	[tilespmem:v11+s10+$0x0] =	vst.idx.msk $0xffff, v4  }
0x343: {  	v9 =	vld [tilespmem:$0x190];
	_ =	sdelay $0x4  }
0x344: {  	(v2sf) =	vpush v9, $0xD;
	_ =	sdelay $0x1  }
0x345: {  	(v2sf) =	vpush v9, $0xC;
	_ =	sdelay $0x1  }
0x346: {  	(v2sf) =	vpush v9, $0xE;
	_ =	sdelay $0x1  }
0x347: {  	(v2sf) =	vpush v9, $0xF;
	_ =	sdelay $0x1  }
0x348: {  	(v2sf) =	vpush v9, $0x9;
	_ =	sdelay $0x1  }
0x349: {  	(v2sf) =	vpush v9, $0x8;
	_ =	sdelay $0x1  }
0x34a: {  	(v2sf) =	vpush v9, $0xA;
	_ =	sdelay $0x1  }
0x34b: {  	(v2sf) =	vpush v9, $0xB  }
0x34c: {  	s11 =	spop (v2sf)  }
0x34d: {  	(v2sf) =	vpush v9, $0x0;
	s12 =	smulhi.u32 $0x10624DD3, s11;
	s0 =	sshra.s32 s11, $0x1F  }
0x34e: {  	s13 =	spop (v2sf);
	s0 =	smul.u32 $0x10624DD3, s0  }
0x34f: {  	(v2sf) =	vpush v9, $0x1;
	s14 =	smulhi.u32 $0x10624DD3, s13;
	s2 =	sshra.s32 s13, $0x1F  }
0x350: {  	(v2sf) =	vpush v9, $0x2;
	s18 =	spop (v2sf);
	s15 =	smul.u32 $0x10624DD3, s2  }
0x351: {  	(v2sf) =	vpush v9, $0x3;
	s19 =	smulhi.u32 $0x10624DD3, s18;
	s2 =	sshra.s32 s18, $0x1F  }
0x352: {  	s23 =	spop (v2sf);
	(v2sf) =	vpush v9, $0x4;
	s20 =	smul.u32 $0x10624DD3, s2  }
0x353: {  	s24 =	smulhi.u32 $0x10624DD3, s23;
	s2 =	sshra.s32 s23, $0x1F;
	(v2sf) =	vpush v9, $0x5  }
0x354: {  	s26 =	spop (v2sf);
	s25 =	smul.u32 $0x10624DD3, s2;
	(v2sf) =	vpush v9, $0x6  }
0x355: {  	s28 =	smulhi.u32 $0x10624DD3, s26;
	s2 =	sshra.s32 s26, $0x1F;
	(v2sf) =	vpush v9, $0x7  }
0x356: {  	s18 =	sadd.s32 s0, s12;
	s22 =	spop (v2sf);
	s12 =	smul.u32 $0x10624DD3, s2  }
0x357: {  	s23 =	smulhi.u32 $0x10624DD3, s22;
	s1 =	sshra.s32 s22, $0x1F  }
0x358: {  	s21 =	sadd.s32 s15, s14;
	s13 =	spop (v2sf);
	s1 =	smul.u32 $0x10624DD3, s1  }
0x359: {  	s2 =	sshrl.u32 s18, $0x1F;
	s14 =	smulhi.u32 $0x10624DD3, s13;
	s3 =	sshra.s32 s13, $0x1F  }
0x35a: {  	s5 =	sshrl.u32 s21, $0x1F;
	s29 =	spop (v2sf);
	s3 =	smul.u32 $0x10624DD3, s3  }
0x35b: {  	s19 =	sadd.s32 s20, s19;
	s30 =	smulhi.u32 $0x10624DD3, s29;
	s6 =	sshra.s32 s29, $0x1F  }
0x35c: {  	s20 =	sadd.s32 s25, s24;
	s24 =	spop (v2sf);
	s6 =	smul.u32 $0x10624DD3, s6  }
0x35d: {  	s7 =	sshrl.u32 s19, $0x1F;
	s15 =	smulhi.u32 $0x10624DD3, s24;
	s8 =	sshra.s32 s24, $0x1F  }
0x35e: {  	s22 =	sadd.s32 s12, s28;
	s25 =	spop (v2sf);
	s0 =	smul.u32 $0x10624DD3, s8  }
0x35f: {  	s11 =	smulhi.u32 $0x10624DD3, s25;
	s26 =	sshra.s32 s25, $0x1F;
	s28 =	spop (v2sf)  }
0x360: {  	s8 =	sadd.s32 s1, s23;
	s1 =	smul.u32 $0x10624DD3, s26;
	s29 =	spop (v2sf)  }
0x361: {  	s25 =	smulhi.u32 $0x10624DD3, s28;
	s24 =	sshra.s32 s28, $0x1F;
	s26 =	spop (v2sf)  }
0x362: {  	s23 =	sadd.s32 s3, s14;
	s3 =	smul.u32 $0x10624DD3, s24;
	s13 =	spop (v2sf)  }
0x363: {  	s28 =	smulhi.u32 $0x10624DD3, s29;
	s12 =	sshra.s32 s29, $0x1F;
	s29 =	spop (v2sf)  }
0x364: {  	s24 =	sadd.s32 s6, s30;
	s6 =	smul.u32 $0x10624DD3, s12;
	s30 =	spop (v2sf)  }
0x365: {  	s9 =	sshrl.u32 s20, $0x1F;
	s14 =	smulhi.u32 $0x10624DD3, s30;
	s12 =	sshra.s32 s30, $0x1F  }
0x366: {  	s0 =	sadd.s32 s0, s15;
	s1 =	sadd.s32 s1, s11;
	s15 =	smul.u32 $0x10624DD3, s12  }
0x367: {  	s31 =	sshra.s32 s0, $0x7;
	s3 =	sadd.s32 s3, s25;
	s25 =	sshrl.u32 s23, $0x1F  }
0x368: {  	v11 =	vmov s5;
	s5 =	sshrl.u32 s1, $0x1F;
	s11 =	smulhi.u32 $0x10624DD3, s26;
	s15 =	sadd.s32 s15, s14  }
0x369: {  	v11 =	vsel vm0, s2, v11;
	s2 =	sshra.s32 s13, $0x1F;
	s14 =	sshra.s32 s26, $0x1F;
	s26 =	sshra.s32 s15, $0x1F  }
0x36a: {  	s6 =	sadd.s32 s6, s28;
	s28 =	sshrl.u32 s24, $0x1F;
	s2 =	smul.u32 $0x10624DD3, s2;
	v10 =	vmov s26  }
0x36b: {  	s30 =	sshrl.u32 s22, $0x1F;
	s26 =	sshrl.u32 s0, $0x1F;
	s0 =	sshra.s32 s0, $0x1F;
	v10 =	vsel vm3, s31, v10  }
0x36c: {  	v11 =	vsel vm1, s7, v11;
	s7 =	sshrl.u32 s6, $0x1F;
	s12 =	sshrl.u32 s8, $0x1F;
	v32 =	vmov s26;
	s26 =	sshra.s32 s1, $0x7;
	v10 =	vsel vm9, s0, v10  }
0x36d: {  	v33 =	vmov s12;
	s12 =	sshra.s32 s21, $0x7;
	s14 =	smul.u32 $0x10624DD3, s14;
	s1 =	sshra.s32 s1, $0x1F;
	v10 =	vsel vm0, s26, v10  }
0x36e: {  	s21 =	sshra.s32 s18, $0x7;
	v13 =	vsel vm0, s30, v33;
	s0 =	smulhi.u32 $0x10624DD3, s13;
	v12 =	vnsel vm3, $0x0, v32;
	s13 =	sshra.s32 s3, $0x7;
	v10 =	vsel vm10, s1, v10  }
0x36f: {  	v13 =	vsel vm1, s25, v13;
	v12 =	vsel vm0, s5, v12;
	s5 =	smulhi.u32 $0x10624DD3, s29;
	s29 =	sshra.s32 s29, $0x1F;
	s26 =	sshra.s32 s3, $0x1F;
	v10 =	vsel vm1, s13, v10  }
0x370: {  	v11 =	vsel vm2, s9, v11;
	s30 =	sshra.s32 s6, $0x7;
	s6 =	sshra.s32 s6, $0x1F;
	v13 =	vsel vm2, s28, v13;
	s9 =	smul.u32 $0x10624DD3, s29;
	v10 =	vsel vm11, s26, v10  }
0x371: {  	v34 =	vmov s12;
	s28 =	sshra.s32 s19, $0x7;
	s31 =	sshrl.u32 s3, $0x1F;
	s11 =	sadd.s32 s14, s11;
	v11 =	vcombine.low v13, v11;
	v10 =	vsel vm2, s30, v10  }
0x372: {  	v13 =	vsel vm0, s21, v34;
	s14 =	sshra.s32 s11, $0x1F;
	v12 =	vsel vm1, s31, v12;
	s3 =	sadd.s32 s9, s5;
	s9 =	sshra.s32 s11, $0x7;
	v10 =	vsel vm12, s6, v10  }
0x373: {  	v13 =	vsel vm1, s28, v13;
	s29 =	sshrl.u32 s11, $0x1F;
	s0 =	sadd.s32 s2, s0;
	v12 =	vsel vm2, s7, v12;
	s13 =	sshra.s32 s8, $0x7;
	v10 =	vsel vm4, s9, v10  }
0x374: {  	s25 =	sshra.s32 s22, $0x7;
	s2 =	sshrl.u32 s0, $0x1F;
	v12 =	vsel vm4, s29, v12;
	v35 =	vmov s13;
	s26 =	sshra.s32 s0, $0x7;
	v10 =	vsel vm13, s14, v10  }
0x375: {  	s29 =	sshra.s32 s23, $0x7;
	s0 =	sshra.s32 s0, $0x1F;
	v12 =	vsel vm5, s2, v12;
	s7 =	sshrl.u32 s3, $0x1F;
	v14 =	vsel vm0, s25, v35;
	v10 =	vsel vm5, s26, v10  }
0x376: {  	s5 =	sshra.s32 s24, $0x7;
	s30 =	sshra.s32 s20, $0x7;
	v12 =	vsel vm6, s7, v12;
	v14 =	vsel vm1, s29, v14;
	s6 =	sshra.s32 s3, $0x7;
	v10 =	vsel vm14, s0, v10  }
0x377: {  	s8 =	sshra.s32 s3, $0x1F;
	s7 =	sshrl.u32 s15, $0x1F;
	v13 =	vsel vm2, s30, v13;
	v14 =	vsel vm2, s5, v14;
	v10 =	vsel vm6, s6, v10  }
0x378: {  	v12 =	vsel vm7, s7, v12;
	s9 =	sshra.s32 s15, $0x7;
	v13 =	vcombine.low v14, v13;
	v10 =	vsel vm15, s8, v10  }
0x379: {  	v11 =	vperm.xlane v11, v1;
	v12 =	vperm.xlane v12, v2;
	v10 =	vsel vm7, s9, v10  }
0x37a: {  	v13 =	vperm.xlane v13, v1;
	v10 =	vperm.xlane v10, v2;
	_ =	sdelay $0x1  }
0x37b: {  	v11 =	vsel vm8, v12, v11;
	v10 =	vsel vm8, v10, v13  }
0x37c: {  	v10 =	vadd.s32 v11, v10  }
0x37d: {  	v11 =	vshll.u32 v10, $0x4  }
0x37e: {  	v11 =	vadd.s32 v5, v11  }
0x37f: {  	v10 =	vmul.u32 $0xFFFFF830, v10;
	_ =	sdelay $0x1  }
0x380: {  	v9 =	vadd.s32 v9, v10  }
0x381: {  	[tilespmem:$0x210] =	vst v9  }
0x382: {  	[tilespmem:v11+s10+$0x0] =	vst.idx.msk $0xffff, v4  }
0x383: {  	v9 =	vld [tilespmem:$0x1A0];
	_ =	sdelay $0x4  }
0x384: {  	(v2sf) =	vpush v9, $0xD;
	_ =	sdelay $0x1  }
0x385: {  	(v2sf) =	vpush v9, $0xC;
	_ =	sdelay $0x1  }
0x386: {  	(v2sf) =	vpush v9, $0xE;
	_ =	sdelay $0x1  }
0x387: {  	(v2sf) =	vpush v9, $0xF;
	_ =	sdelay $0x1  }
0x388: {  	(v2sf) =	vpush v9, $0x9;
	_ =	sdelay $0x1  }
0x389: {  	(v2sf) =	vpush v9, $0x8;
	_ =	sdelay $0x1  }
0x38a: {  	(v2sf) =	vpush v9, $0xA;
	_ =	sdelay $0x1  }
0x38b: {  	(v2sf) =	vpush v9, $0xB  }
0x38c: {  	s11 =	spop (v2sf)  }
0x38d: {  	(v2sf) =	vpush v9, $0x0;
	s12 =	smulhi.u32 $0x10624DD3, s11;
	s0 =	sshra.s32 s11, $0x1F  }
0x38e: {  	s13 =	spop (v2sf);
	s0 =	smul.u32 $0x10624DD3, s0  }
0x38f: {  	(v2sf) =	vpush v9, $0x1;
	s14 =	smulhi.u32 $0x10624DD3, s13;
	s2 =	sshra.s32 s13, $0x1F  }
0x390: {  	(v2sf) =	vpush v9, $0x2;
	s18 =	spop (v2sf);
	s15 =	smul.u32 $0x10624DD3, s2  }
0x391: {  	(v2sf) =	vpush v9, $0x3;
	s19 =	smulhi.u32 $0x10624DD3, s18;
	s2 =	sshra.s32 s18, $0x1F  }
0x392: {  	s23 =	spop (v2sf);
	(v2sf) =	vpush v9, $0x4;
	s20 =	smul.u32 $0x10624DD3, s2  }
0x393: {  	s24 =	smulhi.u32 $0x10624DD3, s23;
	s2 =	sshra.s32 s23, $0x1F;
	(v2sf) =	vpush v9, $0x5  }
0x394: {  	s26 =	spop (v2sf);
	s25 =	smul.u32 $0x10624DD3, s2;
	(v2sf) =	vpush v9, $0x6  }
0x395: {  	s28 =	smulhi.u32 $0x10624DD3, s26;
	s2 =	sshra.s32 s26, $0x1F;
	(v2sf) =	vpush v9, $0x7  }
0x396: {  	s18 =	sadd.s32 s0, s12;
	s22 =	spop (v2sf);
	s12 =	smul.u32 $0x10624DD3, s2  }
0x397: {  	s23 =	smulhi.u32 $0x10624DD3, s22;
	s1 =	sshra.s32 s22, $0x1F  }
0x398: {  	s21 =	sadd.s32 s15, s14;
	s13 =	spop (v2sf);
	s1 =	smul.u32 $0x10624DD3, s1  }
0x399: {  	s2 =	sshrl.u32 s18, $0x1F;
	s14 =	smulhi.u32 $0x10624DD3, s13;
	s3 =	sshra.s32 s13, $0x1F  }
0x39a: {  	s5 =	sshrl.u32 s21, $0x1F;
	s29 =	spop (v2sf);
	s3 =	smul.u32 $0x10624DD3, s3  }
0x39b: {  	s19 =	sadd.s32 s20, s19;
	s30 =	smulhi.u32 $0x10624DD3, s29;
	s6 =	sshra.s32 s29, $0x1F  }
0x39c: {  	s20 =	sadd.s32 s25, s24;
	s24 =	spop (v2sf);
	s6 =	smul.u32 $0x10624DD3, s6  }
0x39d: {  	s7 =	sshrl.u32 s19, $0x1F;
	s15 =	smulhi.u32 $0x10624DD3, s24;
	s8 =	sshra.s32 s24, $0x1F  }
0x39e: {  	s22 =	sadd.s32 s12, s28;
	s25 =	spop (v2sf);
	s0 =	smul.u32 $0x10624DD3, s8  }
0x39f: {  	s11 =	smulhi.u32 $0x10624DD3, s25;
	s26 =	sshra.s32 s25, $0x1F;
	s28 =	spop (v2sf)  }
0x3a0: {  	s8 =	sadd.s32 s1, s23;
	s1 =	smul.u32 $0x10624DD3, s26;
	s29 =	spop (v2sf)  }
0x3a1: {  	s25 =	smulhi.u32 $0x10624DD3, s28;
	s24 =	sshra.s32 s28, $0x1F;
	s26 =	spop (v2sf)  }
0x3a2: {  	s23 =	sadd.s32 s3, s14;
	s3 =	smul.u32 $0x10624DD3, s24;
	s13 =	spop (v2sf)  }
0x3a3: {  	s28 =	smulhi.u32 $0x10624DD3, s29;
	s12 =	sshra.s32 s29, $0x1F;
	s29 =	spop (v2sf)  }
0x3a4: {  	s24 =	sadd.s32 s6, s30;
	s6 =	smul.u32 $0x10624DD3, s12;
	s30 =	spop (v2sf)  }
0x3a5: {  	s9 =	sshrl.u32 s20, $0x1F;
	s14 =	smulhi.u32 $0x10624DD3, s30;
	s12 =	sshra.s32 s30, $0x1F  }
0x3a6: {  	s0 =	sadd.s32 s0, s15;
	s1 =	sadd.s32 s1, s11;
	s15 =	smul.u32 $0x10624DD3, s12  }
0x3a7: {  	s31 =	sshra.s32 s0, $0x7;
	s3 =	sadd.s32 s3, s25;
	s25 =	sshrl.u32 s23, $0x1F  }
0x3a8: {  	v11 =	vmov s5;
	s5 =	sshrl.u32 s1, $0x1F;
	s11 =	smulhi.u32 $0x10624DD3, s26;
	s15 =	sadd.s32 s15, s14  }
0x3a9: {  	v11 =	vsel vm0, s2, v11;
	s2 =	sshra.s32 s13, $0x1F;
	s14 =	sshra.s32 s26, $0x1F;
	s26 =	sshra.s32 s15, $0x1F  }
0x3aa: {  	s6 =	sadd.s32 s6, s28;
	s28 =	sshrl.u32 s24, $0x1F;
	s2 =	smul.u32 $0x10624DD3, s2;
	v10 =	vmov s26  }
0x3ab: {  	s30 =	sshrl.u32 s22, $0x1F;
	s26 =	sshrl.u32 s0, $0x1F;
	s0 =	sshra.s32 s0, $0x1F;
	v10 =	vsel vm3, s31, v10  }
0x3ac: {  	v11 =	vsel vm1, s7, v11;
	s7 =	sshrl.u32 s6, $0x1F;
	s12 =	sshrl.u32 s8, $0x1F;
	v36 =	vmov s26;
	s26 =	sshra.s32 s1, $0x7;
	v10 =	vsel vm9, s0, v10  }
0x3ad: {  	v37 =	vmov s12;
	s12 =	sshra.s32 s21, $0x7;
	s14 =	smul.u32 $0x10624DD3, s14;
	s1 =	sshra.s32 s1, $0x1F;
	v10 =	vsel vm0, s26, v10  }
0x3ae: {  	s21 =	sshra.s32 s18, $0x7;
	v13 =	vsel vm0, s30, v37;
	s0 =	smulhi.u32 $0x10624DD3, s13;
	v12 =	vnsel vm3, $0x0, v36;
	s13 =	sshra.s32 s3, $0x7;
	v10 =	vsel vm10, s1, v10  }
0x3af: {  	v13 =	vsel vm1, s25, v13;
	v12 =	vsel vm0, s5, v12;
	s5 =	smulhi.u32 $0x10624DD3, s29;
	s29 =	sshra.s32 s29, $0x1F;
	s26 =	sshra.s32 s3, $0x1F;
	v10 =	vsel vm1, s13, v10  }
0x3b0: {  	v11 =	vsel vm2, s9, v11;
	s30 =	sshra.s32 s6, $0x7;
	s6 =	sshra.s32 s6, $0x1F;
	v13 =	vsel vm2, s28, v13;
	s9 =	smul.u32 $0x10624DD3, s29;
	v10 =	vsel vm11, s26, v10  }
0x3b1: {  	v38 =	vmov s12;
	s28 =	sshra.s32 s19, $0x7;
	s31 =	sshrl.u32 s3, $0x1F;
	s11 =	sadd.s32 s14, s11;
	v11 =	vcombine.low v13, v11;
	v10 =	vsel vm2, s30, v10  }
0x3b2: {  	v13 =	vsel vm0, s21, v38;
	s14 =	sshra.s32 s11, $0x1F;
	v12 =	vsel vm1, s31, v12;
	s3 =	sadd.s32 s9, s5;
	s9 =	sshra.s32 s11, $0x7;
	v10 =	vsel vm12, s6, v10  }
0x3b3: {  	v13 =	vsel vm1, s28, v13;
	s29 =	sshrl.u32 s11, $0x1F;
	s0 =	sadd.s32 s2, s0;
	v12 =	vsel vm2, s7, v12;
	s13 =	sshra.s32 s8, $0x7;
	v10 =	vsel vm4, s9, v10  }
0x3b4: {  	s25 =	sshra.s32 s22, $0x7;
	s2 =	sshrl.u32 s0, $0x1F;
	v12 =	vsel vm4, s29, v12;
	v39 =	vmov s13;
	s26 =	sshra.s32 s0, $0x7;
	v10 =	vsel vm13, s14, v10  }
0x3b5: {  	s29 =	sshra.s32 s23, $0x7;
	s0 =	sshra.s32 s0, $0x1F;
	v12 =	vsel vm5, s2, v12;
	s7 =	sshrl.u32 s3, $0x1F;
	v14 =	vsel vm0, s25, v39;
	v10 =	vsel vm5, s26, v10  }
0x3b6: {  	s5 =	sshra.s32 s24, $0x7;
	s30 =	sshra.s32 s20, $0x7;
	v12 =	vsel vm6, s7, v12;
	v14 =	vsel vm1, s29, v14;
	s6 =	sshra.s32 s3, $0x7;
	v10 =	vsel vm14, s0, v10  }
0x3b7: {  	s8 =	sshra.s32 s3, $0x1F;
	s7 =	sshrl.u32 s15, $0x1F;
	v13 =	vsel vm2, s30, v13;
	v14 =	vsel vm2, s5, v14;
	v10 =	vsel vm6, s6, v10  }
0x3b8: {  	v12 =	vsel vm7, s7, v12;
	s9 =	sshra.s32 s15, $0x7;
	v13 =	vcombine.low v14, v13;
	v10 =	vsel vm15, s8, v10  }
0x3b9: {  	v11 =	vperm.xlane v11, v1;
	v12 =	vperm.xlane v12, v2;
	v10 =	vsel vm7, s9, v10  }
0x3ba: {  	v13 =	vperm.xlane v13, v1;
	v10 =	vperm.xlane v10, v2;
	_ =	sdelay $0x1  }
0x3bb: {  	v11 =	vsel vm8, v12, v11;
	v10 =	vsel vm8, v10, v13  }
0x3bc: {  	v10 =	vadd.s32 v11, v10  }
0x3bd: {  	v11 =	vshll.u32 v10, $0x4  }
0x3be: {  	v11 =	vadd.s32 v6, v11  }
0x3bf: {  	v10 =	vmul.u32 $0xFFFFF830, v10;
	_ =	sdelay $0x1  }
0x3c0: {  	v9 =	vadd.s32 v9, v10  }
0x3c1: {  	[tilespmem:$0x220] =	vst v9  }
0x3c2: {  	[tilespmem:v11+s10+$0x0] =	vst.idx.msk $0xffff, v4  }
0x3c3: {  	v9 =	vld [tilespmem:$0x1B0];
	_ =	sdelay $0x4  }
0x3c4: {  	(v2sf) =	vpush v9, $0xD;
	_ =	sdelay $0x1  }
0x3c5: {  	(v2sf) =	vpush v9, $0xC;
	_ =	sdelay $0x1  }
0x3c6: {  	(v2sf) =	vpush v9, $0xE;
	_ =	sdelay $0x1  }
0x3c7: {  	(v2sf) =	vpush v9, $0xF;
	_ =	sdelay $0x1  }
0x3c8: {  	(v2sf) =	vpush v9, $0x9;
	_ =	sdelay $0x1  }
0x3c9: {  	(v2sf) =	vpush v9, $0x8;
	_ =	sdelay $0x1  }
0x3ca: {  	(v2sf) =	vpush v9, $0xA;
	_ =	sdelay $0x1  }
0x3cb: {  	(v2sf) =	vpush v9, $0xB  }
0x3cc: {  	s11 =	spop (v2sf)  }
0x3cd: {  	(v2sf) =	vpush v9, $0x0;
	s12 =	smulhi.u32 $0x10624DD3, s11;
	s0 =	sshra.s32 s11, $0x1F  }
0x3ce: {  	s13 =	spop (v2sf);
	s0 =	smul.u32 $0x10624DD3, s0  }
0x3cf: {  	(v2sf) =	vpush v9, $0x1;
	s14 =	smulhi.u32 $0x10624DD3, s13;
	s2 =	sshra.s32 s13, $0x1F  }
0x3d0: {  	(v2sf) =	vpush v9, $0x2;
	s18 =	spop (v2sf);
	s15 =	smul.u32 $0x10624DD3, s2  }
0x3d1: {  	(v2sf) =	vpush v9, $0x3;
	s19 =	smulhi.u32 $0x10624DD3, s18;
	s2 =	sshra.s32 s18, $0x1F  }
0x3d2: {  	s23 =	spop (v2sf);
	(v2sf) =	vpush v9, $0x4;
	s20 =	smul.u32 $0x10624DD3, s2  }
0x3d3: {  	s24 =	smulhi.u32 $0x10624DD3, s23;
	s2 =	sshra.s32 s23, $0x1F;
	(v2sf) =	vpush v9, $0x5  }
0x3d4: {  	s26 =	spop (v2sf);
	s25 =	smul.u32 $0x10624DD3, s2;
	(v2sf) =	vpush v9, $0x6  }
0x3d5: {  	s28 =	smulhi.u32 $0x10624DD3, s26;
	s2 =	sshra.s32 s26, $0x1F;
	(v2sf) =	vpush v9, $0x7  }
0x3d6: {  	s18 =	sadd.s32 s0, s12;
	s22 =	spop (v2sf);
	s12 =	smul.u32 $0x10624DD3, s2  }
0x3d7: {  	s23 =	smulhi.u32 $0x10624DD3, s22;
	s1 =	sshra.s32 s22, $0x1F  }
0x3d8: {  	s21 =	sadd.s32 s15, s14;
	s13 =	spop (v2sf);
	s1 =	smul.u32 $0x10624DD3, s1  }
0x3d9: {  	s2 =	sshrl.u32 s18, $0x1F;
	s14 =	smulhi.u32 $0x10624DD3, s13;
	s3 =	sshra.s32 s13, $0x1F  }
0x3da: {  	s5 =	sshrl.u32 s21, $0x1F;
	s29 =	spop (v2sf);
	s3 =	smul.u32 $0x10624DD3, s3  }
0x3db: {  	s19 =	sadd.s32 s20, s19;
	s30 =	smulhi.u32 $0x10624DD3, s29;
	s6 =	sshra.s32 s29, $0x1F  }
0x3dc: {  	s20 =	sadd.s32 s25, s24;
	s24 =	spop (v2sf);
	s6 =	smul.u32 $0x10624DD3, s6  }
0x3dd: {  	s7 =	sshrl.u32 s19, $0x1F;
	s15 =	smulhi.u32 $0x10624DD3, s24;
	s8 =	sshra.s32 s24, $0x1F  }
0x3de: {  	s22 =	sadd.s32 s12, s28;
	s25 =	spop (v2sf);
	s0 =	smul.u32 $0x10624DD3, s8  }
0x3df: {  	s11 =	smulhi.u32 $0x10624DD3, s25;
	s26 =	sshra.s32 s25, $0x1F;
	s28 =	spop (v2sf)  }
0x3e0: {  	s8 =	sadd.s32 s1, s23;
	s1 =	smul.u32 $0x10624DD3, s26;
	s29 =	spop (v2sf)  }
0x3e1: {  	s25 =	smulhi.u32 $0x10624DD3, s28;
	s24 =	sshra.s32 s28, $0x1F;
	s26 =	spop (v2sf)  }
0x3e2: {  	s23 =	sadd.s32 s3, s14;
	s3 =	smul.u32 $0x10624DD3, s24;
	s13 =	spop (v2sf)  }
0x3e3: {  	s28 =	smulhi.u32 $0x10624DD3, s29;
	s12 =	sshra.s32 s29, $0x1F;
	s29 =	spop (v2sf)  }
0x3e4: {  	s24 =	sadd.s32 s6, s30;
	s6 =	smul.u32 $0x10624DD3, s12;
	s30 =	spop (v2sf)  }
0x3e5: {  	s9 =	sshrl.u32 s20, $0x1F;
	s14 =	smulhi.u32 $0x10624DD3, s30;
	s12 =	sshra.s32 s30, $0x1F  }
0x3e6: {  	s0 =	sadd.s32 s0, s15;
	s1 =	sadd.s32 s1, s11;
	s15 =	smul.u32 $0x10624DD3, s12  }
0x3e7: {  	s31 =	sshra.s32 s0, $0x7;
	s3 =	sadd.s32 s3, s25;
	s25 =	sshrl.u32 s23, $0x1F  }
0x3e8: {  	v11 =	vmov s5;
	s5 =	sshrl.u32 s1, $0x1F;
	s11 =	smulhi.u32 $0x10624DD3, s26;
	s15 =	sadd.s32 s15, s14  }
0x3e9: {  	v11 =	vsel vm0, s2, v11;
	s2 =	sshra.s32 s13, $0x1F;
	s14 =	sshra.s32 s26, $0x1F;
	s26 =	sshra.s32 s15, $0x1F  }
0x3ea: {  	s6 =	sadd.s32 s6, s28;
	s28 =	sshrl.u32 s24, $0x1F;
	s2 =	smul.u32 $0x10624DD3, s2;
	v10 =	vmov s26  }
0x3eb: {  	s30 =	sshrl.u32 s22, $0x1F;
	s26 =	sshrl.u32 s0, $0x1F;
	s0 =	sshra.s32 s0, $0x1F;
	v10 =	vsel vm3, s31, v10  }
0x3ec: {  	v11 =	vsel vm1, s7, v11;
	s7 =	sshrl.u32 s6, $0x1F;
	s12 =	sshrl.u32 s8, $0x1F;
	v40 =	vmov s26;
	s26 =	sshra.s32 s1, $0x7;
	v10 =	vsel vm9, s0, v10  }
0x3ed: {  	v41 =	vmov s12;
	s12 =	sshra.s32 s21, $0x7;
	s14 =	smul.u32 $0x10624DD3, s14;
	s1 =	sshra.s32 s1, $0x1F;
	v10 =	vsel vm0, s26, v10  }
0x3ee: {  	s21 =	sshra.s32 s18, $0x7;
	v13 =	vsel vm0, s30, v41;
	s0 =	smulhi.u32 $0x10624DD3, s13;
	v12 =	vnsel vm3, $0x0, v40;
	s13 =	sshra.s32 s3, $0x7;
	v10 =	vsel vm10, s1, v10  }
0x3ef: {  	v13 =	vsel vm1, s25, v13;
	v12 =	vsel vm0, s5, v12;
	s5 =	smulhi.u32 $0x10624DD3, s29;
	s29 =	sshra.s32 s29, $0x1F;
	s26 =	sshra.s32 s3, $0x1F;
	v10 =	vsel vm1, s13, v10  }
0x3f0: {  	v11 =	vsel vm2, s9, v11;
	s30 =	sshra.s32 s6, $0x7;
	s6 =	sshra.s32 s6, $0x1F;
	v13 =	vsel vm2, s28, v13;
	s9 =	smul.u32 $0x10624DD3, s29;
	v10 =	vsel vm11, s26, v10  }
0x3f1: {  	v42 =	vmov s12;
	s28 =	sshra.s32 s19, $0x7;
	s31 =	sshrl.u32 s3, $0x1F;
	s11 =	sadd.s32 s14, s11;
	v11 =	vcombine.low v13, v11;
	v10 =	vsel vm2, s30, v10  }
0x3f2: {  	v13 =	vsel vm0, s21, v42;
	s14 =	sshra.s32 s11, $0x1F;
	v12 =	vsel vm1, s31, v12;
	s3 =	sadd.s32 s9, s5;
	s9 =	sshra.s32 s11, $0x7;
	v10 =	vsel vm12, s6, v10  }
0x3f3: {  	v13 =	vsel vm1, s28, v13;
	s29 =	sshrl.u32 s11, $0x1F;
	s0 =	sadd.s32 s2, s0;
	v12 =	vsel vm2, s7, v12;
	s13 =	sshra.s32 s8, $0x7;
	v10 =	vsel vm4, s9, v10  }
0x3f4: {  	s25 =	sshra.s32 s22, $0x7;
	s2 =	sshrl.u32 s0, $0x1F;
	v12 =	vsel vm4, s29, v12;
	v43 =	vmov s13;
	s26 =	sshra.s32 s0, $0x7;
	v10 =	vsel vm13, s14, v10  }
0x3f5: {  	s29 =	sshra.s32 s23, $0x7;
	s0 =	sshra.s32 s0, $0x1F;
	v12 =	vsel vm5, s2, v12;
	s7 =	sshrl.u32 s3, $0x1F;
	v14 =	vsel vm0, s25, v43;
	v10 =	vsel vm5, s26, v10  }
0x3f6: {  	s5 =	sshra.s32 s24, $0x7;
	s30 =	sshra.s32 s20, $0x7;
	v12 =	vsel vm6, s7, v12;
	v14 =	vsel vm1, s29, v14;
	s6 =	sshra.s32 s3, $0x7;
	v10 =	vsel vm14, s0, v10  }
0x3f7: {  	s8 =	sshra.s32 s3, $0x1F;
	s7 =	sshrl.u32 s15, $0x1F;
	v13 =	vsel vm2, s30, v13;
	v14 =	vsel vm2, s5, v14;
	v10 =	vsel vm6, s6, v10  }
0x3f8: {  	v12 =	vsel vm7, s7, v12;
	s9 =	sshra.s32 s15, $0x7;
	v13 =	vcombine.low v14, v13;
	v10 =	vsel vm15, s8, v10  }
0x3f9: {  	v11 =	vperm.xlane v11, v1;
	v12 =	vperm.xlane v12, v2;
	v10 =	vsel vm7, s9, v10  }
0x3fa: {  	v13 =	vperm.xlane v13, v1;
	v10 =	vperm.xlane v10, v2;
	_ =	sdelay $0x1  }
0x3fb: {  	v11 =	vsel vm8, v12, v11;
	v10 =	vsel vm8, v10, v13  }
0x3fc: {  	v10 =	vadd.s32 v11, v10  }
0x3fd: {  	v11 =	vshll.u32 v10, $0x4  }
0x3fe: {  	v11 =	vadd.s32 v7, v11  }
0x3ff: {  	v10 =	vmul.u32 $0xFFFFF830, v10;
	_ =	sdelay $0x1  }
0x400: {  	v9 =	vadd.s32 v9, v10  }
0x401: {  	[tilespmem:$0x230] =	vst v9  }
0x402: {  	[tilespmem:v11+s10+$0x0] =	vst.idx.msk $0xffff, v4  }
0x403: {  	v9 =	vld [tilespmem:$0x1C0];
	_ =	sdelay $0x4  }
0x404: {  	(v2sf) =	vpush v9, $0xD;
	_ =	sdelay $0x1  }
0x405: {  	(v2sf) =	vpush v9, $0xC;
	_ =	sdelay $0x1  }
0x406: {  	(v2sf) =	vpush v9, $0xE;
	_ =	sdelay $0x1  }
0x407: {  	(v2sf) =	vpush v9, $0xF;
	_ =	sdelay $0x1  }
0x408: {  	(v2sf) =	vpush v9, $0x9;
	_ =	sdelay $0x1  }
0x409: {  	(v2sf) =	vpush v9, $0x8;
	_ =	sdelay $0x1  }
0x40a: {  	(v2sf) =	vpush v9, $0xA;
	_ =	sdelay $0x1  }
0x40b: {  	(v2sf) =	vpush v9, $0xB  }
0x40c: {  	s11 =	spop (v2sf)  }
0x40d: {  	(v2sf) =	vpush v9, $0x0;
	s12 =	smulhi.u32 $0x10624DD3, s11;
	s0 =	sshra.s32 s11, $0x1F  }
0x40e: {  	s13 =	spop (v2sf);
	s0 =	smul.u32 $0x10624DD3, s0  }
0x40f: {  	(v2sf) =	vpush v9, $0x1;
	s14 =	smulhi.u32 $0x10624DD3, s13;
	s2 =	sshra.s32 s13, $0x1F  }
0x410: {  	(v2sf) =	vpush v9, $0x2;
	s18 =	spop (v2sf);
	s15 =	smul.u32 $0x10624DD3, s2  }
0x411: {  	(v2sf) =	vpush v9, $0x3;
	s19 =	smulhi.u32 $0x10624DD3, s18;
	s2 =	sshra.s32 s18, $0x1F  }
0x412: {  	s23 =	spop (v2sf);
	(v2sf) =	vpush v9, $0x4;
	s20 =	smul.u32 $0x10624DD3, s2  }
0x413: {  	s24 =	smulhi.u32 $0x10624DD3, s23;
	s2 =	sshra.s32 s23, $0x1F;
	(v2sf) =	vpush v9, $0x5  }
0x414: {  	s26 =	spop (v2sf);
	s25 =	smul.u32 $0x10624DD3, s2;
	(v2sf) =	vpush v9, $0x6  }
0x415: {  	s28 =	smulhi.u32 $0x10624DD3, s26;
	s2 =	sshra.s32 s26, $0x1F;
	(v2sf) =	vpush v9, $0x7  }
0x416: {  	s18 =	sadd.s32 s0, s12;
	s22 =	spop (v2sf);
	s12 =	smul.u32 $0x10624DD3, s2  }
0x417: {  	s21 =	sadd.s32 s15, s14;
	s23 =	smulhi.u32 $0x10624DD3, s22;
	s1 =	sshra.s32 s22, $0x1F  }
0x418: {  	s2 =	sshrl.u32 s18, $0x1F;
	s13 =	spop (v2sf);
	s1 =	smul.u32 $0x10624DD3, s1  }
0x419: {  	s5 =	sshrl.u32 s21, $0x1F;
	s14 =	smulhi.u32 $0x10624DD3, s13;
	s3 =	sshra.s32 s13, $0x1F  }
0x41a: {  	s19 =	sadd.s32 s20, s19;
	s29 =	spop (v2sf);
	s3 =	smul.u32 $0x10624DD3, s3  }
0x41b: {  	s7 =	sshrl.u32 s19, $0x1F;
	s30 =	smulhi.u32 $0x10624DD3, s29;
	s6 =	sshra.s32 s29, $0x1F  }
0x41c: {  	s20 =	sadd.s32 s25, s24;
	s24 =	spop (v2sf);
	s6 =	smul.u32 $0x10624DD3, s6  }
0x41d: {  	s9 =	sshrl.u32 s20, $0x1F;
	s15 =	smulhi.u32 $0x10624DD3, s24;
	s8 =	sshra.s32 s24, $0x1F  }
0x41e: {  	s22 =	sadd.s32 s12, s28;
	s25 =	spop (v2sf);
	s0 =	smul.u32 $0x10624DD3, s8  }
0x41f: {  	s11 =	smulhi.u32 $0x10624DD3, s25;
	s26 =	sshra.s32 s25, $0x1F;
	s28 =	spop (v2sf)  }
0x420: {  	s8 =	sadd.s32 s1, s23;
	s1 =	smul.u32 $0x10624DD3, s26;
	s29 =	spop (v2sf)  }
0x421: {  	s25 =	smulhi.u32 $0x10624DD3, s28;
	s24 =	sshra.s32 s28, $0x1F;
	s26 =	spop (v2sf)  }
0x422: {  	s23 =	sadd.s32 s3, s14;
	s3 =	smul.u32 $0x10624DD3, s24;
	s13 =	spop (v2sf)  }
0x423: {  	s28 =	smulhi.u32 $0x10624DD3, s29;
	s12 =	sshra.s32 s29, $0x1F;
	s29 =	spop (v2sf)  }
0x424: {  	s24 =	sadd.s32 s6, s30;
	s6 =	smul.u32 $0x10624DD3, s12;
	s30 =	spop (v2sf)  }
0x425: {  	s0 =	sadd.s32 s0, s15;
	s14 =	smulhi.u32 $0x10624DD3, s30;
	s12 =	sshra.s32 s30, $0x1F  }
0x426: {  	s1 =	sadd.s32 s1, s11;
	s31 =	sshra.s32 s0, $0x7;
	s15 =	smul.u32 $0x10624DD3, s12  }
0x427: {  	v11 =	vmov s5;
	s3 =	sadd.s32 s3, s25;
	s25 =	sshrl.u32 s23, $0x1F;
	s5 =	sshrl.u32 s1, $0x1F  }
0x428: {  	v11 =	vsel vm0, s2, v11;
	s11 =	smulhi.u32 $0x10624DD3, s26;
	s2 =	sshra.s32 s13, $0x1F;
	s15 =	sadd.s32 s15, s14  }
0x429: {  	s6 =	sadd.s32 s6, s28;
	s14 =	sshra.s32 s26, $0x1F;
	s26 =	sshra.s32 s15, $0x1F  }
0x42a: {  	s28 =	sshrl.u32 s24, $0x1F;
	s2 =	smul.u32 $0x10624DD3, s2;
	s30 =	sshrl.u32 s22, $0x1F;
	v10 =	vmov s26  }
0x42b: {  	v11 =	vsel vm1, s7, v11;
	s7 =	sshrl.u32 s6, $0x1F;
	s26 =	sshrl.u32 s0, $0x1F;
	s0 =	sshra.s32 s0, $0x1F;
	v10 =	vsel vm3, s31, v10  }
0x42c: {  	s12 =	sshrl.u32 s8, $0x1F;
	s14 =	smul.u32 $0x10624DD3, s14;
	v44 =	vmov s26;
	s26 =	sshra.s32 s1, $0x7;
	v10 =	vsel vm9, s0, v10  }
0x42d: {  	v45 =	vmov s12;
	s12 =	sshra.s32 s8, $0x7;
	s1 =	sshra.s32 s1, $0x1F;
	s0 =	smulhi.u32 $0x10624DD3, s13;
	v12 =	vnsel vm3, $0x0, v44;
	v10 =	vsel vm0, s26, v10  }
0x42e: {  	s13 =	sshra.s32 s3, $0x7;
	v12 =	vsel vm0, s5, v12;
	s5 =	smulhi.u32 $0x10624DD3, s29;
	s29 =	sshra.s32 s29, $0x1F;
	v10 =	vsel vm10, s1, v10  }
0x42f: {  	v11 =	vsel vm2, s9, v11;
	v13 =	vsel vm0, s30, v45;
	s30 =	sshra.s32 s6, $0x7;
	s26 =	sshra.s32 s3, $0x1F;
	s9 =	smul.u32 $0x10624DD3, s29;
	v10 =	vsel vm1, s13, v10  }
0x430: {  	v47 =	vmov s12;
	v13 =	vsel vm1, s25, v13;
	s31 =	sshrl.u32 s3, $0x1F;
	s11 =	sadd.s32 s14, s11;
	s14 =	sshra.s32 s18, $0x7;
	v10 =	vsel vm11, s26, v10  }
0x431: {  	v13 =	vsel vm2, s28, v13;
	s18 =	sshra.s32 s22, $0x7;
	v12 =	vsel vm1, s31, v12;
	s3 =	sadd.s32 s9, s5;
	s5 =	sshra.s32 s6, $0x1F;
	v10 =	vsel vm2, s30, v10  }
0x432: {  	s25 =	sshra.s32 s23, $0x7;
	s28 =	sshra.s32 s24, $0x7;
	v14 =	vsel vm0, s18, v47;
	v12 =	vsel vm2, s7, v12;
	s7 =	sshra.s32 s11, $0x7;
	v10 =	vsel vm12, s5, v10  }
0x433: {  	v11 =	vcombine.low v13, v11;
	v14 =	vsel vm1, s25, v14;
	s0 =	sadd.s32 s2, s0;
	s13 =	sshra.s32 s11, $0x1F;
	s9 =	sshra.s32 s21, $0x7;
	v10 =	vsel vm4, s7, v10  }
0x434: {  	s29 =	sshrl.u32 s11, $0x1F;
	v14 =	vsel vm2, s28, v14;
	s21 =	sshra.s32 s0, $0x7;
	v46 =	vmov s9;
	v10 =	vsel vm13, s13, v10  }
0x435: {  	s22 =	sshra.s32 s19, $0x7;
	s2 =	sshrl.u32 s0, $0x1F;
	v12 =	vsel vm4, s29, v12;
	s0 =	sshra.s32 s0, $0x1F;
	v13 =	vsel vm0, s14, v46;
	v10 =	vsel vm5, s21, v10  }
0x436: {  	s26 =	sshra.s32 s20, $0x7;
	v12 =	vsel vm5, s2, v12;
	s6 =	sshrl.u32 s3, $0x1F;
	s29 =	sshra.s32 s3, $0x7;
	v13 =	vsel vm1, s22, v13;
	v10 =	vsel vm14, s0, v10  }
0x437: {  	s30 =	sshrl.u32 s15, $0x1F;
	s3 =	sshra.s32 s3, $0x1F;
	v12 =	vsel vm6, s6, v12;
	v13 =	vsel vm2, s26, v13;
	v10 =	vsel vm6, s29, v10  }
0x438: {  	s5 =	sshra.s32 s15, $0x7;
	v12 =	vsel vm7, s30, v12;
	v13 =	vcombine.low v14, v13;
	v10 =	vsel vm15, s3, v10  }
0x439: {  	v11 =	vperm.xlane v11, v1;
	v12 =	vperm.xlane v12, v2;
	v10 =	vsel vm7, s5, v10  }
0x43a: {  	v13 =	vperm.xlane v13, v1;
	v10 =	vperm.xlane v10, v2;
	_ =	sdelay $0x1  }
0x43b: {  	v11 =	vsel vm8, v12, v11;
	v10 =	vsel vm8, v10, v13  }
0x43c: {  	v10 =	vadd.s32 v11, v10  }
0x43d: {  	v11 =	vshll.u32 v10, $0x4  }
0x43e: {  	v11 =	vadd.s32 v8, v11  }
0x43f: {  	v10 =	vmul.u32 $0xFFFFF830, v10;
	_ =	sdelay $0x1  }
0x440: {  	v9 =	vadd.s32 v9, v10  }
0x441: {  	s8 =	rddreg [dreg:$0x4];
	[tilespmem:$0x240] =	vst v9  }
0x442: {  	s9 =	simm.s32 $0x5;
	s6 =	simm.s32 $0x50;
	s7 =	simm.s32 $0x200;
	[tilespmem:v11+s10+$0x0] =	vst.idx.msk $0xffff, v4  }
0x443: {  	[spmem:s8] =	stream.indirect.scatter.add.f32 [tilespmem:s10], [sflag:$0x5], $0x80, s7, s6, $0xb8;
	[tilespmem:$0x1FA80] =	vst v63  }
0x444: {  	_ =	swait.ge [sflag:s9], $0x2800  }
0x445: {  	[sflag:s9] =	ssyncset.done $0x0  }
0x446: {  	[sflag:s9] =	ssyncadd.s32 $0xFFFFD800  }
0x447: {  	v9 =	vld [tilespmem:$0x180];
	_ =	sdelay $0x4  }
0x448: {  	(v2sf) =	vpush v9, $0xD;
	_ =	sdelay $0x1  }
0x449: {  	(v2sf) =	vpush v9, $0xC;
	_ =	sdelay $0x1  }
0x44a: {  	(v2sf) =	vpush v9, $0xE;
	_ =	sdelay $0x1  }
0x44b: {  	(v2sf) =	vpush v9, $0xF;
	_ =	sdelay $0x1  }
0x44c: {  	(v2sf) =	vpush v9, $0x9;
	_ =	sdelay $0x1  }
0x44d: {  	(v2sf) =	vpush v9, $0x8;
	_ =	sdelay $0x1  }
0x44e: {  	(v2sf) =	vpush v9, $0xA;
	_ =	sdelay $0x1  }
0x44f: {  	(v2sf) =	vpush v9, $0xB  }
0x450: {  	s11 =	spop (v2sf)  }
0x451: {  	(v2sf) =	vpush v9, $0x0;
	s12 =	smulhi.u32 $0x10624DD3, s11;
	s0 =	sshra.s32 s11, $0x1F  }
0x452: {  	s13 =	spop (v2sf);
	s0 =	smul.u32 $0x10624DD3, s0  }
0x453: {  	(v2sf) =	vpush v9, $0x1;
	s14 =	smulhi.u32 $0x10624DD3, s13;
	s2 =	sshra.s32 s13, $0x1F  }
0x454: {  	(v2sf) =	vpush v9, $0x2;
	s18 =	spop (v2sf);
	s15 =	smul.u32 $0x10624DD3, s2  }
0x455: {  	(v2sf) =	vpush v9, $0x3;
	s19 =	smulhi.u32 $0x10624DD3, s18;
	s2 =	sshra.s32 s18, $0x1F  }
0x456: {  	s23 =	spop (v2sf);
	(v2sf) =	vpush v9, $0x4;
	s20 =	smul.u32 $0x10624DD3, s2  }
0x457: {  	s24 =	smulhi.u32 $0x10624DD3, s23;
	s2 =	sshra.s32 s23, $0x1F;
	(v2sf) =	vpush v9, $0x5  }
0x458: {  	s26 =	spop (v2sf);
	s25 =	smul.u32 $0x10624DD3, s2;
	(v2sf) =	vpush v9, $0x6  }
0x459: {  	s28 =	smulhi.u32 $0x10624DD3, s26;
	s2 =	sshra.s32 s26, $0x1F;
	(v2sf) =	vpush v9, $0x7  }
0x45a: {  	s18 =	sadd.s32 s0, s12;
	s22 =	spop (v2sf);
	s12 =	smul.u32 $0x10624DD3, s2  }
0x45b: {  	s23 =	smulhi.u32 $0x10624DD3, s22;
	s1 =	sshra.s32 s22, $0x1F  }
0x45c: {  	s21 =	sadd.s32 s15, s14;
	s13 =	spop (v2sf);
	s1 =	smul.u32 $0x10624DD3, s1  }
0x45d: {  	s2 =	sshrl.u32 s18, $0x1F;
	s14 =	smulhi.u32 $0x10624DD3, s13;
	s3 =	sshra.s32 s13, $0x1F  }
0x45e: {  	s5 =	sshrl.u32 s21, $0x1F;
	s29 =	spop (v2sf);
	s3 =	smul.u32 $0x10624DD3, s3  }
0x45f: {  	s19 =	sadd.s32 s20, s19;
	s30 =	smulhi.u32 $0x10624DD3, s29;
	s6 =	sshra.s32 s29, $0x1F  }
0x460: {  	s20 =	sadd.s32 s25, s24;
	s24 =	spop (v2sf);
	s6 =	smul.u32 $0x10624DD3, s6  }
0x461: {  	s7 =	sshrl.u32 s19, $0x1F;
	s15 =	smulhi.u32 $0x10624DD3, s24;
	s8 =	sshra.s32 s24, $0x1F  }
0x462: {  	s22 =	sadd.s32 s12, s28;
	s25 =	spop (v2sf);
	s0 =	smul.u32 $0x10624DD3, s8  }
0x463: {  	s11 =	smulhi.u32 $0x10624DD3, s25;
	s26 =	sshra.s32 s25, $0x1F;
	s28 =	spop (v2sf)  }
0x464: {  	s8 =	sadd.s32 s1, s23;
	s1 =	smul.u32 $0x10624DD3, s26;
	s29 =	spop (v2sf)  }
0x465: {  	s25 =	smulhi.u32 $0x10624DD3, s28;
	s24 =	sshra.s32 s28, $0x1F;
	s26 =	spop (v2sf)  }
0x466: {  	s23 =	sadd.s32 s3, s14;
	s3 =	smul.u32 $0x10624DD3, s24;
	s13 =	spop (v2sf)  }
0x467: {  	s28 =	smulhi.u32 $0x10624DD3, s29;
	s12 =	sshra.s32 s29, $0x1F;
	s29 =	spop (v2sf)  }
0x468: {  	s24 =	sadd.s32 s6, s30;
	s6 =	smul.u32 $0x10624DD3, s12;
	s30 =	spop (v2sf)  }
0x469: {  	s9 =	sshrl.u32 s20, $0x1F;
	s14 =	smulhi.u32 $0x10624DD3, s30;
	s12 =	sshra.s32 s30, $0x1F  }
0x46a: {  	s0 =	sadd.s32 s0, s15;
	s1 =	sadd.s32 s1, s11;
	s15 =	smul.u32 $0x10624DD3, s12  }
0x46b: {  	s31 =	sshra.s32 s0, $0x7;
	s3 =	sadd.s32 s3, s25;
	s25 =	sshrl.u32 s23, $0x1F  }
0x46c: {  	v10 =	vmov s5;
	s5 =	sshrl.u32 s1, $0x1F;
	s11 =	smulhi.u32 $0x10624DD3, s26;
	s15 =	sadd.s32 s15, s14  }
0x46d: {  	v10 =	vsel vm0, s2, v10;
	s2 =	sshra.s32 s13, $0x1F;
	s14 =	sshra.s32 s26, $0x1F;
	s26 =	sshra.s32 s15, $0x1F  }
0x46e: {  	s6 =	sadd.s32 s6, s28;
	s28 =	sshrl.u32 s24, $0x1F;
	s2 =	smul.u32 $0x10624DD3, s2;
	v9 =	vmov s26  }
0x46f: {  	s30 =	sshrl.u32 s22, $0x1F;
	s26 =	sshrl.u32 s0, $0x1F;
	s0 =	sshra.s32 s0, $0x1F;
	v9 =	vsel vm3, s31, v9  }
0x470: {  	v10 =	vsel vm1, s7, v10;
	s7 =	sshrl.u32 s6, $0x1F;
	s12 =	sshrl.u32 s8, $0x1F;
	v11 =	vmov s26;
	s26 =	sshra.s32 s1, $0x7;
	v9 =	vsel vm9, s0, v9  }
0x471: {  	v48 =	vmov s12;
	s12 =	sshra.s32 s21, $0x7;
	s14 =	smul.u32 $0x10624DD3, s14;
	s1 =	sshra.s32 s1, $0x1F;
	v9 =	vsel vm0, s26, v9  }
0x472: {  	s21 =	sshra.s32 s18, $0x7;
	v12 =	vsel vm0, s30, v48;
	s0 =	smulhi.u32 $0x10624DD3, s13;
	v11 =	vnsel vm3, $0x0, v11;
	s13 =	sshra.s32 s3, $0x7;
	v9 =	vsel vm10, s1, v9  }
0x473: {  	v12 =	vsel vm1, s25, v12;
	v11 =	vsel vm0, s5, v11;
	s5 =	smulhi.u32 $0x10624DD3, s29;
	s29 =	sshra.s32 s29, $0x1F;
	s26 =	sshra.s32 s3, $0x1F;
	v9 =	vsel vm1, s13, v9  }
0x474: {  	v10 =	vsel vm2, s9, v10;
	s30 =	sshra.s32 s6, $0x7;
	s6 =	sshra.s32 s6, $0x1F;
	v12 =	vsel vm2, s28, v12;
	s9 =	smul.u32 $0x10624DD3, s29;
	v9 =	vsel vm11, s26, v9  }
0x475: {  	v49 =	vmov s12;
	s28 =	sshra.s32 s19, $0x7;
	s31 =	sshrl.u32 s3, $0x1F;
	s11 =	sadd.s32 s14, s11;
	v10 =	vcombine.low v12, v10;
	v9 =	vsel vm2, s30, v9  }
0x476: {  	v12 =	vsel vm0, s21, v49;
	s14 =	sshra.s32 s11, $0x1F;
	v11 =	vsel vm1, s31, v11;
	s3 =	sadd.s32 s9, s5;
	s9 =	sshra.s32 s11, $0x7;
	v9 =	vsel vm12, s6, v9  }
0x477: {  	v12 =	vsel vm1, s28, v12;
	s29 =	sshrl.u32 s11, $0x1F;
	s0 =	sadd.s32 s2, s0;
	v11 =	vsel vm2, s7, v11;
	s13 =	sshra.s32 s8, $0x7;
	v9 =	vsel vm4, s9, v9  }
0x478: {  	s25 =	sshra.s32 s22, $0x7;
	s2 =	sshrl.u32 s0, $0x1F;
	v11 =	vsel vm4, s29, v11;
	v50 =	vmov s13;
	s26 =	sshra.s32 s0, $0x7;
	v9 =	vsel vm13, s14, v9  }
0x479: {  	s29 =	sshra.s32 s23, $0x7;
	s0 =	sshra.s32 s0, $0x1F;
	v11 =	vsel vm5, s2, v11;
	s7 =	sshrl.u32 s3, $0x1F;
	v13 =	vsel vm0, s25, v50;
	v9 =	vsel vm5, s26, v9  }
0x47a: {  	s5 =	sshra.s32 s24, $0x7;
	s30 =	sshra.s32 s20, $0x7;
	v11 =	vsel vm6, s7, v11;
	v13 =	vsel vm1, s29, v13;
	s6 =	sshra.s32 s3, $0x7;
	v9 =	vsel vm14, s0, v9  }
0x47b: {  	s8 =	sshra.s32 s3, $0x1F;
	s7 =	sshrl.u32 s15, $0x1F;
	v12 =	vsel vm2, s30, v12;
	v13 =	vsel vm2, s5, v13;
	v9 =	vsel vm6, s6, v9  }
0x47c: {  	v11 =	vsel vm7, s7, v11;
	s9 =	sshra.s32 s15, $0x7;
	v12 =	vcombine.low v13, v12;
	v9 =	vsel vm15, s8, v9  }
0x47d: {  	v10 =	vperm.xlane v10, v1;
	v11 =	vperm.xlane v11, v2;
	v9 =	vsel vm7, s9, v9  }
0x47e: {  	v12 =	vperm.xlane v12, v1;
	v9 =	vperm.xlane v9, v2;
	_ =	sdelay $0x1  }
0x47f: {  	v10 =	vsel vm8, v11, v10;
	v9 =	vsel vm8, v9, v12  }
0x480: {  	v9 =	vadd.s32 v10, v9  }
0x481: {  	v9 =	vshll.u32 v9, $0x4  }
0x482: {  	v9 =	vadd.s32 v3, v9;
	_ =	sdelay $0x4  }
0x483: {  	[tilespmem:v9+s10+$0x0] =	vst.idx.msk $0xffff, v0  }
0x484: {  	v9 =	vld [tilespmem:$0x190];
	_ =	sdelay $0x4  }
0x485: {  	(v2sf) =	vpush v9, $0xD;
	_ =	sdelay $0x1  }
0x486: {  	(v2sf) =	vpush v9, $0xC;
	_ =	sdelay $0x1  }
0x487: {  	(v2sf) =	vpush v9, $0xE;
	_ =	sdelay $0x1  }
0x488: {  	(v2sf) =	vpush v9, $0xF;
	_ =	sdelay $0x1  }
0x489: {  	(v2sf) =	vpush v9, $0x9;
	_ =	sdelay $0x1  }
0x48a: {  	(v2sf) =	vpush v9, $0x8;
	_ =	sdelay $0x1  }
0x48b: {  	(v2sf) =	vpush v9, $0xA;
	_ =	sdelay $0x1  }
0x48c: {  	(v2sf) =	vpush v9, $0xB  }
0x48d: {  	s11 =	spop (v2sf)  }
0x48e: {  	(v2sf) =	vpush v9, $0x0;
	s12 =	smulhi.u32 $0x10624DD3, s11;
	s0 =	sshra.s32 s11, $0x1F  }
0x48f: {  	s13 =	spop (v2sf);
	s0 =	smul.u32 $0x10624DD3, s0  }
0x490: {  	(v2sf) =	vpush v9, $0x1;
	s14 =	smulhi.u32 $0x10624DD3, s13;
	s2 =	sshra.s32 s13, $0x1F  }
0x491: {  	(v2sf) =	vpush v9, $0x2;
	s18 =	spop (v2sf);
	s15 =	smul.u32 $0x10624DD3, s2  }
0x492: {  	(v2sf) =	vpush v9, $0x3;
	s19 =	smulhi.u32 $0x10624DD3, s18;
	s2 =	sshra.s32 s18, $0x1F  }
0x493: {  	s23 =	spop (v2sf);
	(v2sf) =	vpush v9, $0x4;
	s20 =	smul.u32 $0x10624DD3, s2  }
0x494: {  	s24 =	smulhi.u32 $0x10624DD3, s23;
	s2 =	sshra.s32 s23, $0x1F;
	(v2sf) =	vpush v9, $0x5  }
0x495: {  	s26 =	spop (v2sf);
	s25 =	smul.u32 $0x10624DD3, s2;
	(v2sf) =	vpush v9, $0x6  }
0x496: {  	s28 =	smulhi.u32 $0x10624DD3, s26;
	s2 =	sshra.s32 s26, $0x1F;
	(v2sf) =	vpush v9, $0x7  }
0x497: {  	s18 =	sadd.s32 s0, s12;
	s22 =	spop (v2sf);
	s12 =	smul.u32 $0x10624DD3, s2  }
0x498: {  	s23 =	smulhi.u32 $0x10624DD3, s22;
	s1 =	sshra.s32 s22, $0x1F  }
0x499: {  	s21 =	sadd.s32 s15, s14;
	s13 =	spop (v2sf);
	s1 =	smul.u32 $0x10624DD3, s1  }
0x49a: {  	s2 =	sshrl.u32 s18, $0x1F;
	s14 =	smulhi.u32 $0x10624DD3, s13;
	s3 =	sshra.s32 s13, $0x1F  }
0x49b: {  	s5 =	sshrl.u32 s21, $0x1F;
	s29 =	spop (v2sf);
	s3 =	smul.u32 $0x10624DD3, s3  }
0x49c: {  	s19 =	sadd.s32 s20, s19;
	s30 =	smulhi.u32 $0x10624DD3, s29;
	s6 =	sshra.s32 s29, $0x1F  }
0x49d: {  	s20 =	sadd.s32 s25, s24;
	s24 =	spop (v2sf);
	s6 =	smul.u32 $0x10624DD3, s6  }
0x49e: {  	s7 =	sshrl.u32 s19, $0x1F;
	s15 =	smulhi.u32 $0x10624DD3, s24;
	s8 =	sshra.s32 s24, $0x1F  }
0x49f: {  	s22 =	sadd.s32 s12, s28;
	s25 =	spop (v2sf);
	s0 =	smul.u32 $0x10624DD3, s8  }
0x4a0: {  	s11 =	smulhi.u32 $0x10624DD3, s25;
	s26 =	sshra.s32 s25, $0x1F;
	s28 =	spop (v2sf)  }
0x4a1: {  	s8 =	sadd.s32 s1, s23;
	s1 =	smul.u32 $0x10624DD3, s26;
	s29 =	spop (v2sf)  }
0x4a2: {  	s25 =	smulhi.u32 $0x10624DD3, s28;
	s24 =	sshra.s32 s28, $0x1F;
	s26 =	spop (v2sf)  }
0x4a3: {  	s23 =	sadd.s32 s3, s14;
	s3 =	smul.u32 $0x10624DD3, s24;
	s13 =	spop (v2sf)  }
0x4a4: {  	s28 =	smulhi.u32 $0x10624DD3, s29;
	s12 =	sshra.s32 s29, $0x1F;
	s29 =	spop (v2sf)  }
0x4a5: {  	s24 =	sadd.s32 s6, s30;
	s6 =	smul.u32 $0x10624DD3, s12;
	s30 =	spop (v2sf)  }
0x4a6: {  	s9 =	sshrl.u32 s20, $0x1F;
	s14 =	smulhi.u32 $0x10624DD3, s30;
	s12 =	sshra.s32 s30, $0x1F  }
0x4a7: {  	s0 =	sadd.s32 s0, s15;
	s1 =	sadd.s32 s1, s11;
	s15 =	smul.u32 $0x10624DD3, s12  }
0x4a8: {  	s31 =	sshra.s32 s0, $0x7;
	s3 =	sadd.s32 s3, s25;
	s25 =	sshrl.u32 s23, $0x1F  }
0x4a9: {  	v10 =	vmov s5;
	s5 =	sshrl.u32 s1, $0x1F;
	s11 =	smulhi.u32 $0x10624DD3, s26;
	s15 =	sadd.s32 s15, s14  }
0x4aa: {  	v10 =	vsel vm0, s2, v10;
	s2 =	sshra.s32 s13, $0x1F;
	s14 =	sshra.s32 s26, $0x1F;
	s26 =	sshra.s32 s15, $0x1F  }
0x4ab: {  	s6 =	sadd.s32 s6, s28;
	s28 =	sshrl.u32 s24, $0x1F;
	s2 =	smul.u32 $0x10624DD3, s2;
	v9 =	vmov s26  }
0x4ac: {  	s30 =	sshrl.u32 s22, $0x1F;
	s26 =	sshrl.u32 s0, $0x1F;
	s0 =	sshra.s32 s0, $0x1F;
	v9 =	vsel vm3, s31, v9  }
0x4ad: {  	v10 =	vsel vm1, s7, v10;
	s7 =	sshrl.u32 s6, $0x1F;
	s12 =	sshrl.u32 s8, $0x1F;
	v11 =	vmov s26;
	s26 =	sshra.s32 s1, $0x7;
	v9 =	vsel vm9, s0, v9  }
0x4ae: {  	v51 =	vmov s12;
	s12 =	sshra.s32 s21, $0x7;
	s14 =	smul.u32 $0x10624DD3, s14;
	s1 =	sshra.s32 s1, $0x1F;
	v9 =	vsel vm0, s26, v9  }
0x4af: {  	s21 =	sshra.s32 s18, $0x7;
	v12 =	vsel vm0, s30, v51;
	s0 =	smulhi.u32 $0x10624DD3, s13;
	v11 =	vnsel vm3, $0x0, v11;
	s13 =	sshra.s32 s3, $0x7;
	v9 =	vsel vm10, s1, v9  }
0x4b0: {  	v12 =	vsel vm1, s25, v12;
	v11 =	vsel vm0, s5, v11;
	s5 =	smulhi.u32 $0x10624DD3, s29;
	s29 =	sshra.s32 s29, $0x1F;
	s26 =	sshra.s32 s3, $0x1F;
	v9 =	vsel vm1, s13, v9  }
0x4b1: {  	v10 =	vsel vm2, s9, v10;
	s30 =	sshra.s32 s6, $0x7;
	s6 =	sshra.s32 s6, $0x1F;
	v12 =	vsel vm2, s28, v12;
	s9 =	smul.u32 $0x10624DD3, s29;
	v9 =	vsel vm11, s26, v9  }
0x4b2: {  	v52 =	vmov s12;
	s28 =	sshra.s32 s19, $0x7;
	s31 =	sshrl.u32 s3, $0x1F;
	s11 =	sadd.s32 s14, s11;
	v10 =	vcombine.low v12, v10;
	v9 =	vsel vm2, s30, v9  }
0x4b3: {  	v12 =	vsel vm0, s21, v52;
	s14 =	sshra.s32 s11, $0x1F;
	v11 =	vsel vm1, s31, v11;
	s3 =	sadd.s32 s9, s5;
	s9 =	sshra.s32 s11, $0x7;
	v9 =	vsel vm12, s6, v9  }
0x4b4: {  	v12 =	vsel vm1, s28, v12;
	s29 =	sshrl.u32 s11, $0x1F;
	s0 =	sadd.s32 s2, s0;
	v11 =	vsel vm2, s7, v11;
	s13 =	sshra.s32 s8, $0x7;
	v9 =	vsel vm4, s9, v9  }
0x4b5: {  	s25 =	sshra.s32 s22, $0x7;
	s2 =	sshrl.u32 s0, $0x1F;
	v11 =	vsel vm4, s29, v11;
	v53 =	vmov s13;
	s26 =	sshra.s32 s0, $0x7;
	v9 =	vsel vm13, s14, v9  }
0x4b6: {  	s29 =	sshra.s32 s23, $0x7;
	s0 =	sshra.s32 s0, $0x1F;
	v11 =	vsel vm5, s2, v11;
	s7 =	sshrl.u32 s3, $0x1F;
	v13 =	vsel vm0, s25, v53;
	v9 =	vsel vm5, s26, v9  }
0x4b7: {  	s5 =	sshra.s32 s24, $0x7;
	s30 =	sshra.s32 s20, $0x7;
	v11 =	vsel vm6, s7, v11;
	v13 =	vsel vm1, s29, v13;
	s6 =	sshra.s32 s3, $0x7;
	v9 =	vsel vm14, s0, v9  }
0x4b8: {  	s8 =	sshra.s32 s3, $0x1F;
	s7 =	sshrl.u32 s15, $0x1F;
	v12 =	vsel vm2, s30, v12;
	v13 =	vsel vm2, s5, v13;
	v9 =	vsel vm6, s6, v9  }
0x4b9: {  	v11 =	vsel vm7, s7, v11;
	s9 =	sshra.s32 s15, $0x7;
	v12 =	vcombine.low v13, v12;
	v9 =	vsel vm15, s8, v9  }
0x4ba: {  	v10 =	vperm.xlane v10, v1;
	v11 =	vperm.xlane v11, v2;
	v9 =	vsel vm7, s9, v9  }
0x4bb: {  	v12 =	vperm.xlane v12, v1;
	v9 =	vperm.xlane v9, v2;
	_ =	sdelay $0x1  }
0x4bc: {  	v10 =	vsel vm8, v11, v10;
	v9 =	vsel vm8, v9, v12  }
0x4bd: {  	v9 =	vadd.s32 v10, v9  }
0x4be: {  	v9 =	vshll.u32 v9, $0x4  }
0x4bf: {  	v9 =	vadd.s32 v5, v9;
	_ =	sdelay $0x4  }
0x4c0: {  	[tilespmem:v9+s10+$0x0] =	vst.idx.msk $0xffff, v0  }
0x4c1: {  	v9 =	vld [tilespmem:$0x1A0];
	_ =	sdelay $0x4  }
0x4c2: {  	(v2sf) =	vpush v9, $0xD;
	_ =	sdelay $0x1  }
0x4c3: {  	(v2sf) =	vpush v9, $0xC;
	_ =	sdelay $0x1  }
0x4c4: {  	(v2sf) =	vpush v9, $0xE;
	_ =	sdelay $0x1  }
0x4c5: {  	(v2sf) =	vpush v9, $0xF;
	_ =	sdelay $0x1  }
0x4c6: {  	(v2sf) =	vpush v9, $0x9;
	_ =	sdelay $0x1  }
0x4c7: {  	(v2sf) =	vpush v9, $0x8;
	_ =	sdelay $0x1  }
0x4c8: {  	(v2sf) =	vpush v9, $0xA;
	_ =	sdelay $0x1  }
0x4c9: {  	(v2sf) =	vpush v9, $0xB  }
0x4ca: {  	s11 =	spop (v2sf)  }
0x4cb: {  	(v2sf) =	vpush v9, $0x0;
	s12 =	smulhi.u32 $0x10624DD3, s11;
	s0 =	sshra.s32 s11, $0x1F  }
0x4cc: {  	s13 =	spop (v2sf);
	s0 =	smul.u32 $0x10624DD3, s0  }
0x4cd: {  	(v2sf) =	vpush v9, $0x1;
	s14 =	smulhi.u32 $0x10624DD3, s13;
	s2 =	sshra.s32 s13, $0x1F  }
0x4ce: {  	(v2sf) =	vpush v9, $0x2;
	s18 =	spop (v2sf);
	s15 =	smul.u32 $0x10624DD3, s2  }
0x4cf: {  	(v2sf) =	vpush v9, $0x3;
	s19 =	smulhi.u32 $0x10624DD3, s18;
	s2 =	sshra.s32 s18, $0x1F  }
0x4d0: {  	s23 =	spop (v2sf);
	(v2sf) =	vpush v9, $0x4;
	s20 =	smul.u32 $0x10624DD3, s2  }
0x4d1: {  	s24 =	smulhi.u32 $0x10624DD3, s23;
	s2 =	sshra.s32 s23, $0x1F;
	(v2sf) =	vpush v9, $0x5  }
0x4d2: {  	s26 =	spop (v2sf);
	s25 =	smul.u32 $0x10624DD3, s2;
	(v2sf) =	vpush v9, $0x6  }
0x4d3: {  	s28 =	smulhi.u32 $0x10624DD3, s26;
	s2 =	sshra.s32 s26, $0x1F;
	(v2sf) =	vpush v9, $0x7  }
0x4d4: {  	s18 =	sadd.s32 s0, s12;
	s22 =	spop (v2sf);
	s12 =	smul.u32 $0x10624DD3, s2  }
0x4d5: {  	s23 =	smulhi.u32 $0x10624DD3, s22;
	s1 =	sshra.s32 s22, $0x1F  }
0x4d6: {  	s21 =	sadd.s32 s15, s14;
	s13 =	spop (v2sf);
	s1 =	smul.u32 $0x10624DD3, s1  }
0x4d7: {  	s2 =	sshrl.u32 s18, $0x1F;
	s14 =	smulhi.u32 $0x10624DD3, s13;
	s3 =	sshra.s32 s13, $0x1F  }
0x4d8: {  	s5 =	sshrl.u32 s21, $0x1F;
	s29 =	spop (v2sf);
	s3 =	smul.u32 $0x10624DD3, s3  }
0x4d9: {  	s19 =	sadd.s32 s20, s19;
	s30 =	smulhi.u32 $0x10624DD3, s29;
	s6 =	sshra.s32 s29, $0x1F  }
0x4da: {  	s20 =	sadd.s32 s25, s24;
	s24 =	spop (v2sf);
	s6 =	smul.u32 $0x10624DD3, s6  }
0x4db: {  	s7 =	sshrl.u32 s19, $0x1F;
	s15 =	smulhi.u32 $0x10624DD3, s24;
	s8 =	sshra.s32 s24, $0x1F  }
0x4dc: {  	s22 =	sadd.s32 s12, s28;
	s25 =	spop (v2sf);
	s0 =	smul.u32 $0x10624DD3, s8  }
0x4dd: {  	s11 =	smulhi.u32 $0x10624DD3, s25;
	s26 =	sshra.s32 s25, $0x1F;
	s28 =	spop (v2sf)  }
0x4de: {  	s8 =	sadd.s32 s1, s23;
	s1 =	smul.u32 $0x10624DD3, s26;
	s29 =	spop (v2sf)  }
0x4df: {  	s25 =	smulhi.u32 $0x10624DD3, s28;
	s24 =	sshra.s32 s28, $0x1F;
	s26 =	spop (v2sf)  }
0x4e0: {  	s23 =	sadd.s32 s3, s14;
	s3 =	smul.u32 $0x10624DD3, s24;
	s13 =	spop (v2sf)  }
0x4e1: {  	s28 =	smulhi.u32 $0x10624DD3, s29;
	s12 =	sshra.s32 s29, $0x1F;
	s29 =	spop (v2sf)  }
0x4e2: {  	s24 =	sadd.s32 s6, s30;
	s6 =	smul.u32 $0x10624DD3, s12;
	s30 =	spop (v2sf)  }
0x4e3: {  	s9 =	sshrl.u32 s20, $0x1F;
	s14 =	smulhi.u32 $0x10624DD3, s30;
	s12 =	sshra.s32 s30, $0x1F  }
0x4e4: {  	s0 =	sadd.s32 s0, s15;
	s1 =	sadd.s32 s1, s11;
	s15 =	smul.u32 $0x10624DD3, s12  }
0x4e5: {  	s31 =	sshra.s32 s0, $0x7;
	s3 =	sadd.s32 s3, s25;
	s25 =	sshrl.u32 s23, $0x1F  }
0x4e6: {  	v10 =	vmov s5;
	s5 =	sshrl.u32 s1, $0x1F;
	s11 =	smulhi.u32 $0x10624DD3, s26;
	s15 =	sadd.s32 s15, s14  }
0x4e7: {  	v10 =	vsel vm0, s2, v10;
	s2 =	sshra.s32 s13, $0x1F;
	s14 =	sshra.s32 s26, $0x1F;
	s26 =	sshra.s32 s15, $0x1F  }
0x4e8: {  	s6 =	sadd.s32 s6, s28;
	s28 =	sshrl.u32 s24, $0x1F;
	s2 =	smul.u32 $0x10624DD3, s2;
	v9 =	vmov s26  }
0x4e9: {  	s30 =	sshrl.u32 s22, $0x1F;
	s26 =	sshrl.u32 s0, $0x1F;
	s0 =	sshra.s32 s0, $0x1F;
	v9 =	vsel vm3, s31, v9  }
0x4ea: {  	v10 =	vsel vm1, s7, v10;
	s7 =	sshrl.u32 s6, $0x1F;
	s12 =	sshrl.u32 s8, $0x1F;
	v11 =	vmov s26;
	s26 =	sshra.s32 s1, $0x7;
	v9 =	vsel vm9, s0, v9  }
0x4eb: {  	v54 =	vmov s12;
	s12 =	sshra.s32 s21, $0x7;
	s14 =	smul.u32 $0x10624DD3, s14;
	s1 =	sshra.s32 s1, $0x1F;
	v9 =	vsel vm0, s26, v9  }
0x4ec: {  	s21 =	sshra.s32 s18, $0x7;
	v12 =	vsel vm0, s30, v54;
	s0 =	smulhi.u32 $0x10624DD3, s13;
	v11 =	vnsel vm3, $0x0, v11;
	s13 =	sshra.s32 s3, $0x7;
	v9 =	vsel vm10, s1, v9  }
0x4ed: {  	v12 =	vsel vm1, s25, v12;
	v11 =	vsel vm0, s5, v11;
	s5 =	smulhi.u32 $0x10624DD3, s29;
	s29 =	sshra.s32 s29, $0x1F;
	s26 =	sshra.s32 s3, $0x1F;
	v9 =	vsel vm1, s13, v9  }
0x4ee: {  	v10 =	vsel vm2, s9, v10;
	s30 =	sshra.s32 s6, $0x7;
	s6 =	sshra.s32 s6, $0x1F;
	v12 =	vsel vm2, s28, v12;
	s9 =	smul.u32 $0x10624DD3, s29;
	v9 =	vsel vm11, s26, v9  }
0x4ef: {  	v55 =	vmov s12;
	s28 =	sshra.s32 s19, $0x7;
	s31 =	sshrl.u32 s3, $0x1F;
	s11 =	sadd.s32 s14, s11;
	v10 =	vcombine.low v12, v10;
	v9 =	vsel vm2, s30, v9  }
0x4f0: {  	v12 =	vsel vm0, s21, v55;
	s14 =	sshra.s32 s11, $0x1F;
	v11 =	vsel vm1, s31, v11;
	s3 =	sadd.s32 s9, s5;
	s9 =	sshra.s32 s11, $0x7;
	v9 =	vsel vm12, s6, v9  }
0x4f1: {  	v12 =	vsel vm1, s28, v12;
	s29 =	sshrl.u32 s11, $0x1F;
	s0 =	sadd.s32 s2, s0;
	v11 =	vsel vm2, s7, v11;
	s13 =	sshra.s32 s8, $0x7;
	v9 =	vsel vm4, s9, v9  }
0x4f2: {  	s25 =	sshra.s32 s22, $0x7;
	s2 =	sshrl.u32 s0, $0x1F;
	v11 =	vsel vm4, s29, v11;
	v56 =	vmov s13;
	s26 =	sshra.s32 s0, $0x7;
	v9 =	vsel vm13, s14, v9  }
0x4f3: {  	s29 =	sshra.s32 s23, $0x7;
	s0 =	sshra.s32 s0, $0x1F;
	v11 =	vsel vm5, s2, v11;
	s7 =	sshrl.u32 s3, $0x1F;
	v13 =	vsel vm0, s25, v56;
	v9 =	vsel vm5, s26, v9  }
0x4f4: {  	s5 =	sshra.s32 s24, $0x7;
	s30 =	sshra.s32 s20, $0x7;
	v11 =	vsel vm6, s7, v11;
	v13 =	vsel vm1, s29, v13;
	s6 =	sshra.s32 s3, $0x7;
	v9 =	vsel vm14, s0, v9  }
0x4f5: {  	s8 =	sshra.s32 s3, $0x1F;
	s7 =	sshrl.u32 s15, $0x1F;
	v12 =	vsel vm2, s30, v12;
	v13 =	vsel vm2, s5, v13;
	v9 =	vsel vm6, s6, v9  }
0x4f6: {  	v11 =	vsel vm7, s7, v11;
	s9 =	sshra.s32 s15, $0x7;
	v12 =	vcombine.low v13, v12;
	v9 =	vsel vm15, s8, v9  }
0x4f7: {  	v10 =	vperm.xlane v10, v1;
	v11 =	vperm.xlane v11, v2;
	v9 =	vsel vm7, s9, v9  }
0x4f8: {  	v12 =	vperm.xlane v12, v1;
	v9 =	vperm.xlane v9, v2;
	_ =	sdelay $0x1  }
0x4f9: {  	v10 =	vsel vm8, v11, v10;
	v9 =	vsel vm8, v9, v12  }
0x4fa: {  	v9 =	vadd.s32 v10, v9  }
0x4fb: {  	v9 =	vshll.u32 v9, $0x4  }
0x4fc: {  	v9 =	vadd.s32 v6, v9;
	_ =	sdelay $0x4  }
0x4fd: {  	[tilespmem:v9+s10+$0x0] =	vst.idx.msk $0xffff, v0  }
0x4fe: {  	v9 =	vld [tilespmem:$0x1B0];
	_ =	sdelay $0x4  }
0x4ff: {  	(v2sf) =	vpush v9, $0xD;
	_ =	sdelay $0x1  }
0x500: {  	(v2sf) =	vpush v9, $0xC;
	_ =	sdelay $0x1  }
0x501: {  	(v2sf) =	vpush v9, $0xE;
	_ =	sdelay $0x1  }
0x502: {  	(v2sf) =	vpush v9, $0xF;
	_ =	sdelay $0x1  }
0x503: {  	(v2sf) =	vpush v9, $0x9;
	_ =	sdelay $0x1  }
0x504: {  	(v2sf) =	vpush v9, $0x8;
	_ =	sdelay $0x1  }
0x505: {  	(v2sf) =	vpush v9, $0xA;
	_ =	sdelay $0x1  }
0x506: {  	(v2sf) =	vpush v9, $0xB  }
0x507: {  	s11 =	spop (v2sf)  }
0x508: {  	(v2sf) =	vpush v9, $0x0;
	s12 =	smulhi.u32 $0x10624DD3, s11;
	s0 =	sshra.s32 s11, $0x1F  }
0x509: {  	s13 =	spop (v2sf);
	s0 =	smul.u32 $0x10624DD3, s0  }
0x50a: {  	(v2sf) =	vpush v9, $0x1;
	s14 =	smulhi.u32 $0x10624DD3, s13;
	s2 =	sshra.s32 s13, $0x1F  }
0x50b: {  	(v2sf) =	vpush v9, $0x2;
	s18 =	spop (v2sf);
	s15 =	smul.u32 $0x10624DD3, s2  }
0x50c: {  	(v2sf) =	vpush v9, $0x3;
	s19 =	smulhi.u32 $0x10624DD3, s18;
	s2 =	sshra.s32 s18, $0x1F  }
0x50d: {  	s23 =	spop (v2sf);
	(v2sf) =	vpush v9, $0x4;
	s20 =	smul.u32 $0x10624DD3, s2  }
0x50e: {  	s24 =	smulhi.u32 $0x10624DD3, s23;
	s2 =	sshra.s32 s23, $0x1F;
	(v2sf) =	vpush v9, $0x5  }
0x50f: {  	s26 =	spop (v2sf);
	s25 =	smul.u32 $0x10624DD3, s2;
	(v2sf) =	vpush v9, $0x6  }
0x510: {  	s28 =	smulhi.u32 $0x10624DD3, s26;
	s2 =	sshra.s32 s26, $0x1F;
	(v2sf) =	vpush v9, $0x7  }
0x511: {  	s18 =	sadd.s32 s0, s12;
	s22 =	spop (v2sf);
	s12 =	smul.u32 $0x10624DD3, s2  }
0x512: {  	s23 =	smulhi.u32 $0x10624DD3, s22;
	s1 =	sshra.s32 s22, $0x1F  }
0x513: {  	s21 =	sadd.s32 s15, s14;
	s13 =	spop (v2sf);
	s1 =	smul.u32 $0x10624DD3, s1  }
0x514: {  	s2 =	sshrl.u32 s18, $0x1F;
	s14 =	smulhi.u32 $0x10624DD3, s13;
	s3 =	sshra.s32 s13, $0x1F  }
0x515: {  	s5 =	sshrl.u32 s21, $0x1F;
	s29 =	spop (v2sf);
	s3 =	smul.u32 $0x10624DD3, s3  }
0x516: {  	s19 =	sadd.s32 s20, s19;
	s30 =	smulhi.u32 $0x10624DD3, s29;
	s6 =	sshra.s32 s29, $0x1F  }
0x517: {  	s20 =	sadd.s32 s25, s24;
	s24 =	spop (v2sf);
	s6 =	smul.u32 $0x10624DD3, s6  }
0x518: {  	s7 =	sshrl.u32 s19, $0x1F;
	s15 =	smulhi.u32 $0x10624DD3, s24;
	s8 =	sshra.s32 s24, $0x1F  }
0x519: {  	s22 =	sadd.s32 s12, s28;
	s25 =	spop (v2sf);
	s0 =	smul.u32 $0x10624DD3, s8  }
0x51a: {  	s11 =	smulhi.u32 $0x10624DD3, s25;
	s26 =	sshra.s32 s25, $0x1F;
	s28 =	spop (v2sf)  }
0x51b: {  	s8 =	sadd.s32 s1, s23;
	s1 =	smul.u32 $0x10624DD3, s26;
	s29 =	spop (v2sf)  }
0x51c: {  	s25 =	smulhi.u32 $0x10624DD3, s28;
	s24 =	sshra.s32 s28, $0x1F;
	s26 =	spop (v2sf)  }
0x51d: {  	s23 =	sadd.s32 s3, s14;
	s3 =	smul.u32 $0x10624DD3, s24;
	s13 =	spop (v2sf)  }
0x51e: {  	s28 =	smulhi.u32 $0x10624DD3, s29;
	s12 =	sshra.s32 s29, $0x1F;
	s29 =	spop (v2sf)  }
0x51f: {  	s24 =	sadd.s32 s6, s30;
	s6 =	smul.u32 $0x10624DD3, s12;
	s30 =	spop (v2sf)  }
0x520: {  	s9 =	sshrl.u32 s20, $0x1F;
	s14 =	smulhi.u32 $0x10624DD3, s30;
	s12 =	sshra.s32 s30, $0x1F  }
0x521: {  	s0 =	sadd.s32 s0, s15;
	s1 =	sadd.s32 s1, s11;
	s15 =	smul.u32 $0x10624DD3, s12  }
0x522: {  	s31 =	sshra.s32 s0, $0x7;
	s3 =	sadd.s32 s3, s25;
	s25 =	sshrl.u32 s23, $0x1F  }
0x523: {  	v10 =	vmov s5;
	s5 =	sshrl.u32 s1, $0x1F;
	s11 =	smulhi.u32 $0x10624DD3, s26;
	s15 =	sadd.s32 s15, s14  }
0x524: {  	v10 =	vsel vm0, s2, v10;
	s2 =	sshra.s32 s13, $0x1F;
	s14 =	sshra.s32 s26, $0x1F;
	s26 =	sshra.s32 s15, $0x1F  }
0x525: {  	s6 =	sadd.s32 s6, s28;
	s28 =	sshrl.u32 s24, $0x1F;
	s2 =	smul.u32 $0x10624DD3, s2;
	v9 =	vmov s26  }
0x526: {  	s30 =	sshrl.u32 s22, $0x1F;
	s26 =	sshrl.u32 s0, $0x1F;
	s0 =	sshra.s32 s0, $0x1F;
	v9 =	vsel vm3, s31, v9  }
0x527: {  	v10 =	vsel vm1, s7, v10;
	s7 =	sshrl.u32 s6, $0x1F;
	s12 =	sshrl.u32 s8, $0x1F;
	v11 =	vmov s26;
	s26 =	sshra.s32 s1, $0x7;
	v9 =	vsel vm9, s0, v9  }
0x528: {  	v57 =	vmov s12;
	s12 =	sshra.s32 s21, $0x7;
	s14 =	smul.u32 $0x10624DD3, s14;
	s1 =	sshra.s32 s1, $0x1F;
	v9 =	vsel vm0, s26, v9  }
0x529: {  	v12 =	vsel vm0, s30, v57;
	s30 =	sshra.s32 s6, $0x7;
	s0 =	smulhi.u32 $0x10624DD3, s13;
	v11 =	vnsel vm3, $0x0, v11;
	s13 =	sshra.s32 s3, $0x7;
	v9 =	vsel vm10, s1, v9  }
0x52a: {  	v10 =	vsel vm2, s9, v10;
	v11 =	vsel vm0, s5, v11;
	s5 =	smulhi.u32 $0x10624DD3, s29;
	s29 =	sshra.s32 s29, $0x1F;
	s26 =	sshra.s32 s3, $0x1F;
	v9 =	vsel vm1, s13, v9  }
0x52b: {  	v58 =	vmov s12;
	v12 =	vsel vm1, s25, v12;
	s31 =	sshrl.u32 s3, $0x1F;
	s11 =	sadd.s32 s14, s11;
	s9 =	smul.u32 $0x10624DD3, s29;
	v9 =	vsel vm11, s26, v9  }
0x52c: {  	s21 =	sshra.s32 s18, $0x7;
	s6 =	sshra.s32 s6, $0x1F;
	v12 =	vsel vm2, s28, v12;
	v11 =	vsel vm1, s31, v11;
	s29 =	sshrl.u32 s11, $0x1F;
	v9 =	vsel vm2, s30, v9  }
0x52d: {  	v10 =	vcombine.low v12, v10;
	s0 =	sadd.s32 s2, s0;
	v11 =	vsel vm2, s7, v11;
	s3 =	sadd.s32 s9, s5;
	s9 =	sshra.s32 s11, $0x7;
	v9 =	vsel vm12, s6, v9  }
0x52e: {  	v12 =	vsel vm0, s21, v58;
	s14 =	sshra.s32 s11, $0x1F;
	s2 =	sshrl.u32 s0, $0x1F;
	s13 =	sshra.s32 s8, $0x7;
	v11 =	vsel vm4, s29, v11;
	v9 =	vsel vm4, s9, v9  }
0x52f: {  	s22 =	sshra.s32 s22, $0x7;
	s25 =	sshra.s32 s0, $0x7;
	v59 =	vmov s13;
	s26 =	sshra.s32 s19, $0x7;
	v11 =	vsel vm5, s2, v11;
	v9 =	vsel vm13, s14, v9  }
0x530: {  	s28 =	sshra.s32 s23, $0x7;
	s0 =	sshra.s32 s0, $0x1F;
	s7 =	sshrl.u32 s3, $0x1F;
	v13 =	vsel vm0, s22, v59;
	v12 =	vsel vm1, s26, v12;
	v9 =	vsel vm5, s25, v9  }
0x531: {  	s29 =	sshra.s32 s20, $0x7;
	s30 =	sshra.s32 s24, $0x7;
	s5 =	sshra.s32 s3, $0x7;
	v11 =	vsel vm6, s7, v11;
	v13 =	vsel vm1, s28, v13;
	v9 =	vsel vm14, s0, v9  }
0x532: {  	s6 =	sshrl.u32 s15, $0x1F;
	v12 =	vsel vm2, s29, v12;
	s7 =	sshra.s32 s3, $0x1F;
	v13 =	vsel vm2, s30, v13;
	v9 =	vsel vm6, s5, v9  }
0x533: {  	s8 =	sshra.s32 s15, $0x7;
	v11 =	vsel vm7, s6, v11;
	v12 =	vcombine.low v13, v12;
	v9 =	vsel vm15, s7, v9  }
0x534: {  	v10 =	vperm.xlane v10, v1;
	v11 =	vperm.xlane v11, v2;
	v9 =	vsel vm7, s8, v9  }
0x535: {  	v12 =	vperm.xlane v12, v1;
	v9 =	vperm.xlane v9, v2;
	_ =	sdelay $0x1  }
0x536: {  	v10 =	vsel vm8, v11, v10;
	v9 =	vsel vm8, v9, v12  }
0x537: {  	v9 =	vadd.s32 v10, v9  }
0x538: {  	v9 =	vshll.u32 v9, $0x4  }
0x539: {  	v9 =	vadd.s32 v7, v9;
	_ =	sdelay $0x4  }
0x53a: {  	[tilespmem:v9+s10+$0x0] =	vst.idx.msk $0xffff, v0  }
0x53b: {  	v9 =	vld [tilespmem:$0x1C0];
	_ =	sdelay $0x4  }
0x53c: {  	(v2sf) =	vpush v9, $0xD;
	_ =	sdelay $0x1  }
0x53d: {  	(v2sf) =	vpush v9, $0xC;
	_ =	sdelay $0x1  }
0x53e: {  	(v2sf) =	vpush v9, $0xE;
	_ =	sdelay $0x1  }
0x53f: {  	(v2sf) =	vpush v9, $0xF;
	_ =	sdelay $0x1  }
0x540: {  	(v2sf) =	vpush v9, $0x9;
	_ =	sdelay $0x1  }
0x541: {  	(v2sf) =	vpush v9, $0x8;
	_ =	sdelay $0x1  }
0x542: {  	(v2sf) =	vpush v9, $0xA;
	_ =	sdelay $0x1  }
0x543: {  	(v2sf) =	vpush v9, $0xB  }
0x544: {  	s9 =	spop (v2sf)  }
0x545: {  	(v2sf) =	vpush v9, $0x0;
	s1 =	smulhi.u32 $0x10624DD3, s9;
	s0 =	sshra.s32 s9, $0x1F  }
0x546: {  	(v2sf) =	vpush v9, $0x1;
	s11 =	spop (v2sf);
	s0 =	smul.u32 $0x10624DD3, s0  }
0x547: {  	s3 =	smulhi.u32 $0x10624DD3, s11;
	s2 =	sshra.s32 s11, $0x1F  }
0x548: {  	s12 =	spop (v2sf);
	s2 =	smul.u32 $0x10624DD3, s2  }
0x549: {  	(v2sf) =	vpush v9, $0x2;
	s6 =	smulhi.u32 $0x10624DD3, s12;
	s5 =	sshra.s32 s12, $0x1F  }
0x54a: {  	s13 =	spop (v2sf);
	s5 =	smul.u32 $0x10624DD3, s5  }
0x54b: {  	(v2sf) =	vpush v9, $0x3;
	s9 =	smulhi.u32 $0x10624DD3, s13;
	s7 =	sshra.s32 s13, $0x1F  }
0x54c: {  	(v2sf) =	vpush v9, $0x4;
	s14 =	spop (v2sf);
	s7 =	smul.u32 $0x10624DD3, s7  }
0x54d: {  	(v2sf) =	vpush v9, $0x5;
	s11 =	smulhi.u32 $0x10624DD3, s14;
	s8 =	sshra.s32 s14, $0x1F  }
0x54e: {  	(v2sf) =	vpush v9, $0x6;
	s15 =	spop (v2sf);
	s12 =	smul.u32 $0x10624DD3, s8  }
0x54f: {  	(v2sf) =	vpush v9, $0x7;
	s13 =	smulhi.u32 $0x10624DD3, s15;
	s8 =	sshra.s32 s15, $0x1F  }
0x550: {  	s18 =	spop (v2sf);
	s15 =	smul.u32 $0x10624DD3, s8  }
0x551: {  	s21 =	smulhi.u32 $0x10624DD3, s18;
	s14 =	sshra.s32 s18, $0x1F  }
0x552: {  	s19 =	spop (v2sf);
	s14 =	smul.u32 $0x10624DD3, s14  }
0x553: {  	s25 =	smulhi.u32 $0x10624DD3, s19;
	s8 =	sshra.s32 s19, $0x1F  }
0x554: {  	s18 =	sadd.s32 s7, s9;
	s20 =	spop (v2sf);
	s26 =	smul.u32 $0x10624DD3, s8  }
0x555: {  	s23 =	spop (v2sf);
	s28 =	smulhi.u32 $0x10624DD3, s20;
	s19 =	sshra.s32 s20, $0x1F  }
0x556: {  	s8 =	sadd.s32 s2, s3;
	s20 =	sadd.s32 s5, s6;
	s30 =	smul.u32 $0x10624DD3, s19  }
0x557: {  	s19 =	sadd.s32 s0, s1;
	s0 =	smulhi.u32 $0x10624DD3, s23;
	s23 =	sshra.s32 s23, $0x1F  }
0x558: {  	s1 =	smul.u32 $0x10624DD3, s23;
	s23 =	sadd.s32 s12, s11;
	s22 =	spop (v2sf)  }
0x559: {  	s9 =	sshrl.u32 s19, $0x1F;
	s2 =	smulhi.u32 $0x10624DD3, s22;
	s6 =	sshra.s32 s22, $0x1F  }
0x55a: {  	s24 =	spop (v2sf);
	s22 =	sadd.s32 s14, s21;
	s3 =	smul.u32 $0x10624DD3, s6  }
0x55b: {  	s29 =	spop (v2sf);
	s6 =	smulhi.u32 $0x10624DD3, s24;
	s12 =	sshra.s32 s24, $0x1F  }
0x55c: {  	s24 =	sadd.s32 s15, s13;
	s31 =	spop (v2sf);
	s7 =	smul.u32 $0x10624DD3, s12  }
0x55d: {  	s11 =	smulhi.u32 $0x10624DD3, s29;
	s15 =	sshra.s32 s29, $0x1F;
	s5 =	spop (v2sf)  }
0x55e: {  	s21 =	sadd.s32 s26, s25;
	s12 =	smul.u32 $0x10624DD3, s15;
	s25 =	spop (v2sf)  }
0x55f: {  	s0 =	sadd.s32 s1, s0;
	s26 =	smulhi.u32 $0x10624DD3, s25;
	s13 =	sshra.s32 s25, $0x1F  }
0x560: {  	s14 =	sadd.s32 s30, s28;
	s2 =	sadd.s32 s3, s2;
	s28 =	smul.u32 $0x10624DD3, s13  }
0x561: {  	s3 =	sshrl.u32 s18, $0x1F;
	s1 =	smulhi.u32 $0x10624DD3, s31;
	s29 =	sshra.s32 s31, $0x1F  }
0x562: {  	s6 =	sadd.s32 s7, s6;
	s25 =	sshrl.u32 s8, $0x1F;
	s15 =	sadd.s32 s28, s26  }
0x563: {  	s7 =	sadd.s32 s12, s11;
	s11 =	smul.u32 $0x10624DD3, s29;
	s30 =	sshra.s32 s15, $0x1F  }
0x564: {  	s29 =	sshra.s32 s14, $0x7;
	s13 =	sshrl.u32 s20, $0x1F;
	v10 =	vmov s25;
	s25 =	sshrl.u32 s24, $0x1F;
	v9 =	vmov s30  }
0x565: {  	s1 =	sadd.s32 s11, s1;
	s30 =	sshrl.u32 s14, $0x1F;
	s14 =	sshra.s32 s14, $0x1F;
	v9 =	vsel vm3, s29, v9  }
0x566: {  	v10 =	vsel vm0, s9, v10;
	s9 =	sshrl.u32 s0, $0x1F;
	v60 =	vmov s25;
	s25 =	sshrl.u32 s22, $0x1F;
	s29 =	sshra.s32 s0, $0x7;
	v9 =	vsel vm9, s14, v9  }
0x567: {  	s11 =	sshra.s32 s6, $0x7;
	s26 =	sshrl.u32 s23, $0x1F;
	v10 =	vsel vm1, s13, v10;
	v11 =	vmov s30;
	s0 =	sshra.s32 s0, $0x1F;
	v9 =	vsel vm0, s29, v9  }
0x568: {  	v10 =	vsel vm2, s3, v10;
	s30 =	smulhi.u32 $0x10624DD3, s5;
	s5 =	sshra.s32 s5, $0x1F;
	v11 =	vnsel vm3, $0x0, v11;
	s14 =	sshra.s32 s2, $0x7;
	v9 =	vsel vm10, s0, v9  }
0x569: {  	s13 =	sshrl.u32 s2, $0x1F;
	v12 =	vsel vm0, s26, v60;
	s5 =	smul.u32 $0x10624DD3, s5;
	s2 =	sshra.s32 s2, $0x1F;
	v11 =	vsel vm0, s9, v11;
	v9 =	vsel vm1, s14, v9  }
0x56a: {  	v12 =	vsel vm1, s25, v12;
	s25 =	sshra.s32 s6, $0x1F;
	s29 =	sshrl.u32 s6, $0x1F;
	s6 =	sshra.s32 s24, $0x7;
	v11 =	vsel vm1, s13, v11;
	v9 =	vsel vm11, s2, v9  }
0x56b: {  	s0 =	sadd.s32 s5, s30;
	s30 =	sshrl.u32 s7, $0x1F;
	s13 =	sshrl.u32 s21, $0x1F;
	v62 =	vmov s6;
	v11 =	vsel vm2, s29, v11;
	v9 =	vsel vm2, s11, v9  }
0x56c: {  	v12 =	vsel vm2, s13, v12;
	s29 =	sshra.s32 s8, $0x7;
	s13 =	sshra.s32 s23, $0x7;
	v11 =	vsel vm4, s30, v11;
	s30 =	sshra.s32 s7, $0x7;
	v9 =	vsel vm12, s25, v9  }
0x56d: {  	s14 =	sshrl.u32 s1, $0x1F;
	s8 =	sshra.s32 s7, $0x1F;
	v61 =	vmov s29;
	v14 =	vsel vm0, s13, v62;
	v9 =	vsel vm4, s30, v9  }
0x56e: {  	s5 =	sshra.s32 s19, $0x7;
	s26 =	sshrl.u32 s0, $0x1F;
	v10 =	vcombine.low v12, v10;
	v11 =	vsel vm5, s14, v11;
	s14 =	sshra.s32 s1, $0x7;
	v9 =	vsel vm13, s8, v9  }
0x56f: {  	v13 =	vsel vm0, s5, v61;
	s11 =	sshra.s32 s20, $0x7;
	s20 =	sshra.s32 s22, $0x7;
	s1 =	sshra.s32 s1, $0x1F;
	v11 =	vsel vm6, s26, v11;
	v9 =	vsel vm5, s14, v9  }
0x570: {  	s19 =	sshra.s32 s18, $0x7;
	s21 =	sshra.s32 s21, $0x7;
	s22 =	sshra.s32 s0, $0x7;
	v13 =	vsel vm1, s11, v13;
	v14 =	vsel vm1, s20, v14;
	v9 =	vsel vm14, s1, v9  }
0x571: {  	s23 =	sshrl.u32 s15, $0x1F;
	s0 =	sshra.s32 s0, $0x1F;
	v13 =	vsel vm2, s19, v13;
	v14 =	vsel vm2, s21, v14;
	v9 =	vsel vm6, s22, v9  }
0x572: {  	s24 =	sshra.s32 s15, $0x7;
	v11 =	vsel vm7, s23, v11;
	v63 =	vcombine.low v14, v13;
	v9 =	vsel vm15, s0, v9  }
0x573: {  	v10 =	vperm.xlane v10, v1;
	v11 =	vperm.xlane v11, v2;
	v9 =	vsel vm7, s24, v9  }
0x574: {  	v12 =	vperm.xlane v63, v1;
	v9 =	vperm.xlane v9, v2;
	_ =	sdelay $0x1  }
0x575: {  	v10 =	vsel vm8, v11, v10;
	v9 =	vsel vm8, v9, v12  }
0x576: {  	v9 =	vadd.s32 v10, v9  }
0x577: {  	v9 =	vshll.u32 v9, $0x4  }
0x578: {  	v9 =	vadd.s32 v8, v9  }
0x579: {  	s31 =	rddreg [dreg:$0x3]  }
0x57a: {  	s4 =	simm.s32 $0x3;
	s25 =	rddreg [dreg:$0x1a]  }
0x57b: {  	s12 =	simm.s32 $0x1;
	s28 =	rddreg [dreg:$0x2];
	s0 =	sadd.s32 $0x27B0, s25  }
0x57c: {  	s3 =	simm.s32 $0x50;
	s9 =	simm.s32 $0x80;
	p0 =	slt.s32 s0, $0x4E1B0  }
0x57d: {  	s2 =	simm.s32 $0x280;
	s29 =	simm.s32 $0x0;
	s0 =	simm.s32 @!p0 $0x4E1B0;
	[tilespmem:v9+s10+$0x0] =	vst.idx.msk $0xffff, v0  }
0x57e: {  	p0 =	sne.s32 s16, $0xFFFFFF60;
	s0 =	sshrl.u32 s0, $0x3;
	_ =	swait.ge [sflag:s17], $0x2800  }
.Ltmp1:
0x57f: {  	[sflag:s17] =	ssyncset.done $0x0;
	s26 =	rddreg [dreg:$0x19];
	(pc) =	sbr.rel @p0 .LBB2_4-.Ltmp1, $4  }
0x580: {  	s5 =	simm.s32 $0x100;
	[sflag:s17] =	ssyncadd.s32 $0xFFFFD800;
	s1 =	sadd.s32 s26, s0  }
0x581: {  	[tilespmem:s9], [sflag:$0x3] =	stream.linear.gather [hbm4b:s1+s29], $0x50, $0x38;
	[tilespmem:$0x1FA80] =	vst v63  }
0x582: {  	s30 =	simm.s32 $0x180;
	s16 =	sadd.s32 $0xA0, s16;
	s0 =	sadd.s32 s28, s0  }
0x583: {  	[tilespmem:s30], [sflag:$0x3] =	stream.linear.gather [hbm4b:s0+s29], $0x50, $0x38;
	[tilespmem:$0x1FA80] =	vst v63  }
0x584: {  	_ =	swait.ge [sflag:s12], $0x2800  }
0x585: {  	[sflag:s12] =	ssyncset.done $0x0  }
0x586: {  	[sflag:s12] =	ssyncadd.s32 $0xFFFFD800  }
0x587: {  	_ =	swait.ge [sflag:s4], $0x50  }
0x588: {  	[sflag:s4] =	ssyncset.done $0x0  }
0x589: {  	[sflag:s4] =	ssyncadd.s32 $0xFFFFFFB0  }
0x58a: {  	_ =	swait.ge [sflag:s4], $0x50  }
0x58b: {  	[sflag:s4] =	ssyncset.done $0x0  }
0x58c: {  	[sflag:s4] =	ssyncadd.s32 $0xFFFFFFB0  }
0x58d: {  	[spmem:s31] =	stream.indirect.scatter.add.f32 [tilespmem:s2], [sflag:$0x4], $0x80, s5, s3, $0xb8;
	[tilespmem:$0x1FA80] =	vst v63  }
0x58e: {  	v9 =	vld [tilespmem:$0x100];
	_ =	sdelay $0x4  }
0x58f: {  	(v2sf) =	vpush v9, $0xD;
	_ =	sdelay $0x1  }
0x590: {  	(v2sf) =	vpush v9, $0xC;
	_ =	sdelay $0x1  }
0x591: {  	(v2sf) =	vpush v9, $0xE;
	_ =	sdelay $0x1  }
0x592: {  	(v2sf) =	vpush v9, $0xF;
	_ =	sdelay $0x1  }
0x593: {  	(v2sf) =	vpush v9, $0x9;
	_ =	sdelay $0x1  }
0x594: {  	(v2sf) =	vpush v9, $0x8;
	_ =	sdelay $0x1  }
0x595: {  	(v2sf) =	vpush v9, $0xA;
	_ =	sdelay $0x1  }
0x596: {  	(v2sf) =	vpush v9, $0xB  }
0x597: {  	s0 =	spop (v2sf)  }
0x598: {  	(v2sf) =	vpush v9, $0x0;
	s1 =	smulhi.u32 $0x10624DD3, s0;
	s0 =	sshra.s32 s0, $0x1F  }
0x599: {  	s26 =	spop (v2sf);
	(v2sf) =	vpush v9, $0x1;
	s0 =	smul.u32 $0x10624DD3, s0  }
0x59a: {  	s28 =	smulhi.u32 $0x10624DD3, s26;
	s2 =	sshra.s32 s26, $0x1F;
	(v2sf) =	vpush v9, $0x2  }
0x59b: {  	s29 =	spop (v2sf);
	s2 =	smul.u32 $0x10624DD3, s2;
	(v2sf) =	vpush v9, $0x3  }
0x59c: {  	s6 =	smulhi.u32 $0x10624DD3, s29;
	s5 =	sshra.s32 s29, $0x1F;
	(v2sf) =	vpush v9, $0x4  }
0x59d: {  	s7 =	spop (v2sf);
	s5 =	smul.u32 $0x10624DD3, s5;
	(v2sf) =	vpush v9, $0x5  }
0x59e: {  	s30 =	smulhi.u32 $0x10624DD3, s7;
	s9 =	sshra.s32 s7, $0x1F;
	(v2sf) =	vpush v9, $0x6  }
0x59f: {  	s16 =	sadd.s32 s0, s1;
	s11 =	spop (v2sf);
	s1 =	smul.u32 $0x10624DD3, s9;
	(v2sf) =	vpush v9, $0x7  }
0x5a0: {  	s8 =	sshrl.u32 s16, $0x1F;
	s12 =	smulhi.u32 $0x10624DD3, s11;
	s13 =	sshra.s32 s11, $0x1F  }
0x5a1: {  	s19 =	sadd.s32 s2, s28;
	s14 =	spop (v2sf);
	s11 =	smul.u32 $0x10624DD3, s13  }
0x5a2: {  	s7 =	sshrl.u32 s19, $0x1F;
	s15 =	smulhi.u32 $0x10624DD3, s14;
	s22 =	sshra.s32 s14, $0x1F  }
0x5a3: {  	s17 =	sadd.s32 s5, s6;
	s9 =	spop (v2sf);
	s6 =	smul.u32 $0x10624DD3, s22  }
0x5a4: {  	s2 =	sshrl.u32 s17, $0x1F;
	s23 =	smulhi.u32 $0x10624DD3, s9;
	s25 =	sshra.s32 s9, $0x1F  }
0x5a5: {  	s18 =	sadd.s32 s1, s30;
	s26 =	spop (v2sf);
	s1 =	smul.u32 $0x10624DD3, s25  }
0x5a6: {  	s9 =	sshrl.u32 s18, $0x1F;
	s3 =	smulhi.u32 $0x10624DD3, s26;
	s28 =	sshra.s32 s26, $0x1F  }
0x5a7: {  	s20 =	sadd.s32 s11, s12;
	s11 =	smul.u32 $0x10624DD3, s28;
	s29 =	spop (v2sf)  }
0x5a8: {  	s13 =	smulhi.u32 $0x10624DD3, s29;
	s12 =	sshra.s32 s29, $0x1F;
	s21 =	spop (v2sf)  }
0x5a9: {  	s14 =	sshrl.u32 s20, $0x1F;
	s5 =	smul.u32 $0x10624DD3, s12;
	s30 =	spop (v2sf)  }
0x5aa: {  	s12 =	smulhi.u32 $0x10624DD3, s21;
	s21 =	sshra.s32 s21, $0x1F;
	s22 =	spop (v2sf)  }
0x5ab: {  	s15 =	sadd.s32 s6, s15;
	s25 =	smul.u32 $0x10624DD3, s21;
	s26 =	spop (v2sf)  }
0x5ac: {  	s28 =	smulhi.u32 $0x10624DD3, s30;
	s6 =	sshra.s32 s30, $0x1F;
	s29 =	spop (v2sf)  }
0x5ad: {  	v11 =	vmov s7;
	s23 =	sadd.s32 s1, s23;
	s0 =	smul.u32 $0x10624DD3, s6;
	s1 =	spop (v2sf)  }
0x5ae: {  	v11 =	vsel vm0, s8, v11;
	s21 =	sadd.s32 s11, s3;
	s3 =	smulhi.u32 $0x10624DD3, s22;
	s11 =	spop (v2sf)  }
0x5af: {  	v11 =	vsel vm1, s2, v11;
	s24 =	sshrl.u32 s15, $0x1F;
	s30 =	smulhi.u32 $0x10624DD3, s11;
	s6 =	sshra.s32 s11, $0x1F  }
0x5b0: {  	v11 =	vsel vm2, s9, v11;
	s9 =	sshra.s32 s16, $0x7;
	s22 =	sshra.s32 s22, $0x1F;
	s6 =	smul.u32 $0x10624DD3, s6  }
0x5b1: {  	s5 =	sadd.s32 s5, s13;
	s12 =	sadd.s32 s25, s12;
	s13 =	smul.u32 $0x10624DD3, s22  }
0x5b2: {  	s25 =	sshrl.u32 s23, $0x1F;
	s0 =	sadd.s32 s0, s28;
	s22 =	sadd.s32 s6, s30  }
0x5b3: {  	s28 =	sshrl.u32 s21, $0x1F;
	s3 =	sadd.s32 s13, s3;
	s30 =	sshra.s32 s22, $0x1F  }
0x5b4: {  	s13 =	sshra.s32 s26, $0x1F;
	s11 =	smulhi.u32 $0x10624DD3, s26;
	v10 =	vmov s30;
	s30 =	sshra.s32 s5, $0x7  }
0x5b5: {  	s7 =	smul.u32 $0x10624DD3, s13;
	s6 =	sshrl.u32 s5, $0x1F;
	s5 =	sshra.s32 s5, $0x1F;
	v10 =	vsel vm3, s30, v10  }
0x5b6: {  	v12 =	vmov s6;
	s6 =	smulhi.u32 $0x10624DD3, s29;
	s29 =	sshra.s32 s29, $0x1F;
	s30 =	sshra.s32 s12, $0x7;
	v10 =	vsel vm9, s5, v10  }
0x5b7: {  	v13 =	vmov s24;
	s26 =	sshrl.u32 s12, $0x1F;
	s8 =	smul.u32 $0x10624DD3, s29;
	s29 =	sshra.s32 s12, $0x1F;
	v10 =	vsel vm0, s30, v10  }
0x5b8: {  	v13 =	vsel vm0, s14, v13;
	s13 =	sshrl.u32 s0, $0x1F;
	s2 =	sshrl.u32 s3, $0x1F;
	s12 =	sshra.s32 s0, $0x7;
	v10 =	vsel vm10, s29, v10  }
0x5b9: {  	v13 =	vsel vm1, s25, v13;
	v12 =	vnsel vm3, $0x0, v12;
	s0 =	sshra.s32 s0, $0x1F;
	s30 =	smulhi.u32 $0x10624DD3, s1;
	s1 =	sshra.s32 s1, $0x1F;
	v10 =	vsel vm1, s12, v10  }
0x5ba: {  	v13 =	vsel vm2, s28, v13;
	s24 =	sshra.s32 s3, $0x7;
	s7 =	sadd.s32 s7, s11;
	v12 =	vsel vm0, s26, v12;
	s1 =	smul.u32 $0x10624DD3, s1;
	v10 =	vsel vm11, s0, v10  }
0x5bb: {  	v11 =	vcombine.low v13, v11;
	s26 =	sshra.s32 s3, $0x1F;
	s3 =	sshra.s32 s19, $0x7;
	v12 =	vsel vm1, s13, v12;
	s5 =	sadd.s32 s8, s6;
	v10 =	vsel vm2, s24, v10  }
0x5bc: {  	s6 =	sshra.s32 s15, $0x7;
	v31 =	vmov s3;
	v12 =	vsel vm2, s2, v12;
	s1 =	sadd.s32 s1, s30;
	s30 =	sshra.s32 s7, $0x7;
	v10 =	vsel vm12, s26, v10  }
0x5bd: {  	s11 =	sshra.s32 s20, $0x7;
	s14 =	sshrl.u32 s7, $0x1F;
	s8 =	sshra.s32 s7, $0x1F;
	v14 =	vmov s6;
	v13 =	vsel vm0, s9, v31;
	v10 =	vsel vm4, s30, v10  }
0x5be: {  	s13 =	sshra.s32 s17, $0x7;
	v12 =	vsel vm4, s14, v12;
	v14 =	vsel vm0, s11, v14;
	s14 =	sshra.s32 s23, $0x7;
	s12 =	sshra.s32 s5, $0x7;
	v10 =	vsel vm13, s8, v10  }
0x5bf: {  	s16 =	sshra.s32 s18, $0x7;
	s17 =	sshra.s32 s21, $0x7;
	s15 =	sshra.s32 s5, $0x1F;
	v13 =	vsel vm1, s13, v13;
	v14 =	vsel vm1, s14, v14;
	v10 =	vsel vm5, s12, v10  }
0x5c0: {  	s25 =	sshrl.u32 s5, $0x1F;
	v13 =	vsel vm2, s16, v13;
	v14 =	vsel vm2, s17, v14;
	s18 =	sshra.s32 s1, $0x7;
	v10 =	vsel vm14, s15, v10  }
0x5c1: {  	v12 =	vsel vm5, s25, v12;
	s29 =	sshrl.u32 s1, $0x1F;
	s20 =	sshra.s32 s1, $0x1F;
	v13 =	vcombine.low v14, v13;
	v10 =	vsel vm6, s18, v10  }
0x5c2: {  	v11 =	vperm.xlane v11, v1;
	s19 =	sshrl.u32 s22, $0x1F;
	s21 =	sshra.s32 s22, $0x7;
	v12 =	vsel vm6, s29, v12;
	v10 =	vsel vm15, s20, v10  }
0x5c3: {  	v12 =	vsel vm7, s19, v12;
	v13 =	vperm.xlane v13, v1;
	v10 =	vsel vm7, s21, v10  }
0x5c4: {  	v12 =	vperm.xlane v12, v2;
	v10 =	vperm.xlane v10, v2;
	_ =	sdelay $0x1  }
0x5c5: {  	v11 =	vsel vm8, v12, v11;
	v10 =	vsel vm8, v10, v13  }
0x5c6: {  	v10 =	vadd.s32 v11, v10  }
0x5c7: {  	v11 =	vshll.u32 v10, $0x4  }
0x5c8: {  	v11 =	vadd.s32 v3, v11  }
0x5c9: {  	v10 =	vmul.u32 $0xFFFFF830, v10;
	_ =	sdelay $0x1  }
0x5ca: {  	v9 =	vadd.s32 v9, v10  }
0x5cb: {  	[tilespmem:$0x200] =	vst v9  }
0x5cc: {  	[tilespmem:v11+s10+$0x0] =	vst.idx.msk $0xffff, v4  }
0x5cd: {  	v9 =	vld [tilespmem:$0x110];
	_ =	sdelay $0x4  }
0x5ce: {  	(v2sf) =	vpush v9, $0xD;
	_ =	sdelay $0x1  }
0x5cf: {  	(v2sf) =	vpush v9, $0xC;
	_ =	sdelay $0x1  }
0x5d0: {  	(v2sf) =	vpush v9, $0xE;
	_ =	sdelay $0x1  }
0x5d1: {  	(v2sf) =	vpush v9, $0xF;
	_ =	sdelay $0x1  }
0x5d2: {  	(v2sf) =	vpush v9, $0x9;
	_ =	sdelay $0x1  }
0x5d3: {  	(v2sf) =	vpush v9, $0x8;
	_ =	sdelay $0x1  }
0x5d4: {  	(v2sf) =	vpush v9, $0xA;
	_ =	sdelay $0x1  }
0x5d5: {  	(v2sf) =	vpush v9, $0xB  }
0x5d6: {  	s22 =	spop (v2sf)  }
0x5d7: {  	(v2sf) =	vpush v9, $0x0;
	s23 =	smulhi.u32 $0x10624DD3, s22;
	s0 =	sshra.s32 s22, $0x1F  }
0x5d8: {  	(v2sf) =	vpush v9, $0x1;
	s24 =	spop (v2sf);
	s0 =	smul.u32 $0x10624DD3, s0  }
0x5d9: {  	(v2sf) =	vpush v9, $0x2;
	s25 =	smulhi.u32 $0x10624DD3, s24;
	s2 =	sshra.s32 s24, $0x1F  }
0x5da: {  	s26 =	spop (v2sf);
	(v2sf) =	vpush v9, $0x3;
	s2 =	smul.u32 $0x10624DD3, s2  }
0x5db: {  	s28 =	smulhi.u32 $0x10624DD3, s26;
	s5 =	sshra.s32 s26, $0x1F;
	(v2sf) =	vpush v9, $0x4  }
0x5dc: {  	s29 =	spop (v2sf);
	s5 =	smul.u32 $0x10624DD3, s5;
	(v2sf) =	vpush v9, $0x5  }
0x5dd: {  	s30 =	smulhi.u32 $0x10624DD3, s29;
	s7 =	sshra.s32 s29, $0x1F;
	(v2sf) =	vpush v9, $0x6  }
0x5de: {  	s16 =	sadd.s32 s0, s23;
	s9 =	spop (v2sf);
	s1 =	smul.u32 $0x10624DD3, s7;
	(v2sf) =	vpush v9, $0x7  }
0x5df: {  	s8 =	sshrl.u32 s16, $0x1F;
	s11 =	smulhi.u32 $0x10624DD3, s9;
	s12 =	sshra.s32 s9, $0x1F  }
0x5e0: {  	s19 =	sadd.s32 s2, s25;
	s14 =	spop (v2sf);
	s13 =	smul.u32 $0x10624DD3, s12  }
0x5e1: {  	s7 =	sshrl.u32 s19, $0x1F;
	s15 =	smulhi.u32 $0x10624DD3, s14;
	s21 =	sshra.s32 s14, $0x1F  }
0x5e2: {  	s17 =	sadd.s32 s5, s28;
	s22 =	spop (v2sf);
	s6 =	smul.u32 $0x10624DD3, s21  }
0x5e3: {  	s2 =	sshrl.u32 s17, $0x1F;
	s23 =	smulhi.u32 $0x10624DD3, s22;
	s24 =	sshra.s32 s22, $0x1F  }
0x5e4: {  	s18 =	sadd.s32 s1, s30;
	s25 =	spop (v2sf);
	s1 =	smul.u32 $0x10624DD3, s24  }
0x5e5: {  	s9 =	sshrl.u32 s18, $0x1F;
	s3 =	smulhi.u32 $0x10624DD3, s25;
	s26 =	sshra.s32 s25, $0x1F  }
0x5e6: {  	s20 =	sadd.s32 s13, s11;
	s28 =	spop (v2sf);
	s11 =	smul.u32 $0x10624DD3, s26  }
0x5e7: {  	s13 =	smulhi.u32 $0x10624DD3, s28;
	s12 =	sshra.s32 s28, $0x1F;
	s29 =	spop (v2sf)  }
0x5e8: {  	s14 =	sshrl.u32 s20, $0x1F;
	s5 =	smul.u32 $0x10624DD3, s12;
	s30 =	spop (v2sf)  }
0x5e9: {  	s12 =	smulhi.u32 $0x10624DD3, s29;
	s21 =	sshra.s32 s29, $0x1F;
	s22 =	spop (v2sf)  }
0x5ea: {  	s15 =	sadd.s32 s6, s15;
	s25 =	smul.u32 $0x10624DD3, s21;
	s26 =	spop (v2sf)  }
0x5eb: {  	s28 =	smulhi.u32 $0x10624DD3, s30;
	s6 =	sshra.s32 s30, $0x1F;
	s29 =	spop (v2sf)  }
0x5ec: {  	v11 =	vmov s7;
	s23 =	sadd.s32 s1, s23;
	s0 =	smul.u32 $0x10624DD3, s6;
	s1 =	spop (v2sf)  }
0x5ed: {  	v11 =	vsel vm0, s8, v11;
	s21 =	sadd.s32 s11, s3;
	s3 =	smulhi.u32 $0x10624DD3, s22;
	s11 =	spop (v2sf)  }
0x5ee: {  	v11 =	vsel vm1, s2, v11;
	s24 =	sshrl.u32 s15, $0x1F;
	s30 =	smulhi.u32 $0x10624DD3, s11;
	s6 =	sshra.s32 s11, $0x1F  }
0x5ef: {  	v11 =	vsel vm2, s9, v11;
	s9 =	sshra.s32 s16, $0x7;
	s22 =	sshra.s32 s22, $0x1F;
	s6 =	smul.u32 $0x10624DD3, s6  }
0x5f0: {  	s5 =	sadd.s32 s5, s13;
	s12 =	sadd.s32 s25, s12;
	s13 =	smul.u32 $0x10624DD3, s22  }
0x5f1: {  	s25 =	sshrl.u32 s23, $0x1F;
	s0 =	sadd.s32 s0, s28;
	s22 =	sadd.s32 s6, s30  }
0x5f2: {  	s28 =	sshrl.u32 s21, $0x1F;
	s3 =	sadd.s32 s13, s3;
	s30 =	sshra.s32 s22, $0x1F  }
0x5f3: {  	s13 =	sshra.s32 s26, $0x1F;
	s11 =	smulhi.u32 $0x10624DD3, s26;
	v10 =	vmov s30;
	s30 =	sshra.s32 s5, $0x7  }
0x5f4: {  	s7 =	smul.u32 $0x10624DD3, s13;
	s6 =	sshrl.u32 s5, $0x1F;
	s5 =	sshra.s32 s5, $0x1F;
	v10 =	vsel vm3, s30, v10  }
0x5f5: {  	v32 =	vmov s6;
	s6 =	smulhi.u32 $0x10624DD3, s29;
	s29 =	sshra.s32 s29, $0x1F;
	s30 =	sshra.s32 s12, $0x7;
	v10 =	vsel vm9, s5, v10  }
0x5f6: {  	v33 =	vmov s24;
	s26 =	sshrl.u32 s12, $0x1F;
	s8 =	smul.u32 $0x10624DD3, s29;
	s29 =	sshra.s32 s12, $0x1F;
	v10 =	vsel vm0, s30, v10  }
0x5f7: {  	v13 =	vsel vm0, s14, v33;
	s13 =	sshrl.u32 s0, $0x1F;
	s2 =	sshrl.u32 s3, $0x1F;
	s12 =	sshra.s32 s0, $0x7;
	v10 =	vsel vm10, s29, v10  }
0x5f8: {  	v13 =	vsel vm1, s25, v13;
	v12 =	vnsel vm3, $0x0, v32;
	s0 =	sshra.s32 s0, $0x1F;
	s30 =	smulhi.u32 $0x10624DD3, s1;
	s1 =	sshra.s32 s1, $0x1F;
	v10 =	vsel vm1, s12, v10  }
0x5f9: {  	v13 =	vsel vm2, s28, v13;
	s24 =	sshra.s32 s3, $0x7;
	s7 =	sadd.s32 s7, s11;
	v12 =	vsel vm0, s26, v12;
	s1 =	smul.u32 $0x10624DD3, s1;
	v10 =	vsel vm11, s0, v10  }
0x5fa: {  	v11 =	vcombine.low v13, v11;
	s26 =	sshra.s32 s3, $0x1F;
	s3 =	sshra.s32 s19, $0x7;
	v12 =	vsel vm1, s13, v12;
	s5 =	sadd.s32 s8, s6;
	v10 =	vsel vm2, s24, v10  }
0x5fb: {  	s6 =	sshra.s32 s15, $0x7;
	v34 =	vmov s3;
	v12 =	vsel vm2, s2, v12;
	s1 =	sadd.s32 s1, s30;
	s30 =	sshra.s32 s7, $0x7;
	v10 =	vsel vm12, s26, v10  }
0x5fc: {  	s11 =	sshra.s32 s20, $0x7;
	s14 =	sshrl.u32 s7, $0x1F;
	s8 =	sshra.s32 s7, $0x1F;
	v35 =	vmov s6;
	v13 =	vsel vm0, s9, v34;
	v10 =	vsel vm4, s30, v10  }
0x5fd: {  	s13 =	sshra.s32 s17, $0x7;
	v12 =	vsel vm4, s14, v12;
	v14 =	vsel vm0, s11, v35;
	s14 =	sshra.s32 s23, $0x7;
	s12 =	sshra.s32 s5, $0x7;
	v10 =	vsel vm13, s8, v10  }
0x5fe: {  	s16 =	sshra.s32 s18, $0x7;
	s17 =	sshra.s32 s21, $0x7;
	s15 =	sshra.s32 s5, $0x1F;
	v13 =	vsel vm1, s13, v13;
	v14 =	vsel vm1, s14, v14;
	v10 =	vsel vm5, s12, v10  }
0x5ff: {  	s25 =	sshrl.u32 s5, $0x1F;
	v13 =	vsel vm2, s16, v13;
	v14 =	vsel vm2, s17, v14;
	s18 =	sshra.s32 s1, $0x7;
	v10 =	vsel vm14, s15, v10  }
0x600: {  	v12 =	vsel vm5, s25, v12;
	s29 =	sshrl.u32 s1, $0x1F;
	s20 =	sshra.s32 s1, $0x1F;
	v13 =	vcombine.low v14, v13;
	v10 =	vsel vm6, s18, v10  }
0x601: {  	v11 =	vperm.xlane v11, v1;
	s19 =	sshrl.u32 s22, $0x1F;
	s21 =	sshra.s32 s22, $0x7;
	v12 =	vsel vm6, s29, v12;
	v10 =	vsel vm15, s20, v10  }
0x602: {  	v12 =	vsel vm7, s19, v12;
	v13 =	vperm.xlane v13, v1;
	v10 =	vsel vm7, s21, v10  }
0x603: {  	v12 =	vperm.xlane v12, v2;
	v10 =	vperm.xlane v10, v2;
	_ =	sdelay $0x1  }
0x604: {  	v11 =	vsel vm8, v12, v11;
	v10 =	vsel vm8, v10, v13  }
0x605: {  	v10 =	vadd.s32 v11, v10  }
0x606: {  	v11 =	vshll.u32 v10, $0x4  }
0x607: {  	v11 =	vadd.s32 v5, v11  }
0x608: {  	v10 =	vmul.u32 $0xFFFFF830, v10;
	_ =	sdelay $0x1  }
0x609: {  	v9 =	vadd.s32 v9, v10  }
0x60a: {  	[tilespmem:$0x210] =	vst v9  }
0x60b: {  	[tilespmem:v11+s10+$0x0] =	vst.idx.msk $0xffff, v4  }
0x60c: {  	v9 =	vld [tilespmem:$0x120];
	_ =	sdelay $0x4  }
0x60d: {  	(v2sf) =	vpush v9, $0xD;
	_ =	sdelay $0x1  }
0x60e: {  	(v2sf) =	vpush v9, $0xC;
	_ =	sdelay $0x1  }
0x60f: {  	(v2sf) =	vpush v9, $0xE;
	_ =	sdelay $0x1  }
0x610: {  	(v2sf) =	vpush v9, $0xF;
	_ =	sdelay $0x1  }
0x611: {  	(v2sf) =	vpush v9, $0x9;
	_ =	sdelay $0x1  }
0x612: {  	(v2sf) =	vpush v9, $0x8;
	_ =	sdelay $0x1  }
0x613: {  	(v2sf) =	vpush v9, $0xA;
	_ =	sdelay $0x1  }
0x614: {  	(v2sf) =	vpush v9, $0xB  }
0x615: {  	s22 =	spop (v2sf)  }
0x616: {  	(v2sf) =	vpush v9, $0x0;
	s23 =	smulhi.u32 $0x10624DD3, s22;
	s0 =	sshra.s32 s22, $0x1F  }
0x617: {  	(v2sf) =	vpush v9, $0x1;
	s24 =	spop (v2sf);
	s0 =	smul.u32 $0x10624DD3, s0  }
0x618: {  	(v2sf) =	vpush v9, $0x2;
	s25 =	smulhi.u32 $0x10624DD3, s24;
	s2 =	sshra.s32 s24, $0x1F  }
0x619: {  	s26 =	spop (v2sf);
	(v2sf) =	vpush v9, $0x3;
	s2 =	smul.u32 $0x10624DD3, s2  }
0x61a: {  	s28 =	smulhi.u32 $0x10624DD3, s26;
	s5 =	sshra.s32 s26, $0x1F;
	(v2sf) =	vpush v9, $0x4  }
0x61b: {  	s29 =	spop (v2sf);
	s5 =	smul.u32 $0x10624DD3, s5;
	(v2sf) =	vpush v9, $0x5  }
0x61c: {  	s30 =	smulhi.u32 $0x10624DD3, s29;
	s7 =	sshra.s32 s29, $0x1F;
	(v2sf) =	vpush v9, $0x6  }
0x61d: {  	s16 =	sadd.s32 s0, s23;
	s9 =	spop (v2sf);
	s1 =	smul.u32 $0x10624DD3, s7;
	(v2sf) =	vpush v9, $0x7  }
0x61e: {  	s8 =	sshrl.u32 s16, $0x1F;
	s11 =	smulhi.u32 $0x10624DD3, s9;
	s12 =	sshra.s32 s9, $0x1F  }
0x61f: {  	s19 =	sadd.s32 s2, s25;
	s14 =	spop (v2sf);
	s13 =	smul.u32 $0x10624DD3, s12  }
0x620: {  	s7 =	sshrl.u32 s19, $0x1F;
	s15 =	smulhi.u32 $0x10624DD3, s14;
	s21 =	sshra.s32 s14, $0x1F  }
0x621: {  	s17 =	sadd.s32 s5, s28;
	s22 =	spop (v2sf);
	s6 =	smul.u32 $0x10624DD3, s21  }
0x622: {  	s2 =	sshrl.u32 s17, $0x1F;
	s23 =	smulhi.u32 $0x10624DD3, s22;
	s24 =	sshra.s32 s22, $0x1F  }
0x623: {  	s18 =	sadd.s32 s1, s30;
	s25 =	spop (v2sf);
	s1 =	smul.u32 $0x10624DD3, s24  }
0x624: {  	s9 =	sshrl.u32 s18, $0x1F;
	s3 =	smulhi.u32 $0x10624DD3, s25;
	s26 =	sshra.s32 s25, $0x1F  }
0x625: {  	s20 =	sadd.s32 s13, s11;
	s28 =	spop (v2sf);
	s11 =	smul.u32 $0x10624DD3, s26  }
0x626: {  	s13 =	smulhi.u32 $0x10624DD3, s28;
	s12 =	sshra.s32 s28, $0x1F;
	s29 =	spop (v2sf)  }
0x627: {  	s14 =	sshrl.u32 s20, $0x1F;
	s5 =	smul.u32 $0x10624DD3, s12;
	s30 =	spop (v2sf)  }
0x628: {  	s12 =	smulhi.u32 $0x10624DD3, s29;
	s21 =	sshra.s32 s29, $0x1F;
	s22 =	spop (v2sf)  }
0x629: {  	s15 =	sadd.s32 s6, s15;
	s25 =	smul.u32 $0x10624DD3, s21;
	s26 =	spop (v2sf)  }
0x62a: {  	s28 =	smulhi.u32 $0x10624DD3, s30;
	s6 =	sshra.s32 s30, $0x1F;
	s29 =	spop (v2sf)  }
0x62b: {  	v11 =	vmov s7;
	s23 =	sadd.s32 s1, s23;
	s0 =	smul.u32 $0x10624DD3, s6;
	s1 =	spop (v2sf)  }
0x62c: {  	v11 =	vsel vm0, s8, v11;
	s21 =	sadd.s32 s11, s3;
	s3 =	smulhi.u32 $0x10624DD3, s22;
	s11 =	spop (v2sf)  }
0x62d: {  	v11 =	vsel vm1, s2, v11;
	s24 =	sshrl.u32 s15, $0x1F;
	s30 =	smulhi.u32 $0x10624DD3, s11;
	s6 =	sshra.s32 s11, $0x1F  }
0x62e: {  	v11 =	vsel vm2, s9, v11;
	s9 =	sshra.s32 s16, $0x7;
	s22 =	sshra.s32 s22, $0x1F;
	s6 =	smul.u32 $0x10624DD3, s6  }
0x62f: {  	s5 =	sadd.s32 s5, s13;
	s12 =	sadd.s32 s25, s12;
	s13 =	smul.u32 $0x10624DD3, s22  }
0x630: {  	s25 =	sshrl.u32 s23, $0x1F;
	s0 =	sadd.s32 s0, s28;
	s22 =	sadd.s32 s6, s30  }
0x631: {  	s28 =	sshrl.u32 s21, $0x1F;
	s3 =	sadd.s32 s13, s3;
	s30 =	sshra.s32 s22, $0x1F  }
0x632: {  	s13 =	sshra.s32 s26, $0x1F;
	s11 =	smulhi.u32 $0x10624DD3, s26;
	v10 =	vmov s30;
	s30 =	sshra.s32 s5, $0x7  }
0x633: {  	s7 =	smul.u32 $0x10624DD3, s13;
	s6 =	sshrl.u32 s5, $0x1F;
	s5 =	sshra.s32 s5, $0x1F;
	v10 =	vsel vm3, s30, v10  }
0x634: {  	v36 =	vmov s6;
	s6 =	smulhi.u32 $0x10624DD3, s29;
	s29 =	sshra.s32 s29, $0x1F;
	s30 =	sshra.s32 s12, $0x7;
	v10 =	vsel vm9, s5, v10  }
0x635: {  	v37 =	vmov s24;
	s26 =	sshrl.u32 s12, $0x1F;
	s8 =	smul.u32 $0x10624DD3, s29;
	s29 =	sshra.s32 s12, $0x1F;
	v10 =	vsel vm0, s30, v10  }
0x636: {  	v13 =	vsel vm0, s14, v37;
	s13 =	sshrl.u32 s0, $0x1F;
	s2 =	sshrl.u32 s3, $0x1F;
	s12 =	sshra.s32 s0, $0x7;
	v10 =	vsel vm10, s29, v10  }
0x637: {  	v13 =	vsel vm1, s25, v13;
	v12 =	vnsel vm3, $0x0, v36;
	s0 =	sshra.s32 s0, $0x1F;
	s30 =	smulhi.u32 $0x10624DD3, s1;
	s1 =	sshra.s32 s1, $0x1F;
	v10 =	vsel vm1, s12, v10  }
0x638: {  	v13 =	vsel vm2, s28, v13;
	s24 =	sshra.s32 s3, $0x7;
	s7 =	sadd.s32 s7, s11;
	v12 =	vsel vm0, s26, v12;
	s1 =	smul.u32 $0x10624DD3, s1;
	v10 =	vsel vm11, s0, v10  }
0x639: {  	v11 =	vcombine.low v13, v11;
	s26 =	sshra.s32 s3, $0x1F;
	s3 =	sshra.s32 s19, $0x7;
	v12 =	vsel vm1, s13, v12;
	s5 =	sadd.s32 s8, s6;
	v10 =	vsel vm2, s24, v10  }
0x63a: {  	s6 =	sshra.s32 s15, $0x7;
	v38 =	vmov s3;
	v12 =	vsel vm2, s2, v12;
	s1 =	sadd.s32 s1, s30;
	s30 =	sshra.s32 s7, $0x7;
	v10 =	vsel vm12, s26, v10  }
0x63b: {  	s11 =	sshra.s32 s20, $0x7;
	s14 =	sshrl.u32 s7, $0x1F;
	s8 =	sshra.s32 s7, $0x1F;
	v39 =	vmov s6;
	v13 =	vsel vm0, s9, v38;
	v10 =	vsel vm4, s30, v10  }
0x63c: {  	s13 =	sshra.s32 s17, $0x7;
	v12 =	vsel vm4, s14, v12;
	v14 =	vsel vm0, s11, v39;
	s14 =	sshra.s32 s23, $0x7;
	s12 =	sshra.s32 s5, $0x7;
	v10 =	vsel vm13, s8, v10  }
0x63d: {  	s16 =	sshra.s32 s18, $0x7;
	s17 =	sshra.s32 s21, $0x7;
	s15 =	sshra.s32 s5, $0x1F;
	v13 =	vsel vm1, s13, v13;
	v14 =	vsel vm1, s14, v14;
	v10 =	vsel vm5, s12, v10  }
0x63e: {  	s25 =	sshrl.u32 s5, $0x1F;
	v13 =	vsel vm2, s16, v13;
	v14 =	vsel vm2, s17, v14;
	s18 =	sshra.s32 s1, $0x7;
	v10 =	vsel vm14, s15, v10  }
0x63f: {  	v12 =	vsel vm5, s25, v12;
	s29 =	sshrl.u32 s1, $0x1F;
	s20 =	sshra.s32 s1, $0x1F;
	v13 =	vcombine.low v14, v13;
	v10 =	vsel vm6, s18, v10  }
0x640: {  	v11 =	vperm.xlane v11, v1;
	s19 =	sshrl.u32 s22, $0x1F;
	s21 =	sshra.s32 s22, $0x7;
	v12 =	vsel vm6, s29, v12;
	v10 =	vsel vm15, s20, v10  }
0x641: {  	v12 =	vsel vm7, s19, v12;
	v13 =	vperm.xlane v13, v1;
	v10 =	vsel vm7, s21, v10  }
0x642: {  	v12 =	vperm.xlane v12, v2;
	v10 =	vperm.xlane v10, v2;
	_ =	sdelay $0x1  }
0x643: {  	v11 =	vsel vm8, v12, v11;
	v10 =	vsel vm8, v10, v13  }
0x644: {  	v10 =	vadd.s32 v11, v10  }
0x645: {  	v11 =	vshll.u32 v10, $0x4  }
0x646: {  	v11 =	vadd.s32 v6, v11  }
0x647: {  	v10 =	vmul.u32 $0xFFFFF830, v10;
	_ =	sdelay $0x1  }
0x648: {  	v9 =	vadd.s32 v9, v10  }
0x649: {  	[tilespmem:$0x220] =	vst v9  }
0x64a: {  	[tilespmem:v11+s10+$0x0] =	vst.idx.msk $0xffff, v4  }
0x64b: {  	v9 =	vld [tilespmem:$0x130];
	_ =	sdelay $0x4  }
0x64c: {  	(v2sf) =	vpush v9, $0xD;
	_ =	sdelay $0x1  }
0x64d: {  	(v2sf) =	vpush v9, $0xC;
	_ =	sdelay $0x1  }
0x64e: {  	(v2sf) =	vpush v9, $0xE;
	_ =	sdelay $0x1  }
0x64f: {  	(v2sf) =	vpush v9, $0xF;
	_ =	sdelay $0x1  }
0x650: {  	(v2sf) =	vpush v9, $0x9;
	_ =	sdelay $0x1  }
0x651: {  	(v2sf) =	vpush v9, $0x8;
	_ =	sdelay $0x1  }
0x652: {  	(v2sf) =	vpush v9, $0xA;
	_ =	sdelay $0x1  }
0x653: {  	(v2sf) =	vpush v9, $0xB  }
0x654: {  	s22 =	spop (v2sf)  }
0x655: {  	(v2sf) =	vpush v9, $0x0;
	s23 =	smulhi.u32 $0x10624DD3, s22;
	s0 =	sshra.s32 s22, $0x1F  }
0x656: {  	(v2sf) =	vpush v9, $0x1;
	s24 =	spop (v2sf);
	s0 =	smul.u32 $0x10624DD3, s0  }
0x657: {  	(v2sf) =	vpush v9, $0x2;
	s25 =	smulhi.u32 $0x10624DD3, s24;
	s2 =	sshra.s32 s24, $0x1F  }
0x658: {  	s26 =	spop (v2sf);
	(v2sf) =	vpush v9, $0x3;
	s2 =	smul.u32 $0x10624DD3, s2  }
0x659: {  	s28 =	smulhi.u32 $0x10624DD3, s26;
	s5 =	sshra.s32 s26, $0x1F;
	(v2sf) =	vpush v9, $0x4  }
0x65a: {  	s29 =	spop (v2sf);
	s5 =	smul.u32 $0x10624DD3, s5;
	(v2sf) =	vpush v9, $0x5  }
0x65b: {  	s30 =	smulhi.u32 $0x10624DD3, s29;
	s7 =	sshra.s32 s29, $0x1F;
	(v2sf) =	vpush v9, $0x6  }
0x65c: {  	s16 =	sadd.s32 s0, s23;
	s9 =	spop (v2sf);
	s1 =	smul.u32 $0x10624DD3, s7;
	(v2sf) =	vpush v9, $0x7  }
0x65d: {  	s8 =	sshrl.u32 s16, $0x1F;
	s11 =	smulhi.u32 $0x10624DD3, s9;
	s12 =	sshra.s32 s9, $0x1F  }
0x65e: {  	s19 =	sadd.s32 s2, s25;
	s14 =	spop (v2sf);
	s13 =	smul.u32 $0x10624DD3, s12  }
0x65f: {  	s7 =	sshrl.u32 s19, $0x1F;
	s15 =	smulhi.u32 $0x10624DD3, s14;
	s21 =	sshra.s32 s14, $0x1F  }
0x660: {  	s17 =	sadd.s32 s5, s28;
	s22 =	spop (v2sf);
	s6 =	smul.u32 $0x10624DD3, s21  }
0x661: {  	s2 =	sshrl.u32 s17, $0x1F;
	s23 =	smulhi.u32 $0x10624DD3, s22;
	s24 =	sshra.s32 s22, $0x1F  }
0x662: {  	s18 =	sadd.s32 s1, s30;
	s25 =	spop (v2sf);
	s1 =	smul.u32 $0x10624DD3, s24  }
0x663: {  	s9 =	sshrl.u32 s18, $0x1F;
	s3 =	smulhi.u32 $0x10624DD3, s25;
	s26 =	sshra.s32 s25, $0x1F  }
0x664: {  	s20 =	sadd.s32 s13, s11;
	s28 =	spop (v2sf);
	s11 =	smul.u32 $0x10624DD3, s26  }
0x665: {  	s13 =	smulhi.u32 $0x10624DD3, s28;
	s12 =	sshra.s32 s28, $0x1F;
	s29 =	spop (v2sf)  }
0x666: {  	s14 =	sshrl.u32 s20, $0x1F;
	s5 =	smul.u32 $0x10624DD3, s12;
	s30 =	spop (v2sf)  }
0x667: {  	s12 =	smulhi.u32 $0x10624DD3, s29;
	s21 =	sshra.s32 s29, $0x1F;
	s22 =	spop (v2sf)  }
0x668: {  	s15 =	sadd.s32 s6, s15;
	s25 =	smul.u32 $0x10624DD3, s21;
	s26 =	spop (v2sf)  }
0x669: {  	s28 =	smulhi.u32 $0x10624DD3, s30;
	s6 =	sshra.s32 s30, $0x1F;
	s29 =	spop (v2sf)  }
0x66a: {  	v11 =	vmov s7;
	s23 =	sadd.s32 s1, s23;
	s0 =	smul.u32 $0x10624DD3, s6;
	s1 =	spop (v2sf)  }
0x66b: {  	v11 =	vsel vm0, s8, v11;
	s21 =	sadd.s32 s11, s3;
	s3 =	smulhi.u32 $0x10624DD3, s22;
	s11 =	spop (v2sf)  }
0x66c: {  	v11 =	vsel vm1, s2, v11;
	s24 =	sshrl.u32 s15, $0x1F;
	s30 =	smulhi.u32 $0x10624DD3, s11;
	s6 =	sshra.s32 s11, $0x1F  }
0x66d: {  	v11 =	vsel vm2, s9, v11;
	s9 =	sshra.s32 s16, $0x7;
	s22 =	sshra.s32 s22, $0x1F;
	s6 =	smul.u32 $0x10624DD3, s6  }
0x66e: {  	s5 =	sadd.s32 s5, s13;
	s12 =	sadd.s32 s25, s12;
	s13 =	smul.u32 $0x10624DD3, s22  }
0x66f: {  	s25 =	sshrl.u32 s23, $0x1F;
	s0 =	sadd.s32 s0, s28;
	s22 =	sadd.s32 s6, s30  }
0x670: {  	s28 =	sshrl.u32 s21, $0x1F;
	s3 =	sadd.s32 s13, s3;
	s30 =	sshra.s32 s22, $0x1F  }
0x671: {  	s13 =	sshra.s32 s26, $0x1F;
	s11 =	smulhi.u32 $0x10624DD3, s26;
	v10 =	vmov s30;
	s30 =	sshra.s32 s5, $0x7  }
0x672: {  	s7 =	smul.u32 $0x10624DD3, s13;
	s6 =	sshrl.u32 s5, $0x1F;
	s5 =	sshra.s32 s5, $0x1F;
	v10 =	vsel vm3, s30, v10  }
0x673: {  	v40 =	vmov s6;
	s6 =	smulhi.u32 $0x10624DD3, s29;
	s29 =	sshra.s32 s29, $0x1F;
	s30 =	sshra.s32 s12, $0x7;
	v10 =	vsel vm9, s5, v10  }
0x674: {  	v41 =	vmov s24;
	s26 =	sshrl.u32 s12, $0x1F;
	s8 =	smul.u32 $0x10624DD3, s29;
	s29 =	sshra.s32 s12, $0x1F;
	v10 =	vsel vm0, s30, v10  }
0x675: {  	v13 =	vsel vm0, s14, v41;
	s13 =	sshrl.u32 s0, $0x1F;
	s2 =	sshrl.u32 s3, $0x1F;
	s12 =	sshra.s32 s0, $0x7;
	v10 =	vsel vm10, s29, v10  }
0x676: {  	v13 =	vsel vm1, s25, v13;
	v12 =	vnsel vm3, $0x0, v40;
	s0 =	sshra.s32 s0, $0x1F;
	s30 =	smulhi.u32 $0x10624DD3, s1;
	s1 =	sshra.s32 s1, $0x1F;
	v10 =	vsel vm1, s12, v10  }
0x677: {  	v13 =	vsel vm2, s28, v13;
	s24 =	sshra.s32 s3, $0x7;
	s7 =	sadd.s32 s7, s11;
	v12 =	vsel vm0, s26, v12;
	s1 =	smul.u32 $0x10624DD3, s1;
	v10 =	vsel vm11, s0, v10  }
0x678: {  	v11 =	vcombine.low v13, v11;
	s26 =	sshra.s32 s3, $0x1F;
	s3 =	sshra.s32 s19, $0x7;
	v12 =	vsel vm1, s13, v12;
	s5 =	sadd.s32 s8, s6;
	v10 =	vsel vm2, s24, v10  }
0x679: {  	s6 =	sshra.s32 s15, $0x7;
	v42 =	vmov s3;
	v12 =	vsel vm2, s2, v12;
	s1 =	sadd.s32 s1, s30;
	s30 =	sshra.s32 s7, $0x7;
	v10 =	vsel vm12, s26, v10  }
0x67a: {  	s11 =	sshra.s32 s20, $0x7;
	s14 =	sshrl.u32 s7, $0x1F;
	s8 =	sshra.s32 s7, $0x1F;
	v43 =	vmov s6;
	v13 =	vsel vm0, s9, v42;
	v10 =	vsel vm4, s30, v10  }
0x67b: {  	s13 =	sshra.s32 s17, $0x7;
	v12 =	vsel vm4, s14, v12;
	v14 =	vsel vm0, s11, v43;
	s14 =	sshra.s32 s23, $0x7;
	s12 =	sshra.s32 s5, $0x7;
	v10 =	vsel vm13, s8, v10  }
0x67c: {  	s16 =	sshra.s32 s18, $0x7;
	s17 =	sshra.s32 s21, $0x7;
	s15 =	sshra.s32 s5, $0x1F;
	v13 =	vsel vm1, s13, v13;
	v14 =	vsel vm1, s14, v14;
	v10 =	vsel vm5, s12, v10  }
0x67d: {  	s25 =	sshrl.u32 s5, $0x1F;
	v13 =	vsel vm2, s16, v13;
	v14 =	vsel vm2, s17, v14;
	s18 =	sshra.s32 s1, $0x7;
	v10 =	vsel vm14, s15, v10  }
0x67e: {  	v12 =	vsel vm5, s25, v12;
	s29 =	sshrl.u32 s1, $0x1F;
	s20 =	sshra.s32 s1, $0x1F;
	v13 =	vcombine.low v14, v13;
	v10 =	vsel vm6, s18, v10  }
0x67f: {  	v11 =	vperm.xlane v11, v1;
	s19 =	sshrl.u32 s22, $0x1F;
	s21 =	sshra.s32 s22, $0x7;
	v12 =	vsel vm6, s29, v12;
	v10 =	vsel vm15, s20, v10  }
0x680: {  	v12 =	vsel vm7, s19, v12;
	v13 =	vperm.xlane v13, v1;
	v10 =	vsel vm7, s21, v10  }
0x681: {  	v12 =	vperm.xlane v12, v2;
	v10 =	vperm.xlane v10, v2;
	_ =	sdelay $0x1  }
0x682: {  	v11 =	vsel vm8, v12, v11;
	v10 =	vsel vm8, v10, v13  }
0x683: {  	v10 =	vadd.s32 v11, v10  }
0x684: {  	v11 =	vshll.u32 v10, $0x4  }
0x685: {  	v11 =	vadd.s32 v7, v11  }
0x686: {  	v10 =	vmul.u32 $0xFFFFF830, v10;
	_ =	sdelay $0x1  }
0x687: {  	v9 =	vadd.s32 v9, v10  }
0x688: {  	[tilespmem:$0x230] =	vst v9  }
0x689: {  	[tilespmem:v11+s10+$0x0] =	vst.idx.msk $0xffff, v4  }
0x68a: {  	v9 =	vld [tilespmem:$0x140];
	_ =	sdelay $0x4  }
0x68b: {  	(v2sf) =	vpush v9, $0xD;
	_ =	sdelay $0x1  }
0x68c: {  	(v2sf) =	vpush v9, $0xC;
	_ =	sdelay $0x1  }
0x68d: {  	(v2sf) =	vpush v9, $0xE;
	_ =	sdelay $0x1  }
0x68e: {  	(v2sf) =	vpush v9, $0xF;
	_ =	sdelay $0x1  }
0x68f: {  	(v2sf) =	vpush v9, $0x9;
	_ =	sdelay $0x1  }
0x690: {  	(v2sf) =	vpush v9, $0x8;
	_ =	sdelay $0x1  }
0x691: {  	(v2sf) =	vpush v9, $0xA;
	_ =	sdelay $0x1  }
0x692: {  	(v2sf) =	vpush v9, $0xB  }
0x693: {  	s22 =	spop (v2sf)  }
0x694: {  	(v2sf) =	vpush v9, $0x0;
	s23 =	smulhi.u32 $0x10624DD3, s22;
	s0 =	sshra.s32 s22, $0x1F  }
0x695: {  	(v2sf) =	vpush v9, $0x1;
	s24 =	spop (v2sf);
	s0 =	smul.u32 $0x10624DD3, s0  }
0x696: {  	(v2sf) =	vpush v9, $0x2;
	s25 =	smulhi.u32 $0x10624DD3, s24;
	s2 =	sshra.s32 s24, $0x1F  }
0x697: {  	s26 =	spop (v2sf);
	(v2sf) =	vpush v9, $0x3;
	s2 =	smul.u32 $0x10624DD3, s2  }
0x698: {  	s28 =	smulhi.u32 $0x10624DD3, s26;
	s5 =	sshra.s32 s26, $0x1F;
	(v2sf) =	vpush v9, $0x4  }
0x699: {  	s29 =	spop (v2sf);
	s5 =	smul.u32 $0x10624DD3, s5;
	(v2sf) =	vpush v9, $0x5  }
0x69a: {  	s30 =	smulhi.u32 $0x10624DD3, s29;
	s7 =	sshra.s32 s29, $0x1F;
	(v2sf) =	vpush v9, $0x6  }
0x69b: {  	s16 =	sadd.s32 s0, s23;
	s9 =	spop (v2sf);
	s1 =	smul.u32 $0x10624DD3, s7;
	(v2sf) =	vpush v9, $0x7  }
0x69c: {  	s8 =	sshrl.u32 s16, $0x1F;
	s11 =	smulhi.u32 $0x10624DD3, s9;
	s12 =	sshra.s32 s9, $0x1F  }
0x69d: {  	s19 =	sadd.s32 s2, s25;
	s14 =	spop (v2sf);
	s13 =	smul.u32 $0x10624DD3, s12  }
0x69e: {  	s7 =	sshrl.u32 s19, $0x1F;
	s15 =	smulhi.u32 $0x10624DD3, s14;
	s21 =	sshra.s32 s14, $0x1F  }
0x69f: {  	s17 =	sadd.s32 s5, s28;
	s22 =	spop (v2sf);
	s6 =	smul.u32 $0x10624DD3, s21  }
0x6a0: {  	s2 =	sshrl.u32 s17, $0x1F;
	s23 =	smulhi.u32 $0x10624DD3, s22;
	s24 =	sshra.s32 s22, $0x1F  }
0x6a1: {  	s18 =	sadd.s32 s1, s30;
	s25 =	spop (v2sf);
	s1 =	smul.u32 $0x10624DD3, s24  }
0x6a2: {  	s9 =	sshrl.u32 s18, $0x1F;
	s3 =	smulhi.u32 $0x10624DD3, s25;
	s26 =	sshra.s32 s25, $0x1F  }
0x6a3: {  	s20 =	sadd.s32 s13, s11;
	s28 =	spop (v2sf);
	s11 =	smul.u32 $0x10624DD3, s26  }
0x6a4: {  	s13 =	smulhi.u32 $0x10624DD3, s28;
	s12 =	sshra.s32 s28, $0x1F;
	s29 =	spop (v2sf)  }
0x6a5: {  	s14 =	sshrl.u32 s20, $0x1F;
	s5 =	smul.u32 $0x10624DD3, s12;
	s30 =	spop (v2sf)  }
0x6a6: {  	s12 =	smulhi.u32 $0x10624DD3, s29;
	s21 =	sshra.s32 s29, $0x1F;
	s22 =	spop (v2sf)  }
0x6a7: {  	s15 =	sadd.s32 s6, s15;
	s25 =	smul.u32 $0x10624DD3, s21;
	s26 =	spop (v2sf)  }
0x6a8: {  	s28 =	smulhi.u32 $0x10624DD3, s30;
	s6 =	sshra.s32 s30, $0x1F;
	s29 =	spop (v2sf)  }
0x6a9: {  	s23 =	sadd.s32 s1, s23;
	s0 =	smul.u32 $0x10624DD3, s6;
	s1 =	spop (v2sf)  }
0x6aa: {  	s21 =	sadd.s32 s11, s3;
	s3 =	smulhi.u32 $0x10624DD3, s22;
	s11 =	spop (v2sf)  }
0x6ab: {  	s24 =	sshrl.u32 s15, $0x1F;
	s30 =	smulhi.u32 $0x10624DD3, s11;
	s6 =	sshra.s32 s11, $0x1F  }
0x6ac: {  	v45 =	vmov s24;
	s5 =	sadd.s32 s5, s13;
	s22 =	sshra.s32 s22, $0x1F;
	s6 =	smul.u32 $0x10624DD3, s6  }
0x6ad: {  	v13 =	vsel vm0, s14, v45;
	s12 =	sadd.s32 s25, s12;
	s25 =	sshrl.u32 s23, $0x1F;
	s13 =	smul.u32 $0x10624DD3, s22  }
0x6ae: {  	v13 =	vsel vm1, s25, v13;
	s25 =	sshra.s32 s19, $0x7;
	s0 =	sadd.s32 s0, s28;
	s22 =	sadd.s32 s6, s30  }
0x6af: {  	s28 =	sshrl.u32 s21, $0x1F;
	s3 =	sadd.s32 s13, s3;
	s30 =	sshra.s32 s22, $0x1F  }
0x6b0: {  	s13 =	sshra.s32 s26, $0x1F;
	s11 =	smulhi.u32 $0x10624DD3, s26;
	v10 =	vmov s30;
	s30 =	sshra.s32 s5, $0x7  }
0x6b1: {  	v11 =	vmov s7;
	s7 =	smul.u32 $0x10624DD3, s13;
	s6 =	sshrl.u32 s5, $0x1F;
	s5 =	sshra.s32 s5, $0x1F;
	v10 =	vsel vm3, s30, v10  }
0x6b2: {  	v11 =	vsel vm0, s8, v11;
	s8 =	sshra.s32 s29, $0x1F;
	v44 =	vmov s6;
	s6 =	smulhi.u32 $0x10624DD3, s29;
	s29 =	sshra.s32 s12, $0x7;
	v10 =	vsel vm9, s5, v10  }
0x6b3: {  	s8 =	smul.u32 $0x10624DD3, s8;
	s26 =	sshrl.u32 s12, $0x1F;
	s12 =	sshra.s32 s12, $0x1F;
	v10 =	vsel vm0, s29, v10  }
0x6b4: {  	s13 =	sshrl.u32 s0, $0x1F;
	s7 =	sadd.s32 s7, s11;
	v12 =	vnsel vm3, $0x0, v44;
	s29 =	sshra.s32 s0, $0x7;
	v10 =	vsel vm10, s12, v10  }
0x6b5: {  	v11 =	vsel vm1, s2, v11;
	v12 =	vsel vm0, s26, v12;
	s26 =	smulhi.u32 $0x10624DD3, s1;
	s1 =	sshra.s32 s1, $0x1F;
	s0 =	sshra.s32 s0, $0x1F;
	v10 =	vsel vm1, s29, v10  }
0x6b6: {  	v11 =	vsel vm2, s9, v11;
	s11 =	sshra.s32 s3, $0x7;
	s30 =	sshrl.u32 s3, $0x1F;
	v12 =	vsel vm1, s13, v12;
	s1 =	smul.u32 $0x10624DD3, s1;
	v10 =	vsel vm11, s0, v10  }
0x6b7: {  	v46 =	vmov s25;
	s5 =	sadd.s32 s8, s6;
	s13 =	sshra.s32 s3, $0x1F;
	v12 =	vsel vm2, s30, v12;
	s30 =	sshrl.u32 s7, $0x1F;
	v10 =	vsel vm2, s11, v10  }
0x6b8: {  	v13 =	vsel vm2, s28, v13;
	s24 =	sshra.s32 s7, $0x7;
	v12 =	vsel vm4, s30, v12;
	s12 =	sshrl.u32 s5, $0x1F;
	s1 =	sadd.s32 s1, s26;
	v10 =	vsel vm12, s13, v10  }
0x6b9: {  	v11 =	vcombine.low v13, v11;
	s28 =	sshra.s32 s7, $0x1F;
	s26 =	sshra.s32 s15, $0x7;
	v12 =	vsel vm5, s12, v12;
	s14 =	sshrl.u32 s1, $0x1F;
	v10 =	vsel vm4, s24, v10  }
0x6ba: {  	s7 =	sshra.s32 s5, $0x7;
	s30 =	sshra.s32 s20, $0x7;
	s29 =	sshra.s32 s16, $0x7;
	v47 =	vmov s26;
	v12 =	vsel vm6, s14, v12;
	v10 =	vsel vm13, s28, v10  }
0x6bb: {  	s9 =	sshra.s32 s23, $0x7;
	s8 =	sshra.s32 s17, $0x7;
	v13 =	vsel vm0, s29, v46;
	v14 =	vsel vm0, s30, v47;
	s11 =	sshra.s32 s5, $0x1F;
	v10 =	vsel vm5, s7, v10  }
0x6bc: {  	s12 =	sshra.s32 s18, $0x7;
	s14 =	sshra.s32 s1, $0x7;
	v13 =	vsel vm1, s8, v13;
	v14 =	vsel vm1, s9, v14;
	s13 =	sshra.s32 s21, $0x7;
	v10 =	vsel vm14, s11, v10  }
0x6bd: {  	s15 =	sshrl.u32 s22, $0x1F;
	s16 =	sshra.s32 s1, $0x1F;
	v13 =	vsel vm2, s12, v13;
	v14 =	vsel vm2, s13, v14;
	v10 =	vsel vm6, s14, v10  }
0x6be: {  	s17 =	sshra.s32 s22, $0x7;
	v12 =	vsel vm7, s15, v12;
	v13 =	vcombine.low v14, v13;
	v10 =	vsel vm15, s16, v10  }
0x6bf: {  	v11 =	vperm.xlane v11, v1;
	v12 =	vperm.xlane v12, v2;
	v10 =	vsel vm7, s17, v10  }
0x6c0: {  	v13 =	vperm.xlane v13, v1;
	v10 =	vperm.xlane v10, v2;
	_ =	sdelay $0x1  }
0x6c1: {  	v11 =	vsel vm8, v12, v11;
	v10 =	vsel vm8, v10, v13  }
0x6c2: {  	v10 =	vadd.s32 v11, v10  }
0x6c3: {  	v11 =	vshll.u32 v10, $0x4  }
0x6c4: {  	v11 =	vadd.s32 v8, v11  }
0x6c5: {  	v10 =	vmul.u32 $0xFFFFF830, v10;
	_ =	sdelay $0x1  }
0x6c6: {  	v9 =	vadd.s32 v9, v10  }
0x6c7: {  	s19 =	simm.s32 $0x200;
	[tilespmem:$0x240] =	vst v9  }
0x6c8: {  	s20 =	simm.s32 $0x50;
	s18 =	rddreg [dreg:$0x4];
	s21 =	simm.s32 $0x5;
	[tilespmem:v11+s10+$0x0] =	vst.idx.msk $0xffff, v4  }
0x6c9: {  	[spmem:s18] =	stream.indirect.scatter.add.f32 [tilespmem:s10], [sflag:$0x5], $0x80, s19, s20, $0xb8;
	[tilespmem:$0x1FA80] =	vst v63  }
0x6ca: {  	_ =	swait.ge [sflag:s21], $0x2800  }
0x6cb: {  	[sflag:s21] =	ssyncset.done $0x0  }
0x6cc: {  	[sflag:s21] =	ssyncadd.s32 $0xFFFFD800  }
0x6cd: {  	v9 =	vld [tilespmem:$0x100];
	_ =	sdelay $0x4  }
0x6ce: {  	(v2sf) =	vpush v9, $0xD;
	_ =	sdelay $0x1  }
0x6cf: {  	(v2sf) =	vpush v9, $0xC;
	_ =	sdelay $0x1  }
0x6d0: {  	(v2sf) =	vpush v9, $0xE;
	_ =	sdelay $0x1  }
0x6d1: {  	(v2sf) =	vpush v9, $0xF;
	_ =	sdelay $0x1  }
0x6d2: {  	(v2sf) =	vpush v9, $0x9;
	_ =	sdelay $0x1  }
0x6d3: {  	(v2sf) =	vpush v9, $0x8;
	_ =	sdelay $0x1  }
0x6d4: {  	(v2sf) =	vpush v9, $0xA;
	_ =	sdelay $0x1  }
0x6d5: {  	(v2sf) =	vpush v9, $0xB  }
0x6d6: {  	s22 =	spop (v2sf)  }
0x6d7: {  	(v2sf) =	vpush v9, $0x0;
	s23 =	smulhi.u32 $0x10624DD3, s22;
	s0 =	sshra.s32 s22, $0x1F  }
0x6d8: {  	(v2sf) =	vpush v9, $0x1;
	s24 =	spop (v2sf);
	s0 =	smul.u32 $0x10624DD3, s0  }
0x6d9: {  	(v2sf) =	vpush v9, $0x2;
	s25 =	smulhi.u32 $0x10624DD3, s24;
	s2 =	sshra.s32 s24, $0x1F  }
0x6da: {  	s26 =	spop (v2sf);
	(v2sf) =	vpush v9, $0x3;
	s2 =	smul.u32 $0x10624DD3, s2  }
0x6db: {  	s28 =	smulhi.u32 $0x10624DD3, s26;
	s5 =	sshra.s32 s26, $0x1F;
	(v2sf) =	vpush v9, $0x4  }
0x6dc: {  	s29 =	spop (v2sf);
	s5 =	smul.u32 $0x10624DD3, s5;
	(v2sf) =	vpush v9, $0x5  }
0x6dd: {  	s30 =	smulhi.u32 $0x10624DD3, s29;
	s7 =	sshra.s32 s29, $0x1F;
	(v2sf) =	vpush v9, $0x6  }
0x6de: {  	s16 =	sadd.s32 s0, s23;
	s9 =	spop (v2sf);
	s1 =	smul.u32 $0x10624DD3, s7;
	(v2sf) =	vpush v9, $0x7  }
0x6df: {  	s8 =	sshrl.u32 s16, $0x1F;
	s11 =	smulhi.u32 $0x10624DD3, s9;
	s12 =	sshra.s32 s9, $0x1F  }
0x6e0: {  	s19 =	sadd.s32 s2, s25;
	s14 =	spop (v2sf);
	s13 =	smul.u32 $0x10624DD3, s12  }
0x6e1: {  	s7 =	sshrl.u32 s19, $0x1F;
	s15 =	smulhi.u32 $0x10624DD3, s14;
	s21 =	sshra.s32 s14, $0x1F  }
0x6e2: {  	s17 =	sadd.s32 s5, s28;
	s22 =	spop (v2sf);
	s6 =	smul.u32 $0x10624DD3, s21  }
0x6e3: {  	s2 =	sshrl.u32 s17, $0x1F;
	s23 =	smulhi.u32 $0x10624DD3, s22;
	s24 =	sshra.s32 s22, $0x1F  }
0x6e4: {  	s18 =	sadd.s32 s1, s30;
	s25 =	spop (v2sf);
	s1 =	smul.u32 $0x10624DD3, s24  }
0x6e5: {  	s9 =	sshrl.u32 s18, $0x1F;
	s3 =	smulhi.u32 $0x10624DD3, s25;
	s26 =	sshra.s32 s25, $0x1F  }
0x6e6: {  	s20 =	sadd.s32 s13, s11;
	s28 =	spop (v2sf);
	s11 =	smul.u32 $0x10624DD3, s26  }
0x6e7: {  	s13 =	smulhi.u32 $0x10624DD3, s28;
	s12 =	sshra.s32 s28, $0x1F;
	s29 =	spop (v2sf)  }
0x6e8: {  	s14 =	sshrl.u32 s20, $0x1F;
	s5 =	smul.u32 $0x10624DD3, s12;
	s30 =	spop (v2sf)  }
0x6e9: {  	s12 =	smulhi.u32 $0x10624DD3, s29;
	s21 =	sshra.s32 s29, $0x1F;
	s22 =	spop (v2sf)  }
0x6ea: {  	s15 =	sadd.s32 s6, s15;
	s25 =	smul.u32 $0x10624DD3, s21;
	s26 =	spop (v2sf)  }
0x6eb: {  	s28 =	smulhi.u32 $0x10624DD3, s30;
	s6 =	sshra.s32 s30, $0x1F;
	s29 =	spop (v2sf)  }
0x6ec: {  	v10 =	vmov s7;
	s23 =	sadd.s32 s1, s23;
	s0 =	smul.u32 $0x10624DD3, s6;
	s1 =	spop (v2sf)  }
0x6ed: {  	v10 =	vsel vm0, s8, v10;
	s21 =	sadd.s32 s11, s3;
	s3 =	smulhi.u32 $0x10624DD3, s22;
	s11 =	spop (v2sf)  }
0x6ee: {  	v10 =	vsel vm1, s2, v10;
	s24 =	sshrl.u32 s15, $0x1F;
	s30 =	smulhi.u32 $0x10624DD3, s11;
	s6 =	sshra.s32 s11, $0x1F  }
0x6ef: {  	v10 =	vsel vm2, s9, v10;
	s9 =	sshra.s32 s16, $0x7;
	s22 =	sshra.s32 s22, $0x1F;
	s6 =	smul.u32 $0x10624DD3, s6  }
0x6f0: {  	s5 =	sadd.s32 s5, s13;
	s12 =	sadd.s32 s25, s12;
	s13 =	smul.u32 $0x10624DD3, s22  }
0x6f1: {  	s25 =	sshrl.u32 s23, $0x1F;
	s0 =	sadd.s32 s0, s28;
	s22 =	sadd.s32 s6, s30  }
0x6f2: {  	s28 =	sshrl.u32 s21, $0x1F;
	s3 =	sadd.s32 s13, s3;
	s30 =	sshra.s32 s22, $0x1F  }
0x6f3: {  	s13 =	sshra.s32 s26, $0x1F;
	s11 =	smulhi.u32 $0x10624DD3, s26;
	v9 =	vmov s30;
	s30 =	sshra.s32 s5, $0x7  }
0x6f4: {  	s7 =	smul.u32 $0x10624DD3, s13;
	s6 =	sshrl.u32 s5, $0x1F;
	s5 =	sshra.s32 s5, $0x1F;
	v9 =	vsel vm3, s30, v9  }
0x6f5: {  	v11 =	vmov s6;
	s6 =	smulhi.u32 $0x10624DD3, s29;
	s29 =	sshra.s32 s29, $0x1F;
	s30 =	sshra.s32 s12, $0x7;
	v9 =	vsel vm9, s5, v9  }
0x6f6: {  	v48 =	vmov s24;
	s26 =	sshrl.u32 s12, $0x1F;
	s8 =	smul.u32 $0x10624DD3, s29;
	s29 =	sshra.s32 s12, $0x1F;
	v9 =	vsel vm0, s30, v9  }
0x6f7: {  	v12 =	vsel vm0, s14, v48;
	s13 =	sshrl.u32 s0, $0x1F;
	s2 =	sshrl.u32 s3, $0x1F;
	s12 =	sshra.s32 s0, $0x7;
	v9 =	vsel vm10, s29, v9  }
0x6f8: {  	v12 =	vsel vm1, s25, v12;
	v11 =	vnsel vm3, $0x0, v11;
	s0 =	sshra.s32 s0, $0x1F;
	s30 =	smulhi.u32 $0x10624DD3, s1;
	s1 =	sshra.s32 s1, $0x1F;
	v9 =	vsel vm1, s12, v9  }
0x6f9: {  	v12 =	vsel vm2, s28, v12;
	s24 =	sshra.s32 s3, $0x7;
	s7 =	sadd.s32 s7, s11;
	v11 =	vsel vm0, s26, v11;
	s1 =	smul.u32 $0x10624DD3, s1;
	v9 =	vsel vm11, s0, v9  }
0x6fa: {  	v10 =	vcombine.low v12, v10;
	s26 =	sshra.s32 s3, $0x1F;
	s3 =	sshra.s32 s19, $0x7;
	v11 =	vsel vm1, s13, v11;
	s5 =	sadd.s32 s8, s6;
	v9 =	vsel vm2, s24, v9  }
0x6fb: {  	s6 =	sshra.s32 s15, $0x7;
	v49 =	vmov s3;
	v11 =	vsel vm2, s2, v11;
	s1 =	sadd.s32 s1, s30;
	s30 =	sshra.s32 s7, $0x7;
	v9 =	vsel vm12, s26, v9  }
0x6fc: {  	s11 =	sshra.s32 s20, $0x7;
	s14 =	sshrl.u32 s7, $0x1F;
	s8 =	sshra.s32 s7, $0x1F;
	v50 =	vmov s6;
	v12 =	vsel vm0, s9, v49;
	v9 =	vsel vm4, s30, v9  }
0x6fd: {  	s13 =	sshra.s32 s17, $0x7;
	v11 =	vsel vm4, s14, v11;
	v13 =	vsel vm0, s11, v50;
	s14 =	sshra.s32 s23, $0x7;
	s12 =	sshra.s32 s5, $0x7;
	v9 =	vsel vm13, s8, v9  }
0x6fe: {  	s16 =	sshra.s32 s18, $0x7;
	s17 =	sshra.s32 s21, $0x7;
	s15 =	sshra.s32 s5, $0x1F;
	v12 =	vsel vm1, s13, v12;
	v13 =	vsel vm1, s14, v13;
	v9 =	vsel vm5, s12, v9  }
0x6ff: {  	s25 =	sshrl.u32 s5, $0x1F;
	v12 =	vsel vm2, s16, v12;
	v13 =	vsel vm2, s17, v13;
	s18 =	sshra.s32 s1, $0x7;
	v9 =	vsel vm14, s15, v9  }
0x700: {  	v11 =	vsel vm5, s25, v11;
	s29 =	sshrl.u32 s1, $0x1F;
	s20 =	sshra.s32 s1, $0x1F;
	v12 =	vcombine.low v13, v12;
	v9 =	vsel vm6, s18, v9  }
0x701: {  	v10 =	vperm.xlane v10, v1;
	s19 =	sshrl.u32 s22, $0x1F;
	s21 =	sshra.s32 s22, $0x7;
	v11 =	vsel vm6, s29, v11;
	v9 =	vsel vm15, s20, v9  }
0x702: {  	v11 =	vsel vm7, s19, v11;
	v12 =	vperm.xlane v12, v1;
	v9 =	vsel vm7, s21, v9  }
0x703: {  	v11 =	vperm.xlane v11, v2;
	v9 =	vperm.xlane v9, v2;
	_ =	sdelay $0x1  }
0x704: {  	v10 =	vsel vm8, v11, v10;
	v9 =	vsel vm8, v9, v12  }
0x705: {  	v9 =	vadd.s32 v10, v9  }
0x706: {  	v9 =	vshll.u32 v9, $0x4  }
0x707: {  	v9 =	vadd.s32 v3, v9;
	_ =	sdelay $0x4  }
0x708: {  	[tilespmem:v9+s10+$0x0] =	vst.idx.msk $0xffff, v0  }
0x709: {  	v9 =	vld [tilespmem:$0x110];
	_ =	sdelay $0x4  }
0x70a: {  	(v2sf) =	vpush v9, $0xD;
	_ =	sdelay $0x1  }
0x70b: {  	(v2sf) =	vpush v9, $0xC;
	_ =	sdelay $0x1  }
0x70c: {  	(v2sf) =	vpush v9, $0xE;
	_ =	sdelay $0x1  }
0x70d: {  	(v2sf) =	vpush v9, $0xF;
	_ =	sdelay $0x1  }
0x70e: {  	(v2sf) =	vpush v9, $0x9;
	_ =	sdelay $0x1  }
0x70f: {  	(v2sf) =	vpush v9, $0x8;
	_ =	sdelay $0x1  }
0x710: {  	(v2sf) =	vpush v9, $0xA;
	_ =	sdelay $0x1  }
0x711: {  	(v2sf) =	vpush v9, $0xB  }
0x712: {  	s22 =	spop (v2sf)  }
0x713: {  	(v2sf) =	vpush v9, $0x0;
	s23 =	smulhi.u32 $0x10624DD3, s22;
	s0 =	sshra.s32 s22, $0x1F  }
0x714: {  	(v2sf) =	vpush v9, $0x1;
	s24 =	spop (v2sf);
	s0 =	smul.u32 $0x10624DD3, s0  }
0x715: {  	(v2sf) =	vpush v9, $0x2;
	s25 =	smulhi.u32 $0x10624DD3, s24;
	s2 =	sshra.s32 s24, $0x1F  }
0x716: {  	s26 =	spop (v2sf);
	(v2sf) =	vpush v9, $0x3;
	s2 =	smul.u32 $0x10624DD3, s2  }
0x717: {  	s28 =	smulhi.u32 $0x10624DD3, s26;
	s5 =	sshra.s32 s26, $0x1F;
	(v2sf) =	vpush v9, $0x4  }
0x718: {  	s29 =	spop (v2sf);
	s5 =	smul.u32 $0x10624DD3, s5;
	(v2sf) =	vpush v9, $0x5  }
0x719: {  	s30 =	smulhi.u32 $0x10624DD3, s29;
	s7 =	sshra.s32 s29, $0x1F;
	(v2sf) =	vpush v9, $0x6  }
0x71a: {  	s16 =	sadd.s32 s0, s23;
	s9 =	spop (v2sf);
	s1 =	smul.u32 $0x10624DD3, s7;
	(v2sf) =	vpush v9, $0x7  }
0x71b: {  	s8 =	sshrl.u32 s16, $0x1F;
	s11 =	smulhi.u32 $0x10624DD3, s9;
	s12 =	sshra.s32 s9, $0x1F  }
0x71c: {  	s19 =	sadd.s32 s2, s25;
	s14 =	spop (v2sf);
	s13 =	smul.u32 $0x10624DD3, s12  }
0x71d: {  	s7 =	sshrl.u32 s19, $0x1F;
	s15 =	smulhi.u32 $0x10624DD3, s14;
	s21 =	sshra.s32 s14, $0x1F  }
0x71e: {  	s17 =	sadd.s32 s5, s28;
	s22 =	spop (v2sf);
	s6 =	smul.u32 $0x10624DD3, s21  }
0x71f: {  	s2 =	sshrl.u32 s17, $0x1F;
	s23 =	smulhi.u32 $0x10624DD3, s22;
	s24 =	sshra.s32 s22, $0x1F  }
0x720: {  	s18 =	sadd.s32 s1, s30;
	s25 =	spop (v2sf);
	s1 =	smul.u32 $0x10624DD3, s24  }
0x721: {  	s9 =	sshrl.u32 s18, $0x1F;
	s3 =	smulhi.u32 $0x10624DD3, s25;
	s26 =	sshra.s32 s25, $0x1F  }
0x722: {  	s20 =	sadd.s32 s13, s11;
	s28 =	spop (v2sf);
	s11 =	smul.u32 $0x10624DD3, s26  }
0x723: {  	s13 =	smulhi.u32 $0x10624DD3, s28;
	s12 =	sshra.s32 s28, $0x1F;
	s29 =	spop (v2sf)  }
0x724: {  	s14 =	sshrl.u32 s20, $0x1F;
	s5 =	smul.u32 $0x10624DD3, s12;
	s30 =	spop (v2sf)  }
0x725: {  	s12 =	smulhi.u32 $0x10624DD3, s29;
	s21 =	sshra.s32 s29, $0x1F;
	s22 =	spop (v2sf)  }
0x726: {  	s15 =	sadd.s32 s6, s15;
	s25 =	smul.u32 $0x10624DD3, s21;
	s26 =	spop (v2sf)  }
0x727: {  	s28 =	smulhi.u32 $0x10624DD3, s30;
	s6 =	sshra.s32 s30, $0x1F;
	s29 =	spop (v2sf)  }
0x728: {  	v10 =	vmov s7;
	s23 =	sadd.s32 s1, s23;
	s0 =	smul.u32 $0x10624DD3, s6;
	s1 =	spop (v2sf)  }
0x729: {  	v10 =	vsel vm0, s8, v10;
	s21 =	sadd.s32 s11, s3;
	s3 =	smulhi.u32 $0x10624DD3, s22;
	s11 =	spop (v2sf)  }
0x72a: {  	v10 =	vsel vm1, s2, v10;
	s24 =	sshrl.u32 s15, $0x1F;
	s30 =	smulhi.u32 $0x10624DD3, s11;
	s6 =	sshra.s32 s11, $0x1F  }
0x72b: {  	v10 =	vsel vm2, s9, v10;
	s9 =	sshra.s32 s16, $0x7;
	s22 =	sshra.s32 s22, $0x1F;
	s6 =	smul.u32 $0x10624DD3, s6  }
0x72c: {  	s5 =	sadd.s32 s5, s13;
	s12 =	sadd.s32 s25, s12;
	s13 =	smul.u32 $0x10624DD3, s22  }
0x72d: {  	s25 =	sshrl.u32 s23, $0x1F;
	s0 =	sadd.s32 s0, s28;
	s22 =	sadd.s32 s6, s30  }
0x72e: {  	s28 =	sshrl.u32 s21, $0x1F;
	s3 =	sadd.s32 s13, s3;
	s30 =	sshra.s32 s22, $0x1F  }
0x72f: {  	s13 =	sshra.s32 s26, $0x1F;
	s11 =	smulhi.u32 $0x10624DD3, s26;
	v9 =	vmov s30;
	s30 =	sshra.s32 s5, $0x7  }
0x730: {  	s7 =	smul.u32 $0x10624DD3, s13;
	s6 =	sshrl.u32 s5, $0x1F;
	s5 =	sshra.s32 s5, $0x1F;
	v9 =	vsel vm3, s30, v9  }
0x731: {  	v11 =	vmov s6;
	s6 =	smulhi.u32 $0x10624DD3, s29;
	s29 =	sshra.s32 s29, $0x1F;
	s30 =	sshra.s32 s12, $0x7;
	v9 =	vsel vm9, s5, v9  }
0x732: {  	v51 =	vmov s24;
	s26 =	sshrl.u32 s12, $0x1F;
	s8 =	smul.u32 $0x10624DD3, s29;
	s29 =	sshra.s32 s12, $0x1F;
	v9 =	vsel vm0, s30, v9  }
0x733: {  	v12 =	vsel vm0, s14, v51;
	s13 =	sshrl.u32 s0, $0x1F;
	s2 =	sshrl.u32 s3, $0x1F;
	s12 =	sshra.s32 s0, $0x7;
	v9 =	vsel vm10, s29, v9  }
0x734: {  	v12 =	vsel vm1, s25, v12;
	v11 =	vnsel vm3, $0x0, v11;
	s0 =	sshra.s32 s0, $0x1F;
	s30 =	smulhi.u32 $0x10624DD3, s1;
	s1 =	sshra.s32 s1, $0x1F;
	v9 =	vsel vm1, s12, v9  }
0x735: {  	v12 =	vsel vm2, s28, v12;
	s24 =	sshra.s32 s3, $0x7;
	s7 =	sadd.s32 s7, s11;
	v11 =	vsel vm0, s26, v11;
	s1 =	smul.u32 $0x10624DD3, s1;
	v9 =	vsel vm11, s0, v9  }
0x736: {  	v10 =	vcombine.low v12, v10;
	s26 =	sshra.s32 s3, $0x1F;
	s3 =	sshra.s32 s19, $0x7;
	v11 =	vsel vm1, s13, v11;
	s5 =	sadd.s32 s8, s6;
	v9 =	vsel vm2, s24, v9  }
0x737: {  	s6 =	sshra.s32 s15, $0x7;
	v52 =	vmov s3;
	v11 =	vsel vm2, s2, v11;
	s1 =	sadd.s32 s1, s30;
	s30 =	sshra.s32 s7, $0x7;
	v9 =	vsel vm12, s26, v9  }
0x738: {  	s11 =	sshra.s32 s20, $0x7;
	s14 =	sshrl.u32 s7, $0x1F;
	s8 =	sshra.s32 s7, $0x1F;
	v53 =	vmov s6;
	v12 =	vsel vm0, s9, v52;
	v9 =	vsel vm4, s30, v9  }
0x739: {  	s13 =	sshra.s32 s17, $0x7;
	v11 =	vsel vm4, s14, v11;
	v13 =	vsel vm0, s11, v53;
	s14 =	sshra.s32 s23, $0x7;
	s12 =	sshra.s32 s5, $0x7;
	v9 =	vsel vm13, s8, v9  }
0x73a: {  	s16 =	sshra.s32 s18, $0x7;
	s17 =	sshra.s32 s21, $0x7;
	s15 =	sshra.s32 s5, $0x1F;
	v12 =	vsel vm1, s13, v12;
	v13 =	vsel vm1, s14, v13;
	v9 =	vsel vm5, s12, v9  }
0x73b: {  	s25 =	sshrl.u32 s5, $0x1F;
	v12 =	vsel vm2, s16, v12;
	v13 =	vsel vm2, s17, v13;
	s18 =	sshra.s32 s1, $0x7;
	v9 =	vsel vm14, s15, v9  }
0x73c: {  	v11 =	vsel vm5, s25, v11;
	s29 =	sshrl.u32 s1, $0x1F;
	s20 =	sshra.s32 s1, $0x1F;
	v12 =	vcombine.low v13, v12;
	v9 =	vsel vm6, s18, v9  }
0x73d: {  	v10 =	vperm.xlane v10, v1;
	s19 =	sshrl.u32 s22, $0x1F;
	s21 =	sshra.s32 s22, $0x7;
	v11 =	vsel vm6, s29, v11;
	v9 =	vsel vm15, s20, v9  }
0x73e: {  	v11 =	vsel vm7, s19, v11;
	v12 =	vperm.xlane v12, v1;
	v9 =	vsel vm7, s21, v9  }
0x73f: {  	v11 =	vperm.xlane v11, v2;
	v9 =	vperm.xlane v9, v2;
	_ =	sdelay $0x1  }
0x740: {  	v10 =	vsel vm8, v11, v10;
	v9 =	vsel vm8, v9, v12  }
0x741: {  	v9 =	vadd.s32 v10, v9  }
0x742: {  	v9 =	vshll.u32 v9, $0x4  }
0x743: {  	v9 =	vadd.s32 v5, v9;
	_ =	sdelay $0x4  }
0x744: {  	[tilespmem:v9+s10+$0x0] =	vst.idx.msk $0xffff, v0  }
0x745: {  	v9 =	vld [tilespmem:$0x120];
	_ =	sdelay $0x4  }
0x746: {  	(v2sf) =	vpush v9, $0xD;
	_ =	sdelay $0x1  }
0x747: {  	(v2sf) =	vpush v9, $0xC;
	_ =	sdelay $0x1  }
0x748: {  	(v2sf) =	vpush v9, $0xE;
	_ =	sdelay $0x1  }
0x749: {  	(v2sf) =	vpush v9, $0xF;
	_ =	sdelay $0x1  }
0x74a: {  	(v2sf) =	vpush v9, $0x9;
	_ =	sdelay $0x1  }
0x74b: {  	(v2sf) =	vpush v9, $0x8;
	_ =	sdelay $0x1  }
0x74c: {  	(v2sf) =	vpush v9, $0xA;
	_ =	sdelay $0x1  }
0x74d: {  	(v2sf) =	vpush v9, $0xB  }
0x74e: {  	s22 =	spop (v2sf)  }
0x74f: {  	(v2sf) =	vpush v9, $0x0;
	s23 =	smulhi.u32 $0x10624DD3, s22;
	s0 =	sshra.s32 s22, $0x1F  }
0x750: {  	(v2sf) =	vpush v9, $0x1;
	s24 =	spop (v2sf);
	s0 =	smul.u32 $0x10624DD3, s0  }
0x751: {  	(v2sf) =	vpush v9, $0x2;
	s25 =	smulhi.u32 $0x10624DD3, s24;
	s2 =	sshra.s32 s24, $0x1F  }
0x752: {  	s26 =	spop (v2sf);
	(v2sf) =	vpush v9, $0x3;
	s2 =	smul.u32 $0x10624DD3, s2  }
0x753: {  	s28 =	smulhi.u32 $0x10624DD3, s26;
	s5 =	sshra.s32 s26, $0x1F;
	(v2sf) =	vpush v9, $0x4  }
0x754: {  	s29 =	spop (v2sf);
	s5 =	smul.u32 $0x10624DD3, s5;
	(v2sf) =	vpush v9, $0x5  }
0x755: {  	s30 =	smulhi.u32 $0x10624DD3, s29;
	s7 =	sshra.s32 s29, $0x1F;
	(v2sf) =	vpush v9, $0x6  }
0x756: {  	s16 =	sadd.s32 s0, s23;
	s9 =	spop (v2sf);
	s1 =	smul.u32 $0x10624DD3, s7;
	(v2sf) =	vpush v9, $0x7  }
0x757: {  	s8 =	sshrl.u32 s16, $0x1F;
	s11 =	smulhi.u32 $0x10624DD3, s9;
	s12 =	sshra.s32 s9, $0x1F  }
0x758: {  	s19 =	sadd.s32 s2, s25;
	s14 =	spop (v2sf);
	s13 =	smul.u32 $0x10624DD3, s12  }
0x759: {  	s7 =	sshrl.u32 s19, $0x1F;
	s15 =	smulhi.u32 $0x10624DD3, s14;
	s21 =	sshra.s32 s14, $0x1F  }
0x75a: {  	s17 =	sadd.s32 s5, s28;
	s22 =	spop (v2sf);
	s6 =	smul.u32 $0x10624DD3, s21  }
0x75b: {  	s2 =	sshrl.u32 s17, $0x1F;
	s23 =	smulhi.u32 $0x10624DD3, s22;
	s24 =	sshra.s32 s22, $0x1F  }
0x75c: {  	s18 =	sadd.s32 s1, s30;
	s25 =	spop (v2sf);
	s1 =	smul.u32 $0x10624DD3, s24  }
0x75d: {  	s9 =	sshrl.u32 s18, $0x1F;
	s3 =	smulhi.u32 $0x10624DD3, s25;
	s26 =	sshra.s32 s25, $0x1F  }
0x75e: {  	s20 =	sadd.s32 s13, s11;
	s28 =	spop (v2sf);
	s11 =	smul.u32 $0x10624DD3, s26  }
0x75f: {  	s13 =	smulhi.u32 $0x10624DD3, s28;
	s12 =	sshra.s32 s28, $0x1F;
	s29 =	spop (v2sf)  }
0x760: {  	s14 =	sshrl.u32 s20, $0x1F;
	s5 =	smul.u32 $0x10624DD3, s12;
	s30 =	spop (v2sf)  }
0x761: {  	s12 =	smulhi.u32 $0x10624DD3, s29;
	s21 =	sshra.s32 s29, $0x1F;
	s22 =	spop (v2sf)  }
0x762: {  	s15 =	sadd.s32 s6, s15;
	s25 =	smul.u32 $0x10624DD3, s21;
	s26 =	spop (v2sf)  }
0x763: {  	s28 =	smulhi.u32 $0x10624DD3, s30;
	s6 =	sshra.s32 s30, $0x1F;
	s29 =	spop (v2sf)  }
0x764: {  	v10 =	vmov s7;
	s23 =	sadd.s32 s1, s23;
	s0 =	smul.u32 $0x10624DD3, s6;
	s1 =	spop (v2sf)  }
0x765: {  	v10 =	vsel vm0, s8, v10;
	s21 =	sadd.s32 s11, s3;
	s3 =	smulhi.u32 $0x10624DD3, s22;
	s11 =	spop (v2sf)  }
0x766: {  	v10 =	vsel vm1, s2, v10;
	s24 =	sshrl.u32 s15, $0x1F;
	s30 =	smulhi.u32 $0x10624DD3, s11;
	s6 =	sshra.s32 s11, $0x1F  }
0x767: {  	v10 =	vsel vm2, s9, v10;
	s9 =	sshra.s32 s16, $0x7;
	s22 =	sshra.s32 s22, $0x1F;
	s6 =	smul.u32 $0x10624DD3, s6  }
0x768: {  	s5 =	sadd.s32 s5, s13;
	s12 =	sadd.s32 s25, s12;
	s13 =	smul.u32 $0x10624DD3, s22  }
0x769: {  	s25 =	sshrl.u32 s23, $0x1F;
	s0 =	sadd.s32 s0, s28;
	s22 =	sadd.s32 s6, s30  }
0x76a: {  	s28 =	sshrl.u32 s21, $0x1F;
	s3 =	sadd.s32 s13, s3;
	s30 =	sshra.s32 s22, $0x1F  }
0x76b: {  	s13 =	sshra.s32 s26, $0x1F;
	s11 =	smulhi.u32 $0x10624DD3, s26;
	v9 =	vmov s30;
	s30 =	sshra.s32 s5, $0x7  }
0x76c: {  	s7 =	smul.u32 $0x10624DD3, s13;
	s6 =	sshrl.u32 s5, $0x1F;
	s5 =	sshra.s32 s5, $0x1F;
	v9 =	vsel vm3, s30, v9  }
0x76d: {  	v11 =	vmov s6;
	s6 =	smulhi.u32 $0x10624DD3, s29;
	s29 =	sshra.s32 s29, $0x1F;
	s30 =	sshra.s32 s12, $0x7;
	v9 =	vsel vm9, s5, v9  }
0x76e: {  	v54 =	vmov s24;
	s26 =	sshrl.u32 s12, $0x1F;
	s8 =	smul.u32 $0x10624DD3, s29;
	s29 =	sshra.s32 s12, $0x1F;
	v9 =	vsel vm0, s30, v9  }
0x76f: {  	v12 =	vsel vm0, s14, v54;
	s13 =	sshrl.u32 s0, $0x1F;
	s2 =	sshrl.u32 s3, $0x1F;
	s12 =	sshra.s32 s0, $0x7;
	v9 =	vsel vm10, s29, v9  }
0x770: {  	v12 =	vsel vm1, s25, v12;
	v11 =	vnsel vm3, $0x0, v11;
	s0 =	sshra.s32 s0, $0x1F;
	s30 =	smulhi.u32 $0x10624DD3, s1;
	s1 =	sshra.s32 s1, $0x1F;
	v9 =	vsel vm1, s12, v9  }
0x771: {  	v12 =	vsel vm2, s28, v12;
	s24 =	sshra.s32 s3, $0x7;
	s7 =	sadd.s32 s7, s11;
	v11 =	vsel vm0, s26, v11;
	s1 =	smul.u32 $0x10624DD3, s1;
	v9 =	vsel vm11, s0, v9  }
0x772: {  	v10 =	vcombine.low v12, v10;
	s26 =	sshra.s32 s3, $0x1F;
	s3 =	sshra.s32 s19, $0x7;
	v11 =	vsel vm1, s13, v11;
	s5 =	sadd.s32 s8, s6;
	v9 =	vsel vm2, s24, v9  }
0x773: {  	s6 =	sshra.s32 s15, $0x7;
	v55 =	vmov s3;
	v11 =	vsel vm2, s2, v11;
	s1 =	sadd.s32 s1, s30;
	s30 =	sshra.s32 s7, $0x7;
	v9 =	vsel vm12, s26, v9  }
0x774: {  	s11 =	sshra.s32 s20, $0x7;
	s14 =	sshrl.u32 s7, $0x1F;
	s8 =	sshra.s32 s7, $0x1F;
	v56 =	vmov s6;
	v12 =	vsel vm0, s9, v55;
	v9 =	vsel vm4, s30, v9  }
0x775: {  	s13 =	sshra.s32 s17, $0x7;
	v11 =	vsel vm4, s14, v11;
	v13 =	vsel vm0, s11, v56;
	s14 =	sshra.s32 s23, $0x7;
	s12 =	sshra.s32 s5, $0x7;
	v9 =	vsel vm13, s8, v9  }
0x776: {  	s16 =	sshra.s32 s18, $0x7;
	s17 =	sshra.s32 s21, $0x7;
	s15 =	sshra.s32 s5, $0x1F;
	v12 =	vsel vm1, s13, v12;
	v13 =	vsel vm1, s14, v13;
	v9 =	vsel vm5, s12, v9  }
0x777: {  	s25 =	sshrl.u32 s5, $0x1F;
	v12 =	vsel vm2, s16, v12;
	v13 =	vsel vm2, s17, v13;
	s18 =	sshra.s32 s1, $0x7;
	v9 =	vsel vm14, s15, v9  }
0x778: {  	v11 =	vsel vm5, s25, v11;
	s29 =	sshrl.u32 s1, $0x1F;
	s20 =	sshra.s32 s1, $0x1F;
	v12 =	vcombine.low v13, v12;
	v9 =	vsel vm6, s18, v9  }
0x779: {  	v10 =	vperm.xlane v10, v1;
	s19 =	sshrl.u32 s22, $0x1F;
	s21 =	sshra.s32 s22, $0x7;
	v11 =	vsel vm6, s29, v11;
	v9 =	vsel vm15, s20, v9  }
0x77a: {  	v11 =	vsel vm7, s19, v11;
	v12 =	vperm.xlane v12, v1;
	v9 =	vsel vm7, s21, v9  }
0x77b: {  	v11 =	vperm.xlane v11, v2;
	v9 =	vperm.xlane v9, v2;
	_ =	sdelay $0x1  }
0x77c: {  	v10 =	vsel vm8, v11, v10;
	v9 =	vsel vm8, v9, v12  }
0x77d: {  	v9 =	vadd.s32 v10, v9  }
0x77e: {  	v9 =	vshll.u32 v9, $0x4  }
0x77f: {  	v9 =	vadd.s32 v6, v9;
	_ =	sdelay $0x4  }
0x780: {  	[tilespmem:v9+s10+$0x0] =	vst.idx.msk $0xffff, v0  }
0x781: {  	v9 =	vld [tilespmem:$0x130];
	_ =	sdelay $0x4  }
0x782: {  	(v2sf) =	vpush v9, $0xD;
	_ =	sdelay $0x1  }
0x783: {  	(v2sf) =	vpush v9, $0xC;
	_ =	sdelay $0x1  }
0x784: {  	(v2sf) =	vpush v9, $0xE;
	_ =	sdelay $0x1  }
0x785: {  	(v2sf) =	vpush v9, $0xF;
	_ =	sdelay $0x1  }
0x786: {  	(v2sf) =	vpush v9, $0x9;
	_ =	sdelay $0x1  }
0x787: {  	(v2sf) =	vpush v9, $0x8;
	_ =	sdelay $0x1  }
0x788: {  	(v2sf) =	vpush v9, $0xA;
	_ =	sdelay $0x1  }
0x789: {  	(v2sf) =	vpush v9, $0xB  }
0x78a: {  	s22 =	spop (v2sf)  }
0x78b: {  	(v2sf) =	vpush v9, $0x0;
	s23 =	smulhi.u32 $0x10624DD3, s22;
	s0 =	sshra.s32 s22, $0x1F  }
0x78c: {  	(v2sf) =	vpush v9, $0x1;
	s24 =	spop (v2sf);
	s0 =	smul.u32 $0x10624DD3, s0  }
0x78d: {  	(v2sf) =	vpush v9, $0x2;
	s25 =	smulhi.u32 $0x10624DD3, s24;
	s2 =	sshra.s32 s24, $0x1F  }
0x78e: {  	s26 =	spop (v2sf);
	(v2sf) =	vpush v9, $0x3;
	s2 =	smul.u32 $0x10624DD3, s2  }
0x78f: {  	s28 =	smulhi.u32 $0x10624DD3, s26;
	s5 =	sshra.s32 s26, $0x1F;
	(v2sf) =	vpush v9, $0x4  }
0x790: {  	s29 =	spop (v2sf);
	s5 =	smul.u32 $0x10624DD3, s5;
	(v2sf) =	vpush v9, $0x5  }
0x791: {  	s16 =	sadd.s32 s0, s23;
	s30 =	smulhi.u32 $0x10624DD3, s29;
	s7 =	sshra.s32 s29, $0x1F;
	(v2sf) =	vpush v9, $0x6  }
0x792: {  	s9 =	spop (v2sf);
	s8 =	sshrl.u32 s16, $0x1F;
	s1 =	smul.u32 $0x10624DD3, s7;
	(v2sf) =	vpush v9, $0x7  }
0x793: {  	s19 =	sadd.s32 s2, s25;
	s11 =	smulhi.u32 $0x10624DD3, s9;
	s12 =	sshra.s32 s9, $0x1F  }
0x794: {  	s14 =	spop (v2sf);
	s7 =	sshrl.u32 s19, $0x1F;
	s13 =	smul.u32 $0x10624DD3, s12  }
0x795: {  	s17 =	sadd.s32 s5, s28;
	s15 =	smulhi.u32 $0x10624DD3, s14;
	s21 =	sshra.s32 s14, $0x1F  }
0x796: {  	s22 =	spop (v2sf);
	s2 =	sshrl.u32 s17, $0x1F;
	s6 =	smul.u32 $0x10624DD3, s21  }
0x797: {  	s18 =	sadd.s32 s1, s30;
	s23 =	smulhi.u32 $0x10624DD3, s22;
	s24 =	sshra.s32 s22, $0x1F  }
0x798: {  	s25 =	spop (v2sf);
	s9 =	sshrl.u32 s18, $0x1F;
	s1 =	smul.u32 $0x10624DD3, s24  }
0x799: {  	s20 =	sadd.s32 s13, s11;
	s3 =	smulhi.u32 $0x10624DD3, s25;
	s26 =	sshra.s32 s25, $0x1F  }
0x79a: {  	s28 =	spop (v2sf);
	s14 =	sshrl.u32 s20, $0x1F;
	s11 =	smul.u32 $0x10624DD3, s26  }
0x79b: {  	s13 =	smulhi.u32 $0x10624DD3, s28;
	s12 =	sshra.s32 s28, $0x1F;
	s29 =	spop (v2sf)  }
0x79c: {  	s15 =	sadd.s32 s6, s15;
	s5 =	smul.u32 $0x10624DD3, s12;
	s30 =	spop (v2sf)  }
0x79d: {  	s12 =	smulhi.u32 $0x10624DD3, s29;
	s21 =	sshra.s32 s29, $0x1F;
	s22 =	spop (v2sf)  }
0x79e: {  	s24 =	sshrl.u32 s15, $0x1F;
	s25 =	smul.u32 $0x10624DD3, s21;
	s26 =	spop (v2sf)  }
0x79f: {  	s28 =	smulhi.u32 $0x10624DD3, s30;
	s6 =	sshra.s32 s30, $0x1F;
	s29 =	spop (v2sf)  }
0x7a0: {  	s23 =	sadd.s32 s1, s23;
	s0 =	smul.u32 $0x10624DD3, s6;
	s1 =	spop (v2sf)  }
0x7a1: {  	s21 =	sadd.s32 s11, s3;
	s3 =	smulhi.u32 $0x10624DD3, s22;
	s11 =	spop (v2sf)  }
0x7a2: {  	v57 =	vmov s24;
	s5 =	sadd.s32 s5, s13;
	s30 =	smulhi.u32 $0x10624DD3, s11;
	s6 =	sshra.s32 s11, $0x1F  }
0x7a3: {  	v12 =	vsel vm0, s14, v57;
	s14 =	sshra.s32 s20, $0x7;
	s22 =	sshra.s32 s22, $0x1F;
	s6 =	smul.u32 $0x10624DD3, s6  }
0x7a4: {  	v10 =	vmov s7;
	s12 =	sadd.s32 s25, s12;
	s25 =	sshrl.u32 s23, $0x1F;
	s13 =	smul.u32 $0x10624DD3, s22  }
0x7a5: {  	v10 =	vsel vm0, s8, v10;
	s0 =	sadd.s32 s0, s28;
	s28 =	sshrl.u32 s21, $0x1F;
	s22 =	sadd.s32 s6, s30  }
0x7a6: {  	v10 =	vsel vm1, s2, v10;
	s3 =	sadd.s32 s13, s3;
	s13 =	sshra.s32 s26, $0x1F;
	s30 =	sshra.s32 s22, $0x1F  }
0x7a7: {  	v10 =	vsel vm2, s9, v10;
	s9 =	smulhi.u32 $0x10624DD3, s1;
	s1 =	sshra.s32 s1, $0x1F;
	v9 =	vmov s30;
	s30 =	sshra.s32 s5, $0x7  }
0x7a8: {  	s11 =	smulhi.u32 $0x10624DD3, s26;
	s6 =	sshrl.u32 s5, $0x1F;
	s5 =	sshra.s32 s5, $0x1F;
	v9 =	vsel vm3, s30, v9  }
0x7a9: {  	s26 =	sshrl.u32 s12, $0x1F;
	s7 =	smul.u32 $0x10624DD3, s13;
	v11 =	vmov s6;
	s30 =	sshra.s32 s12, $0x7;
	v9 =	vsel vm9, s5, v9  }
0x7aa: {  	s6 =	smulhi.u32 $0x10624DD3, s29;
	s29 =	sshra.s32 s29, $0x1F;
	v11 =	vnsel vm3, $0x0, v11;
	v9 =	vsel vm0, s30, v9;
	s30 =	sshra.s32 s12, $0x1F  }
0x7ab: {  	s13 =	sshrl.u32 s0, $0x1F;
	s29 =	smul.u32 $0x10624DD3, s29;
	v11 =	vsel vm0, s26, v11;
	s12 =	sshra.s32 s0, $0x7;
	v9 =	vsel vm10, s30, v9  }
0x7ac: {  	s1 =	smul.u32 $0x10624DD3, s1;
	s5 =	sshrl.u32 s3, $0x1F;
	v11 =	vsel vm1, s13, v11;
	s0 =	sshra.s32 s0, $0x1F;
	v9 =	vsel vm1, s12, v9  }
0x7ad: {  	v12 =	vsel vm1, s25, v12;
	s7 =	sadd.s32 s7, s11;
	v11 =	vsel vm2, s5, v11;
	s5 =	sadd.s32 s29, s6;
	s29 =	sshra.s32 s3, $0x7;
	v9 =	vsel vm11, s0, v9  }
0x7ae: {  	v12 =	vsel vm2, s28, v12;
	s1 =	sadd.s32 s1, s9;
	s11 =	sshra.s32 s15, $0x7;
	s3 =	sshra.s32 s3, $0x1F;
	v9 =	vsel vm2, s29, v9  }
0x7af: {  	v10 =	vcombine.low v12, v10;
	s9 =	sshra.s32 s19, $0x7;
	s8 =	sshra.s32 s7, $0x7;
	v59 =	vmov s11;
	s13 =	sshra.s32 s16, $0x7;
	v9 =	vsel vm12, s3, v9  }
0x7b0: {  	v58 =	vmov s9;
	v13 =	vsel vm0, s14, v59;
	s16 =	sshra.s32 s17, $0x7;
	s17 =	sshra.s32 s23, $0x7;
	s12 =	sshra.s32 s7, $0x1F;
	v9 =	vsel vm4, s8, v9  }
0x7b1: {  	s26 =	sshrl.u32 s7, $0x1F;
	v12 =	vsel vm0, s13, v58;
	v13 =	vsel vm1, s17, v13;
	s15 =	sshra.s32 s5, $0x7;
	v9 =	vsel vm13, s12, v9  }
0x7b2: {  	s23 =	sshra.s32 s21, $0x7;
	v11 =	vsel vm4, s26, v11;
	s30 =	sshrl.u32 s5, $0x1F;
	s19 =	sshra.s32 s5, $0x1F;
	v12 =	vsel vm1, s16, v12;
	v9 =	vsel vm5, s15, v9  }
0x7b3: {  	s20 =	sshra.s32 s18, $0x7;
	s24 =	sshra.s32 s1, $0x7;
	s6 =	sshrl.u32 s1, $0x1F;
	v13 =	vsel vm2, s23, v13;
	v11 =	vsel vm5, s30, v11;
	v9 =	vsel vm14, s19, v9  }
0x7b4: {  	s25 =	sshrl.u32 s22, $0x1F;
	s26 =	sshra.s32 s1, $0x1F;
	v12 =	vsel vm2, s20, v12;
	v11 =	vsel vm6, s6, v11;
	v9 =	vsel vm6, s24, v9  }
0x7b5: {  	s28 =	sshra.s32 s22, $0x7;
	v12 =	vcombine.low v13, v12;
	v11 =	vsel vm7, s25, v11;
	v9 =	vsel vm15, s26, v9  }
0x7b6: {  	v10 =	vperm.xlane v10, v1;
	v11 =	vperm.xlane v11, v2;
	v9 =	vsel vm7, s28, v9  }
0x7b7: {  	v12 =	vperm.xlane v12, v1;
	v9 =	vperm.xlane v9, v2;
	_ =	sdelay $0x1  }
0x7b8: {  	v10 =	vsel vm8, v11, v10;
	v9 =	vsel vm8, v9, v12  }
0x7b9: {  	v9 =	vadd.s32 v10, v9  }
0x7ba: {  	v9 =	vshll.u32 v9, $0x4  }
0x7bb: {  	v9 =	vadd.s32 v7, v9;
	_ =	sdelay $0x4  }
0x7bc: {  	[tilespmem:v9+s10+$0x0] =	vst.idx.msk $0xffff, v0  }
0x7bd: {  	v9 =	vld [tilespmem:$0x140];
	_ =	sdelay $0x4  }
0x7be: {  	(v2sf) =	vpush v9, $0xD;
	_ =	sdelay $0x1  }
0x7bf: {  	(v2sf) =	vpush v9, $0xC;
	_ =	sdelay $0x1  }
0x7c0: {  	(v2sf) =	vpush v9, $0xE;
	_ =	sdelay $0x1  }
0x7c1: {  	(v2sf) =	vpush v9, $0xF;
	_ =	sdelay $0x1  }
0x7c2: {  	(v2sf) =	vpush v9, $0x9;
	_ =	sdelay $0x1  }
0x7c3: {  	(v2sf) =	vpush v9, $0x8;
	_ =	sdelay $0x1  }
0x7c4: {  	(v2sf) =	vpush v9, $0xA;
	_ =	sdelay $0x1  }
0x7c5: {  	(v2sf) =	vpush v9, $0xB  }
0x7c6: {  	(v2sf) =	vpush v9, $0x0;
	s29 =	spop (v2sf)  }
0x7c7: {  	(v2sf) =	vpush v9, $0x1;
	s30 =	smulhi.u32 $0x10624DD3, s29;
	s0 =	sshra.s32 s29, $0x1F  }
0x7c8: {  	s11 =	spop (v2sf);
	s0 =	smul.u32 $0x10624DD3, s0  }
0x7c9: {  	s3 =	smulhi.u32 $0x10624DD3, s11;
	s2 =	sshra.s32 s11, $0x1F  }
0x7ca: {  	s12 =	spop (v2sf);
	s2 =	smul.u32 $0x10624DD3, s2  }
0x7cb: {  	(v2sf) =	vpush v9, $0x2;
	s6 =	smulhi.u32 $0x10624DD3, s12;
	s5 =	sshra.s32 s12, $0x1F  }
0x7cc: {  	(v2sf) =	vpush v9, $0x3;
	s13 =	spop (v2sf);
	s5 =	smul.u32 $0x10624DD3, s5  }
0x7cd: {  	(v2sf) =	vpush v9, $0x4;
	s9 =	smulhi.u32 $0x10624DD3, s13;
	s7 =	sshra.s32 s13, $0x1F  }
0x7ce: {  	(v2sf) =	vpush v9, $0x5;
	s14 =	spop (v2sf);
	s7 =	smul.u32 $0x10624DD3, s7  }
0x7cf: {  	(v2sf) =	vpush v9, $0x6;
	s11 =	smulhi.u32 $0x10624DD3, s14;
	s8 =	sshra.s32 s14, $0x1F  }
0x7d0: {  	s15 =	spop (v2sf);
	(v2sf) =	vpush v9, $0x7;
	s12 =	smul.u32 $0x10624DD3, s8  }
0x7d1: {  	s13 =	smulhi.u32 $0x10624DD3, s15;
	s8 =	sshra.s32 s15, $0x1F  }
0x7d2: {  	s16 =	spop (v2sf);
	s15 =	smul.u32 $0x10624DD3, s8  }
0x7d3: {  	s19 =	smulhi.u32 $0x10624DD3, s16;
	s14 =	sshra.s32 s16, $0x1F  }
0x7d4: {  	s17 =	spop (v2sf);
	s16 =	sadd.s32 s7, s9;
	s14 =	smul.u32 $0x10624DD3, s14  }
0x7d5: {  	s18 =	spop (v2sf);
	s23 =	smulhi.u32 $0x10624DD3, s17;
	s8 =	sshra.s32 s17, $0x1F  }
0x7d6: {  	s17 =	sadd.s32 s0, s30;
	s20 =	spop (v2sf);
	s24 =	smul.u32 $0x10624DD3, s8  }
0x7d7: {  	s25 =	smulhi.u32 $0x10624DD3, s18;
	s29 =	sshra.s32 s18, $0x1F;
	s8 =	sadd.s32 s2, s3  }
0x7d8: {  	s18 =	sadd.s32 s5, s6;
	s9 =	sshrl.u32 s17, $0x1F;
	s28 =	smul.u32 $0x10624DD3, s29  }
0x7d9: {  	s0 =	smulhi.u32 $0x10624DD3, s20;
	s30 =	sshra.s32 s20, $0x1F;
	s20 =	sadd.s32 s14, s19  }
0x7da: {  	s1 =	smul.u32 $0x10624DD3, s30;
	s19 =	sadd.s32 s24, s23;
	s21 =	spop (v2sf)  }
0x7db: {  	s22 =	spop (v2sf);
	s2 =	smulhi.u32 $0x10624DD3, s21;
	s6 =	sshra.s32 s21, $0x1F  }
0x7dc: {  	s21 =	sadd.s32 s12, s11;
	s26 =	spop (v2sf);
	s3 =	smul.u32 $0x10624DD3, s6  }
0x7dd: {  	s6 =	smulhi.u32 $0x10624DD3, s22;
	s12 =	sshra.s32 s22, $0x1F;
	s29 =	spop (v2sf)  }
0x7de: {  	s22 =	sadd.s32 s15, s13;
	s7 =	smul.u32 $0x10624DD3, s12;
	s5 =	spop (v2sf)  }
0x7df: {  	s11 =	smulhi.u32 $0x10624DD3, s26;
	s15 =	sshra.s32 s26, $0x1F;
	s26 =	spop (v2sf)  }
0x7e0: {  	s14 =	sadd.s32 s28, s25;
	s28 =	smulhi.u32 $0x10624DD3, s26;
	s13 =	sshra.s32 s26, $0x1F  }
0x7e1: {  	s30 =	sshrl.u32 s8, $0x1F;
	s0 =	sadd.s32 s1, s0;
	s24 =	smul.u32 $0x10624DD3, s13  }
0x7e2: {  	v10 =	vmov s30;
	s30 =	sshrl.u32 s14, $0x1F;
	s23 =	sshrl.u32 s22, $0x1F;
	s12 =	smul.u32 $0x10624DD3, s15  }
0x7e3: {  	s2 =	sadd.s32 s3, s2;
	s3 =	sshrl.u32 s16, $0x1F;
	s15 =	sadd.s32 s24, s28  }
0x7e4: {  	s25 =	smulhi.u32 $0x10624DD3, s29;
	s6 =	sadd.s32 s7, s6;
	s28 =	sshra.s32 s15, $0x1F  }
0x7e5: {  	v11 =	vmov s30;
	s30 =	sshra.s32 s2, $0x7;
	s26 =	sshra.s32 s29, $0x1F;
	s29 =	sshra.s32 s14, $0x7;
	v9 =	vmov s28  }
0x7e6: {  	s7 =	sadd.s32 s12, s11;
	s14 =	sshra.s32 s14, $0x1F;
	s11 =	smul.u32 $0x10624DD3, s26;
	v9 =	vsel vm3, s29, v9  }
0x7e7: {  	v10 =	vsel vm0, s9, v10;
	s13 =	sshrl.u32 s18, $0x1F;
	s26 =	sshra.s32 s0, $0x7;
	s24 =	sshrl.u32 s21, $0x1F;
	v9 =	vsel vm9, s14, v9  }
0x7e8: {  	v11 =	vnsel vm3, $0x0, v11;
	v60 =	vmov s23;
	s1 =	sadd.s32 s11, s25;
	s25 =	sshrl.u32 s0, $0x1F;
	s0 =	sshra.s32 s0, $0x1F;
	v9 =	vsel vm0, s26, v9  }
0x7e9: {  	s12 =	sshrl.u32 s20, $0x1F;
	s23 =	sshra.s32 s6, $0x7;
	v10 =	vsel vm1, s13, v10;
	s13 =	sshrl.u32 s6, $0x1F;
	v12 =	vsel vm0, s24, v60;
	v9 =	vsel vm10, s0, v9  }
0x7ea: {  	v10 =	vsel vm2, s3, v10;
	s24 =	sshrl.u32 s19, $0x1F;
	v12 =	vsel vm1, s12, v12;
	s29 =	sshrl.u32 s2, $0x1F;
	s2 =	sshra.s32 s2, $0x1F;
	v9 =	vsel vm1, s30, v9  }
0x7eb: {  	v11 =	vsel vm0, s25, v11;
	s25 =	sshrl.u32 s1, $0x1F;
	s28 =	smulhi.u32 $0x10624DD3, s5;
	s5 =	sshra.s32 s5, $0x1F;
	v12 =	vsel vm2, s24, v12;
	v9 =	vsel vm11, s2, v9  }
0x7ec: {  	s5 =	smul.u32 $0x10624DD3, s5;
	v11 =	vsel vm1, s29, v11;
	s29 =	sshra.s32 s8, $0x7;
	v10 =	vcombine.low v12, v10;
	s26 =	sshra.s32 s6, $0x1F;
	v9 =	vsel vm2, s23, v9  }
0x7ed: {  	s14 =	sshrl.u32 s7, $0x1F;
	v11 =	vsel vm2, s13, v11;
	v61 =	vmov s29;
	s6 =	sshra.s32 s22, $0x7;
	s30 =	sshra.s32 s7, $0x7;
	v9 =	vsel vm12, s26, v9  }
0x7ee: {  	s0 =	sadd.s32 s5, s28;
	v11 =	vsel vm4, s14, v11;
	s5 =	sshra.s32 s17, $0x7;
	v62 =	vmov s6;
	s7 =	sshra.s32 s7, $0x1F;
	v9 =	vsel vm4, s30, v9  }
0x7ef: {  	s11 =	sshra.s32 s21, $0x7;
	s12 =	sshra.s32 s1, $0x7;
	v11 =	vsel vm5, s25, v11;
	s28 =	sshrl.u32 s0, $0x1F;
	v13 =	vsel vm0, s5, v61;
	v9 =	vsel vm13, s7, v9  }
0x7f0: {  	s1 =	sshra.s32 s1, $0x1F;
	s8 =	sshra.s32 s18, $0x7;
	s14 =	sshra.s32 s20, $0x7;
	v14 =	vsel vm0, s11, v62;
	v11 =	vsel vm6, s28, v11;
	v9 =	vsel vm5, s12, v9  }
0x7f1: {  	s13 =	sshra.s32 s16, $0x7;
	s16 =	sshra.s32 s19, $0x7;
	s17 =	sshra.s32 s0, $0x7;
	v13 =	vsel vm1, s8, v13;
	v14 =	vsel vm1, s14, v14;
	v9 =	vsel vm14, s1, v9  }
0x7f2: {  	s18 =	sshrl.u32 s15, $0x1F;
	s0 =	sshra.s32 s0, $0x1F;
	v13 =	vsel vm2, s13, v13;
	v14 =	vsel vm2, s16, v14;
	v9 =	vsel vm6, s17, v9  }
0x7f3: {  	s19 =	sshra.s32 s15, $0x7;
	v11 =	vsel vm7, s18, v11;
	v63 =	vcombine.low v14, v13;
	v9 =	vsel vm15, s0, v9  }
0x7f4: {  	v10 =	vperm.xlane v10, v1;
	v11 =	vperm.xlane v11, v2;
	v9 =	vsel vm7, s19, v9  }
0x7f5: {  	v12 =	vperm.xlane v63, v1;
	v9 =	vperm.xlane v9, v2;
	_ =	sdelay $0x1  }
0x7f6: {  	v10 =	vsel vm8, v11, v10;
	v9 =	vsel vm8, v9, v12  }
0x7f7: {  	v9 =	vadd.s32 v10, v9  }
0x7f8: {  	v9 =	vshll.u32 v9, $0x4  }
0x7f9: {  	v9 =	vadd.s32 v8, v9;
	_ =	sdelay $0x4  }
0x7fa: {  	s20 =	simm.s32 $0x4;
	[tilespmem:v9+s10+$0x0] =	vst.idx.msk $0xffff, v0  }
0x7fb: {  	_ =	swait.ge [sflag:s20], $0x2800  }
0x7fc: {  	[sflag:s20] =	ssyncset.done $0x0  }
0x7fd: {  	[sflag:s20] =	ssyncadd.s32 $0xFFFFD800  }
0x7fe: {  	s21 =	stileid.u32;
	[bflag:$0x0] =	sbarrier.arrive $0xFFFF  }
0x7ff: {  	s24 =	simm.s32 $0x5;
	s0 =	sshll.u32 s21, $0x6;
	s14 =	rddreg [dreg:$0x7]  }
0x800: {  	s0 =	sor.u32 $0x1C05, s0;
	s23 =	rddreg [dreg:$0x12];
	s22 =	sshrl.u32 s14, $0x3  }
0x801: {  	[hbm:s23], [sflag:s0] =	dma.local [spmem:s22], $0x2800  }
0x802: {  	_ =	swait.ge [sflag:s24], $0x2800  }
0x803: {  	[sflag:s24] =	ssyncset.done $0x0;
	s6 =	rddreg [dreg:$0xe]  }
0x804: {  	s26 =	rddreg [dreg:$0x16];
	[sflag:s24] =	ssyncadd.s32 $0xFFFFD800;
	s25 =	sshrl.u32 s6, $0x3  }
0x805: {  	[hbm:s26], [sflag:s0] =	dma.local [spmem:s25], $0x800  }
0x806: {  	_ =	swait.ge [sflag:s24], $0x800  }
0x807: {  	s28 =	rddreg [dreg:$0x18]  }
0x808: {  	s30 =	rddreg [dreg:$0x17];
	s2 =	sadd.s32 $0x1, s28  }
0x809: {  	p0 =	sne.s32 s2, s30  }
.Ltmp2:
0x80a: {  	_ = 	snop;
	(pc) =	sbr.rel @p0 .LBB2_1-.Ltmp2, $4  }
0x80b: {  	_ = 	snop  }
0x80c: {  	s29 =	simm.s32 $0x5;
	[sflag:s24] =	ssyncset.done $0x0  }
0x80d: {  	s9 =	simm.s32 $0x80;
	s3 =	simm.s32 $0x5;
	[sflag:s29] =	ssyncadd.s32 $0xFFFFF800  }
0x80e: {  	s11 =	simm.s32 $0x180;
	s7 =	simm.s32 $0x0;
	s1 =	rddreg [dreg:$0x0]  }
0x80f: {  	_ =	sfence.sel $0x180000  }
0x810: {  	[bflag:$0x0] =	sbarrier.arrive $0xFFFF  }
0x811: {  	_ =	strace $0x90000047  }
0x812: {  	s0 =	stileid.u32;
	[bflag:$0x2] =	sbarrier.arrive $0xFFFF  }
0x813: {  	p0 =	sne.s32 s0, $0x0;
	s0 =	rddreg [dreg:$0x5]  }
0x814: {  	s0 =	sadd.s32 @!p0 $0x100000, s0  }
0x815: {  	[sflag:s0] =	ssyncadd.tile.s32 @!p0 $0x1;
	_ =	shalt  }
.Lfunc_end2:
_tile_overlayer_lowered:
.L_overlay_start_2:
0x816: {  	(tag) =	ssettag $0x2  }
0x817: {  	s0 =	rddreg [dreg:$0x0];
	s2 =	stileid.u32  }
0x818: {  	s1 =	rddreg [dreg:$0x1];
	p0 =	sne.s32 s2, $0x0  }
0x819: {  	s3 =	rddreg [dreg:$0x2];
	[bflag:$0x3] =	sbarrier.arrive $0xFFFF;
	s2 =	simm.s32 @!p0 $0x1C05  }
0x81a: {  	[timem:s3], [sflag:s2] =	dma.local @!p0 [hbm:s0], s1  }
0x81b: {  	s0 =	simm.s32 @!p0 $0x5  }
0x81c: {  	_ =	swait.ge @!p0 [sflag:s0], s1  }
0x81d: {  	s1 =	ssub.s32 @!p0 $0x0, s1;
	[sflag:s0] =	ssyncset.done @!p0 $0x0  }
0x81e: {  	[sflag:s0] =	ssyncadd.s32 @!p0 s1  }
0x81f: {  	[bflag:$0x3] =	sbarrier.arrive $0xFFFF  }
0x820: {  	_ =	shalt  }

</sc_bundles>
